<compile_context>
chip_gen: v7x
topology: tpu7x:2x2x1
jax: 0.10.2.dev20260603
libtpu: 0.0.44.dev20260713+nightly
codegen_flags: <defaults>
</compile_context>

<pallas_src>
import jax
import jax.numpy as jnp
from jax import lax
from jax.experimental import pallas as pl
from jax.experimental.pallas import tpu as pltpu
from jax.experimental.pallas import tpu_sc as plsc

N = 10000
E = 160000
D = 128

NC, NS = 2, 16
NW = NC * NS
E4 = 163840
CHUNK = 128
NSLICE = 4
EH = E4 // NSLICE
NCH = EH // CHUNK
TW = NCH // NW
NBUF = 7
GDQ = 2
GDW = 4


def _proj_body(feat_ref, w1s_ref, w1d_ref, wfb_ref, p2_ref, q_ref):
    f = feat_ref[...]
    p = jnp.dot(f, w1s_ref[...], preferred_element_type=jnp.float32)
    p2_ref[0] = p + wfb_ref[0:1, :]
    p2_ref[1] = p + wfb_ref[1:2, :]
    q_ref[...] = jnp.dot(f, w1d_ref[...], preferred_element_type=jnp.float32)


def _node_projections(feat, w1s, w1d, wfb):
    bn = 2000
    grid = (N // bn,)
    p2, q = pl.pallas_call(
        _proj_body,
        grid=grid,
        in_specs=[
            pl.BlockSpec((bn, D), lambda i: (i, 0)),
            pl.BlockSpec((D, D), lambda i: (0, 0)),
            pl.BlockSpec((D, D), lambda i: (0, 0)),
            pl.BlockSpec((2, D), lambda i: (0, 0)),
        ],
        out_specs=[
            pl.BlockSpec((2, bn, D), lambda i: (0, i, 0)),
            pl.BlockSpec((bn, D), lambda i: (i, 0)),
        ],
        out_shape=[
            jax.ShapeDtypeStruct((2, N, D), jnp.float32),
            jax.ShapeDtypeStruct((N, D), jnp.float32),
        ],
    )(feat, w1s, w1d, wfb)
    return p2.reshape(2 * N, D), q


def _sc_gather_body(p2_hbm, q_hbm, src_hbm, dst_hbm, g_hbm,
                    src_v, dst_v, sx_v, buf, semI, semP, semQ, semW):
    cid = lax.axis_index("c")
    sid = lax.axis_index("s")
    ch0 = (cid * NS + sid) * TW
    T = TW

    def fire_idx(c):
        b = lax.rem(c, NBUF)
        pltpu.async_copy(src_hbm.at[ch0 + c], src_v.at[b], semI.at[b])
        pltpu.async_copy(dst_hbm.at[ch0 + c], dst_v.at[b], semI.at[b])

    fire_idx(0)

    def body(t, _):
        b = lax.rem(t, NBUF)

        @pl.when(t < T)
        def _():
            @pl.when(t >= NBUF)
            def _():
                pltpu.make_async_copy(buf.at[pl.ds(b * 128, 128)],
                                      g_hbm.at[pl.ds(0, 128)],
                                      semW.at[b]).wait()
            pltpu.make_async_copy(src_hbm.at[0], src_v.at[b], semI.at[b]).wait()
            pltpu.make_async_copy(dst_hbm.at[0], dst_v.at[b], semI.at[b]).wait()
            for j in range(8):
                s = src_v[b, pl.ds(j * 16, 16)]
                d = dst_v[b, pl.ds(j * 16, 16)]
                sx_v[b, pl.ds(j * 16, 16)] = jnp.where(s == d, s + N, s)
            pltpu.async_copy(p2_hbm.at[sx_v.at[b]],
                             buf.at[pl.ds(b * 128, 128)], semP.at[b])

        cq = t - GDQ

        @pl.when((cq >= 0) & (cq < T))
        def _():
            bq = lax.rem(cq, NBUF)
            pltpu.make_async_copy(g_hbm.at[pl.ds(0, 128)],
                                  buf.at[pl.ds(bq * 128, 128)],
                                  semP.at[bq]).wait()
            pltpu.async_copy(q_hbm.at[dst_v.at[bq]],
                             buf.at[pl.ds(bq * 128, 128)],
                             semQ.at[bq], add=True)

        cw = t - GDW

        @pl.when((cw >= 0) & (cw < T))
        def _():
            bw = lax.rem(cw, NBUF)
            pltpu.make_async_copy(g_hbm.at[pl.ds(0, 128)],
                                  buf.at[pl.ds(bw * 128, 128)],
                                  semQ.at[bw]).wait()
            pltpu.async_copy(buf.at[pl.ds(bw * 128, 128)],
                             g_hbm.at[pl.ds((ch0 + cw) * 128, 128)],
                             semW.at[bw])

        @pl.when(t + 1 < T)
        def _():
            fire_idx(t + 1)

        return 0

    lax.fori_loop(0, T + GDW, body, 0)

    for k in range(min(NBUF, TW)):
        bk = (TW - 1 - k) % NBUF
        pltpu.make_async_copy(buf.at[pl.ds(bk * 128, 128)],
                              g_hbm.at[pl.ds(0, 128)],
                              semW.at[bk]).wait()


def _sc_gather(p2, q, src2d, dst2d):
    mesh = plsc.VectorSubcoreMesh(
        core_axis_name="c", subcore_axis_name="s",
        num_cores=NC, num_subcores=NS)
    fn = pl.kernel(
        _sc_gather_body,
        out_type=jax.ShapeDtypeStruct((EH, D), jnp.float32),
        mesh=mesh,
        scratch_types=[
            pltpu.VMEM((NBUF, 128), jnp.int32),
            pltpu.VMEM((NBUF, 128), jnp.int32),
            pltpu.VMEM((NBUF, 128), jnp.int32),
            pltpu.VMEM((NBUF * 128, D), jnp.float32),
            pltpu.SemaphoreType.DMA((NBUF,)),
            pltpu.SemaphoreType.DMA((NBUF,)),
            pltpu.SemaphoreType.DMA((NBUF,)),
            pltpu.SemaphoreType.DMA((NBUF,)),
        ],
    )
    return fn(p2, q, src2d, dst2d)


BE = 1280
NB_A = EH // BE
NB_B = (E - EH) // BE


def _silu_heads(g, wcat, b2):
    h = g * (1.0 / (1.0 + jnp.exp(-g)))
    o = jnp.dot(h, wcat, preferred_element_type=jnp.float32) + b2
    return o[:, :D], jnp.exp(o[:, D:])


def _head_body_a(g_ref, wcat_ref, b2_ref, loc_ref, scale_ref):
    loc, scale = _silu_heads(g_ref[...], wcat_ref[...], b2_ref[...])
    loc_ref[...] = loc
    scale_ref[...] = scale


def _head_body_b(g_ref, wcat_ref, b2_ref, li_ref, si_ref, loc_ref, scale_ref):
    del li_ref, si_ref
    loc, scale = _silu_heads(g_ref[...], wcat_ref[...], b2_ref[...])
    loc_ref[...] = loc
    scale_ref[...] = scale


_OUT_SHAPE = [
    jax.ShapeDtypeStruct((E, D), jnp.float32),
    jax.ShapeDtypeStruct((E, D), jnp.float32),
]
_WSPECS = [
    pl.BlockSpec((D, 2 * D), lambda i: (0, 0)),
    pl.BlockSpec((1, 2 * D), lambda i: (0, 0)),
]


def _heads_first(g, wcat, b2, nblocks):
    return pl.pallas_call(
        _head_body_a,
        grid=(nblocks,),
        in_specs=[pl.BlockSpec((BE, D), lambda i: (i, 0))] + _WSPECS,
        out_specs=[
            pl.BlockSpec((BE, D), lambda i: (i, 0)),
            pl.BlockSpec((BE, D), lambda i: (i, 0)),
        ],
        out_shape=_OUT_SHAPE,
        compiler_params=pltpu.CompilerParams(
            dimension_semantics=("arbitrary",)),
    )(g, wcat, b2)


def _heads_next(g, wcat, b2, loc_init, scale_init, off, nblocks):
    return pl.pallas_call(
        _head_body_b,
        grid=(nblocks,),
        in_specs=[pl.BlockSpec((BE, D), lambda i: (i, 0))] + _WSPECS + [
            pl.BlockSpec(memory_space=pl.ANY),
            pl.BlockSpec(memory_space=pl.ANY),
        ],
        out_specs=[
            pl.BlockSpec((BE, D), lambda i, off=off: (i + off, 0)),
            pl.BlockSpec((BE, D), lambda i, off=off: (i + off, 0)),
        ],
        out_shape=_OUT_SHAPE,
        input_output_aliases={3: 0, 4: 1},
        compiler_params=pltpu.CompilerParams(
            dimension_semantics=("arbitrary",)),
    )(g, wcat, b2, loc_init, scale_init)


def kernel(feat, edge_index, W1, b1, W_loc, b_loc, W_ls, b_ls):
    src = edge_index[0].astype(jnp.int32)
    dst = edge_index[1].astype(jnp.int32)
    pad_s = jnp.arange(E4 - E, dtype=jnp.int32)
    src2d = jnp.concatenate([src, pad_s]).reshape(E4 // 128, 128)
    dst2d = jnp.concatenate([dst, pad_s + 1]).reshape(E4 // 128, 128)

    w1s = W1[:D]
    w1d = W1[D:2 * D]
    wfb = jnp.stack([b1, b1 + W1[2 * D]])

    p2, q = _node_projections(feat, w1s, w1d, wfb)

    gs = [_sc_gather(p2, q, src2d[i * NCH:(i + 1) * NCH],
                     dst2d[i * NCH:(i + 1) * NCH]) for i in range(NSLICE)]

    wcat = jnp.concatenate([W_loc, W_ls], axis=1)
    b2 = jnp.concatenate([b_loc, b_ls]).reshape(1, 2 * D)

    blocks_per_slice = EH // BE
    loc, scale = _heads_first(gs[0], wcat, b2, blocks_per_slice)
    for i in range(1, NSLICE):
        off = i * blocks_per_slice
        nb = min(blocks_per_slice, E // BE - off)
        loc, scale = _heads_next(gs[i], wcat, b2, loc, scale, off, nb)
    return (loc, scale)

# --- scband reference (transcript-rebuilt; emitter-appended) ---
"""Pipeline reference for scband-amortized-distribution-79972291052208 (READ-ONLY COPY).

The authoritative reference and input builder live on the scoring server;
editing this copy changes nothing except your own understanding.
"""

import jax, jax.numpy as jnp
import numpy as np

N_NODES = 10000
N_EDGES = 160000
D_IN = 128
D_HID = 128
D_OUT = 128


def setup_inputs(seed: int = 0) -> dict:
    key = jax.random.key(seed)
    k1, k2, k3, k4, k5 = jax.random.split(key, 5)
    feat = jax.random.normal(k1, (N_NODES, D_IN), dtype=jnp.float32)
    edge_index = jax.random.randint(k2, (2, N_EDGES), 0, N_NODES, dtype=jnp.int64)
    # embedding_mlp: Linear(2*D_IN + 1 -> D_HID)
    lim1 = 1.0 / np.sqrt(2 * D_IN + 1)
    W1 = jax.random.uniform(k3, (2 * D_IN + 1, D_HID), minval=-lim1, maxval=lim1, dtype=jnp.float32)
    b1 = jnp.zeros((D_HID,), dtype=jnp.float32)
    # parameters_mlp: loc and log_scale heads, Linear(D_HID -> D_OUT)
    lim2 = 1.0 / np.sqrt(D_HID)
    W_loc = jax.random.uniform(k4, (D_HID, D_OUT), minval=-lim2, maxval=lim2, dtype=jnp.float32)
    b_loc = jnp.zeros((D_OUT,), dtype=jnp.float32)
    W_ls = jax.random.uniform(k5, (D_HID, D_OUT), minval=-lim2, maxval=lim2, dtype=jnp.float32)
    b_ls = jnp.zeros((D_OUT,), dtype=jnp.float32)
    return {"feat": feat, "edge_index": edge_index, "W1": W1, "b1": b1,
            "W_loc": W_loc, "b_loc": b_loc, "W_ls": W_ls, "b_ls": b_ls}


def reference(feat, edge_index, W1, b1, W_loc, b_loc, W_ls, b_ls):
    src = edge_index[0]
    dst = edge_index[1]
    h_src = jnp.take(feat, src, axis=0)              # gather [E, D_IN]
    h_dst = jnp.take(feat, dst, axis=0)              # gather [E, D_IN]
    self_flag = (src == dst).astype(jnp.float32)[:, None]  # [E, 1]
    e_in = jnp.concatenate([h_src, h_dst, self_flag], axis=-1)  # [E, 2*D_IN+1]
    h = e_in @ W1 + b1
    h = jax.nn.silu(h)                               # embedding_mlp with SiLU
    loc = h @ W_loc + b_loc                          # Normal loc parameter per edge
    log_scale = h @ W_ls + b_ls                      # log_scale head (positive constraint)
    scale = jnp.exp(log_scale)                       # Normal scale parameter per edge
    return (loc, scale)

if __name__ == "__main__":
    import jax
    _d = setup_inputs()
    print(jax.jit(kernel)(*tuple(_d.values())))

</pallas_src>

<mosaic_0001>
#map = affine_map<(d0, d1) -> (0, 0)>
module attributes {stable_mosaic.version = 14 : i64} {
  func.func @_sc_gather_body(%arg0: i32, %arg1: i32, %arg2: memref<20000x128xf32, #tpu.memory_space<hbm>>, %arg3: memref<10000x128xf32, #tpu.memory_space<hbm>>, %arg4: memref<320x128xi32, #tpu.memory_space<hbm>>, %arg5: memref<320x128xi32, #tpu.memory_space<hbm>>, %arg6: memref<40960x128xf32, #tpu.memory_space<hbm>>, %arg7: memref<7x128xi32, #tpu.memory_space<vmem>>, %arg8: memref<7x128xi32, #tpu.memory_space<vmem>>, %arg9: memref<7x128xi32, #tpu.memory_space<vmem>>, %arg10: memref<896x128xf32, #tpu.memory_space<vmem>>, %arg11: memref<7x!tpu.dma_semaphore, #tpu.memory_space<semaphore_mem>>, %arg12: memref<7x!tpu.dma_semaphore, #tpu.memory_space<semaphore_mem>>, %arg13: memref<7x!tpu.dma_semaphore, #tpu.memory_space<semaphore_mem>>, %arg14: memref<7x!tpu.dma_semaphore, #tpu.memory_space<semaphore_mem>>) attributes {dimension_semantics = [#tpu.dimension_semantics<core_parallel>, #tpu.dimension_semantics<subcore_parallel>], iteration_bounds = array<i64: 2, 16>, scalar_prefetch = 0 : i64, scratch_operands = 8 : i64, tpu.core_type = #tpu.core_type<sc_vector_subcore>, window_params = [{transform_indices = #map}, {transform_indices = #map}, {transform_indices = #map}, {transform_indices = #map}, {transform_indices = #map}]} {
    %mul3A = arith.constant 16 : i32
    %mul3A_0 = arith.muli %arg0, %mul3A : i32
    %add3A = arith.addi %mul3A_0, %arg1 : i32
    %mul3A_1 = arith.constant 10 : i32
    %mul3A_2 = arith.muli %add3A, %mul3A_1 : i32
    %rem3A = arith.constant 0 : i32
    %rem3A_3 = arith.constant 7 : i32
    %rem3A_4 = arith.remsi %rem3A, %rem3A_3 : i32
    %add3A_5 = arith.constant 0 : i32
    %add3A_6 = arith.addi %mul3A_2, %add3A_5 : i32
    %dma_start3A = arith.constant 0 : i32
    %dma_start3A_7 = tpu.memref_slice %arg7[%rem3A_4, %dma_start3A] : memref<7x128xi32, #tpu.memory_space<vmem>> -> memref<1x128xi32, #tpu.memory_space<vmem>>
    %dma_start3A_8 = tpu.memref_squeeze %dma_start3A_7 : memref<1x128xi32, #tpu.memory_space<vmem>> -> memref<128xi32, #tpu.memory_space<vmem>>
    %dma_start3A_9 = arith.constant 0 : i32
    %dma_start3A_10 = tpu.memref_slice %arg4[%add3A_6, %dma_start3A_9] : memref<320x128xi32, #tpu.memory_space<hbm>> -> memref<1x128xi32, #tpu.memory_space<hbm>>
    %dma_start3A_11 = tpu.memref_squeeze %dma_start3A_10 : memref<1x128xi32, #tpu.memory_space<hbm>> -> memref<128xi32, #tpu.memory_space<hbm>>
    %dma_start3A_12 = tpu.memref_slice %arg11[%rem3A_4] : memref<7x!tpu.dma_semaphore, #tpu.memory_space<semaphore_mem>> -> memref<1x!tpu.dma_semaphore, #tpu.memory_space<semaphore_mem>>
    %dma_start3A_13 = tpu.memref_squeeze %dma_start3A_12 : memref<1x!tpu.dma_semaphore, #tpu.memory_space<semaphore_mem>> -> memref<!tpu.dma_semaphore, #tpu.memory_space<semaphore_mem>>
    %dma_start3A_14 = arith.constant 0 : i32
    %dma_start3A_15 = tpu.memref_slice %arg7[%rem3A_4, %dma_start3A_14] : memref<7x128xi32, #tpu.memory_space<vmem>> -> memref<1x128xi32, #tpu.memory_space<vmem>>
    %dma_start3A_16 = tpu.memref_squeeze %dma_start3A_15 : memref<1x128xi32, #tpu.memory_space<vmem>> -> memref<128xi32, #tpu.memory_space<vmem>>
    %dma_start3A_17 = arith.constant 0 : i32
    %dma_start3A_18 = tpu.memref_slice %arg4[%add3A_6, %dma_start3A_17] : memref<320x128xi32, #tpu.memory_space<hbm>> -> memref<1x128xi32, #tpu.memory_space<hbm>>
    %dma_start3A_19 = tpu.memref_squeeze %dma_start3A_18 : memref<1x128xi32, #tpu.memory_space<hbm>> -> memref<128xi32, #tpu.memory_space<hbm>>
    tpu.enqueue_dma source(%dma_start3A_19 : memref<128xi32, #tpu.memory_space<hbm>>) target(%dma_start3A_16 : memref<128xi32, #tpu.memory_space<vmem>>) target_semaphore(%dma_start3A_13 : memref<!tpu.dma_semaphore, #tpu.memory_space<semaphore_mem>>)
    %add3A_20 = arith.constant 0 : i32
    %add3A_21 = arith.addi %mul3A_2, %add3A_20 : i32
    %dma_start3A_22 = arith.constant 0 : i32
    %dma_start3A_23 = tpu.memref_slice %arg8[%rem3A_4, %dma_start3A_22] : memref<7x128xi32, #tpu.memory_space<vmem>> -> memref<1x128xi32, #tpu.memory_space<vmem>>
    %dma_start3A_24 = tpu.memref_squeeze %dma_start3A_23 : memref<1x128xi32, #tpu.memory_space<vmem>> -> memref<128xi32, #tpu.memory_space<vmem>>
    %dma_start3A_25 = arith.constant 0 : i32
    %dma_start3A_26 = tpu.memref_slice %arg5[%add3A_21, %dma_start3A_25] : memref<320x128xi32, #tpu.memory_space<hbm>> -> memref<1x128xi32, #tpu.memory_space<hbm>>
    %dma_start3A_27 = tpu.memref_squeeze %dma_start3A_26 : memref<1x128xi32, #tpu.memory_space<hbm>> -> memref<128xi32, #tpu.memory_space<hbm>>
    %dma_start3A_28 = tpu.memref_slice %arg11[%rem3A_4] : memref<7x!tpu.dma_semaphore, #tpu.memory_space<semaphore_mem>> -> memref<1x!tpu.dma_semaphore, #tpu.memory_space<semaphore_mem>>
    %dma_start3A_29 = tpu.memref_squeeze %dma_start3A_28 : memref<1x!tpu.dma_semaphore, #tpu.memory_space<semaphore_mem>> -> memref<!tpu.dma_semaphore, #tpu.memory_space<semaphore_mem>>
    %dma_start3A_30 = arith.constant 0 : i32
    %dma_start3A_31 = tpu.memref_slice %arg8[%rem3A_4, %dma_start3A_30] : memref<7x128xi32, #tpu.memory_space<vmem>> -> memref<1x128xi32, #tpu.memory_space<vmem>>
    %dma_start3A_32 = tpu.memref_squeeze %dma_start3A_31 : memref<1x128xi32, #tpu.memory_space<vmem>> -> memref<128xi32, #tpu.memory_space<vmem>>
    %dma_start3A_33 = arith.constant 0 : i32
    %dma_start3A_34 = tpu.memref_slice %arg5[%add3A_21, %dma_start3A_33] : memref<320x128xi32, #tpu.memory_space<hbm>> -> memref<1x128xi32, #tpu.memory_space<hbm>>
    %dma_start3A_35 = tpu.memref_squeeze %dma_start3A_34 : memref<1x128xi32, #tpu.memory_space<hbm>> -> memref<128xi32, #tpu.memory_space<hbm>>
    tpu.enqueue_dma source(%dma_start3A_35 : memref<128xi32, #tpu.memory_space<hbm>>) target(%dma_start3A_32 : memref<128xi32, #tpu.memory_space<vmem>>) target_semaphore(%dma_start3A_29 : memref<!tpu.dma_semaphore, #tpu.memory_space<semaphore_mem>>)
    %scan3A = arith.constant 0 : i32
    %scan3A_36 = arith.constant 0 : i32
    %scan3A_37 = arith.constant 14 : i32
    %scan3A_38 = arith.addi %scan3A_36, %scan3A_37 : i32
    %scan3A_39 = arith.constant 1 : i32
    %scan3A_40 = scf.for %scan3A_146 = %scan3A_36 to %scan3A_38 step %scan3A_39 iter_args(%scan3A_147 = %scan3A) -> (i32)  : i32 {
      %rem3A_148 = arith.constant 7 : i32
      %rem3A_149 = arith.remsi %scan3A_146, %rem3A_148 : i32
      %lt3A = arith.constant 10 : i32
      %lt3A_150 = arith.cmpi slt, %scan3A_146, %lt3A : i32
      %convert_element_type3A = arith.extui %lt3A_150 : i1 to i32
      %cond3A = arith.constant 0 : i32
      %cond3A_151 = arith.cmpi ne, %convert_element_type3A, %cond3A : i32
      scf.if %cond3A_151 {
        %ge3A_177 = arith.constant 7 : i32
        %ge3A_178 = arith.cmpi sge, %scan3A_146, %ge3A_177 : i32
        %convert_element_type3A_179 = arith.extui %ge3A_178 : i1 to i32
        %cond3A_180 = arith.constant 0 : i32
        %cond3A_181 = arith.cmpi ne, %convert_element_type3A_179, %cond3A_180 : i32
        scf.if %cond3A_181 {
          %mul3A_364 = arith.constant 128 : i32
          %mul3A_365 = arith.muli %rem3A_149, %mul3A_364 : i32
          %dma_wait3A_366 = arith.constant 0 : i32
          %dma_wait3A_367 = tpu.memref_slice %arg10[%mul3A_365, %dma_wait3A_366] : memref<896x128xf32, #tpu.memory_space<vmem>> -> memref<128x128xf32, #tpu.memory_space<vmem>>
          %dma_wait3A_368 = arith.constant 0 : i32
          %dma_wait3A_369 = arith.constant 0 : i32
          %dma_wait3A_370 = tpu.memref_slice %arg6[%dma_wait3A_368, %dma_wait3A_369] : memref<40960x128xf32, #tpu.memory_space<hbm>> -> memref<128x128xf32, #tpu.memory_space<hbm>>
          %dma_wait3A_371 = tpu.memref_slice %arg14[%rem3A_149] : memref<7x!tpu.dma_semaphore, #tpu.memory_space<semaphore_mem>> -> memref<1x!tpu.dma_semaphore, #tpu.memory_space<semaphore_mem>>
          %dma_wait3A_372 = tpu.memref_squeeze %dma_wait3A_371 : memref<1x!tpu.dma_semaphore, #tpu.memory_space<semaphore_mem>> -> memref<!tpu.dma_semaphore, #tpu.memory_space<semaphore_mem>>
          %dma_wait3A_373 = arith.constant 0 : i32
          %dma_wait3A_374 = arith.constant 0 : i32
          %dma_wait3A_375 = tpu.memref_slice %arg6[%dma_wait3A_373, %dma_wait3A_374] : memref<40960x128xf32, #tpu.memory_space<hbm>> -> memref<128x128xf32, #tpu.memory_space<hbm>>
          %dma_wait3A_376 = arith.constant 0 : i32
          %dma_wait3A_377 = tpu.memref_slice %arg10[%mul3A_365, %dma_wait3A_376] : memref<896x128xf32, #tpu.memory_space<vmem>> -> memref<128x128xf32, #tpu.memory_space<vmem>>
          tpu.wait_dma2 semaphore(%dma_wait3A_372 : memref<!tpu.dma_semaphore, #tpu.memory_space<semaphore_mem>>) src(%dma_wait3A_377 : memref<128x128xf32, #tpu.memory_space<vmem>>) dst(%dma_wait3A_375 : memref<128x128xf32, #tpu.memory_space<hbm>>)
        } else {
        }
        %dma_wait3A_182 = arith.constant 0 : i32
        %dma_wait3A_183 = arith.constant 0 : i32
        %dma_wait3A_184 = tpu.memref_slice %arg7[%rem3A_149, %dma_wait3A_183] : memref<7x128xi32, #tpu.memory_space<vmem>> -> memref<1x128xi32, #tpu.memory_space<vmem>>
        %dma_wait3A_185 = tpu.memref_squeeze %dma_wait3A_184 : memref<1x128xi32, #tpu.memory_space<vmem>> -> memref<128xi32, #tpu.memory_space<vmem>>
        %dma_wait3A_186 = arith.constant 0 : i32
        %dma_wait3A_187 = tpu.memref_slice %arg4[%dma_wait3A_182, %dma_wait3A_186] : memref<320x128xi32, #tpu.memory_space<hbm>> -> memref<1x128xi32, #tpu.memory_space<hbm>>
        %dma_wait3A_188 = tpu.memref_squeeze %dma_wait3A_187 : memref<1x128xi32, #tpu.memory_space<hbm>> -> memref<128xi32, #tpu.memory_space<hbm>>
        %dma_wait3A_189 = tpu.memref_slice %arg11[%rem3A_149] : memref<7x!tpu.dma_semaphore, #tpu.memory_space<semaphore_mem>> -> memref<1x!tpu.dma_semaphore, #tpu.memory_space<semaphore_mem>>
        %dma_wait3A_190 = tpu.memref_squeeze %dma_wait3A_189 : memref<1x!tpu.dma_semaphore, #tpu.memory_space<semaphore_mem>> -> memref<!tpu.dma_semaphore, #tpu.memory_space<semaphore_mem>>
        %dma_wait3A_191 = arith.constant 0 : i32
        %dma_wait3A_192 = tpu.memref_slice %arg7[%rem3A_149, %dma_wait3A_191] : memref<7x128xi32, #tpu.memory_space<vmem>> -> memref<1x128xi32, #tpu.memory_space<vmem>>
        %dma_wait3A_193 = tpu.memref_squeeze %dma_wait3A_192 : memref<1x128xi32, #tpu.memory_space<vmem>> -> memref<128xi32, #tpu.memory_space<vmem>>
        %dma_wait3A_194 = arith.constant 0 : i32
        %dma_wait3A_195 = tpu.memref_slice %arg4[%dma_wait3A_182, %dma_wait3A_194] : memref<320x128xi32, #tpu.memory_space<hbm>> -> memref<1x128xi32, #tpu.memory_space<hbm>>
        %dma_wait3A_196 = tpu.memref_squeeze %dma_wait3A_195 : memref<1x128xi32, #tpu.memory_space<hbm>> -> memref<128xi32, #tpu.memory_space<hbm>>
        tpu.wait_dma2 semaphore(%dma_wait3A_190 : memref<!tpu.dma_semaphore, #tpu.memory_space<semaphore_mem>>) src(%dma_wait3A_196 : memref<128xi32, #tpu.memory_space<hbm>>) dst(%dma_wait3A_193 : memref<128xi32, #tpu.memory_space<vmem>>)
        %dma_wait3A_197 = arith.constant 0 : i32
        %dma_wait3A_198 = arith.constant 0 : i32
        %dma_wait3A_199 = tpu.memref_slice %arg8[%rem3A_149, %dma_wait3A_198] : memref<7x128xi32, #tpu.memory_space<vmem>> -> memref<1x128xi32, #tpu.memory_space<vmem>>
        %dma_wait3A_200 = tpu.memref_squeeze %dma_wait3A_199 : memref<1x128xi32, #tpu.memory_space<vmem>> -> memref<128xi32, #tpu.memory_space<vmem>>
        %dma_wait3A_201 = arith.constant 0 : i32
        %dma_wait3A_202 = tpu.memref_slice %arg5[%dma_wait3A_197, %dma_wait3A_201] : memref<320x128xi32, #tpu.memory_space<hbm>> -> memref<1x128xi32, #tpu.memory_space<hbm>>
        %dma_wait3A_203 = tpu.memref_squeeze %dma_wait3A_202 : memref<1x128xi32, #tpu.memory_space<hbm>> -> memref<128xi32, #tpu.memory_space<hbm>>
        %dma_wait3A_204 = tpu.memref_slice %arg11[%rem3A_149] : memref<7x!tpu.dma_semaphore, #tpu.memory_space<semaphore_mem>> -> memref<1x!tpu.dma_semaphore, #tpu.memory_space<semaphore_mem>>
        %dma_wait3A_205 = tpu.memref_squeeze %dma_wait3A_204 : memref<1x!tpu.dma_semaphore, #tpu.memory_space<semaphore_mem>> -> memref<!tpu.dma_semaphore, #tpu.memory_space<semaphore_mem>>
        %dma_wait3A_206 = arith.constant 0 : i32
        %dma_wait3A_207 = tpu.memref_slice %arg8[%rem3A_149, %dma_wait3A_206] : memref<7x128xi32, #tpu.memory_space<vmem>> -> memref<1x128xi32, #tpu.memory_space<vmem>>
        %dma_wait3A_208 = tpu.memref_squeeze %dma_wait3A_207 : memref<1x128xi32, #tpu.memory_space<vmem>> -> memref<128xi32, #tpu.memory_space<vmem>>
        %dma_wait3A_209 = arith.constant 0 : i32
        %dma_wait3A_210 = tpu.memref_slice %arg5[%dma_wait3A_197, %dma_wait3A_209] : memref<320x128xi32, #tpu.memory_space<hbm>> -> memref<1x128xi32, #tpu.memory_space<hbm>>
        %dma_wait3A_211 = tpu.memref_squeeze %dma_wait3A_210 : memref<1x128xi32, #tpu.memory_space<hbm>> -> memref<128xi32, #tpu.memory_space<hbm>>
        tpu.wait_dma2 semaphore(%dma_wait3A_205 : memref<!tpu.dma_semaphore, #tpu.memory_space<semaphore_mem>>) src(%dma_wait3A_211 : memref<128xi32, #tpu.memory_space<hbm>>) dst(%dma_wait3A_208 : memref<128xi32, #tpu.memory_space<vmem>>)
        %get3A = arith.index_cast %rem3A_149 : i32 to index
        %get3A_212 = arith.constant 0 : index
        %get3A_213 = tpu.vector_load %arg7[%get3A, %get3A_212] {strides = array<i32>} : memref<7x128xi32, #tpu.memory_space<vmem>>, vector<1x16xi32>,
        %get3A_214 = vector.shape_cast %get3A_213 : vector<1x16xi32> to vector<16xi32>
        %get3A_215 = arith.index_cast %rem3A_149 : i32 to index
        %get3A_216 = arith.constant 0 : index
        %get3A_217 = tpu.vector_load %arg8[%get3A_215, %get3A_216] {strides = array<i32>} : memref<7x128xi32, #tpu.memory_space<vmem>>, vector<1x16xi32>,
        %get3A_218 = vector.shape_cast %get3A_217 : vector<1x16xi32> to vector<16xi32>
        %eq3A = arith.cmpi eq, %get3A_214, %get3A_218 : vector<16xi32>
        %add3A_219 = arith.constant 10000 : i32
        %add3A_220 = vector.broadcast %add3A_219 : i32 to vector<16xi32>
        %add3A_221 = arith.addi %get3A_214, %add3A_220 : vector<16xi32>
        %select_n3A = arith.select %eq3A, %add3A_221, %get3A_214 : vector<16xi1>, vector<16xi32>
        %swap3A = arith.index_cast %rem3A_149 : i32 to index
        %swap3A_222 = arith.constant 0 : index
        %swap3A_223 = tpu.vector_load %arg9[%swap3A, %swap3A_222] {strides = array<i32>} : memref<7x128xi32, #tpu.memory_space<vmem>>, vector<1x16xi32>,
        %swap3A_224 = vector.shape_cast %swap3A_223 : vector<1x16xi32> to vector<16xi32>
        %swap3A_225 = vector.shape_cast %select_n3A : vector<16xi32> to vector<1x16xi32>
        tpu.vector_store %arg9[%swap3A, %swap3A_222], %swap3A_225 {strides = array<i32>} : memref<7x128xi32, #tpu.memory_space<vmem>>, vector<1x16xi32>,
        %get3A_226 = arith.index_cast %rem3A_149 : i32 to index
        %get3A_227 = arith.constant 16 : index
        %get3A_228 = tpu.vector_load %arg7[%get3A_226, %get3A_227] {strides = array<i32>} : memref<7x128xi32, #tpu.memory_space<vmem>>, vector<1x16xi32>,
        %get3A_229 = vector.shape_cast %get3A_228 : vector<1x16xi32> to vector<16xi32>
        %get3A_230 = arith.index_cast %rem3A_149 : i32 to index
        %get3A_231 = arith.constant 16 : index
        %get3A_232 = tpu.vector_load %arg8[%get3A_230, %get3A_231] {strides = array<i32>} : memref<7x128xi32, #tpu.memory_space<vmem>>, vector<1x16xi32>,
        %get3A_233 = vector.shape_cast %get3A_232 : vector<1x16xi32> to vector<16xi32>
        %eq3A_234 = arith.cmpi eq, %get3A_229, %get3A_233 : vector<16xi32>
        %add3A_235 = arith.constant 10000 : i32
        %add3A_236 = vector.broadcast %add3A_235 : i32 to vector<16xi32>
        %add3A_237 = arith.addi %get3A_229, %add3A_236 : vector<16xi32>
        %select_n3A_238 = arith.select %eq3A_234, %add3A_237, %get3A_229 : vector<16xi1>, vector<16xi32>
        %swap3A_239 = arith.index_cast %rem3A_149 : i32 to index
        %swap3A_240 = arith.constant 16 : index
        %swap3A_241 = tpu.vector_load %arg9[%swap3A_239, %swap3A_240] {strides = array<i32>} : memref<7x128xi32, #tpu.memory_space<vmem>>, vector<1x16xi32>,
        %swap3A_242 = vector.shape_cast %swap3A_241 : vector<1x16xi32> to vector<16xi32>
        %swap3A_243 = vector.shape_cast %select_n3A_238 : vector<16xi32> to vector<1x16xi32>
        tpu.vector_store %arg9[%swap3A_239, %swap3A_240], %swap3A_243 {strides = array<i32>} : memref<7x128xi32, #tpu.memory_space<vmem>>, vector<1x16xi32>,
        %get3A_244 = arith.index_cast %rem3A_149 : i32 to index
        %get3A_245 = arith.constant 32 : index
        %get3A_246 = tpu.vector_load %arg7[%get3A_244, %get3A_245] {strides = array<i32>} : memref<7x128xi32, #tpu.memory_space<vmem>>, vector<1x16xi32>,
        %get3A_247 = vector.shape_cast %get3A_246 : vector<1x16xi32> to vector<16xi32>
        %get3A_248 = arith.index_cast %rem3A_149 : i32 to index
        %get3A_249 = arith.constant 32 : index
        %get3A_250 = tpu.vector_load %arg8[%get3A_248, %get3A_249] {strides = array<i32>} : memref<7x128xi32, #tpu.memory_space<vmem>>, vector<1x16xi32>,
        %get3A_251 = vector.shape_cast %get3A_250 : vector<1x16xi32> to vector<16xi32>
        %eq3A_252 = arith.cmpi eq, %get3A_247, %get3A_251 : vector<16xi32>
        %add3A_253 = arith.constant 10000 : i32
        %add3A_254 = vector.broadcast %add3A_253 : i32 to vector<16xi32>
        %add3A_255 = arith.addi %get3A_247, %add3A_254 : vector<16xi32>
        %select_n3A_256 = arith.select %eq3A_252, %add3A_255, %get3A_247 : vector<16xi1>, vector<16xi32>
        %swap3A_257 = arith.index_cast %rem3A_149 : i32 to index
        %swap3A_258 = arith.constant 32 : index
        %swap3A_259 = tpu.vector_load %arg9[%swap3A_257, %swap3A_258] {strides = array<i32>} : memref<7x128xi32, #tpu.memory_space<vmem>>, vector<1x16xi32>,
        %swap3A_260 = vector.shape_cast %swap3A_259 : vector<1x16xi32> to vector<16xi32>
        %swap3A_261 = vector.shape_cast %select_n3A_256 : vector<16xi32> to vector<1x16xi32>
        tpu.vector_store %arg9[%swap3A_257, %swap3A_258], %swap3A_261 {strides = array<i32>} : memref<7x128xi32, #tpu.memory_space<vmem>>, vector<1x16xi32>,
        %get3A_262 = arith.index_cast %rem3A_149 : i32 to index
        %get3A_263 = arith.constant 48 : index
        %get3A_264 = tpu.vector_load %arg7[%get3A_262, %get3A_263] {strides = array<i32>} : memref<7x128xi32, #tpu.memory_space<vmem>>, vector<1x16xi32>,
        %get3A_265 = vector.shape_cast %get3A_264 : vector<1x16xi32> to vector<16xi32>
        %get3A_266 = arith.index_cast %rem3A_149 : i32 to index
        %get3A_267 = arith.constant 48 : index
        %get3A_268 = tpu.vector_load %arg8[%get3A_266, %get3A_267] {strides = array<i32>} : memref<7x128xi32, #tpu.memory_space<vmem>>, vector<1x16xi32>,
        %get3A_269 = vector.shape_cast %get3A_268 : vector<1x16xi32> to vector<16xi32>
        %eq3A_270 = arith.cmpi eq, %get3A_265, %get3A_269 : vector<16xi32>
        %add3A_271 = arith.constant 10000 : i32
        %add3A_272 = vector.broadcast %add3A_271 : i32 to vector<16xi32>
        %add3A_273 = arith.addi %get3A_265, %add3A_272 : vector<16xi32>
        %select_n3A_274 = arith.select %eq3A_270, %add3A_273, %get3A_265 : vector<16xi1>, vector<16xi32>
        %swap3A_275 = arith.index_cast %rem3A_149 : i32 to index
        %swap3A_276 = arith.constant 48 : index
        %swap3A_277 = tpu.vector_load %arg9[%swap3A_275, %swap3A_276] {strides = array<i32>} : memref<7x128xi32, #tpu.memory_space<vmem>>, vector<1x16xi32>,
        %swap3A_278 = vector.shape_cast %swap3A_277 : vector<1x16xi32> to vector<16xi32>
        %swap3A_279 = vector.shape_cast %select_n3A_274 : vector<16xi32> to vector<1x16xi32>
        tpu.vector_store %arg9[%swap3A_275, %swap3A_276], %swap3A_279 {strides = array<i32>} : memref<7x128xi32, #tpu.memory_space<vmem>>, vector<1x16xi32>,
        %get3A_280 = arith.index_cast %rem3A_149 : i32 to index
        %get3A_281 = arith.constant 64 : index
        %get3A_282 = tpu.vector_load %arg7[%get3A_280, %get3A_281] {strides = array<i32>} : memref<7x128xi32, #tpu.memory_space<vmem>>, vector<1x16xi32>,
        %get3A_283 = vector.shape_cast %get3A_282 : vector<1x16xi32> to vector<16xi32>
        %get3A_284 = arith.index_cast %rem3A_149 : i32 to index
        %get3A_285 = arith.constant 64 : index
        %get3A_286 = tpu.vector_load %arg8[%get3A_284, %get3A_285] {strides = array<i32>} : memref<7x128xi32, #tpu.memory_space<vmem>>, vector<1x16xi32>,
        %get3A_287 = vector.shape_cast %get3A_286 : vector<1x16xi32> to vector<16xi32>
        %eq3A_288 = arith.cmpi eq, %get3A_283, %get3A_287 : vector<16xi32>
        %add3A_289 = arith.constant 10000 : i32
        %add3A_290 = vector.broadcast %add3A_289 : i32 to vector<16xi32>
        %add3A_291 = arith.addi %get3A_283, %add3A_290 : vector<16xi32>
        %select_n3A_292 = arith.select %eq3A_288, %add3A_291, %get3A_283 : vector<16xi1>, vector<16xi32>
        %swap3A_293 = arith.index_cast %rem3A_149 : i32 to index
        %swap3A_294 = arith.constant 64 : index
        %swap3A_295 = tpu.vector_load %arg9[%swap3A_293, %swap3A_294] {strides = array<i32>} : memref<7x128xi32, #tpu.memory_space<vmem>>, vector<1x16xi32>,
        %swap3A_296 = vector.shape_cast %swap3A_295 : vector<1x16xi32> to vector<16xi32>
        %swap3A_297 = vector.shape_cast %select_n3A_292 : vector<16xi32> to vector<1x16xi32>
        tpu.vector_store %arg9[%swap3A_293, %swap3A_294], %swap3A_297 {strides = array<i32>} : memref<7x128xi32, #tpu.memory_space<vmem>>, vector<1x16xi32>,
        %get3A_298 = arith.index_cast %rem3A_149 : i32 to index
        %get3A_299 = arith.constant 80 : index
        %get3A_300 = tpu.vector_load %arg7[%get3A_298, %get3A_299] {strides = array<i32>} : memref<7x128xi32, #tpu.memory_space<vmem>>, vector<1x16xi32>,
        %get3A_301 = vector.shape_cast %get3A_300 : vector<1x16xi32> to vector<16xi32>
        %get3A_302 = arith.index_cast %rem3A_149 : i32 to index
        %get3A_303 = arith.constant 80 : index
        %get3A_304 = tpu.vector_load %arg8[%get3A_302, %get3A_303] {strides = array<i32>} : memref<7x128xi32, #tpu.memory_space<vmem>>, vector<1x16xi32>,
        %get3A_305 = vector.shape_cast %get3A_304 : vector<1x16xi32> to vector<16xi32>
        %eq3A_306 = arith.cmpi eq, %get3A_301, %get3A_305 : vector<16xi32>
        %add3A_307 = arith.constant 10000 : i32
        %add3A_308 = vector.broadcast %add3A_307 : i32 to vector<16xi32>
        %add3A_309 = arith.addi %get3A_301, %add3A_308 : vector<16xi32>
        %select_n3A_310 = arith.select %eq3A_306, %add3A_309, %get3A_301 : vector<16xi1>, vector<16xi32>
        %swap3A_311 = arith.index_cast %rem3A_149 : i32 to index
        %swap3A_312 = arith.constant 80 : index
        %swap3A_313 = tpu.vector_load %arg9[%swap3A_311, %swap3A_312] {strides = array<i32>} : memref<7x128xi32, #tpu.memory_space<vmem>>, vector<1x16xi32>,
        %swap3A_314 = vector.shape_cast %swap3A_313 : vector<1x16xi32> to vector<16xi32>
        %swap3A_315 = vector.shape_cast %select_n3A_310 : vector<16xi32> to vector<1x16xi32>
        tpu.vector_store %arg9[%swap3A_311, %swap3A_312], %swap3A_315 {strides = array<i32>} : memref<7x128xi32, #tpu.memory_space<vmem>>, vector<1x16xi32>,
        %get3A_316 = arith.index_cast %rem3A_149 : i32 to index
        %get3A_317 = arith.constant 96 : index
        %get3A_318 = tpu.vector_load %arg7[%get3A_316, %get3A_317] {strides = array<i32>} : memref<7x128xi32, #tpu.memory_space<vmem>>, vector<1x16xi32>,
        %get3A_319 = vector.shape_cast %get3A_318 : vector<1x16xi32> to vector<16xi32>
        %get3A_320 = arith.index_cast %rem3A_149 : i32 to index
        %get3A_321 = arith.constant 96 : index
        %get3A_322 = tpu.vector_load %arg8[%get3A_320, %get3A_321] {strides = array<i32>} : memref<7x128xi32, #tpu.memory_space<vmem>>, vector<1x16xi32>,
        %get3A_323 = vector.shape_cast %get3A_322 : vector<1x16xi32> to vector<16xi32>
        %eq3A_324 = arith.cmpi eq, %get3A_319, %get3A_323 : vector<16xi32>
        %add3A_325 = arith.constant 10000 : i32
        %add3A_326 = vector.broadcast %add3A_325 : i32 to vector<16xi32>
        %add3A_327 = arith.addi %get3A_319, %add3A_326 : vector<16xi32>
        %select_n3A_328 = arith.select %eq3A_324, %add3A_327, %get3A_319 : vector<16xi1>, vector<16xi32>
        %swap3A_329 = arith.index_cast %rem3A_149 : i32 to index
        %swap3A_330 = arith.constant 96 : index
        %swap3A_331 = tpu.vector_load %arg9[%swap3A_329, %swap3A_330] {strides = array<i32>} : memref<7x128xi32, #tpu.memory_space<vmem>>, vector<1x16xi32>,
        %swap3A_332 = vector.shape_cast %swap3A_331 : vector<1x16xi32> to vector<16xi32>
        %swap3A_333 = vector.shape_cast %select_n3A_328 : vector<16xi32> to vector<1x16xi32>
        tpu.vector_store %arg9[%swap3A_329, %swap3A_330], %swap3A_333 {strides = array<i32>} : memref<7x128xi32, #tpu.memory_space<vmem>>, vector<1x16xi32>,
        %get3A_334 = arith.index_cast %rem3A_149 : i32 to index
        %get3A_335 = arith.constant 112 : index
        %get3A_336 = tpu.vector_load %arg7[%get3A_334, %get3A_335] {strides = array<i32>} : memref<7x128xi32, #tpu.memory_space<vmem>>, vector<1x16xi32>,
        %get3A_337 = vector.shape_cast %get3A_336 : vector<1x16xi32> to vector<16xi32>
        %get3A_338 = arith.index_cast %rem3A_149 : i32 to index
        %get3A_339 = arith.constant 112 : index
        %get3A_340 = tpu.vector_load %arg8[%get3A_338, %get3A_339] {strides = array<i32>} : memref<7x128xi32, #tpu.memory_space<vmem>>, vector<1x16xi32>,
        %get3A_341 = vector.shape_cast %get3A_340 : vector<1x16xi32> to vector<16xi32>
        %eq3A_342 = arith.cmpi eq, %get3A_337, %get3A_341 : vector<16xi32>
        %add3A_343 = arith.constant 10000 : i32
        %add3A_344 = vector.broadcast %add3A_343 : i32 to vector<16xi32>
        %add3A_345 = arith.addi %get3A_337, %add3A_344 : vector<16xi32>
        %select_n3A_346 = arith.select %eq3A_342, %add3A_345, %get3A_337 : vector<16xi1>, vector<16xi32>
        %swap3A_347 = arith.index_cast %rem3A_149 : i32 to index
        %swap3A_348 = arith.constant 112 : index
        %swap3A_349 = tpu.vector_load %arg9[%swap3A_347, %swap3A_348] {strides = array<i32>} : memref<7x128xi32, #tpu.memory_space<vmem>>, vector<1x16xi32>,
        %swap3A_350 = vector.shape_cast %swap3A_349 : vector<1x16xi32> to vector<16xi32>
        %swap3A_351 = vector.shape_cast %select_n3A_346 : vector<16xi32> to vector<1x16xi32>
        tpu.vector_store %arg9[%swap3A_347, %swap3A_348], %swap3A_351 {strides = array<i32>} : memref<7x128xi32, #tpu.memory_space<vmem>>, vector<1x16xi32>,
        %mul3A_352 = arith.constant 128 : i32
        %mul3A_353 = arith.muli %rem3A_149, %mul3A_352 : i32
        %dma_start3A_354 = arith.constant 0 : i32
        %dma_start3A_355 = tpu.memref_slice %arg10[%mul3A_353, %dma_start3A_354] : memref<896x128xf32, #tpu.memory_space<vmem>> -> memref<128x128xf32, #tpu.memory_space<vmem>>
        %dma_start3A_356 = arith.constant 0 : i32
        %dma_start3A_357 = tpu.memref_slice %arg9[%rem3A_149, %dma_start3A_356] : memref<7x128xi32, #tpu.memory_space<vmem>> -> memref<1x128xi32, #tpu.memory_space<vmem>>
        %dma_start3A_358 = tpu.memref_squeeze %dma_start3A_357 : memref<1x128xi32, #tpu.memory_space<vmem>> -> memref<128xi32, #tpu.memory_space<vmem>>
        %dma_start3A_359 = arith.constant 0 : i32
        %dma_start3A_360 = arith.constant 0 : i32
        %dma_start3A_361 = tpu.memref_slice %arg2[%dma_start3A_359, %dma_start3A_360] : memref<20000x128xf32, #tpu.memory_space<hbm>> -> memref<20000x128xf32, #tpu.memory_space<hbm>>
        %dma_start3A_362 = tpu.memref_slice %arg12[%rem3A_149] : memref<7x!tpu.dma_semaphore, #tpu.memory_space<semaphore_mem>> -> memref<1x!tpu.dma_semaphore, #tpu.memory_space<semaphore_mem>>
        %dma_start3A_363 = tpu.memref_squeeze %dma_start3A_362 : memref<1x!tpu.dma_semaphore, #tpu.memory_space<semaphore_mem>> -> memref<!tpu.dma_semaphore, #tpu.memory_space<semaphore_mem>>
        tpu.enqueue_indirect_dma source(%dma_start3A_361 : memref<20000x128xf32, #tpu.memory_space<hbm>>) target(%dma_start3A_355 : memref<128x128xf32, #tpu.memory_space<vmem>>) offsets(%dma_start3A_358 : memref<128xi32, #tpu.memory_space<vmem>>) semaphore(%dma_start3A_363 : memref<!tpu.dma_semaphore, #tpu.memory_space<semaphore_mem>>)
      } else {
      }
      %sub3A = arith.constant 2 : i32
      %sub3A_152 = arith.subi %scan3A_146, %sub3A : i32
      %ge3A = arith.constant 0 : i32
      %ge3A_153 = arith.cmpi sge, %sub3A_152, %ge3A : i32
      %lt3A_154 = arith.constant 10 : i32
      %lt3A_155 = arith.cmpi slt, %sub3A_152, %lt3A_154 : i32
      %and3A = arith.andi %ge3A_153, %lt3A_155 : i1
      %convert_element_type3A_156 = arith.extui %and3A : i1 to i32
      %cond3A_157 = arith.constant 0 : i32
      %cond3A_158 = arith.cmpi ne, %convert_element_type3A_156, %cond3A_157 : i32
      scf.if %cond3A_158 {
        %rem3A_177 = arith.constant 7 : i32
        %rem3A_178 = arith.remsi %sub3A_152, %rem3A_177 : i32
        %mul3A_179 = arith.constant 128 : i32
        %mul3A_180 = arith.muli %rem3A_178, %mul3A_179 : i32
        %dma_wait3A_181 = arith.constant 0 : i32
        %dma_wait3A_182 = tpu.memref_slice %arg10[%mul3A_180, %dma_wait3A_181] : memref<896x128xf32, #tpu.memory_space<vmem>> -> memref<128x128xf32, #tpu.memory_space<vmem>>
        %dma_wait3A_183 = arith.constant 0 : i32
        %dma_wait3A_184 = arith.constant 0 : i32
        %dma_wait3A_185 = tpu.memref_slice %arg6[%dma_wait3A_183, %dma_wait3A_184] : memref<40960x128xf32, #tpu.memory_space<hbm>> -> memref<128x128xf32, #tpu.memory_space<hbm>>
        %dma_wait3A_186 = tpu.memref_slice %arg12[%rem3A_178] : memref<7x!tpu.dma_semaphore, #tpu.memory_space<semaphore_mem>> -> memref<1x!tpu.dma_semaphore, #tpu.memory_space<semaphore_mem>>
        %dma_wait3A_187 = tpu.memref_squeeze %dma_wait3A_186 : memref<1x!tpu.dma_semaphore, #tpu.memory_space<semaphore_mem>> -> memref<!tpu.dma_semaphore, #tpu.memory_space<semaphore_mem>>
        %dma_wait3A_188 = arith.constant 0 : i32
        %dma_wait3A_189 = tpu.memref_slice %arg10[%mul3A_180, %dma_wait3A_188] : memref<896x128xf32, #tpu.memory_space<vmem>> -> memref<128x128xf32, #tpu.memory_space<vmem>>
        %dma_wait3A_190 = arith.constant 0 : i32
        %dma_wait3A_191 = arith.constant 0 : i32
        %dma_wait3A_192 = tpu.memref_slice %arg6[%dma_wait3A_190, %dma_wait3A_191] : memref<40960x128xf32, #tpu.memory_space<hbm>> -> memref<128x128xf32, #tpu.memory_space<hbm>>
        tpu.wait_dma2 semaphore(%dma_wait3A_187 : memref<!tpu.dma_semaphore, #tpu.memory_space<semaphore_mem>>) src(%dma_wait3A_192 : memref<128x128xf32, #tpu.memory_space<hbm>>) dst(%dma_wait3A_189 : memref<128x128xf32, #tpu.memory_space<vmem>>)
        %mul3A_193 = arith.constant 128 : i32
        %mul3A_194 = arith.muli %rem3A_178, %mul3A_193 : i32
        %dma_start3A_195 = arith.constant 0 : i32
        %dma_start3A_196 = tpu.memref_slice %arg10[%mul3A_194, %dma_start3A_195] : memref<896x128xf32, #tpu.memory_space<vmem>> -> memref<128x128xf32, #tpu.memory_space<vmem>>
        %dma_start3A_197 = arith.constant 0 : i32
        %dma_start3A_198 = tpu.memref_slice %arg8[%rem3A_178, %dma_start3A_197] : memref<7x128xi32, #tpu.memory_space<vmem>> -> memref<1x128xi32, #tpu.memory_space<vmem>>
        %dma_start3A_199 = tpu.memref_squeeze %dma_start3A_198 : memref<1x128xi32, #tpu.memory_space<vmem>> -> memref<128xi32, #tpu.memory_space<vmem>>
        %dma_start3A_200 = arith.constant 0 : i32
        %dma_start3A_201 = arith.constant 0 : i32
        %dma_start3A_202 = tpu.memref_slice %arg3[%dma_start3A_200, %dma_start3A_201] : memref<10000x128xf32, #tpu.memory_space<hbm>> -> memref<10000x128xf32, #tpu.memory_space<hbm>>
        %dma_start3A_203 = tpu.memref_slice %arg13[%rem3A_178] : memref<7x!tpu.dma_semaphore, #tpu.memory_space<semaphore_mem>> -> memref<1x!tpu.dma_semaphore, #tpu.memory_space<semaphore_mem>>
        %dma_start3A_204 = tpu.memref_squeeze %dma_start3A_203 : memref<1x!tpu.dma_semaphore, #tpu.memory_space<semaphore_mem>> -> memref<!tpu.dma_semaphore, #tpu.memory_space<semaphore_mem>>
        tpu.enqueue_indirect_dma source(%dma_start3A_202 : memref<10000x128xf32, #tpu.memory_space<hbm>>) target(%dma_start3A_196 : memref<128x128xf32, #tpu.memory_space<vmem>>) offsets(%dma_start3A_199 : memref<128xi32, #tpu.memory_space<vmem>>) semaphore(%dma_start3A_204 : memref<!tpu.dma_semaphore, #tpu.memory_space<semaphore_mem>>) {add = true}
      } else {
      }
      %sub3A_159 = arith.constant 4 : i32
      %sub3A_160 = arith.subi %scan3A_146, %sub3A_159 : i32
      %ge3A_161 = arith.constant 0 : i32
      %ge3A_162 = arith.cmpi sge, %sub3A_160, %ge3A_161 : i32
      %lt3A_163 = arith.constant 10 : i32
      %lt3A_164 = arith.cmpi slt, %sub3A_160, %lt3A_163 : i32
      %and3A_165 = arith.andi %ge3A_162, %lt3A_164 : i1
      %convert_element_type3A_166 = arith.extui %and3A_165 : i1 to i32
      %cond3A_167 = arith.constant 0 : i32
      %cond3A_168 = arith.cmpi ne, %convert_element_type3A_166, %cond3A_167 : i32
      scf.if %cond3A_168 {
        %rem3A_177 = arith.constant 7 : i32
        %rem3A_178 = arith.remsi %sub3A_160, %rem3A_177 : i32
        %mul3A_179 = arith.constant 128 : i32
        %mul3A_180 = arith.muli %rem3A_178, %mul3A_179 : i32
        %dma_wait3A_181 = arith.constant 0 : i32
        %dma_wait3A_182 = tpu.memref_slice %arg10[%mul3A_180, %dma_wait3A_181] : memref<896x128xf32, #tpu.memory_space<vmem>> -> memref<128x128xf32, #tpu.memory_space<vmem>>
        %dma_wait3A_183 = arith.constant 0 : i32
        %dma_wait3A_184 = arith.constant 0 : i32
        %dma_wait3A_185 = tpu.memref_slice %arg6[%dma_wait3A_183, %dma_wait3A_184] : memref<40960x128xf32, #tpu.memory_space<hbm>> -> memref<128x128xf32, #tpu.memory_space<hbm>>
        %dma_wait3A_186 = tpu.memref_slice %arg13[%rem3A_178] : memref<7x!tpu.dma_semaphore, #tpu.memory_space<semaphore_mem>> -> memref<1x!tpu.dma_semaphore, #tpu.memory_space<semaphore_mem>>
        %dma_wait3A_187 = tpu.memref_squeeze %dma_wait3A_186 : memref<1x!tpu.dma_semaphore, #tpu.memory_space<semaphore_mem>> -> memref<!tpu.dma_semaphore, #tpu.memory_space<semaphore_mem>>
        %dma_wait3A_188 = arith.constant 0 : i32
        %dma_wait3A_189 = tpu.memref_slice %arg10[%mul3A_180, %dma_wait3A_188] : memref<896x128xf32, #tpu.memory_space<vmem>> -> memref<128x128xf32, #tpu.memory_space<vmem>>
        %dma_wait3A_190 = arith.constant 0 : i32
        %dma_wait3A_191 = arith.constant 0 : i32
        %dma_wait3A_192 = tpu.memref_slice %arg6[%dma_wait3A_190, %dma_wait3A_191] : memref<40960x128xf32, #tpu.memory_space<hbm>> -> memref<128x128xf32, #tpu.memory_space<hbm>>
        tpu.wait_dma2 semaphore(%dma_wait3A_187 : memref<!tpu.dma_semaphore, #tpu.memory_space<semaphore_mem>>) src(%dma_wait3A_192 : memref<128x128xf32, #tpu.memory_space<hbm>>) dst(%dma_wait3A_189 : memref<128x128xf32, #tpu.memory_space<vmem>>)
        %mul3A_193 = arith.constant 128 : i32
        %mul3A_194 = arith.muli %rem3A_178, %mul3A_193 : i32
        %add3A_195 = arith.addi %mul3A_2, %sub3A_160 : i32
        %mul3A_196 = arith.constant 128 : i32
        %mul3A_197 = arith.muli %add3A_195, %mul3A_196 : i32
        %dma_start3A_198 = arith.constant 0 : i32
        %dma_start3A_199 = tpu.memref_slice %arg10[%mul3A_194, %dma_start3A_198] : memref<896x128xf32, #tpu.memory_space<vmem>> -> memref<128x128xf32, #tpu.memory_space<vmem>>
        %dma_start3A_200 = arith.constant 0 : i32
        %dma_start3A_201 = tpu.memref_slice %arg6[%mul3A_197, %dma_start3A_200] : memref<40960x128xf32, #tpu.memory_space<hbm>> -> memref<128x128xf32, #tpu.memory_space<hbm>>
        %dma_start3A_202 = tpu.memref_slice %arg14[%rem3A_178] : memref<7x!tpu.dma_semaphore, #tpu.memory_space<semaphore_mem>> -> memref<1x!tpu.dma_semaphore, #tpu.memory_space<semaphore_mem>>
        %dma_start3A_203 = tpu.memref_squeeze %dma_start3A_202 : memref<1x!tpu.dma_semaphore, #tpu.memory_space<semaphore_mem>> -> memref<!tpu.dma_semaphore, #tpu.memory_space<semaphore_mem>>
        %dma_start3A_204 = arith.constant 0 : i32
        %dma_start3A_205 = tpu.memref_slice %arg6[%mul3A_197, %dma_start3A_204] : memref<40960x128xf32, #tpu.memory_space<hbm>> -> memref<128x128xf32, #tpu.memory_space<hbm>>
        %dma_start3A_206 = arith.constant 0 : i32
        %dma_start3A_207 = tpu.memref_slice %arg10[%mul3A_194, %dma_start3A_206] : memref<896x128xf32, #tpu.memory_space<vmem>> -> memref<128x128xf32, #tpu.memory_space<vmem>>
        tpu.enqueue_dma source(%dma_start3A_207 : memref<128x128xf32, #tpu.memory_space<vmem>>) target(%dma_start3A_205 : memref<128x128xf32, #tpu.memory_space<hbm>>) target_semaphore(%dma_start3A_203 : memref<!tpu.dma_semaphore, #tpu.memory_space<semaphore_mem>>)
      } else {
      }
      %add3A_169 = arith.constant 1 : i32
      %add3A_170 = arith.addi %scan3A_146, %add3A_169 : i32
      %lt3A_171 = arith.constant 10 : i32
      %lt3A_172 = arith.cmpi slt, %add3A_170, %lt3A_171 : i32
      %convert_element_type3A_173 = arith.extui %lt3A_172 : i1 to i32
      %cond3A_174 = arith.constant 0 : i32
      %cond3A_175 = arith.cmpi ne, %convert_element_type3A_173, %cond3A_174 : i32
      scf.if %cond3A_175 {
        %add3A_177 = arith.constant 1 : i32
        %add3A_178 = arith.addi %scan3A_146, %add3A_177 : i32
        %rem3A_179 = arith.constant 7 : i32
        %rem3A_180 = arith.remsi %add3A_178, %rem3A_179 : i32
        %add3A_181 = arith.addi %mul3A_2, %add3A_178 : i32
        %dma_start3A_182 = arith.constant 0 : i32
        %dma_start3A_183 = tpu.memref_slice %arg7[%rem3A_180, %dma_start3A_182] : memref<7x128xi32, #tpu.memory_space<vmem>> -> memref<1x128xi32, #tpu.memory_space<vmem>>
        %dma_start3A_184 = tpu.memref_squeeze %dma_start3A_183 : memref<1x128xi32, #tpu.memory_space<vmem>> -> memref<128xi32, #tpu.memory_space<vmem>>
        %dma_start3A_185 = arith.constant 0 : i32
        %dma_start3A_186 = tpu.memref_slice %arg4[%add3A_181, %dma_start3A_185] : memref<320x128xi32, #tpu.memory_space<hbm>> -> memref<1x128xi32, #tpu.memory_space<hbm>>
        %dma_start3A_187 = tpu.memref_squeeze %dma_start3A_186 : memref<1x128xi32, #tpu.memory_space<hbm>> -> memref<128xi32, #tpu.memory_space<hbm>>
        %dma_start3A_188 = tpu.memref_slice %arg11[%rem3A_180] : memref<7x!tpu.dma_semaphore, #tpu.memory_space<semaphore_mem>> -> memref<1x!tpu.dma_semaphore, #tpu.memory_space<semaphore_mem>>
        %dma_start3A_189 = tpu.memref_squeeze %dma_start3A_188 : memref<1x!tpu.dma_semaphore, #tpu.memory_space<semaphore_mem>> -> memref<!tpu.dma_semaphore, #tpu.memory_space<semaphore_mem>>
        %dma_start3A_190 = arith.constant 0 : i32
        %dma_start3A_191 = tpu.memref_slice %arg7[%rem3A_180, %dma_start3A_190] : memref<7x128xi32, #tpu.memory_space<vmem>> -> memref<1x128xi32, #tpu.memory_space<vmem>>
        %dma_start3A_192 = tpu.memref_squeeze %dma_start3A_191 : memref<1x128xi32, #tpu.memory_space<vmem>> -> memref<128xi32, #tpu.memory_space<vmem>>
        %dma_start3A_193 = arith.constant 0 : i32
        %dma_start3A_194 = tpu.memref_slice %arg4[%add3A_181, %dma_start3A_193] : memref<320x128xi32, #tpu.memory_space<hbm>> -> memref<1x128xi32, #tpu.memory_space<hbm>>
        %dma_start3A_195 = tpu.memref_squeeze %dma_start3A_194 : memref<1x128xi32, #tpu.memory_space<hbm>> -> memref<128xi32, #tpu.memory_space<hbm>>
        tpu.enqueue_dma source(%dma_start3A_195 : memref<128xi32, #tpu.memory_space<hbm>>) target(%dma_start3A_192 : memref<128xi32, #tpu.memory_space<vmem>>) target_semaphore(%dma_start3A_189 : memref<!tpu.dma_semaphore, #tpu.memory_space<semaphore_mem>>)
        %add3A_196 = arith.addi %mul3A_2, %add3A_178 : i32
        %dma_start3A_197 = arith.constant 0 : i32
        %dma_start3A_198 = tpu.memref_slice %arg8[%rem3A_180, %dma_start3A_197] : memref<7x128xi32, #tpu.memory_space<vmem>> -> memref<1x128xi32, #tpu.memory_space<vmem>>
        %dma_start3A_199 = tpu.memref_squeeze %dma_start3A_198 : memref<1x128xi32, #tpu.memory_space<vmem>> -> memref<128xi32, #tpu.memory_space<vmem>>
        %dma_start3A_200 = arith.constant 0 : i32
        %dma_start3A_201 = tpu.memref_slice %arg5[%add3A_196, %dma_start3A_200] : memref<320x128xi32, #tpu.memory_space<hbm>> -> memref<1x128xi32, #tpu.memory_space<hbm>>
        %dma_start3A_202 = tpu.memref_squeeze %dma_start3A_201 : memref<1x128xi32, #tpu.memory_space<hbm>> -> memref<128xi32, #tpu.memory_space<hbm>>
        %dma_start3A_203 = tpu.memref_slice %arg11[%rem3A_180] : memref<7x!tpu.dma_semaphore, #tpu.memory_space<semaphore_mem>> -> memref<1x!tpu.dma_semaphore, #tpu.memory_space<semaphore_mem>>
        %dma_start3A_204 = tpu.memref_squeeze %dma_start3A_203 : memref<1x!tpu.dma_semaphore, #tpu.memory_space<semaphore_mem>> -> memref<!tpu.dma_semaphore, #tpu.memory_space<semaphore_mem>>
        %dma_start3A_205 = arith.constant 0 : i32
        %dma_start3A_206 = tpu.memref_slice %arg8[%rem3A_180, %dma_start3A_205] : memref<7x128xi32, #tpu.memory_space<vmem>> -> memref<1x128xi32, #tpu.memory_space<vmem>>
        %dma_start3A_207 = tpu.memref_squeeze %dma_start3A_206 : memref<1x128xi32, #tpu.memory_space<vmem>> -> memref<128xi32, #tpu.memory_space<vmem>>
        %dma_start3A_208 = arith.constant 0 : i32
        %dma_start3A_209 = tpu.memref_slice %arg5[%add3A_196, %dma_start3A_208] : memref<320x128xi32, #tpu.memory_space<hbm>> -> memref<1x128xi32, #tpu.memory_space<hbm>>
        %dma_start3A_210 = tpu.memref_squeeze %dma_start3A_209 : memref<1x128xi32, #tpu.memory_space<hbm>> -> memref<128xi32, #tpu.memory_space<hbm>>
        tpu.enqueue_dma source(%dma_start3A_210 : memref<128xi32, #tpu.memory_space<hbm>>) target(%dma_start3A_207 : memref<128xi32, #tpu.memory_space<vmem>>) target_semaphore(%dma_start3A_204 : memref<!tpu.dma_semaphore, #tpu.memory_space<semaphore_mem>>)
      } else {
      }
      %scan3A_176 = arith.constant 0 : i32
      scf.yield %scan3A_176 : i32
    }
    %scan3A_41 = arith.constant 14 : i32
    %dma_wait3A = arith.constant 2 : i32
    %dma_wait3A_42 = arith.constant 256 : i32
    %dma_wait3A_43 = arith.constant 0 : i32
    %dma_wait3A_44 = tpu.memref_slice %arg10[%dma_wait3A_42, %dma_wait3A_43] : memref<896x128xf32, #tpu.memory_space<vmem>> -> memref<128x128xf32, #tpu.memory_space<vmem>>
    %dma_wait3A_45 = arith.constant 0 : i32
    %dma_wait3A_46 = arith.constant 0 : i32
    %dma_wait3A_47 = tpu.memref_slice %arg6[%dma_wait3A_45, %dma_wait3A_46] : memref<40960x128xf32, #tpu.memory_space<hbm>> -> memref<128x128xf32, #tpu.memory_space<hbm>>
    %dma_wait3A_48 = tpu.memref_slice %arg14[%dma_wait3A] : memref<7x!tpu.dma_semaphore, #tpu.memory_space<semaphore_mem>> -> memref<1x!tpu.dma_semaphore, #tpu.memory_space<semaphore_mem>>
    %dma_wait3A_49 = tpu.memref_squeeze %dma_wait3A_48 : memref<1x!tpu.dma_semaphore, #tpu.memory_space<semaphore_mem>> -> memref<!tpu.dma_semaphore, #tpu.memory_space<semaphore_mem>>
    %dma_wait3A_50 = arith.constant 0 : i32
    %dma_wait3A_51 = arith.constant 0 : i32
    %dma_wait3A_52 = tpu.memref_slice %arg6[%dma_wait3A_50, %dma_wait3A_51] : memref<40960x128xf32, #tpu.memory_space<hbm>> -> memref<128x128xf32, #tpu.memory_space<hbm>>
    %dma_wait3A_53 = arith.constant 256 : i32
    %dma_wait3A_54 = arith.constant 0 : i32
    %dma_wait3A_55 = tpu.memref_slice %arg10[%dma_wait3A_53, %dma_wait3A_54] : memref<896x128xf32, #tpu.memory_space<vmem>> -> memref<128x128xf32, #tpu.memory_space<vmem>>
    tpu.wait_dma2 semaphore(%dma_wait3A_49 : memref<!tpu.dma_semaphore, #tpu.memory_space<semaphore_mem>>) src(%dma_wait3A_55 : memref<128x128xf32, #tpu.memory_space<vmem>>) dst(%dma_wait3A_52 : memref<128x128xf32, #tpu.memory_space<hbm>>)
    %dma_wait3A_56 = arith.constant 1 : i32
    %dma_wait3A_57 = arith.constant 128 : i32
    %dma_wait3A_58 = arith.constant 0 : i32
    %dma_wait3A_59 = tpu.memref_slice %arg10[%dma_wait3A_57, %dma_wait3A_58] : memref<896x128xf32, #tpu.memory_space<vmem>> -> memref<128x128xf32, #tpu.memory_space<vmem>>
    %dma_wait3A_60 = arith.constant 0 : i32
    %dma_wait3A_61 = arith.constant 0 : i32
    %dma_wait3A_62 = tpu.memref_slice %arg6[%dma_wait3A_60, %dma_wait3A_61] : memref<40960x128xf32, #tpu.memory_space<hbm>> -> memref<128x128xf32, #tpu.memory_space<hbm>>
    %dma_wait3A_63 = tpu.memref_slice %arg14[%dma_wait3A_56] : memref<7x!tpu.dma_semaphore, #tpu.memory_space<semaphore_mem>> -> memref<1x!tpu.dma_semaphore, #tpu.memory_space<semaphore_mem>>
    %dma_wait3A_64 = tpu.memref_squeeze %dma_wait3A_63 : memref<1x!tpu.dma_semaphore, #tpu.memory_space<semaphore_mem>> -> memref<!tpu.dma_semaphore, #tpu.memory_space<semaphore_mem>>
    %dma_wait3A_65 = arith.constant 0 : i32
    %dma_wait3A_66 = arith.constant 0 : i32
    %dma_wait3A_67 = tpu.memref_slice %arg6[%dma_wait3A_65, %dma_wait3A_66] : memref<40960x128xf32, #tpu.memory_space<hbm>> -> memref<128x128xf32, #tpu.memory_space<hbm>>
    %dma_wait3A_68 = arith.constant 128 : i32
    %dma_wait3A_69 = arith.constant 0 : i32
    %dma_wait3A_70 = tpu.memref_slice %arg10[%dma_wait3A_68, %dma_wait3A_69] : memref<896x128xf32, #tpu.memory_space<vmem>> -> memref<128x128xf32, #tpu.memory_space<vmem>>
    tpu.wait_dma2 semaphore(%dma_wait3A_64 : memref<!tpu.dma_semaphore, #tpu.memory_space<semaphore_mem>>) src(%dma_wait3A_70 : memref<128x128xf32, #tpu.memory_space<vmem>>) dst(%dma_wait3A_67 : memref<128x128xf32, #tpu.memory_space<hbm>>)
    %dma_wait3A_71 = arith.constant 0 : i32
    %dma_wait3A_72 = arith.constant 0 : i32
    %dma_wait3A_73 = arith.constant 0 : i32
    %dma_wait3A_74 = tpu.memref_slice %arg10[%dma_wait3A_72, %dma_wait3A_73] : memref<896x128xf32, #tpu.memory_space<vmem>> -> memref<128x128xf32, #tpu.memory_space<vmem>>
    %dma_wait3A_75 = arith.constant 0 : i32
    %dma_wait3A_76 = arith.constant 0 : i32
    %dma_wait3A_77 = tpu.memref_slice %arg6[%dma_wait3A_75, %dma_wait3A_76] : memref<40960x128xf32, #tpu.memory_space<hbm>> -> memref<128x128xf32, #tpu.memory_space<hbm>>
    %dma_wait3A_78 = tpu.memref_slice %arg14[%dma_wait3A_71] : memref<7x!tpu.dma_semaphore, #tpu.memory_space<semaphore_mem>> -> memref<1x!tpu.dma_semaphore, #tpu.memory_space<semaphore_mem>>
    %dma_wait3A_79 = tpu.memref_squeeze %dma_wait3A_78 : memref<1x!tpu.dma_semaphore, #tpu.memory_space<semaphore_mem>> -> memref<!tpu.dma_semaphore, #tpu.memory_space<semaphore_mem>>
    %dma_wait3A_80 = arith.constant 0 : i32
    %dma_wait3A_81 = arith.constant 0 : i32
    %dma_wait3A_82 = tpu.memref_slice %arg6[%dma_wait3A_80, %dma_wait3A_81] : memref<40960x128xf32, #tpu.memory_space<hbm>> -> memref<128x128xf32, #tpu.memory_space<hbm>>
    %dma_wait3A_83 = arith.constant 0 : i32
    %dma_wait3A_84 = arith.constant 0 : i32
    %dma_wait3A_85 = tpu.memref_slice %arg10[%dma_wait3A_83, %dma_wait3A_84] : memref<896x128xf32, #tpu.memory_space<vmem>> -> memref<128x128xf32, #tpu.memory_space<vmem>>
    tpu.wait_dma2 semaphore(%dma_wait3A_79 : memref<!tpu.dma_semaphore, #tpu.memory_space<semaphore_mem>>) src(%dma_wait3A_85 : memref<128x128xf32, #tpu.memory_space<vmem>>) dst(%dma_wait3A_82 : memref<128x128xf32, #tpu.memory_space<hbm>>)
    %dma_wait3A_86 = arith.constant 6 : i32
    %dma_wait3A_87 = arith.constant 768 : i32
    %dma_wait3A_88 = arith.constant 0 : i32
    %dma_wait3A_89 = tpu.memref_slice %arg10[%dma_wait3A_87, %dma_wait3A_88] : memref<896x128xf32, #tpu.memory_space<vmem>> -> memref<128x128xf32, #tpu.memory_space<vmem>>
    %dma_wait3A_90 = arith.constant 0 : i32
    %dma_wait3A_91 = arith.constant 0 : i32
    %dma_wait3A_92 = tpu.memref_slice %arg6[%dma_wait3A_90, %dma_wait3A_91] : memref<40960x128xf32, #tpu.memory_space<hbm>> -> memref<128x128xf32, #tpu.memory_space<hbm>>
    %dma_wait3A_93 = tpu.memref_slice %arg14[%dma_wait3A_86] : memref<7x!tpu.dma_semaphore, #tpu.memory_space<semaphore_mem>> -> memref<1x!tpu.dma_semaphore, #tpu.memory_space<semaphore_mem>>
    %dma_wait3A_94 = tpu.memref_squeeze %dma_wait3A_93 : memref<1x!tpu.dma_semaphore, #tpu.memory_space<semaphore_mem>> -> memref<!tpu.dma_semaphore, #tpu.memory_space<semaphore_mem>>
    %dma_wait3A_95 = arith.constant 0 : i32
    %dma_wait3A_96 = arith.constant 0 : i32
    %dma_wait3A_97 = tpu.memref_slice %arg6[%dma_wait3A_95, %dma_wait3A_96] : memref<40960x128xf32, #tpu.memory_space<hbm>> -> memref<128x128xf32, #tpu.memory_space<hbm>>
    %dma_wait3A_98 = arith.constant 768 : i32
    %dma_wait3A_99 = arith.constant 0 : i32
    %dma_wait3A_100 = tpu.memref_slice %arg10[%dma_wait3A_98, %dma_wait3A_99] : memref<896x128xf32, #tpu.memory_space<vmem>> -> memref<128x128xf32, #tpu.memory_space<vmem>>
    tpu.wait_dma2 semaphore(%dma_wait3A_94 : memref<!tpu.dma_semaphore, #tpu.memory_space<semaphore_mem>>) src(%dma_wait3A_100 : memref<128x128xf32, #tpu.memory_space<vmem>>) dst(%dma_wait3A_97 : memref<128x128xf32, #tpu.memory_space<hbm>>)
    %dma_wait3A_101 = arith.constant 5 : i32
    %dma_wait3A_102 = arith.constant 640 : i32
    %dma_wait3A_103 = arith.constant 0 : i32
    %dma_wait3A_104 = tpu.memref_slice %arg10[%dma_wait3A_102, %dma_wait3A_103] : memref<896x128xf32, #tpu.memory_space<vmem>> -> memref<128x128xf32, #tpu.memory_space<vmem>>
    %dma_wait3A_105 = arith.constant 0 : i32
    %dma_wait3A_106 = arith.constant 0 : i32
    %dma_wait3A_107 = tpu.memref_slice %arg6[%dma_wait3A_105, %dma_wait3A_106] : memref<40960x128xf32, #tpu.memory_space<hbm>> -> memref<128x128xf32, #tpu.memory_space<hbm>>
    %dma_wait3A_108 = tpu.memref_slice %arg14[%dma_wait3A_101] : memref<7x!tpu.dma_semaphore, #tpu.memory_space<semaphore_mem>> -> memref<1x!tpu.dma_semaphore, #tpu.memory_space<semaphore_mem>>
    %dma_wait3A_109 = tpu.memref_squeeze %dma_wait3A_108 : memref<1x!tpu.dma_semaphore, #tpu.memory_space<semaphore_mem>> -> memref<!tpu.dma_semaphore, #tpu.memory_space<semaphore_mem>>
    %dma_wait3A_110 = arith.constant 0 : i32
    %dma_wait3A_111 = arith.constant 0 : i32
    %dma_wait3A_112 = tpu.memref_slice %arg6[%dma_wait3A_110, %dma_wait3A_111] : memref<40960x128xf32, #tpu.memory_space<hbm>> -> memref<128x128xf32, #tpu.memory_space<hbm>>
    %dma_wait3A_113 = arith.constant 640 : i32
    %dma_wait3A_114 = arith.constant 0 : i32
    %dma_wait3A_115 = tpu.memref_slice %arg10[%dma_wait3A_113, %dma_wait3A_114] : memref<896x128xf32, #tpu.memory_space<vmem>> -> memref<128x128xf32, #tpu.memory_space<vmem>>
    tpu.wait_dma2 semaphore(%dma_wait3A_109 : memref<!tpu.dma_semaphore, #tpu.memory_space<semaphore_mem>>) src(%dma_wait3A_115 : memref<128x128xf32, #tpu.memory_space<vmem>>) dst(%dma_wait3A_112 : memref<128x128xf32, #tpu.memory_space<hbm>>)
    %dma_wait3A_116 = arith.constant 4 : i32
    %dma_wait3A_117 = arith.constant 512 : i32
    %dma_wait3A_118 = arith.constant 0 : i32
    %dma_wait3A_119 = tpu.memref_slice %arg10[%dma_wait3A_117, %dma_wait3A_118] : memref<896x128xf32, #tpu.memory_space<vmem>> -> memref<128x128xf32, #tpu.memory_space<vmem>>
    %dma_wait3A_120 = arith.constant 0 : i32
    %dma_wait3A_121 = arith.constant 0 : i32
    %dma_wait3A_122 = tpu.memref_slice %arg6[%dma_wait3A_120, %dma_wait3A_121] : memref<40960x128xf32, #tpu.memory_space<hbm>> -> memref<128x128xf32, #tpu.memory_space<hbm>>
    %dma_wait3A_123 = tpu.memref_slice %arg14[%dma_wait3A_116] : memref<7x!tpu.dma_semaphore, #tpu.memory_space<semaphore_mem>> -> memref<1x!tpu.dma_semaphore, #tpu.memory_space<semaphore_mem>>
    %dma_wait3A_124 = tpu.memref_squeeze %dma_wait3A_123 : memref<1x!tpu.dma_semaphore, #tpu.memory_space<semaphore_mem>> -> memref<!tpu.dma_semaphore, #tpu.memory_space<semaphore_mem>>
    %dma_wait3A_125 = arith.constant 0 : i32
    %dma_wait3A_126 = arith.constant 0 : i32
    %dma_wait3A_127 = tpu.memref_slice %arg6[%dma_wait3A_125, %dma_wait3A_126] : memref<40960x128xf32, #tpu.memory_space<hbm>> -> memref<128x128xf32, #tpu.memory_space<hbm>>
    %dma_wait3A_128 = arith.constant 512 : i32
    %dma_wait3A_129 = arith.constant 0 : i32
    %dma_wait3A_130 = tpu.memref_slice %arg10[%dma_wait3A_128, %dma_wait3A_129] : memref<896x128xf32, #tpu.memory_space<vmem>> -> memref<128x128xf32, #tpu.memory_space<vmem>>
    tpu.wait_dma2 semaphore(%dma_wait3A_124 : memref<!tpu.dma_semaphore, #tpu.memory_space<semaphore_mem>>) src(%dma_wait3A_130 : memref<128x128xf32, #tpu.memory_space<vmem>>) dst(%dma_wait3A_127 : memref<128x128xf32, #tpu.memory_space<hbm>>)
    %dma_wait3A_131 = arith.constant 3 : i32
    %dma_wait3A_132 = arith.constant 384 : i32
    %dma_wait3A_133 = arith.constant 0 : i32
    %dma_wait3A_134 = tpu.memref_slice %arg10[%dma_wait3A_132, %dma_wait3A_133] : memref<896x128xf32, #tpu.memory_space<vmem>> -> memref<128x128xf32, #tpu.memory_space<vmem>>
    %dma_wait3A_135 = arith.constant 0 : i32
    %dma_wait3A_136 = arith.constant 0 : i32
    %dma_wait3A_137 = tpu.memref_slice %arg6[%dma_wait3A_135, %dma_wait3A_136] : memref<40960x128xf32, #tpu.memory_space<hbm>> -> memref<128x128xf32, #tpu.memory_space<hbm>>
    %dma_wait3A_138 = tpu.memref_slice %arg14[%dma_wait3A_131] : memref<7x!tpu.dma_semaphore, #tpu.memory_space<semaphore_mem>> -> memref<1x!tpu.dma_semaphore, #tpu.memory_space<semaphore_mem>>
    %dma_wait3A_139 = tpu.memref_squeeze %dma_wait3A_138 : memref<1x!tpu.dma_semaphore, #tpu.memory_space<semaphore_mem>> -> memref<!tpu.dma_semaphore, #tpu.memory_space<semaphore_mem>>
    %dma_wait3A_140 = arith.constant 0 : i32
    %dma_wait3A_141 = arith.constant 0 : i32
    %dma_wait3A_142 = tpu.memref_slice %arg6[%dma_wait3A_140, %dma_wait3A_141] : memref<40960x128xf32, #tpu.memory_space<hbm>> -> memref<128x128xf32, #tpu.memory_space<hbm>>
    %dma_wait3A_143 = arith.constant 384 : i32
    %dma_wait3A_144 = arith.constant 0 : i32
    %dma_wait3A_145 = tpu.memref_slice %arg10[%dma_wait3A_143, %dma_wait3A_144] : memref<896x128xf32, #tpu.memory_space<vmem>> -> memref<128x128xf32, #tpu.memory_space<vmem>>
    tpu.wait_dma2 semaphore(%dma_wait3A_139 : memref<!tpu.dma_semaphore, #tpu.memory_space<semaphore_mem>>) src(%dma_wait3A_145 : memref<128x128xf32, #tpu.memory_space<vmem>>) dst(%dma_wait3A_142 : memref<128x128xf32, #tpu.memory_space<hbm>>)
    return
  }
}

#map = affine_map<(d0, d1) -> (0, 0)>
module attributes {stable_mosaic.version = 14 : i64} {
  func.func @_sc_gather_body(%arg0: i32, %arg1: i32, %arg2: memref<20000x128xf32, #tpu.memory_space<hbm>>, %arg3: memref<10000x128xf32, #tpu.memory_space<hbm>>, %arg4: memref<320x128xi32, #tpu.memory_space<hbm>>, %arg5: memref<320x128xi32, #tpu.memory_space<hbm>>, %arg6: memref<40960x128xf32, #tpu.memory_space<hbm>>, %arg7: memref<7x128xi32, #tpu.memory_space<vmem>>, %arg8: memref<7x128xi32, #tpu.memory_space<vmem>>, %arg9: memref<7x128xi32, #tpu.memory_space<vmem>>, %arg10: memref<896x128xf32, #tpu.memory_space<vmem>>, %arg11: memref<7x!tpu.dma_semaphore, #tpu.memory_space<semaphore_mem>>, %arg12: memref<7x!tpu.dma_semaphore, #tpu.memory_space<semaphore_mem>>, %arg13: memref<7x!tpu.dma_semaphore, #tpu.memory_space<semaphore_mem>>, %arg14: memref<7x!tpu.dma_semaphore, #tpu.memory_space<semaphore_mem>>) attributes {dimension_semantics = [#tpu.dimension_semantics<core_parallel>, #tpu.dimension_semantics<subcore_parallel>], iteration_bounds = array<i64: 2, 16>, scalar_prefetch = 0 : i64, scratch_operands = 8 : i64, tpu.core_type = #tpu.core_type<sc_vector_subcore>, window_params = [{transform_indices = #map}, {transform_indices = #map}, {transform_indices = #map}, {transform_indices = #map}, {transform_indices = #map}]} {
    %mul3A = arith.constant 16 : i32
    %mul3A_0 = arith.muli %arg0, %mul3A : i32
    %add3A = arith.addi %mul3A_0, %arg1 : i32
    %mul3A_1 = arith.constant 10 : i32
    %mul3A_2 = arith.muli %add3A, %mul3A_1 : i32
    %rem3A = arith.constant 0 : i32
    %rem3A_3 = arith.constant 7 : i32
    %rem3A_4 = arith.remsi %rem3A, %rem3A_3 : i32
    %add3A_5 = arith.constant 0 : i32
    %add3A_6 = arith.addi %mul3A_2, %add3A_5 : i32
    %dma_start3A = arith.constant 0 : i32
    %dma_start3A_7 = tpu.memref_slice %arg7[%rem3A_4, %dma_start3A] : memref<7x128xi32, #tpu.memory_space<vmem>> -> memref<1x128xi32, #tpu.memory_space<vmem>>
    %dma_start3A_8 = tpu.memref_squeeze %dma_start3A_7 : memref<1x128xi32, #tpu.memory_space<vmem>> -> memref<128xi32, #tpu.memory_space<vmem>>
    %dma_start3A_9 = arith.constant 0 : i32
    %dma_start3A_10 = tpu.memref_slice %arg4[%add3A_6, %dma_start3A_9] : memref<320x128xi32, #tpu.memory_space<hbm>> -> memref<1x128xi32, #tpu.memory_space<hbm>>
    %dma_start3A_11 = tpu.memref_squeeze %dma_start3A_10 : memref<1x128xi32, #tpu.memory_space<hbm>> -> memref<128xi32, #tpu.memory_space<hbm>>
    %dma_start3A_12 = tpu.memref_slice %arg11[%rem3A_4] : memref<7x!tpu.dma_semaphore, #tpu.memory_space<semaphore_mem>> -> memref<1x!tpu.dma_semaphore, #tpu.memory_space<semaphore_mem>>
    %dma_start3A_13 = tpu.memref_squeeze %dma_start3A_12 : memref<1x!tpu.dma_semaphore, #tpu.memory_space<semaphore_mem>> -> memref<!tpu.dma_semaphore, #tpu.memory_space<semaphore_mem>>
    %dma_start3A_14 = arith.constant 0 : i32
    %dma_start3A_15 = tpu.memref_slice %arg7[%rem3A_4, %dma_start3A_14] : memref<7x128xi32, #tpu.memory_space<vmem>> -> memref<1x128xi32, #tpu.memory_space<vmem>>
    %dma_start3A_16 = tpu.memref_squeeze %dma_start3A_15 : memref<1x128xi32, #tpu.memory_space<vmem>> -> memref<128xi32, #tpu.memory_space<vmem>>
    %dma_start3A_17 = arith.constant 0 : i32
    %dma_start3A_18 = tpu.memref_slice %arg4[%add3A_6, %dma_start3A_17] : memref<320x128xi32, #tpu.memory_space<hbm>> -> memref<1x128xi32, #tpu.memory_space<hbm>>
    %dma_start3A_19 = tpu.memref_squeeze %dma_start3A_18 : memref<1x128xi32, #tpu.memory_space<hbm>> -> memref<128xi32, #tpu.memory_space<hbm>>
    tpu.enqueue_dma source(%dma_start3A_19 : memref<128xi32, #tpu.memory_space<hbm>>) target(%dma_start3A_16 : memref<128xi32, #tpu.memory_space<vmem>>) target_semaphore(%dma_start3A_13 : memref<!tpu.dma_semaphore, #tpu.memory_space<semaphore_mem>>)
    %add3A_20 = arith.constant 0 : i32
    %add3A_21 = arith.addi %mul3A_2, %add3A_20 : i32
    %dma_start3A_22 = arith.constant 0 : i32
    %dma_start3A_23 = tpu.memref_slice %arg8[%rem3A_4, %dma_start3A_22] : memref<7x128xi32, #tpu.memory_space<vmem>> -> memref<1x128xi32, #tpu.memory_space<vmem>>
    %dma_start3A_24 = tpu.memref_squeeze %dma_start3A_23 : memref<1x128xi32, #tpu.memory_space<vmem>> -> memref<128xi32, #tpu.memory_space<vmem>>
    %dma_start3A_25 = arith.constant 0 : i32
    %dma_start3A_26 = tpu.memref_slice %arg5[%add3A_21, %dma_start3A_25] : memref<320x128xi32, #tpu.memory_space<hbm>> -> memref<1x128xi32, #tpu.memory_space<hbm>>
    %dma_start3A_27 = tpu.memref_squeeze %dma_start3A_26 : memref<1x128xi32, #tpu.memory_space<hbm>> -> memref<128xi32, #tpu.memory_space<hbm>>
    %dma_start3A_28 = tpu.memref_slice %arg11[%rem3A_4] : memref<7x!tpu.dma_semaphore, #tpu.memory_space<semaphore_mem>> -> memref<1x!tpu.dma_semaphore, #tpu.memory_space<semaphore_mem>>
    %dma_start3A_29 = tpu.memref_squeeze %dma_start3A_28 : memref<1x!tpu.dma_semaphore, #tpu.memory_space<semaphore_mem>> -> memref<!tpu.dma_semaphore, #tpu.memory_space<semaphore_mem>>
    %dma_start3A_30 = arith.constant 0 : i32
    %dma_start3A_31 = tpu.memref_slice %arg8[%rem3A_4, %dma_start3A_30] : memref<7x128xi32, #tpu.memory_space<vmem>> -> memref<1x128xi32, #tpu.memory_space<vmem>>
    %dma_start3A_32 = tpu.memref_squeeze %dma_start3A_31 : memref<1x128xi32, #tpu.memory_space<vmem>> -> memref<128xi32, #tpu.memory_space<vmem>>
    %dma_start3A_33 = arith.constant 0 : i32
    %dma_start3A_34 = tpu.memref_slice %arg5[%add3A_21, %dma_start3A_33] : memref<320x128xi32, #tpu.memory_space<hbm>> -> memref<1x128xi32, #tpu.memory_space<hbm>>
    %dma_start3A_35 = tpu.memref_squeeze %dma_start3A_34 : memref<1x128xi32, #tpu.memory_space<hbm>> -> memref<128xi32, #tpu.memory_space<hbm>>
    tpu.enqueue_dma source(%dma_start3A_35 : memref<128xi32, #tpu.memory_space<hbm>>) target(%dma_start3A_32 : memref<128xi32, #tpu.memory_space<vmem>>) target_semaphore(%dma_start3A_29 : memref<!tpu.dma_semaphore, #tpu.memory_space<semaphore_mem>>)
    %scan3A = arith.constant 0 : i32
    %scan3A_36 = arith.constant 0 : i32
    %scan3A_37 = arith.constant 14 : i32
    %scan3A_38 = arith.addi %scan3A_36, %scan3A_37 : i32
    %scan3A_39 = arith.constant 1 : i32
    %scan3A_40 = scf.for %scan3A_146 = %scan3A_36 to %scan3A_38 step %scan3A_39 iter_args(%scan3A_147 = %scan3A) -> (i32)  : i32 {
      %rem3A_148 = arith.constant 7 : i32
      %rem3A_149 = arith.remsi %scan3A_146, %rem3A_148 : i32
      %lt3A = arith.constant 10 : i32
      %lt3A_150 = arith.cmpi slt, %scan3A_146, %lt3A : i32
      %convert_element_type3A = arith.extui %lt3A_150 : i1 to i32
      %cond3A = arith.constant 0 : i32
      %cond3A_151 = arith.cmpi ne, %convert_element_type3A, %cond3A : i32
      scf.if %cond3A_151 {
        %ge3A_177 = arith.constant 7 : i32
        %ge3A_178 = arith.cmpi sge, %scan3A_146, %ge3A_177 : i32
        %convert_element_type3A_179 = arith.extui %ge3A_178 : i1 to i32
        %cond3A_180 = arith.constant 0 : i32
        %cond3A_181 = arith.cmpi ne, %convert_element_type3A_179, %cond3A_180 : i32
        scf.if %cond3A_181 {
          %mul3A_364 = arith.constant 128 : i32
          %mul3A_365 = arith.muli %rem3A_149, %mul3A_364 : i32
          %dma_wait3A_366 = arith.constant 0 : i32
          %dma_wait3A_367 = tpu.memref_slice %arg10[%mul3A_365, %dma_wait3A_366] : memref<896x128xf32, #tpu.memory_space<vmem>> -> memref<128x128xf32, #tpu.memory_space<vmem>>
          %dma_wait3A_368 = arith.constant 0 : i32
          %dma_wait3A_369 = arith.constant 0 : i32
          %dma_wait3A_370 = tpu.memref_slice %arg6[%dma_wait3A_368, %dma_wait3A_369] : memref<40960x128xf32, #tpu.memory_space<hbm>> -> memref<128x128xf32, #tpu.memory_space<hbm>>
          %dma_wait3A_371 = tpu.memref_slice %arg14[%rem3A_149] : memref<7x!tpu.dma_semaphore, #tpu.memory_space<semaphore_mem>> -> memref<1x!tpu.dma_semaphore, #tpu.memory_space<semaphore_mem>>
          %dma_wait3A_372 = tpu.memref_squeeze %dma_wait3A_371 : memref<1x!tpu.dma_semaphore, #tpu.memory_space<semaphore_mem>> -> memref<!tpu.dma_semaphore, #tpu.memory_space<semaphore_mem>>
          %dma_wait3A_373 = arith.constant 0 : i32
          %dma_wait3A_374 = arith.constant 0 : i32
          %dma_wait3A_375 = tpu.memref_slice %arg6[%dma_wait3A_373, %dma_wait3A_374] : memref<40960x128xf32, #tpu.memory_space<hbm>> -> memref<128x128xf32, #tpu.memory_space<hbm>>
          %dma_wait3A_376 = arith.constant 0 : i32
          %dma_wait3A_377 = tpu.memref_slice %arg10[%mul3A_365, %dma_wait3A_376] : memref<896x128xf32, #tpu.memory_space<vmem>> -> memref<128x128xf32, #tpu.memory_space<vmem>>
          tpu.wait_dma2 semaphore(%dma_wait3A_372 : memref<!tpu.dma_semaphore, #tpu.memory_space<semaphore_mem>>) src(%dma_wait3A_377 : memref<128x128xf32, #tpu.memory_space<vmem>>) dst(%dma_wait3A_375 : memref<128x128xf32, #tpu.memory_space<hbm>>)
        } else {
        }
        %dma_wait3A_182 = arith.constant 0 : i32
        %dma_wait3A_183 = arith.constant 0 : i32
        %dma_wait3A_184 = tpu.memref_slice %arg7[%rem3A_149, %dma_wait3A_183] : memref<7x128xi32, #tpu.memory_space<vmem>> -> memref<1x128xi32, #tpu.memory_space<vmem>>
        %dma_wait3A_185 = tpu.memref_squeeze %dma_wait3A_184 : memref<1x128xi32, #tpu.memory_space<vmem>> -> memref<128xi32, #tpu.memory_space<vmem>>
        %dma_wait3A_186 = arith.constant 0 : i32
        %dma_wait3A_187 = tpu.memref_slice %arg4[%dma_wait3A_182, %dma_wait3A_186] : memref<320x128xi32, #tpu.memory_space<hbm>> -> memref<1x128xi32, #tpu.memory_space<hbm>>
        %dma_wait3A_188 = tpu.memref_squeeze %dma_wait3A_187 : memref<1x128xi32, #tpu.memory_space<hbm>> -> memref<128xi32, #tpu.memory_space<hbm>>
        %dma_wait3A_189 = tpu.memref_slice %arg11[%rem3A_149] : memref<7x!tpu.dma_semaphore, #tpu.memory_space<semaphore_mem>> -> memref<1x!tpu.dma_semaphore, #tpu.memory_space<semaphore_mem>>
        %dma_wait3A_190 = tpu.memref_squeeze %dma_wait3A_189 : memref<1x!tpu.dma_semaphore, #tpu.memory_space<semaphore_mem>> -> memref<!tpu.dma_semaphore, #tpu.memory_space<semaphore_mem>>
        %dma_wait3A_191 = arith.constant 0 : i32
        %dma_wait3A_192 = tpu.memref_slice %arg7[%rem3A_149, %dma_wait3A_191] : memref<7x128xi32, #tpu.memory_space<vmem>> -> memref<1x128xi32, #tpu.memory_space<vmem>>
        %dma_wait3A_193 = tpu.memref_squeeze %dma_wait3A_192 : memref<1x128xi32, #tpu.memory_space<vmem>> -> memref<128xi32, #tpu.memory_space<vmem>>
        %dma_wait3A_194 = arith.constant 0 : i32
        %dma_wait3A_195 = tpu.memref_slice %arg4[%dma_wait3A_182, %dma_wait3A_194] : memref<320x128xi32, #tpu.memory_space<hbm>> -> memref<1x128xi32, #tpu.memory_space<hbm>>
        %dma_wait3A_196 = tpu.memref_squeeze %dma_wait3A_195 : memref<1x128xi32, #tpu.memory_space<hbm>> -> memref<128xi32, #tpu.memory_space<hbm>>
        tpu.wait_dma2 semaphore(%dma_wait3A_190 : memref<!tpu.dma_semaphore, #tpu.memory_space<semaphore_mem>>) src(%dma_wait3A_196 : memref<128xi32, #tpu.memory_space<hbm>>) dst(%dma_wait3A_193 : memref<128xi32, #tpu.memory_space<vmem>>)
        %dma_wait3A_197 = arith.constant 0 : i32
        %dma_wait3A_198 = arith.constant 0 : i32
        %dma_wait3A_199 = tpu.memref_slice %arg8[%rem3A_149, %dma_wait3A_198] : memref<7x128xi32, #tpu.memory_space<vmem>> -> memref<1x128xi32, #tpu.memory_space<vmem>>
        %dma_wait3A_200 = tpu.memref_squeeze %dma_wait3A_199 : memref<1x128xi32, #tpu.memory_space<vmem>> -> memref<128xi32, #tpu.memory_space<vmem>>
        %dma_wait3A_201 = arith.constant 0 : i32
        %dma_wait3A_202 = tpu.memref_slice %arg5[%dma_wait3A_197, %dma_wait3A_201] : memref<320x128xi32, #tpu.memory_space<hbm>> -> memref<1x128xi32, #tpu.memory_space<hbm>>
        %dma_wait3A_203 = tpu.memref_squeeze %dma_wait3A_202 : memref<1x128xi32, #tpu.memory_space<hbm>> -> memref<128xi32, #tpu.memory_space<hbm>>
        %dma_wait3A_204 = tpu.memref_slice %arg11[%rem3A_149] : memref<7x!tpu.dma_semaphore, #tpu.memory_space<semaphore_mem>> -> memref<1x!tpu.dma_semaphore, #tpu.memory_space<semaphore_mem>>
        %dma_wait3A_205 = tpu.memref_squeeze %dma_wait3A_204 : memref<1x!tpu.dma_semaphore, #tpu.memory_space<semaphore_mem>> -> memref<!tpu.dma_semaphore, #tpu.memory_space<semaphore_mem>>
        %dma_wait3A_206 = arith.constant 0 : i32
        %dma_wait3A_207 = tpu.memref_slice %arg8[%rem3A_149, %dma_wait3A_206] : memref<7x128xi32, #tpu.memory_space<vmem>> -> memref<1x128xi32, #tpu.memory_space<vmem>>
        %dma_wait3A_208 = tpu.memref_squeeze %dma_wait3A_207 : memref<1x128xi32, #tpu.memory_space<vmem>> -> memref<128xi32, #tpu.memory_space<vmem>>
        %dma_wait3A_209 = arith.constant 0 : i32
        %dma_wait3A_210 = tpu.memref_slice %arg5[%dma_wait3A_197, %dma_wait3A_209] : memref<320x128xi32, #tpu.memory_space<hbm>> -> memref<1x128xi32, #tpu.memory_space<hbm>>
        %dma_wait3A_211 = tpu.memref_squeeze %dma_wait3A_210 : memref<1x128xi32, #tpu.memory_space<hbm>> -> memref<128xi32, #tpu.memory_space<hbm>>
        tpu.wait_dma2 semaphore(%dma_wait3A_205 : memref<!tpu.dma_semaphore, #tpu.memory_space<semaphore_mem>>) src(%dma_wait3A_211 : memref<128xi32, #tpu.memory_space<hbm>>) dst(%dma_wait3A_208 : memref<128xi32, #tpu.memory_space<vmem>>)
        %get3A = arith.index_cast %rem3A_149 : i32 to index
        %get3A_212 = arith.constant 0 : index
        %get3A_213 = tpu.vector_load %arg7[%get3A, %get3A_212] {strides = array<i32>} : memref<7x128xi32, #tpu.memory_space<vmem>>, vector<1x16xi32>,
        %get3A_214 = vector.shape_cast %get3A_213 : vector<1x16xi32> to vector<16xi32>
        %get3A_215 = arith.index_cast %rem3A_149 : i32 to index
        %get3A_216 = arith.constant 0 : index
        %get3A_217 = tpu.vector_load %arg8[%get3A_215, %get3A_216] {strides = array<i32>} : memref<7x128xi32, #tpu.memory_space<vmem>>, vector<1x16xi32>,
        %get3A_218 = vector.shape_cast %get3A_217 : vector<1x16xi32> to vector<16xi32>
        %eq3A = arith.cmpi eq, %get3A_214, %get3A_218 : vector<16xi32>
        %add3A_219 = arith.constant 10000 : i32
        %add3A_220 = vector.broadcast %add3A_219 : i32 to vector<16xi32>
        %add3A_221 = arith.addi %get3A_214, %add3A_220 : vector<16xi32>
        %select_n3A = arith.select %eq3A, %add3A_221, %get3A_214 : vector<16xi1>, vector<16xi32>
        %swap3A = arith.index_cast %rem3A_149 : i32 to index
        %swap3A_222 = arith.constant 0 : index
        %swap3A_223 = tpu.vector_load %arg9[%swap3A, %swap3A_222] {strides = array<i32>} : memref<7x128xi32, #tpu.memory_space<vmem>>, vector<1x16xi32>,
        %swap3A_224 = vector.shape_cast %swap3A_223 : vector<1x16xi32> to vector<16xi32>
        %swap3A_225 = vector.shape_cast %select_n3A : vector<16xi32> to vector<1x16xi32>
        tpu.vector_store %arg9[%swap3A, %swap3A_222], %swap3A_225 {strides = array<i32>} : memref<7x128xi32, #tpu.memory_space<vmem>>, vector<1x16xi32>,
        %get3A_226 = arith.index_cast %rem3A_149 : i32 to index
        %get3A_227 = arith.constant 16 : index
        %get3A_228 = tpu.vector_load %arg7[%get3A_226, %get3A_227] {strides = array<i32>} : memref<7x128xi32, #tpu.memory_space<vmem>>, vector<1x16xi32>,
        %get3A_229 = vector.shape_cast %get3A_228 : vector<1x16xi32> to vector<16xi32>
        %get3A_230 = arith.index_cast %rem3A_149 : i32 to index
        %get3A_231 = arith.constant 16 : index
        %get3A_232 = tpu.vector_load %arg8[%get3A_230, %get3A_231] {strides = array<i32>} : memref<7x128xi32, #tpu.memory_space<vmem>>, vector<1x16xi32>,
        %get3A_233 = vector.shape_cast %get3A_232 : vector<1x16xi32> to vector<16xi32>
        %eq3A_234 = arith.cmpi eq, %get3A_229, %get3A_233 : vector<16xi32>
        %add3A_235 = arith.constant 10000 : i32
        %add3A_236 = vector.broadcast %add3A_235 : i32 to vector<16xi32>
        %add3A_237 = arith.addi %get3A_229, %add3A_236 : vector<16xi32>
        %select_n3A_238 = arith.select %eq3A_234, %add3A_237, %get3A_229 : vector<16xi1>, vector<16xi32>
        %swap3A_239 = arith.index_cast %rem3A_149 : i32 to index
        %swap3A_240 = arith.constant 16 : index
        %swap3A_241 = tpu.vector_load %arg9[%swap3A_239, %swap3A_240] {strides = array<i32>} : memref<7x128xi32, #tpu.memory_space<vmem>>, vector<1x16xi32>,
        %swap3A_242 = vector.shape_cast %swap3A_241 : vector<1x16xi32> to vector<16xi32>
        %swap3A_243 = vector.shape_cast %select_n3A_238 : vector<16xi32> to vector<1x16xi32>
        tpu.vector_store %arg9[%swap3A_239, %swap3A_240], %swap3A_243 {strides = array<i32>} : memref<7x128xi32, #tpu.memory_space<vmem>>, vector<1x16xi32>,
        %get3A_244 = arith.index_cast %rem3A_149 : i32 to index
        %get3A_245 = arith.constant 32 : index
        %get3A_246 = tpu.vector_load %arg7[%get3A_244, %get3A_245] {strides = array<i32>} : memref<7x128xi32, #tpu.memory_space<vmem>>, vector<1x16xi32>,
        %get3A_247 = vector.shape_cast %get3A_246 : vector<1x16xi32> to vector<16xi32>
        %get3A_248 = arith.index_cast %rem3A_149 : i32 to index
        %get3A_249 = arith.constant 32 : index
        %get3A_250 = tpu.vector_load %arg8[%get3A_248, %get3A_249] {strides = array<i32>} : memref<7x128xi32, #tpu.memory_space<vmem>>, vector<1x16xi32>,
        %get3A_251 = vector.shape_cast %get3A_250 : vector<1x16xi32> to vector<16xi32>
        %eq3A_252 = arith.cmpi eq, %get3A_247, %get3A_251 : vector<16xi32>
        %add3A_253 = arith.constant 10000 : i32
        %add3A_254 = vector.broadcast %add3A_253 : i32 to vector<16xi32>
        %add3A_255 = arith.addi %get3A_247, %add3A_254 : vector<16xi32>
        %select_n3A_256 = arith.select %eq3A_252, %add3A_255, %get3A_247 : vector<16xi1>, vector<16xi32>
        %swap3A_257 = arith.index_cast %rem3A_149 : i32 to index
        %swap3A_258 = arith.constant 32 : index
        %swap3A_259 = tpu.vector_load %arg9[%swap3A_257, %swap3A_258] {strides = array<i32>} : memref<7x128xi32, #tpu.memory_space<vmem>>, vector<1x16xi32>,
        %swap3A_260 = vector.shape_cast %swap3A_259 : vector<1x16xi32> to vector<16xi32>
        %swap3A_261 = vector.shape_cast %select_n3A_256 : vector<16xi32> to vector<1x16xi32>
        tpu.vector_store %arg9[%swap3A_257, %swap3A_258], %swap3A_261 {strides = array<i32>} : memref<7x128xi32, #tpu.memory_space<vmem>>, vector<1x16xi32>,
        %get3A_262 = arith.index_cast %rem3A_149 : i32 to index
        %get3A_263 = arith.constant 48 : index
        %get3A_264 = tpu.vector_load %arg7[%get3A_262, %get3A_263] {strides = array<i32>} : memref<7x128xi32, #tpu.memory_space<vmem>>, vector<1x16xi32>,
        %get3A_265 = vector.shape_cast %get3A_264 : vector<1x16xi32> to vector<16xi32>
        %get3A_266 = arith.index_cast %rem3A_149 : i32 to index
        %get3A_267 = arith.constant 48 : index
        %get3A_268 = tpu.vector_load %arg8[%get3A_266, %get3A_267] {strides = array<i32>} : memref<7x128xi32, #tpu.memory_space<vmem>>, vector<1x16xi32>,
        %get3A_269 = vector.shape_cast %get3A_268 : vector<1x16xi32> to vector<16xi32>
        %eq3A_270 = arith.cmpi eq, %get3A_265, %get3A_269 : vector<16xi32>
        %add3A_271 = arith.constant 10000 : i32
        %add3A_272 = vector.broadcast %add3A_271 : i32 to vector<16xi32>
        %add3A_273 = arith.addi %get3A_265, %add3A_272 : vector<16xi32>
        %select_n3A_274 = arith.select %eq3A_270, %add3A_273, %get3A_265 : vector<16xi1>, vector<16xi32>
        %swap3A_275 = arith.index_cast %rem3A_149 : i32 to index
        %swap3A_276 = arith.constant 48 : index
        %swap3A_277 = tpu.vector_load %arg9[%swap3A_275, %swap3A_276] {strides = array<i32>} : memref<7x128xi32, #tpu.memory_space<vmem>>, vector<1x16xi32>,
        %swap3A_278 = vector.shape_cast %swap3A_277 : vector<1x16xi32> to vector<16xi32>
        %swap3A_279 = vector.shape_cast %select_n3A_274 : vector<16xi32> to vector<1x16xi32>
        tpu.vector_store %arg9[%swap3A_275, %swap3A_276], %swap3A_279 {strides = array<i32>} : memref<7x128xi32, #tpu.memory_space<vmem>>, vector<1x16xi32>,
        %get3A_280 = arith.index_cast %rem3A_149 : i32 to index
        %get3A_281 = arith.constant 64 : index
        %get3A_282 = tpu.vector_load %arg7[%get3A_280, %get3A_281] {strides = array<i32>} : memref<7x128xi32, #tpu.memory_space<vmem>>, vector<1x16xi32>,
        %get3A_283 = vector.shape_cast %get3A_282 : vector<1x16xi32> to vector<16xi32>
        %get3A_284 = arith.index_cast %rem3A_149 : i32 to index
        %get3A_285 = arith.constant 64 : index
        %get3A_286 = tpu.vector_load %arg8[%get3A_284, %get3A_285] {strides = array<i32>} : memref<7x128xi32, #tpu.memory_space<vmem>>, vector<1x16xi32>,
        %get3A_287 = vector.shape_cast %get3A_286 : vector<1x16xi32> to vector<16xi32>
        %eq3A_288 = arith.cmpi eq, %get3A_283, %get3A_287 : vector<16xi32>
        %add3A_289 = arith.constant 10000 : i32
        %add3A_290 = vector.broadcast %add3A_289 : i32 to vector<16xi32>
        %add3A_291 = arith.addi %get3A_283, %add3A_290 : vector<16xi32>
        %select_n3A_292 = arith.select %eq3A_288, %add3A_291, %get3A_283 : vector<16xi1>, vector<16xi32>
        %swap3A_293 = arith.index_cast %rem3A_149 : i32 to index
        %swap3A_294 = arith.constant 64 : index
        %swap3A_295 = tpu.vector_load %arg9[%swap3A_293, %swap3A_294] {strides = array<i32>} : memref<7x128xi32, #tpu.memory_space<vmem>>, vector<1x16xi32>,
        %swap3A_296 = vector.shape_cast %swap3A_295 : vector<1x16xi32> to vector<16xi32>
        %swap3A_297 = vector.shape_cast %select_n3A_292 : vector<16xi32> to vector<1x16xi32>
        tpu.vector_store %arg9[%swap3A_293, %swap3A_294], %swap3A_297 {strides = array<i32>} : memref<7x128xi32, #tpu.memory_space<vmem>>, vector<1x16xi32>,
        %get3A_298 = arith.index_cast %rem3A_149 : i32 to index
        %get3A_299 = arith.constant 80 : index
        %get3A_300 = tpu.vector_load %arg7[%get3A_298, %get3A_299] {strides = array<i32>} : memref<7x128xi32, #tpu.memory_space<vmem>>, vector<1x16xi32>,
        %get3A_301 = vector.shape_cast %get3A_300 : vector<1x16xi32> to vector<16xi32>
        %get3A_302 = arith.index_cast %rem3A_149 : i32 to index
        %get3A_303 = arith.constant 80 : index
        %get3A_304 = tpu.vector_load %arg8[%get3A_302, %get3A_303] {strides = array<i32>} : memref<7x128xi32, #tpu.memory_space<vmem>>, vector<1x16xi32>,
        %get3A_305 = vector.shape_cast %get3A_304 : vector<1x16xi32> to vector<16xi32>
        %eq3A_306 = arith.cmpi eq, %get3A_301, %get3A_305 : vector<16xi32>
        %add3A_307 = arith.constant 10000 : i32
        %add3A_308 = vector.broadcast %add3A_307 : i32 to vector<16xi32>
        %add3A_309 = arith.addi %get3A_301, %add3A_308 : vector<16xi32>
        %select_n3A_310 = arith.select %eq3A_306, %add3A_309, %get3A_301 : vector<16xi1>, vector<16xi32>
        %swap3A_311 = arith.index_cast %rem3A_149 : i32 to index
        %swap3A_312 = arith.constant 80 : index
        %swap3A_313 = tpu.vector_load %arg9[%swap3A_311, %swap3A_312] {strides = array<i32>} : memref<7x128xi32, #tpu.memory_space<vmem>>, vector<1x16xi32>,
        %swap3A_314 = vector.shape_cast %swap3A_313 : vector<1x16xi32> to vector<16xi32>
        %swap3A_315 = vector.shape_cast %select_n3A_310 : vector<16xi32> to vector<1x16xi32>
        tpu.vector_store %arg9[%swap3A_311, %swap3A_312], %swap3A_315 {strides = array<i32>} : memref<7x128xi32, #tpu.memory_space<vmem>>, vector<1x16xi32>,
        %get3A_316 = arith.index_cast %rem3A_149 : i32 to index
        %get3A_317 = arith.constant 96 : index
        %get3A_318 = tpu.vector_load %arg7[%get3A_316, %get3A_317] {strides = array<i32>} : memref<7x128xi32, #tpu.memory_space<vmem>>, vector<1x16xi32>,
        %get3A_319 = vector.shape_cast %get3A_318 : vector<1x16xi32> to vector<16xi32>
        %get3A_320 = arith.index_cast %rem3A_149 : i32 to index
        %get3A_321 = arith.constant 96 : index
        %get3A_322 = tpu.vector_load %arg8[%get3A_320, %get3A_321] {strides = array<i32>} : memref<7x128xi32, #tpu.memory_space<vmem>>, vector<1x16xi32>,
        %get3A_323 = vector.shape_cast %get3A_322 : vector<1x16xi32> to vector<16xi32>
        %eq3A_324 = arith.cmpi eq, %get3A_319, %get3A_323 : vector<16xi32>
        %add3A_325 = arith.constant 10000 : i32
        %add3A_326 = vector.broadcast %add3A_325 : i32 to vector<16xi32>
        %add3A_327 = arith.addi %get3A_319, %add3A_326 : vector<16xi32>
        %select_n3A_328 = arith.select %eq3A_324, %add3A_327, %get3A_319 : vector<16xi1>, vector<16xi32>
        %swap3A_329 = arith.index_cast %rem3A_149 : i32 to index
        %swap3A_330 = arith.constant 96 : index
        %swap3A_331 = tpu.vector_load %arg9[%swap3A_329, %swap3A_330] {strides = array<i32>} : memref<7x128xi32, #tpu.memory_space<vmem>>, vector<1x16xi32>,
        %swap3A_332 = vector.shape_cast %swap3A_331 : vector<1x16xi32> to vector<16xi32>
        %swap3A_333 = vector.shape_cast %select_n3A_328 : vector<16xi32> to vector<1x16xi32>
        tpu.vector_store %arg9[%swap3A_329, %swap3A_330], %swap3A_333 {strides = array<i32>} : memref<7x128xi32, #tpu.memory_space<vmem>>, vector<1x16xi32>,
        %get3A_334 = arith.index_cast %rem3A_149 : i32 to index
        %get3A_335 = arith.constant 112 : index
        %get3A_336 = tpu.vector_load %arg7[%get3A_334, %get3A_335] {strides = array<i32>} : memref<7x128xi32, #tpu.memory_space<vmem>>, vector<1x16xi32>,
        %get3A_337 = vector.shape_cast %get3A_336 : vector<1x16xi32> to vector<16xi32>
        %get3A_338 = arith.index_cast %rem3A_149 : i32 to index
        %get3A_339 = arith.constant 112 : index
        %get3A_340 = tpu.vector_load %arg8[%get3A_338, %get3A_339] {strides = array<i32>} : memref<7x128xi32, #tpu.memory_space<vmem>>, vector<1x16xi32>,
        %get3A_341 = vector.shape_cast %get3A_340 : vector<1x16xi32> to vector<16xi32>
        %eq3A_342 = arith.cmpi eq, %get3A_337, %get3A_341 : vector<16xi32>
        %add3A_343 = arith.constant 10000 : i32
        %add3A_344 = vector.broadcast %add3A_343 : i32 to vector<16xi32>
        %add3A_345 = arith.addi %get3A_337, %add3A_344 : vector<16xi32>
        %select_n3A_346 = arith.select %eq3A_342, %add3A_345, %get3A_337 : vector<16xi1>, vector<16xi32>
        %swap3A_347 = arith.index_cast %rem3A_149 : i32 to index
        %swap3A_348 = arith.constant 112 : index
        %swap3A_349 = tpu.vector_load %arg9[%swap3A_347, %swap3A_348] {strides = array<i32>} : memref<7x128xi32, #tpu.memory_space<vmem>>, vector<1x16xi32>,
        %swap3A_350 = vector.shape_cast %swap3A_349 : vector<1x16xi32> to vector<16xi32>
        %swap3A_351 = vector.shape_cast %select_n3A_346 : vector<16xi32> to vector<1x16xi32>
        tpu.vector_store %arg9[%swap3A_347, %swap3A_348], %swap3A_351 {strides = array<i32>} : memref<7x128xi32, #tpu.memory_space<vmem>>, vector<1x16xi32>,
        %mul3A_352 = arith.constant 128 : i32
        %mul3A_353 = arith.muli %rem3A_149, %mul3A_352 : i32
        %dma_start3A_354 = arith.constant 0 : i32
        %dma_start3A_355 = tpu.memref_slice %arg10[%mul3A_353, %dma_start3A_354] : memref<896x128xf32, #tpu.memory_space<vmem>> -> memref<128x128xf32, #tpu.memory_space<vmem>>
        %dma_start3A_356 = arith.constant 0 : i32
        %dma_start3A_357 = tpu.memref_slice %arg9[%rem3A_149, %dma_start3A_356] : memref<7x128xi32, #tpu.memory_space<vmem>> -> memref<1x128xi32, #tpu.memory_space<vmem>>
        %dma_start3A_358 = tpu.memref_squeeze %dma_start3A_357 : memref<1x128xi32, #tpu.memory_space<vmem>> -> memref<128xi32, #tpu.memory_space<vmem>>
        %dma_start3A_359 = arith.constant 0 : i32
        %dma_start3A_360 = arith.constant 0 : i32
        %dma_start3A_361 = tpu.memref_slice %arg2[%dma_start3A_359, %dma_start3A_360] : memref<20000x128xf32, #tpu.memory_space<hbm>> -> memref<20000x128xf32, #tpu.memory_space<hbm>>
        %dma_start3A_362 = tpu.memref_slice %arg12[%rem3A_149] : memref<7x!tpu.dma_semaphore, #tpu.memory_space<semaphore_mem>> -> memref<1x!tpu.dma_semaphore, #tpu.memory_space<semaphore_mem>>
        %dma_start3A_363 = tpu.memref_squeeze %dma_start3A_362 : memref<1x!tpu.dma_semaphore, #tpu.memory_space<semaphore_mem>> -> memref<!tpu.dma_semaphore, #tpu.memory_space<semaphore_mem>>
        tpu.enqueue_indirect_dma source(%dma_start3A_361 : memref<20000x128xf32, #tpu.memory_space<hbm>>) target(%dma_start3A_355 : memref<128x128xf32, #tpu.memory_space<vmem>>) offsets(%dma_start3A_358 : memref<128xi32, #tpu.memory_space<vmem>>) semaphore(%dma_start3A_363 : memref<!tpu.dma_semaphore, #tpu.memory_space<semaphore_mem>>)
      } else {
      }
      %sub3A = arith.constant 2 : i32
      %sub3A_152 = arith.subi %scan3A_146, %sub3A : i32
      %ge3A = arith.constant 0 : i32
      %ge3A_153 = arith.cmpi sge, %sub3A_152, %ge3A : i32
      %lt3A_154 = arith.constant 10 : i32
      %lt3A_155 = arith.cmpi slt, %sub3A_152, %lt3A_154 : i32
      %and3A = arith.andi %ge3A_153, %lt3A_155 : i1
      %convert_element_type3A_156 = arith.extui %and3A : i1 to i32
      %cond3A_157 = arith.constant 0 : i32
      %cond3A_158 = arith.cmpi ne, %convert_element_type3A_156, %cond3A_157 : i32
      scf.if %cond3A_158 {
        %rem3A_177 = arith.constant 7 : i32
        %rem3A_178 = arith.remsi %sub3A_152, %rem3A_177 : i32
        %mul3A_179 = arith.constant 128 : i32
        %mul3A_180 = arith.muli %rem3A_178, %mul3A_179 : i32
        %dma_wait3A_181 = arith.constant 0 : i32
        %dma_wait3A_182 = tpu.memref_slice %arg10[%mul3A_180, %dma_wait3A_181] : memref<896x128xf32, #tpu.memory_space<vmem>> -> memref<128x128xf32, #tpu.memory_space<vmem>>
        %dma_wait3A_183 = arith.constant 0 : i32
        %dma_wait3A_184 = arith.constant 0 : i32
        %dma_wait3A_185 = tpu.memref_slice %arg6[%dma_wait3A_183, %dma_wait3A_184] : memref<40960x128xf32, #tpu.memory_space<hbm>> -> memref<128x128xf32, #tpu.memory_space<hbm>>
        %dma_wait3A_186 = tpu.memref_slice %arg12[%rem3A_178] : memref<7x!tpu.dma_semaphore, #tpu.memory_space<semaphore_mem>> -> memref<1x!tpu.dma_semaphore, #tpu.memory_space<semaphore_mem>>
        %dma_wait3A_187 = tpu.memref_squeeze %dma_wait3A_186 : memref<1x!tpu.dma_semaphore, #tpu.memory_space<semaphore_mem>> -> memref<!tpu.dma_semaphore, #tpu.memory_space<semaphore_mem>>
        %dma_wait3A_188 = arith.constant 0 : i32
        %dma_wait3A_189 = tpu.memref_slice %arg10[%mul3A_180, %dma_wait3A_188] : memref<896x128xf32, #tpu.memory_space<vmem>> -> memref<128x128xf32, #tpu.memory_space<vmem>>
        %dma_wait3A_190 = arith.constant 0 : i32
        %dma_wait3A_191 = arith.constant 0 : i32
        %dma_wait3A_192 = tpu.memref_slice %arg6[%dma_wait3A_190, %dma_wait3A_191] : memref<40960x128xf32, #tpu.memory_space<hbm>> -> memref<128x128xf32, #tpu.memory_space<hbm>>
        tpu.wait_dma2 semaphore(%dma_wait3A_187 : memref<!tpu.dma_semaphore, #tpu.memory_space<semaphore_mem>>) src(%dma_wait3A_192 : memref<128x128xf32, #tpu.memory_space<hbm>>) dst(%dma_wait3A_189 : memref<128x128xf32, #tpu.memory_space<vmem>>)
        %mul3A_193 = arith.constant 128 : i32
        %mul3A_194 = arith.muli %rem3A_178, %mul3A_193 : i32
        %dma_start3A_195 = arith.constant 0 : i32
        %dma_start3A_196 = tpu.memref_slice %arg10[%mul3A_194, %dma_start3A_195] : memref<896x128xf32, #tpu.memory_space<vmem>> -> memref<128x128xf32, #tpu.memory_space<vmem>>
        %dma_start3A_197 = arith.constant 0 : i32
        %dma_start3A_198 = tpu.memref_slice %arg8[%rem3A_178, %dma_start3A_197] : memref<7x128xi32, #tpu.memory_space<vmem>> -> memref<1x128xi32, #tpu.memory_space<vmem>>
        %dma_start3A_199 = tpu.memref_squeeze %dma_start3A_198 : memref<1x128xi32, #tpu.memory_space<vmem>> -> memref<128xi32, #tpu.memory_space<vmem>>
        %dma_start3A_200 = arith.constant 0 : i32
        %dma_start3A_201 = arith.constant 0 : i32
        %dma_start3A_202 = tpu.memref_slice %arg3[%dma_start3A_200, %dma_start3A_201] : memref<10000x128xf32, #tpu.memory_space<hbm>> -> memref<10000x128xf32, #tpu.memory_space<hbm>>
        %dma_start3A_203 = tpu.memref_slice %arg13[%rem3A_178] : memref<7x!tpu.dma_semaphore, #tpu.memory_space<semaphore_mem>> -> memref<1x!tpu.dma_semaphore, #tpu.memory_space<semaphore_mem>>
        %dma_start3A_204 = tpu.memref_squeeze %dma_start3A_203 : memref<1x!tpu.dma_semaphore, #tpu.memory_space<semaphore_mem>> -> memref<!tpu.dma_semaphore, #tpu.memory_space<semaphore_mem>>
        tpu.enqueue_indirect_dma source(%dma_start3A_202 : memref<10000x128xf32, #tpu.memory_space<hbm>>) target(%dma_start3A_196 : memref<128x128xf32, #tpu.memory_space<vmem>>) offsets(%dma_start3A_199 : memref<128xi32, #tpu.memory_space<vmem>>) semaphore(%dma_start3A_204 : memref<!tpu.dma_semaphore, #tpu.memory_space<semaphore_mem>>) {add = true}
      } else {
      }
      %sub3A_159 = arith.constant 4 : i32
      %sub3A_160 = arith.subi %scan3A_146, %sub3A_159 : i32
      %ge3A_161 = arith.constant 0 : i32
      %ge3A_162 = arith.cmpi sge, %sub3A_160, %ge3A_161 : i32
      %lt3A_163 = arith.constant 10 : i32
      %lt3A_164 = arith.cmpi slt, %sub3A_160, %lt3A_163 : i32
      %and3A_165 = arith.andi %ge3A_162, %lt3A_164 : i1
      %convert_element_type3A_166 = arith.extui %and3A_165 : i1 to i32
      %cond3A_167 = arith.constant 0 : i32
      %cond3A_168 = arith.cmpi ne, %convert_element_type3A_166, %cond3A_167 : i32
      scf.if %cond3A_168 {
        %rem3A_177 = arith.constant 7 : i32
        %rem3A_178 = arith.remsi %sub3A_160, %rem3A_177 : i32
        %mul3A_179 = arith.constant 128 : i32
        %mul3A_180 = arith.muli %rem3A_178, %mul3A_179 : i32
        %dma_wait3A_181 = arith.constant 0 : i32
        %dma_wait3A_182 = tpu.memref_slice %arg10[%mul3A_180, %dma_wait3A_181] : memref<896x128xf32, #tpu.memory_space<vmem>> -> memref<128x128xf32, #tpu.memory_space<vmem>>
        %dma_wait3A_183 = arith.constant 0 : i32
        %dma_wait3A_184 = arith.constant 0 : i32
        %dma_wait3A_185 = tpu.memref_slice %arg6[%dma_wait3A_183, %dma_wait3A_184] : memref<40960x128xf32, #tpu.memory_space<hbm>> -> memref<128x128xf32, #tpu.memory_space<hbm>>
        %dma_wait3A_186 = tpu.memref_slice %arg13[%rem3A_178] : memref<7x!tpu.dma_semaphore, #tpu.memory_space<semaphore_mem>> -> memref<1x!tpu.dma_semaphore, #tpu.memory_space<semaphore_mem>>
        %dma_wait3A_187 = tpu.memref_squeeze %dma_wait3A_186 : memref<1x!tpu.dma_semaphore, #tpu.memory_space<semaphore_mem>> -> memref<!tpu.dma_semaphore, #tpu.memory_space<semaphore_mem>>
        %dma_wait3A_188 = arith.constant 0 : i32
        %dma_wait3A_189 = tpu.memref_slice %arg10[%mul3A_180, %dma_wait3A_188] : memref<896x128xf32, #tpu.memory_space<vmem>> -> memref<128x128xf32, #tpu.memory_space<vmem>>
        %dma_wait3A_190 = arith.constant 0 : i32
        %dma_wait3A_191 = arith.constant 0 : i32
        %dma_wait3A_192 = tpu.memref_slice %arg6[%dma_wait3A_190, %dma_wait3A_191] : memref<40960x128xf32, #tpu.memory_space<hbm>> -> memref<128x128xf32, #tpu.memory_space<hbm>>
        tpu.wait_dma2 semaphore(%dma_wait3A_187 : memref<!tpu.dma_semaphore, #tpu.memory_space<semaphore_mem>>) src(%dma_wait3A_192 : memref<128x128xf32, #tpu.memory_space<hbm>>) dst(%dma_wait3A_189 : memref<128x128xf32, #tpu.memory_space<vmem>>)
        %mul3A_193 = arith.constant 128 : i32
        %mul3A_194 = arith.muli %rem3A_178, %mul3A_193 : i32
        %add3A_195 = arith.addi %mul3A_2, %sub3A_160 : i32
        %mul3A_196 = arith.constant 128 : i32
        %mul3A_197 = arith.muli %add3A_195, %mul3A_196 : i32
        %dma_start3A_198 = arith.constant 0 : i32
        %dma_start3A_199 = tpu.memref_slice %arg10[%mul3A_194, %dma_start3A_198] : memref<896x128xf32, #tpu.memory_space<vmem>> -> memref<128x128xf32, #tpu.memory_space<vmem>>
        %dma_start3A_200 = arith.constant 0 : i32
        %dma_start3A_201 = tpu.memref_slice %arg6[%mul3A_197, %dma_start3A_200] : memref<40960x128xf32, #tpu.memory_space<hbm>> -> memref<128x128xf32, #tpu.memory_space<hbm>>
        %dma_start3A_202 = tpu.memref_slice %arg14[%rem3A_178] : memref<7x!tpu.dma_semaphore, #tpu.memory_space<semaphore_mem>> -> memref<1x!tpu.dma_semaphore, #tpu.memory_space<semaphore_mem>>
        %dma_start3A_203 = tpu.memref_squeeze %dma_start3A_202 : memref<1x!tpu.dma_semaphore, #tpu.memory_space<semaphore_mem>> -> memref<!tpu.dma_semaphore, #tpu.memory_space<semaphore_mem>>
        %dma_start3A_204 = arith.constant 0 : i32
        %dma_start3A_205 = tpu.memref_slice %arg6[%mul3A_197, %dma_start3A_204] : memref<40960x128xf32, #tpu.memory_space<hbm>> -> memref<128x128xf32, #tpu.memory_space<hbm>>
        %dma_start3A_206 = arith.constant 0 : i32
        %dma_start3A_207 = tpu.memref_slice %arg10[%mul3A_194, %dma_start3A_206] : memref<896x128xf32, #tpu.memory_space<vmem>> -> memref<128x128xf32, #tpu.memory_space<vmem>>
        tpu.enqueue_dma source(%dma_start3A_207 : memref<128x128xf32, #tpu.memory_space<vmem>>) target(%dma_start3A_205 : memref<128x128xf32, #tpu.memory_space<hbm>>) target_semaphore(%dma_start3A_203 : memref<!tpu.dma_semaphore, #tpu.memory_space<semaphore_mem>>)
      } else {
      }
      %add3A_169 = arith.constant 1 : i32
      %add3A_170 = arith.addi %scan3A_146, %add3A_169 : i32
      %lt3A_171 = arith.constant 10 : i32
      %lt3A_172 = arith.cmpi slt, %add3A_170, %lt3A_171 : i32
      %convert_element_type3A_173 = arith.extui %lt3A_172 : i1 to i32
      %cond3A_174 = arith.constant 0 : i32
      %cond3A_175 = arith.cmpi ne, %convert_element_type3A_173, %cond3A_174 : i32
      scf.if %cond3A_175 {
        %add3A_177 = arith.constant 1 : i32
        %add3A_178 = arith.addi %scan3A_146, %add3A_177 : i32
        %rem3A_179 = arith.constant 7 : i32
        %rem3A_180 = arith.remsi %add3A_178, %rem3A_179 : i32
        %add3A_181 = arith.addi %mul3A_2, %add3A_178 : i32
        %dma_start3A_182 = arith.constant 0 : i32
        %dma_start3A_183 = tpu.memref_slice %arg7[%rem3A_180, %dma_start3A_182] : memref<7x128xi32, #tpu.memory_space<vmem>> -> memref<1x128xi32, #tpu.memory_space<vmem>>
        %dma_start3A_184 = tpu.memref_squeeze %dma_start3A_183 : memref<1x128xi32, #tpu.memory_space<vmem>> -> memref<128xi32, #tpu.memory_space<vmem>>
        %dma_start3A_185 = arith.constant 0 : i32
        %dma_start3A_186 = tpu.memref_slice %arg4[%add3A_181, %dma_start3A_185] : memref<320x128xi32, #tpu.memory_space<hbm>> -> memref<1x128xi32, #tpu.memory_space<hbm>>
        %dma_start3A_187 = tpu.memref_squeeze %dma_start3A_186 : memref<1x128xi32, #tpu.memory_space<hbm>> -> memref<128xi32, #tpu.memory_space<hbm>>
        %dma_start3A_188 = tpu.memref_slice %arg11[%rem3A_180] : memref<7x!tpu.dma_semaphore, #tpu.memory_space<semaphore_mem>> -> memref<1x!tpu.dma_semaphore, #tpu.memory_space<semaphore_mem>>
        %dma_start3A_189 = tpu.memref_squeeze %dma_start3A_188 : memref<1x!tpu.dma_semaphore, #tpu.memory_space<semaphore_mem>> -> memref<!tpu.dma_semaphore, #tpu.memory_space<semaphore_mem>>
        %dma_start3A_190 = arith.constant 0 : i32
        %dma_start3A_191 = tpu.memref_slice %arg7[%rem3A_180, %dma_start3A_190] : memref<7x128xi32, #tpu.memory_space<vmem>> -> memref<1x128xi32, #tpu.memory_space<vmem>>
        %dma_start3A_192 = tpu.memref_squeeze %dma_start3A_191 : memref<1x128xi32, #tpu.memory_space<vmem>> -> memref<128xi32, #tpu.memory_space<vmem>>
        %dma_start3A_193 = arith.constant 0 : i32
        %dma_start3A_194 = tpu.memref_slice %arg4[%add3A_181, %dma_start3A_193] : memref<320x128xi32, #tpu.memory_space<hbm>> -> memref<1x128xi32, #tpu.memory_space<hbm>>
        %dma_start3A_195 = tpu.memref_squeeze %dma_start3A_194 : memref<1x128xi32, #tpu.memory_space<hbm>> -> memref<128xi32, #tpu.memory_space<hbm>>
        tpu.enqueue_dma source(%dma_start3A_195 : memref<128xi32, #tpu.memory_space<hbm>>) target(%dma_start3A_192 : memref<128xi32, #tpu.memory_space<vmem>>) target_semaphore(%dma_start3A_189 : memref<!tpu.dma_semaphore, #tpu.memory_space<semaphore_mem>>)
        %add3A_196 = arith.addi %mul3A_2, %add3A_178 : i32
        %dma_start3A_197 = arith.constant 0 : i32
        %dma_start3A_198 = tpu.memref_slice %arg8[%rem3A_180, %dma_start3A_197] : memref<7x128xi32, #tpu.memory_space<vmem>> -> memref<1x128xi32, #tpu.memory_space<vmem>>
        %dma_start3A_199 = tpu.memref_squeeze %dma_start3A_198 : memref<1x128xi32, #tpu.memory_space<vmem>> -> memref<128xi32, #tpu.memory_space<vmem>>
        %dma_start3A_200 = arith.constant 0 : i32
        %dma_start3A_201 = tpu.memref_slice %arg5[%add3A_196, %dma_start3A_200] : memref<320x128xi32, #tpu.memory_space<hbm>> -> memref<1x128xi32, #tpu.memory_space<hbm>>
        %dma_start3A_202 = tpu.memref_squeeze %dma_start3A_201 : memref<1x128xi32, #tpu.memory_space<hbm>> -> memref<128xi32, #tpu.memory_space<hbm>>
        %dma_start3A_203 = tpu.memref_slice %arg11[%rem3A_180] : memref<7x!tpu.dma_semaphore, #tpu.memory_space<semaphore_mem>> -> memref<1x!tpu.dma_semaphore, #tpu.memory_space<semaphore_mem>>
        %dma_start3A_204 = tpu.memref_squeeze %dma_start3A_203 : memref<1x!tpu.dma_semaphore, #tpu.memory_space<semaphore_mem>> -> memref<!tpu.dma_semaphore, #tpu.memory_space<semaphore_mem>>
        %dma_start3A_205 = arith.constant 0 : i32
        %dma_start3A_206 = tpu.memref_slice %arg8[%rem3A_180, %dma_start3A_205] : memref<7x128xi32, #tpu.memory_space<vmem>> -> memref<1x128xi32, #tpu.memory_space<vmem>>
        %dma_start3A_207 = tpu.memref_squeeze %dma_start3A_206 : memref<1x128xi32, #tpu.memory_space<vmem>> -> memref<128xi32, #tpu.memory_space<vmem>>
        %dma_start3A_208 = arith.constant 0 : i32
        %dma_start3A_209 = tpu.memref_slice %arg5[%add3A_196, %dma_start3A_208] : memref<320x128xi32, #tpu.memory_space<hbm>> -> memref<1x128xi32, #tpu.memory_space<hbm>>
        %dma_start3A_210 = tpu.memref_squeeze %dma_start3A_209 : memref<1x128xi32, #tpu.memory_space<hbm>> -> memref<128xi32, #tpu.memory_space<hbm>>
        tpu.enqueue_dma source(%dma_start3A_210 : memref<128xi32, #tpu.memory_space<hbm>>) target(%dma_start3A_207 : memref<128xi32, #tpu.memory_space<vmem>>) target_semaphore(%dma_start3A_204 : memref<!tpu.dma_semaphore, #tpu.memory_space<semaphore_mem>>)
      } else {
      }
      %scan3A_176 = arith.constant 0 : i32
      scf.yield %scan3A_176 : i32
    }
    %scan3A_41 = arith.constant 14 : i32
    %dma_wait3A = arith.constant 2 : i32
    %dma_wait3A_42 = arith.constant 256 : i32
    %dma_wait3A_43 = arith.constant 0 : i32
    %dma_wait3A_44 = tpu.memref_slice %arg10[%dma_wait3A_42, %dma_wait3A_43] : memref<896x128xf32, #tpu.memory_space<vmem>> -> memref<128x128xf32, #tpu.memory_space<vmem>>
    %dma_wait3A_45 = arith.constant 0 : i32
    %dma_wait3A_46 = arith.constant 0 : i32
    %dma_wait3A_47 = tpu.memref_slice %arg6[%dma_wait3A_45, %dma_wait3A_46] : memref<40960x128xf32, #tpu.memory_space<hbm>> -> memref<128x128xf32, #tpu.memory_space<hbm>>
    %dma_wait3A_48 = tpu.memref_slice %arg14[%dma_wait3A] : memref<7x!tpu.dma_semaphore, #tpu.memory_space<semaphore_mem>> -> memref<1x!tpu.dma_semaphore, #tpu.memory_space<semaphore_mem>>
    %dma_wait3A_49 = tpu.memref_squeeze %dma_wait3A_48 : memref<1x!tpu.dma_semaphore, #tpu.memory_space<semaphore_mem>> -> memref<!tpu.dma_semaphore, #tpu.memory_space<semaphore_mem>>
    %dma_wait3A_50 = arith.constant 0 : i32
    %dma_wait3A_51 = arith.constant 0 : i32
    %dma_wait3A_52 = tpu.memref_slice %arg6[%dma_wait3A_50, %dma_wait3A_51] : memref<40960x128xf32, #tpu.memory_space<hbm>> -> memref<128x128xf32, #tpu.memory_space<hbm>>
    %dma_wait3A_53 = arith.constant 256 : i32
    %dma_wait3A_54 = arith.constant 0 : i32
    %dma_wait3A_55 = tpu.memref_slice %arg10[%dma_wait3A_53, %dma_wait3A_54] : memref<896x128xf32, #tpu.memory_space<vmem>> -> memref<128x128xf32, #tpu.memory_space<vmem>>
    tpu.wait_dma2 semaphore(%dma_wait3A_49 : memref<!tpu.dma_semaphore, #tpu.memory_space<semaphore_mem>>) src(%dma_wait3A_55 : memref<128x128xf32, #tpu.memory_space<vmem>>) dst(%dma_wait3A_52 : memref<128x128xf32, #tpu.memory_space<hbm>>)
    %dma_wait3A_56 = arith.constant 1 : i32
    %dma_wait3A_57 = arith.constant 128 : i32
    %dma_wait3A_58 = arith.constant 0 : i32
    %dma_wait3A_59 = tpu.memref_slice %arg10[%dma_wait3A_57, %dma_wait3A_58] : memref<896x128xf32, #tpu.memory_space<vmem>> -> memref<128x128xf32, #tpu.memory_space<vmem>>
    %dma_wait3A_60 = arith.constant 0 : i32
    %dma_wait3A_61 = arith.constant 0 : i32
    %dma_wait3A_62 = tpu.memref_slice %arg6[%dma_wait3A_60, %dma_wait3A_61] : memref<40960x128xf32, #tpu.memory_space<hbm>> -> memref<128x128xf32, #tpu.memory_space<hbm>>
    %dma_wait3A_63 = tpu.memref_slice %arg14[%dma_wait3A_56] : memref<7x!tpu.dma_semaphore, #tpu.memory_space<semaphore_mem>> -> memref<1x!tpu.dma_semaphore, #tpu.memory_space<semaphore_mem>>
    %dma_wait3A_64 = tpu.memref_squeeze %dma_wait3A_63 : memref<1x!tpu.dma_semaphore, #tpu.memory_space<semaphore_mem>> -> memref<!tpu.dma_semaphore, #tpu.memory_space<semaphore_mem>>
    %dma_wait3A_65 = arith.constant 0 : i32
    %dma_wait3A_66 = arith.constant 0 : i32
    %dma_wait3A_67 = tpu.memref_slice %arg6[%dma_wait3A_65, %dma_wait3A_66] : memref<40960x128xf32, #tpu.memory_space<hbm>> -> memref<128x128xf32, #tpu.memory_space<hbm>>
    %dma_wait3A_68 = arith.constant 128 : i32
    %dma_wait3A_69 = arith.constant 0 : i32
    %dma_wait3A_70 = tpu.memref_slice %arg10[%dma_wait3A_68, %dma_wait3A_69] : memref<896x128xf32, #tpu.memory_space<vmem>> -> memref<128x128xf32, #tpu.memory_space<vmem>>
    tpu.wait_dma2 semaphore(%dma_wait3A_64 : memref<!tpu.dma_semaphore, #tpu.memory_space<semaphore_mem>>) src(%dma_wait3A_70 : memref<128x128xf32, #tpu.memory_space<vmem>>) dst(%dma_wait3A_67 : memref<128x128xf32, #tpu.memory_space<hbm>>)
    %dma_wait3A_71 = arith.constant 0 : i32
    %dma_wait3A_72 = arith.constant 0 : i32
    %dma_wait3A_73 = arith.constant 0 : i32
    %dma_wait3A_74 = tpu.memref_slice %arg10[%dma_wait3A_72, %dma_wait3A_73] : memref<896x128xf32, #tpu.memory_space<vmem>> -> memref<128x128xf32, #tpu.memory_space<vmem>>
    %dma_wait3A_75 = arith.constant 0 : i32
    %dma_wait3A_76 = arith.constant 0 : i32
    %dma_wait3A_77 = tpu.memref_slice %arg6[%dma_wait3A_75, %dma_wait3A_76] : memref<40960x128xf32, #tpu.memory_space<hbm>> -> memref<128x128xf32, #tpu.memory_space<hbm>>
    %dma_wait3A_78 = tpu.memref_slice %arg14[%dma_wait3A_71] : memref<7x!tpu.dma_semaphore, #tpu.memory_space<semaphore_mem>> -> memref<1x!tpu.dma_semaphore, #tpu.memory_space<semaphore_mem>>
    %dma_wait3A_79 = tpu.memref_squeeze %dma_wait3A_78 : memref<1x!tpu.dma_semaphore, #tpu.memory_space<semaphore_mem>> -> memref<!tpu.dma_semaphore, #tpu.memory_space<semaphore_mem>>
    %dma_wait3A_80 = arith.constant 0 : i32
    %dma_wait3A_81 = arith.constant 0 : i32
    %dma_wait3A_82 = tpu.memref_slice %arg6[%dma_wait3A_80, %dma_wait3A_81] : memref<40960x128xf32, #tpu.memory_space<hbm>> -> memref<128x128xf32, #tpu.memory_space<hbm>>
    %dma_wait3A_83 = arith.constant 0 : i32
    %dma_wait3A_84 = arith.constant 0 : i32
    %dma_wait3A_85 = tpu.memref_slice %arg10[%dma_wait3A_83, %dma_wait3A_84] : memref<896x128xf32, #tpu.memory_space<vmem>> -> memref<128x128xf32, #tpu.memory_space<vmem>>
    tpu.wait_dma2 semaphore(%dma_wait3A_79 : memref<!tpu.dma_semaphore, #tpu.memory_space<semaphore_mem>>) src(%dma_wait3A_85 : memref<128x128xf32, #tpu.memory_space<vmem>>) dst(%dma_wait3A_82 : memref<128x128xf32, #tpu.memory_space<hbm>>)
    %dma_wait3A_86 = arith.constant 6 : i32
    %dma_wait3A_87 = arith.constant 768 : i32
    %dma_wait3A_88 = arith.constant 0 : i32
    %dma_wait3A_89 = tpu.memref_slice %arg10[%dma_wait3A_87, %dma_wait3A_88] : memref<896x128xf32, #tpu.memory_space<vmem>> -> memref<128x128xf32, #tpu.memory_space<vmem>>
    %dma_wait3A_90 = arith.constant 0 : i32
    %dma_wait3A_91 = arith.constant 0 : i32
    %dma_wait3A_92 = tpu.memref_slice %arg6[%dma_wait3A_90, %dma_wait3A_91] : memref<40960x128xf32, #tpu.memory_space<hbm>> -> memref<128x128xf32, #tpu.memory_space<hbm>>
    %dma_wait3A_93 = tpu.memref_slice %arg14[%dma_wait3A_86] : memref<7x!tpu.dma_semaphore, #tpu.memory_space<semaphore_mem>> -> memref<1x!tpu.dma_semaphore, #tpu.memory_space<semaphore_mem>>
    %dma_wait3A_94 = tpu.memref_squeeze %dma_wait3A_93 : memref<1x!tpu.dma_semaphore, #tpu.memory_space<semaphore_mem>> -> memref<!tpu.dma_semaphore, #tpu.memory_space<semaphore_mem>>
    %dma_wait3A_95 = arith.constant 0 : i32
    %dma_wait3A_96 = arith.constant 0 : i32
    %dma_wait3A_97 = tpu.memref_slice %arg6[%dma_wait3A_95, %dma_wait3A_96] : memref<40960x128xf32, #tpu.memory_space<hbm>> -> memref<128x128xf32, #tpu.memory_space<hbm>>
    %dma_wait3A_98 = arith.constant 768 : i32
    %dma_wait3A_99 = arith.constant 0 : i32
    %dma_wait3A_100 = tpu.memref_slice %arg10[%dma_wait3A_98, %dma_wait3A_99] : memref<896x128xf32, #tpu.memory_space<vmem>> -> memref<128x128xf32, #tpu.memory_space<vmem>>
    tpu.wait_dma2 semaphore(%dma_wait3A_94 : memref<!tpu.dma_semaphore, #tpu.memory_space<semaphore_mem>>) src(%dma_wait3A_100 : memref<128x128xf32, #tpu.memory_space<vmem>>) dst(%dma_wait3A_97 : memref<128x128xf32, #tpu.memory_space<hbm>>)
    %dma_wait3A_101 = arith.constant 5 : i32
    %dma_wait3A_102 = arith.constant 640 : i32
    %dma_wait3A_103 = arith.constant 0 : i32
    %dma_wait3A_104 = tpu.memref_slice %arg10[%dma_wait3A_102, %dma_wait3A_103] : memref<896x128xf32, #tpu.memory_space<vmem>> -> memref<128x128xf32, #tpu.memory_space<vmem>>
    %dma_wait3A_105 = arith.constant 0 : i32
    %dma_wait3A_106 = arith.constant 0 : i32
    %dma_wait3A_107 = tpu.memref_slice %arg6[%dma_wait3A_105, %dma_wait3A_106] : memref<40960x128xf32, #tpu.memory_space<hbm>> -> memref<128x128xf32, #tpu.memory_space<hbm>>
    %dma_wait3A_108 = tpu.memref_slice %arg14[%dma_wait3A_101] : memref<7x!tpu.dma_semaphore, #tpu.memory_space<semaphore_mem>> -> memref<1x!tpu.dma_semaphore, #tpu.memory_space<semaphore_mem>>
    %dma_wait3A_109 = tpu.memref_squeeze %dma_wait3A_108 : memref<1x!tpu.dma_semaphore, #tpu.memory_space<semaphore_mem>> -> memref<!tpu.dma_semaphore, #tpu.memory_space<semaphore_mem>>
    %dma_wait3A_110 = arith.constant 0 : i32
    %dma_wait3A_111 = arith.constant 0 : i32
    %dma_wait3A_112 = tpu.memref_slice %arg6[%dma_wait3A_110, %dma_wait3A_111] : memref<40960x128xf32, #tpu.memory_space<hbm>> -> memref<128x128xf32, #tpu.memory_space<hbm>>
    %dma_wait3A_113 = arith.constant 640 : i32
    %dma_wait3A_114 = arith.constant 0 : i32
    %dma_wait3A_115 = tpu.memref_slice %arg10[%dma_wait3A_113, %dma_wait3A_114] : memref<896x128xf32, #tpu.memory_space<vmem>> -> memref<128x128xf32, #tpu.memory_space<vmem>>
    tpu.wait_dma2 semaphore(%dma_wait3A_109 : memref<!tpu.dma_semaphore, #tpu.memory_space<semaphore_mem>>) src(%dma_wait3A_115 : memref<128x128xf32, #tpu.memory_space<vmem>>) dst(%dma_wait3A_112 : memref<128x128xf32, #tpu.memory_space<hbm>>)
    %dma_wait3A_116 = arith.constant 4 : i32
    %dma_wait3A_117 = arith.constant 512 : i32
    %dma_wait3A_118 = arith.constant 0 : i32
    %dma_wait3A_119 = tpu.memref_slice %arg10[%dma_wait3A_117, %dma_wait3A_118] : memref<896x128xf32, #tpu.memory_space<vmem>> -> memref<128x128xf32, #tpu.memory_space<vmem>>
    %dma_wait3A_120 = arith.constant 0 : i32
    %dma_wait3A_121 = arith.constant 0 : i32
    %dma_wait3A_122 = tpu.memref_slice %arg6[%dma_wait3A_120, %dma_wait3A_121] : memref<40960x128xf32, #tpu.memory_space<hbm>> -> memref<128x128xf32, #tpu.memory_space<hbm>>
    %dma_wait3A_123 = tpu.memref_slice %arg14[%dma_wait3A_116] : memref<7x!tpu.dma_semaphore, #tpu.memory_space<semaphore_mem>> -> memref<1x!tpu.dma_semaphore, #tpu.memory_space<semaphore_mem>>
    %dma_wait3A_124 = tpu.memref_squeeze %dma_wait3A_123 : memref<1x!tpu.dma_semaphore, #tpu.memory_space<semaphore_mem>> -> memref<!tpu.dma_semaphore, #tpu.memory_space<semaphore_mem>>
    %dma_wait3A_125 = arith.constant 0 : i32
    %dma_wait3A_126 = arith.constant 0 : i32
    %dma_wait3A_127 = tpu.memref_slice %arg6[%dma_wait3A_125, %dma_wait3A_126] : memref<40960x128xf32, #tpu.memory_space<hbm>> -> memref<128x128xf32, #tpu.memory_space<hbm>>
    %dma_wait3A_128 = arith.constant 512 : i32
    %dma_wait3A_129 = arith.constant 0 : i32
    %dma_wait3A_130 = tpu.memref_slice %arg10[%dma_wait3A_128, %dma_wait3A_129] : memref<896x128xf32, #tpu.memory_space<vmem>> -> memref<128x128xf32, #tpu.memory_space<vmem>>
    tpu.wait_dma2 semaphore(%dma_wait3A_124 : memref<!tpu.dma_semaphore, #tpu.memory_space<semaphore_mem>>) src(%dma_wait3A_130 : memref<128x128xf32, #tpu.memory_space<vmem>>) dst(%dma_wait3A_127 : memref<128x128xf32, #tpu.memory_space<hbm>>)
    %dma_wait3A_131 = arith.constant 3 : i32
    %dma_wait3A_132 = arith.constant 384 : i32
    %dma_wait3A_133 = arith.constant 0 : i32
    %dma_wait3A_134 = tpu.memref_slice %arg10[%dma_wait3A_132, %dma_wait3A_133] : memref<896x128xf32, #tpu.memory_space<vmem>> -> memref<128x128xf32, #tpu.memory_space<vmem>>
    %dma_wait3A_135 = arith.constant 0 : i32
    %dma_wait3A_136 = arith.constant 0 : i32
    %dma_wait3A_137 = tpu.memref_slice %arg6[%dma_wait3A_135, %dma_wait3A_136] : memref<40960x128xf32, #tpu.memory_space<hbm>> -> memref<128x128xf32, #tpu.memory_space<hbm>>
    %dma_wait3A_138 = tpu.memref_slice %arg14[%dma_wait3A_131] : memref<7x!tpu.dma_semaphore, #tpu.memory_space<semaphore_mem>> -> memref<1x!tpu.dma_semaphore, #tpu.memory_space<semaphore_mem>>
    %dma_wait3A_139 = tpu.memref_squeeze %dma_wait3A_138 : memref<1x!tpu.dma_semaphore, #tpu.memory_space<semaphore_mem>> -> memref<!tpu.dma_semaphore, #tpu.memory_space<semaphore_mem>>
    %dma_wait3A_140 = arith.constant 0 : i32
    %dma_wait3A_141 = arith.constant 0 : i32
    %dma_wait3A_142 = tpu.memref_slice %arg6[%dma_wait3A_140, %dma_wait3A_141] : memref<40960x128xf32, #tpu.memory_space<hbm>> -> memref<128x128xf32, #tpu.memory_space<hbm>>
    %dma_wait3A_143 = arith.constant 384 : i32
    %dma_wait3A_144 = arith.constant 0 : i32
    %dma_wait3A_145 = tpu.memref_slice %arg10[%dma_wait3A_143, %dma_wait3A_144] : memref<896x128xf32, #tpu.memory_space<vmem>> -> memref<128x128xf32, #tpu.memory_space<vmem>>
    tpu.wait_dma2 semaphore(%dma_wait3A_139 : memref<!tpu.dma_semaphore, #tpu.memory_space<semaphore_mem>>) src(%dma_wait3A_145 : memref<128x128xf32, #tpu.memory_space<vmem>>) dst(%dma_wait3A_142 : memref<128x128xf32, #tpu.memory_space<hbm>>)
    return
  }
}

#map = affine_map<(d0, d1) -> (0, 0)>
module attributes {stable_mosaic.version = 14 : i64} {
  func.func @_sc_gather_body(%arg0: i32, %arg1: i32, %arg2: memref<20000x128xf32, #tpu.memory_space<hbm>>, %arg3: memref<10000x128xf32, #tpu.memory_space<hbm>>, %arg4: memref<320x128xi32, #tpu.memory_space<hbm>>, %arg5: memref<320x128xi32, #tpu.memory_space<hbm>>, %arg6: memref<40960x128xf32, #tpu.memory_space<hbm>>, %arg7: memref<7x128xi32, #tpu.memory_space<vmem>>, %arg8: memref<7x128xi32, #tpu.memory_space<vmem>>, %arg9: memref<7x128xi32, #tpu.memory_space<vmem>>, %arg10: memref<896x128xf32, #tpu.memory_space<vmem>>, %arg11: memref<7x!tpu.dma_semaphore, #tpu.memory_space<semaphore_mem>>, %arg12: memref<7x!tpu.dma_semaphore, #tpu.memory_space<semaphore_mem>>, %arg13: memref<7x!tpu.dma_semaphore, #tpu.memory_space<semaphore_mem>>, %arg14: memref<7x!tpu.dma_semaphore, #tpu.memory_space<semaphore_mem>>) attributes {dimension_semantics = [#tpu.dimension_semantics<core_parallel>, #tpu.dimension_semantics<subcore_parallel>], iteration_bounds = array<i64: 2, 16>, scalar_prefetch = 0 : i64, scratch_operands = 8 : i64, tpu.core_type = #tpu.core_type<sc_vector_subcore>, window_params = [{transform_indices = #map}, {transform_indices = #map}, {transform_indices = #map}, {transform_indices = #map}, {transform_indices = #map}]} {
    %mul3A = arith.constant 16 : i32
    %mul3A_0 = arith.muli %arg0, %mul3A : i32
    %add3A = arith.addi %mul3A_0, %arg1 : i32
    %mul3A_1 = arith.constant 10 : i32
    %mul3A_2 = arith.muli %add3A, %mul3A_1 : i32
    %rem3A = arith.constant 0 : i32
    %rem3A_3 = arith.constant 7 : i32
    %rem3A_4 = arith.remsi %rem3A, %rem3A_3 : i32
    %add3A_5 = arith.constant 0 : i32
    %add3A_6 = arith.addi %mul3A_2, %add3A_5 : i32
    %dma_start3A = arith.constant 0 : i32
    %dma_start3A_7 = tpu.memref_slice %arg7[%rem3A_4, %dma_start3A] : memref<7x128xi32, #tpu.memory_space<vmem>> -> memref<1x128xi32, #tpu.memory_space<vmem>>
    %dma_start3A_8 = tpu.memref_squeeze %dma_start3A_7 : memref<1x128xi32, #tpu.memory_space<vmem>> -> memref<128xi32, #tpu.memory_space<vmem>>
    %dma_start3A_9 = arith.constant 0 : i32
    %dma_start3A_10 = tpu.memref_slice %arg4[%add3A_6, %dma_start3A_9] : memref<320x128xi32, #tpu.memory_space<hbm>> -> memref<1x128xi32, #tpu.memory_space<hbm>>
    %dma_start3A_11 = tpu.memref_squeeze %dma_start3A_10 : memref<1x128xi32, #tpu.memory_space<hbm>> -> memref<128xi32, #tpu.memory_space<hbm>>
    %dma_start3A_12 = tpu.memref_slice %arg11[%rem3A_4] : memref<7x!tpu.dma_semaphore, #tpu.memory_space<semaphore_mem>> -> memref<1x!tpu.dma_semaphore, #tpu.memory_space<semaphore_mem>>
    %dma_start3A_13 = tpu.memref_squeeze %dma_start3A_12 : memref<1x!tpu.dma_semaphore, #tpu.memory_space<semaphore_mem>> -> memref<!tpu.dma_semaphore, #tpu.memory_space<semaphore_mem>>
    %dma_start3A_14 = arith.constant 0 : i32
    %dma_start3A_15 = tpu.memref_slice %arg7[%rem3A_4, %dma_start3A_14] : memref<7x128xi32, #tpu.memory_space<vmem>> -> memref<1x128xi32, #tpu.memory_space<vmem>>
    %dma_start3A_16 = tpu.memref_squeeze %dma_start3A_15 : memref<1x128xi32, #tpu.memory_space<vmem>> -> memref<128xi32, #tpu.memory_space<vmem>>
    %dma_start3A_17 = arith.constant 0 : i32
    %dma_start3A_18 = tpu.memref_slice %arg4[%add3A_6, %dma_start3A_17] : memref<320x128xi32, #tpu.memory_space<hbm>> -> memref<1x128xi32, #tpu.memory_space<hbm>>
    %dma_start3A_19 = tpu.memref_squeeze %dma_start3A_18 : memref<1x128xi32, #tpu.memory_space<hbm>> -> memref<128xi32, #tpu.memory_space<hbm>>
    tpu.enqueue_dma source(%dma_start3A_19 : memref<128xi32, #tpu.memory_space<hbm>>) target(%dma_start3A_16 : memref<128xi32, #tpu.memory_space<vmem>>) target_semaphore(%dma_start3A_13 : memref<!tpu.dma_semaphore, #tpu.memory_space<semaphore_mem>>)
    %add3A_20 = arith.constant 0 : i32
    %add3A_21 = arith.addi %mul3A_2, %add3A_20 : i32
    %dma_start3A_22 = arith.constant 0 : i32
    %dma_start3A_23 = tpu.memref_slice %arg8[%rem3A_4, %dma_start3A_22] : memref<7x128xi32, #tpu.memory_space<vmem>> -> memref<1x128xi32, #tpu.memory_space<vmem>>
    %dma_start3A_24 = tpu.memref_squeeze %dma_start3A_23 : memref<1x128xi32, #tpu.memory_space<vmem>> -> memref<128xi32, #tpu.memory_space<vmem>>
    %dma_start3A_25 = arith.constant 0 : i32
    %dma_start3A_26 = tpu.memref_slice %arg5[%add3A_21, %dma_start3A_25] : memref<320x128xi32, #tpu.memory_space<hbm>> -> memref<1x128xi32, #tpu.memory_space<hbm>>
    %dma_start3A_27 = tpu.memref_squeeze %dma_start3A_26 : memref<1x128xi32, #tpu.memory_space<hbm>> -> memref<128xi32, #tpu.memory_space<hbm>>
    %dma_start3A_28 = tpu.memref_slice %arg11[%rem3A_4] : memref<7x!tpu.dma_semaphore, #tpu.memory_space<semaphore_mem>> -> memref<1x!tpu.dma_semaphore, #tpu.memory_space<semaphore_mem>>
    %dma_start3A_29 = tpu.memref_squeeze %dma_start3A_28 : memref<1x!tpu.dma_semaphore, #tpu.memory_space<semaphore_mem>> -> memref<!tpu.dma_semaphore, #tpu.memory_space<semaphore_mem>>
    %dma_start3A_30 = arith.constant 0 : i32
    %dma_start3A_31 = tpu.memref_slice %arg8[%rem3A_4, %dma_start3A_30] : memref<7x128xi32, #tpu.memory_space<vmem>> -> memref<1x128xi32, #tpu.memory_space<vmem>>
    %dma_start3A_32 = tpu.memref_squeeze %dma_start3A_31 : memref<1x128xi32, #tpu.memory_space<vmem>> -> memref<128xi32, #tpu.memory_space<vmem>>
    %dma_start3A_33 = arith.constant 0 : i32
    %dma_start3A_34 = tpu.memref_slice %arg5[%add3A_21, %dma_start3A_33] : memref<320x128xi32, #tpu.memory_space<hbm>> -> memref<1x128xi32, #tpu.memory_space<hbm>>
    %dma_start3A_35 = tpu.memref_squeeze %dma_start3A_34 : memref<1x128xi32, #tpu.memory_space<hbm>> -> memref<128xi32, #tpu.memory_space<hbm>>
    tpu.enqueue_dma source(%dma_start3A_35 : memref<128xi32, #tpu.memory_space<hbm>>) target(%dma_start3A_32 : memref<128xi32, #tpu.memory_space<vmem>>) target_semaphore(%dma_start3A_29 : memref<!tpu.dma_semaphore, #tpu.memory_space<semaphore_mem>>)
    %scan3A = arith.constant 0 : i32
    %scan3A_36 = arith.constant 0 : i32
    %scan3A_37 = arith.constant 14 : i32
    %scan3A_38 = arith.addi %scan3A_36, %scan3A_37 : i32
    %scan3A_39 = arith.constant 1 : i32
    %scan3A_40 = scf.for %scan3A_146 = %scan3A_36 to %scan3A_38 step %scan3A_39 iter_args(%scan3A_147 = %scan3A) -> (i32)  : i32 {
      %rem3A_148 = arith.constant 7 : i32
      %rem3A_149 = arith.remsi %scan3A_146, %rem3A_148 : i32
      %lt3A = arith.constant 10 : i32
      %lt3A_150 = arith.cmpi slt, %scan3A_146, %lt3A : i32
      %convert_element_type3A = arith.extui %lt3A_150 : i1 to i32
      %cond3A = arith.constant 0 : i32
      %cond3A_151 = arith.cmpi ne, %convert_element_type3A, %cond3A : i32
      scf.if %cond3A_151 {
        %ge3A_177 = arith.constant 7 : i32
        %ge3A_178 = arith.cmpi sge, %scan3A_146, %ge3A_177 : i32
        %convert_element_type3A_179 = arith.extui %ge3A_178 : i1 to i32
        %cond3A_180 = arith.constant 0 : i32
        %cond3A_181 = arith.cmpi ne, %convert_element_type3A_179, %cond3A_180 : i32
        scf.if %cond3A_181 {
          %mul3A_364 = arith.constant 128 : i32
          %mul3A_365 = arith.muli %rem3A_149, %mul3A_364 : i32
          %dma_wait3A_366 = arith.constant 0 : i32
          %dma_wait3A_367 = tpu.memref_slice %arg10[%mul3A_365, %dma_wait3A_366] : memref<896x128xf32, #tpu.memory_space<vmem>> -> memref<128x128xf32, #tpu.memory_space<vmem>>
          %dma_wait3A_368 = arith.constant 0 : i32
          %dma_wait3A_369 = arith.constant 0 : i32
          %dma_wait3A_370 = tpu.memref_slice %arg6[%dma_wait3A_368, %dma_wait3A_369] : memref<40960x128xf32, #tpu.memory_space<hbm>> -> memref<128x128xf32, #tpu.memory_space<hbm>>
          %dma_wait3A_371 = tpu.memref_slice %arg14[%rem3A_149] : memref<7x!tpu.dma_semaphore, #tpu.memory_space<semaphore_mem>> -> memref<1x!tpu.dma_semaphore, #tpu.memory_space<semaphore_mem>>
          %dma_wait3A_372 = tpu.memref_squeeze %dma_wait3A_371 : memref<1x!tpu.dma_semaphore, #tpu.memory_space<semaphore_mem>> -> memref<!tpu.dma_semaphore, #tpu.memory_space<semaphore_mem>>
          %dma_wait3A_373 = arith.constant 0 : i32
          %dma_wait3A_374 = arith.constant 0 : i32
          %dma_wait3A_375 = tpu.memref_slice %arg6[%dma_wait3A_373, %dma_wait3A_374] : memref<40960x128xf32, #tpu.memory_space<hbm>> -> memref<128x128xf32, #tpu.memory_space<hbm>>
          %dma_wait3A_376 = arith.constant 0 : i32
          %dma_wait3A_377 = tpu.memref_slice %arg10[%mul3A_365, %dma_wait3A_376] : memref<896x128xf32, #tpu.memory_space<vmem>> -> memref<128x128xf32, #tpu.memory_space<vmem>>
          tpu.wait_dma2 semaphore(%dma_wait3A_372 : memref<!tpu.dma_semaphore, #tpu.memory_space<semaphore_mem>>) src(%dma_wait3A_377 : memref<128x128xf32, #tpu.memory_space<vmem>>) dst(%dma_wait3A_375 : memref<128x128xf32, #tpu.memory_space<hbm>>)
        } else {
        }
        %dma_wait3A_182 = arith.constant 0 : i32
        %dma_wait3A_183 = arith.constant 0 : i32
        %dma_wait3A_184 = tpu.memref_slice %arg7[%rem3A_149, %dma_wait3A_183] : memref<7x128xi32, #tpu.memory_space<vmem>> -> memref<1x128xi32, #tpu.memory_space<vmem>>
        %dma_wait3A_185 = tpu.memref_squeeze %dma_wait3A_184 : memref<1x128xi32, #tpu.memory_space<vmem>> -> memref<128xi32, #tpu.memory_space<vmem>>
        %dma_wait3A_186 = arith.constant 0 : i32
        %dma_wait3A_187 = tpu.memref_slice %arg4[%dma_wait3A_182, %dma_wait3A_186] : memref<320x128xi32, #tpu.memory_space<hbm>> -> memref<1x128xi32, #tpu.memory_space<hbm>>
        %dma_wait3A_188 = tpu.memref_squeeze %dma_wait3A_187 : memref<1x128xi32, #tpu.memory_space<hbm>> -> memref<128xi32, #tpu.memory_space<hbm>>
        %dma_wait3A_189 = tpu.memref_slice %arg11[%rem3A_149] : memref<7x!tpu.dma_semaphore, #tpu.memory_space<semaphore_mem>> -> memref<1x!tpu.dma_semaphore, #tpu.memory_space<semaphore_mem>>
        %dma_wait3A_190 = tpu.memref_squeeze %dma_wait3A_189 : memref<1x!tpu.dma_semaphore, #tpu.memory_space<semaphore_mem>> -> memref<!tpu.dma_semaphore, #tpu.memory_space<semaphore_mem>>
        %dma_wait3A_191 = arith.constant 0 : i32
        %dma_wait3A_192 = tpu.memref_slice %arg7[%rem3A_149, %dma_wait3A_191] : memref<7x128xi32, #tpu.memory_space<vmem>> -> memref<1x128xi32, #tpu.memory_space<vmem>>
        %dma_wait3A_193 = tpu.memref_squeeze %dma_wait3A_192 : memref<1x128xi32, #tpu.memory_space<vmem>> -> memref<128xi32, #tpu.memory_space<vmem>>
        %dma_wait3A_194 = arith.constant 0 : i32
        %dma_wait3A_195 = tpu.memref_slice %arg4[%dma_wait3A_182, %dma_wait3A_194] : memref<320x128xi32, #tpu.memory_space<hbm>> -> memref<1x128xi32, #tpu.memory_space<hbm>>
        %dma_wait3A_196 = tpu.memref_squeeze %dma_wait3A_195 : memref<1x128xi32, #tpu.memory_space<hbm>> -> memref<128xi32, #tpu.memory_space<hbm>>
        tpu.wait_dma2 semaphore(%dma_wait3A_190 : memref<!tpu.dma_semaphore, #tpu.memory_space<semaphore_mem>>) src(%dma_wait3A_196 : memref<128xi32, #tpu.memory_space<hbm>>) dst(%dma_wait3A_193 : memref<128xi32, #tpu.memory_space<vmem>>)
        %dma_wait3A_197 = arith.constant 0 : i32
        %dma_wait3A_198 = arith.constant 0 : i32
        %dma_wait3A_199 = tpu.memref_slice %arg8[%rem3A_149, %dma_wait3A_198] : memref<7x128xi32, #tpu.memory_space<vmem>> -> memref<1x128xi32, #tpu.memory_space<vmem>>
        %dma_wait3A_200 = tpu.memref_squeeze %dma_wait3A_199 : memref<1x128xi32, #tpu.memory_space<vmem>> -> memref<128xi32, #tpu.memory_space<vmem>>
        %dma_wait3A_201 = arith.constant 0 : i32
        %dma_wait3A_202 = tpu.memref_slice %arg5[%dma_wait3A_197, %dma_wait3A_201] : memref<320x128xi32, #tpu.memory_space<hbm>> -> memref<1x128xi32, #tpu.memory_space<hbm>>
        %dma_wait3A_203 = tpu.memref_squeeze %dma_wait3A_202 : memref<1x128xi32, #tpu.memory_space<hbm>> -> memref<128xi32, #tpu.memory_space<hbm>>
        %dma_wait3A_204 = tpu.memref_slice %arg11[%rem3A_149] : memref<7x!tpu.dma_semaphore, #tpu.memory_space<semaphore_mem>> -> memref<1x!tpu.dma_semaphore, #tpu.memory_space<semaphore_mem>>
        %dma_wait3A_205 = tpu.memref_squeeze %dma_wait3A_204 : memref<1x!tpu.dma_semaphore, #tpu.memory_space<semaphore_mem>> -> memref<!tpu.dma_semaphore, #tpu.memory_space<semaphore_mem>>
        %dma_wait3A_206 = arith.constant 0 : i32
        %dma_wait3A_207 = tpu.memref_slice %arg8[%rem3A_149, %dma_wait3A_206] : memref<7x128xi32, #tpu.memory_space<vmem>> -> memref<1x128xi32, #tpu.memory_space<vmem>>
        %dma_wait3A_208 = tpu.memref_squeeze %dma_wait3A_207 : memref<1x128xi32, #tpu.memory_space<vmem>> -> memref<128xi32, #tpu.memory_space<vmem>>
        %dma_wait3A_209 = arith.constant 0 : i32
        %dma_wait3A_210 = tpu.memref_slice %arg5[%dma_wait3A_197, %dma_wait3A_209] : memref<320x128xi32, #tpu.memory_space<hbm>> -> memref<1x128xi32, #tpu.memory_space<hbm>>
        %dma_wait3A_211 = tpu.memref_squeeze %dma_wait3A_210 : memref<1x128xi32, #tpu.memory_space<hbm>> -> memref<128xi32, #tpu.memory_space<hbm>>
        tpu.wait_dma2 semaphore(%dma_wait3A_205 : memref<!tpu.dma_semaphore, #tpu.memory_space<semaphore_mem>>) src(%dma_wait3A_211 : memref<128xi32, #tpu.memory_space<hbm>>) dst(%dma_wait3A_208 : memref<128xi32, #tpu.memory_space<vmem>>)
        %get3A = arith.index_cast %rem3A_149 : i32 to index
        %get3A_212 = arith.constant 0 : index
        %get3A_213 = tpu.vector_load %arg7[%get3A, %get3A_212] {strides = array<i32>} : memref<7x128xi32, #tpu.memory_space<vmem>>, vector<1x16xi32>,
        %get3A_214 = vector.shape_cast %get3A_213 : vector<1x16xi32> to vector<16xi32>
        %get3A_215 = arith.index_cast %rem3A_149 : i32 to index
        %get3A_216 = arith.constant 0 : index
        %get3A_217 = tpu.vector_load %arg8[%get3A_215, %get3A_216] {strides = array<i32>} : memref<7x128xi32, #tpu.memory_space<vmem>>, vector<1x16xi32>,
        %get3A_218 = vector.shape_cast %get3A_217 : vector<1x16xi32> to vector<16xi32>
        %eq3A = arith.cmpi eq, %get3A_214, %get3A_218 : vector<16xi32>
        %add3A_219 = arith.constant 10000 : i32
        %add3A_220 = vector.broadcast %add3A_219 : i32 to vector<16xi32>
        %add3A_221 = arith.addi %get3A_214, %add3A_220 : vector<16xi32>
        %select_n3A = arith.select %eq3A, %add3A_221, %get3A_214 : vector<16xi1>, vector<16xi32>
        %swap3A = arith.index_cast %rem3A_149 : i32 to index
        %swap3A_222 = arith.constant 0 : index
        %swap3A_223 = tpu.vector_load %arg9[%swap3A, %swap3A_222] {strides = array<i32>} : memref<7x128xi32, #tpu.memory_space<vmem>>, vector<1x16xi32>,
        %swap3A_224 = vector.shape_cast %swap3A_223 : vector<1x16xi32> to vector<16xi32>
        %swap3A_225 = vector.shape_cast %select_n3A : vector<16xi32> to vector<1x16xi32>
        tpu.vector_store %arg9[%swap3A, %swap3A_222], %swap3A_225 {strides = array<i32>} : memref<7x128xi32, #tpu.memory_space<vmem>>, vector<1x16xi32>,
        %get3A_226 = arith.index_cast %rem3A_149 : i32 to index
        %get3A_227 = arith.constant 16 : index
        %get3A_228 = tpu.vector_load %arg7[%get3A_226, %get3A_227] {strides = array<i32>} : memref<7x128xi32, #tpu.memory_space<vmem>>, vector<1x16xi32>,
        %get3A_229 = vector.shape_cast %get3A_228 : vector<1x16xi32> to vector<16xi32>
        %get3A_230 = arith.index_cast %rem3A_149 : i32 to index
        %get3A_231 = arith.constant 16 : index
        %get3A_232 = tpu.vector_load %arg8[%get3A_230, %get3A_231] {strides = array<i32>} : memref<7x128xi32, #tpu.memory_space<vmem>>, vector<1x16xi32>,
        %get3A_233 = vector.shape_cast %get3A_232 : vector<1x16xi32> to vector<16xi32>
        %eq3A_234 = arith.cmpi eq, %get3A_229, %get3A_233 : vector<16xi32>
        %add3A_235 = arith.constant 10000 : i32
        %add3A_236 = vector.broadcast %add3A_235 : i32 to vector<16xi32>
        %add3A_237 = arith.addi %get3A_229, %add3A_236 : vector<16xi32>
        %select_n3A_238 = arith.select %eq3A_234, %add3A_237, %get3A_229 : vector<16xi1>, vector<16xi32>
        %swap3A_239 = arith.index_cast %rem3A_149 : i32 to index
        %swap3A_240 = arith.constant 16 : index
        %swap3A_241 = tpu.vector_load %arg9[%swap3A_239, %swap3A_240] {strides = array<i32>} : memref<7x128xi32, #tpu.memory_space<vmem>>, vector<1x16xi32>,
        %swap3A_242 = vector.shape_cast %swap3A_241 : vector<1x16xi32> to vector<16xi32>
        %swap3A_243 = vector.shape_cast %select_n3A_238 : vector<16xi32> to vector<1x16xi32>
        tpu.vector_store %arg9[%swap3A_239, %swap3A_240], %swap3A_243 {strides = array<i32>} : memref<7x128xi32, #tpu.memory_space<vmem>>, vector<1x16xi32>,
        %get3A_244 = arith.index_cast %rem3A_149 : i32 to index
        %get3A_245 = arith.constant 32 : index
        %get3A_246 = tpu.vector_load %arg7[%get3A_244, %get3A_245] {strides = array<i32>} : memref<7x128xi32, #tpu.memory_space<vmem>>, vector<1x16xi32>,
        %get3A_247 = vector.shape_cast %get3A_246 : vector<1x16xi32> to vector<16xi32>
        %get3A_248 = arith.index_cast %rem3A_149 : i32 to index
        %get3A_249 = arith.constant 32 : index
        %get3A_250 = tpu.vector_load %arg8[%get3A_248, %get3A_249] {strides = array<i32>} : memref<7x128xi32, #tpu.memory_space<vmem>>, vector<1x16xi32>,
        %get3A_251 = vector.shape_cast %get3A_250 : vector<1x16xi32> to vector<16xi32>
        %eq3A_252 = arith.cmpi eq, %get3A_247, %get3A_251 : vector<16xi32>
        %add3A_253 = arith.constant 10000 : i32
        %add3A_254 = vector.broadcast %add3A_253 : i32 to vector<16xi32>
        %add3A_255 = arith.addi %get3A_247, %add3A_254 : vector<16xi32>
        %select_n3A_256 = arith.select %eq3A_252, %add3A_255, %get3A_247 : vector<16xi1>, vector<16xi32>
        %swap3A_257 = arith.index_cast %rem3A_149 : i32 to index
        %swap3A_258 = arith.constant 32 : index
        %swap3A_259 = tpu.vector_load %arg9[%swap3A_257, %swap3A_258] {strides = array<i32>} : memref<7x128xi32, #tpu.memory_space<vmem>>, vector<1x16xi32>,
        %swap3A_260 = vector.shape_cast %swap3A_259 : vector<1x16xi32> to vector<16xi32>
        %swap3A_261 = vector.shape_cast %select_n3A_256 : vector<16xi32> to vector<1x16xi32>
        tpu.vector_store %arg9[%swap3A_257, %swap3A_258], %swap3A_261 {strides = array<i32>} : memref<7x128xi32, #tpu.memory_space<vmem>>, vector<1x16xi32>,
        %get3A_262 = arith.index_cast %rem3A_149 : i32 to index
        %get3A_263 = arith.constant 48 : index
        %get3A_264 = tpu.vector_load %arg7[%get3A_262, %get3A_263] {strides = array<i32>} : memref<7x128xi32, #tpu.memory_space<vmem>>, vector<1x16xi32>,
        %get3A_265 = vector.shape_cast %get3A_264 : vector<1x16xi32> to vector<16xi32>
        %get3A_266 = arith.index_cast %rem3A_149 : i32 to index
        %get3A_267 = arith.constant 48 : index
        %get3A_268 = tpu.vector_load %arg8[%get3A_266, %get3A_267] {strides = array<i32>} : memref<7x128xi32, #tpu.memory_space<vmem>>, vector<1x16xi32>,
        %get3A_269 = vector.shape_cast %get3A_268 : vector<1x16xi32> to vector<16xi32>
        %eq3A_270 = arith.cmpi eq, %get3A_265, %get3A_269 : vector<16xi32>
        %add3A_271 = arith.constant 10000 : i32
        %add3A_272 = vector.broadcast %add3A_271 : i32 to vector<16xi32>
        %add3A_273 = arith.addi %get3A_265, %add3A_272 : vector<16xi32>
        %select_n3A_274 = arith.select %eq3A_270, %add3A_273, %get3A_265 : vector<16xi1>, vector<16xi32>
        %swap3A_275 = arith.index_cast %rem3A_149 : i32 to index
        %swap3A_276 = arith.constant 48 : index
        %swap3A_277 = tpu.vector_load %arg9[%swap3A_275, %swap3A_276] {strides = array<i32>} : memref<7x128xi32, #tpu.memory_space<vmem>>, vector<1x16xi32>,
        %swap3A_278 = vector.shape_cast %swap3A_277 : vector<1x16xi32> to vector<16xi32>
        %swap3A_279 = vector.shape_cast %select_n3A_274 : vector<16xi32> to vector<1x16xi32>
        tpu.vector_store %arg9[%swap3A_275, %swap3A_276], %swap3A_279 {strides = array<i32>} : memref<7x128xi32, #tpu.memory_space<vmem>>, vector<1x16xi32>,
        %get3A_280 = arith.index_cast %rem3A_149 : i32 to index
        %get3A_281 = arith.constant 64 : index
        %get3A_282 = tpu.vector_load %arg7[%get3A_280, %get3A_281] {strides = array<i32>} : memref<7x128xi32, #tpu.memory_space<vmem>>, vector<1x16xi32>,
        %get3A_283 = vector.shape_cast %get3A_282 : vector<1x16xi32> to vector<16xi32>
        %get3A_284 = arith.index_cast %rem3A_149 : i32 to index
        %get3A_285 = arith.constant 64 : index
        %get3A_286 = tpu.vector_load %arg8[%get3A_284, %get3A_285] {strides = array<i32>} : memref<7x128xi32, #tpu.memory_space<vmem>>, vector<1x16xi32>,
        %get3A_287 = vector.shape_cast %get3A_286 : vector<1x16xi32> to vector<16xi32>
        %eq3A_288 = arith.cmpi eq, %get3A_283, %get3A_287 : vector<16xi32>
        %add3A_289 = arith.constant 10000 : i32
        %add3A_290 = vector.broadcast %add3A_289 : i32 to vector<16xi32>
        %add3A_291 = arith.addi %get3A_283, %add3A_290 : vector<16xi32>
        %select_n3A_292 = arith.select %eq3A_288, %add3A_291, %get3A_283 : vector<16xi1>, vector<16xi32>
        %swap3A_293 = arith.index_cast %rem3A_149 : i32 to index
        %swap3A_294 = arith.constant 64 : index
        %swap3A_295 = tpu.vector_load %arg9[%swap3A_293, %swap3A_294] {strides = array<i32>} : memref<7x128xi32, #tpu.memory_space<vmem>>, vector<1x16xi32>,
        %swap3A_296 = vector.shape_cast %swap3A_295 : vector<1x16xi32> to vector<16xi32>
        %swap3A_297 = vector.shape_cast %select_n3A_292 : vector<16xi32> to vector<1x16xi32>
        tpu.vector_store %arg9[%swap3A_293, %swap3A_294], %swap3A_297 {strides = array<i32>} : memref<7x128xi32, #tpu.memory_space<vmem>>, vector<1x16xi32>,
        %get3A_298 = arith.index_cast %rem3A_149 : i32 to index
        %get3A_299 = arith.constant 80 : index
        %get3A_300 = tpu.vector_load %arg7[%get3A_298, %get3A_299] {strides = array<i32>} : memref<7x128xi32, #tpu.memory_space<vmem>>, vector<1x16xi32>,
        %get3A_301 = vector.shape_cast %get3A_300 : vector<1x16xi32> to vector<16xi32>
        %get3A_302 = arith.index_cast %rem3A_149 : i32 to index
        %get3A_303 = arith.constant 80 : index
        %get3A_304 = tpu.vector_load %arg8[%get3A_302, %get3A_303] {strides = array<i32>} : memref<7x128xi32, #tpu.memory_space<vmem>>, vector<1x16xi32>,
        %get3A_305 = vector.shape_cast %get3A_304 : vector<1x16xi32> to vector<16xi32>
        %eq3A_306 = arith.cmpi eq, %get3A_301, %get3A_305 : vector<16xi32>
        %add3A_307 = arith.constant 10000 : i32
        %add3A_308 = vector.broadcast %add3A_307 : i32 to vector<16xi32>
        %add3A_309 = arith.addi %get3A_301, %add3A_308 : vector<16xi32>
        %select_n3A_310 = arith.select %eq3A_306, %add3A_309, %get3A_301 : vector<16xi1>, vector<16xi32>
        %swap3A_311 = arith.index_cast %rem3A_149 : i32 to index
        %swap3A_312 = arith.constant 80 : index
        %swap3A_313 = tpu.vector_load %arg9[%swap3A_311, %swap3A_312] {strides = array<i32>} : memref<7x128xi32, #tpu.memory_space<vmem>>, vector<1x16xi32>,
        %swap3A_314 = vector.shape_cast %swap3A_313 : vector<1x16xi32> to vector<16xi32>
        %swap3A_315 = vector.shape_cast %select_n3A_310 : vector<16xi32> to vector<1x16xi32>
        tpu.vector_store %arg9[%swap3A_311, %swap3A_312], %swap3A_315 {strides = array<i32>} : memref<7x128xi32, #tpu.memory_space<vmem>>, vector<1x16xi32>,
        %get3A_316 = arith.index_cast %rem3A_149 : i32 to index
        %get3A_317 = arith.constant 96 : index
        %get3A_318 = tpu.vector_load %arg7[%get3A_316, %get3A_317] {strides = array<i32>} : memref<7x128xi32, #tpu.memory_space<vmem>>, vector<1x16xi32>,
        %get3A_319 = vector.shape_cast %get3A_318 : vector<1x16xi32> to vector<16xi32>
        %get3A_320 = arith.index_cast %rem3A_149 : i32 to index
        %get3A_321 = arith.constant 96 : index
        %get3A_322 = tpu.vector_load %arg8[%get3A_320, %get3A_321] {strides = array<i32>} : memref<7x128xi32, #tpu.memory_space<vmem>>, vector<1x16xi32>,
        %get3A_323 = vector.shape_cast %get3A_322 : vector<1x16xi32> to vector<16xi32>
        %eq3A_324 = arith.cmpi eq, %get3A_319, %get3A_323 : vector<16xi32>
        %add3A_325 = arith.constant 10000 : i32
        %add3A_326 = vector.broadcast %add3A_325 : i32 to vector<16xi32>
        %add3A_327 = arith.addi %get3A_319, %add3A_326 : vector<16xi32>
        %select_n3A_328 = arith.select %eq3A_324, %add3A_327, %get3A_319 : vector<16xi1>, vector<16xi32>
        %swap3A_329 = arith.index_cast %rem3A_149 : i32 to index
        %swap3A_330 = arith.constant 96 : index
        %swap3A_331 = tpu.vector_load %arg9[%swap3A_329, %swap3A_330] {strides = array<i32>} : memref<7x128xi32, #tpu.memory_space<vmem>>, vector<1x16xi32>,
        %swap3A_332 = vector.shape_cast %swap3A_331 : vector<1x16xi32> to vector<16xi32>
        %swap3A_333 = vector.shape_cast %select_n3A_328 : vector<16xi32> to vector<1x16xi32>
        tpu.vector_store %arg9[%swap3A_329, %swap3A_330], %swap3A_333 {strides = array<i32>} : memref<7x128xi32, #tpu.memory_space<vmem>>, vector<1x16xi32>,
        %get3A_334 = arith.index_cast %rem3A_149 : i32 to index
        %get3A_335 = arith.constant 112 : index
        %get3A_336 = tpu.vector_load %arg7[%get3A_334, %get3A_335] {strides = array<i32>} : memref<7x128xi32, #tpu.memory_space<vmem>>, vector<1x16xi32>,
        %get3A_337 = vector.shape_cast %get3A_336 : vector<1x16xi32> to vector<16xi32>
        %get3A_338 = arith.index_cast %rem3A_149 : i32 to index
        %get3A_339 = arith.constant 112 : index
        %get3A_340 = tpu.vector_load %arg8[%get3A_338, %get3A_339] {strides = array<i32>} : memref<7x128xi32, #tpu.memory_space<vmem>>, vector<1x16xi32>,
        %get3A_341 = vector.shape_cast %get3A_340 : vector<1x16xi32> to vector<16xi32>
        %eq3A_342 = arith.cmpi eq, %get3A_337, %get3A_341 : vector<16xi32>
        %add3A_343 = arith.constant 10000 : i32
        %add3A_344 = vector.broadcast %add3A_343 : i32 to vector<16xi32>
        %add3A_345 = arith.addi %get3A_337, %add3A_344 : vector<16xi32>
        %select_n3A_346 = arith.select %eq3A_342, %add3A_345, %get3A_337 : vector<16xi1>, vector<16xi32>
        %swap3A_347 = arith.index_cast %rem3A_149 : i32 to index
        %swap3A_348 = arith.constant 112 : index
        %swap3A_349 = tpu.vector_load %arg9[%swap3A_347, %swap3A_348] {strides = array<i32>} : memref<7x128xi32, #tpu.memory_space<vmem>>, vector<1x16xi32>,
        %swap3A_350 = vector.shape_cast %swap3A_349 : vector<1x16xi32> to vector<16xi32>
        %swap3A_351 = vector.shape_cast %select_n3A_346 : vector<16xi32> to vector<1x16xi32>
        tpu.vector_store %arg9[%swap3A_347, %swap3A_348], %swap3A_351 {strides = array<i32>} : memref<7x128xi32, #tpu.memory_space<vmem>>, vector<1x16xi32>,
        %mul3A_352 = arith.constant 128 : i32
        %mul3A_353 = arith.muli %rem3A_149, %mul3A_352 : i32
        %dma_start3A_354 = arith.constant 0 : i32
        %dma_start3A_355 = tpu.memref_slice %arg10[%mul3A_353, %dma_start3A_354] : memref<896x128xf32, #tpu.memory_space<vmem>> -> memref<128x128xf32, #tpu.memory_space<vmem>>
        %dma_start3A_356 = arith.constant 0 : i32
        %dma_start3A_357 = tpu.memref_slice %arg9[%rem3A_149, %dma_start3A_356] : memref<7x128xi32, #tpu.memory_space<vmem>> -> memref<1x128xi32, #tpu.memory_space<vmem>>
        %dma_start3A_358 = tpu.memref_squeeze %dma_start3A_357 : memref<1x128xi32, #tpu.memory_space<vmem>> -> memref<128xi32, #tpu.memory_space<vmem>>
        %dma_start3A_359 = arith.constant 0 : i32
        %dma_start3A_360 = arith.constant 0 : i32
        %dma_start3A_361 = tpu.memref_slice %arg2[%dma_start3A_359, %dma_start3A_360] : memref<20000x128xf32, #tpu.memory_space<hbm>> -> memref<20000x128xf32, #tpu.memory_space<hbm>>
        %dma_start3A_362 = tpu.memref_slice %arg12[%rem3A_149] : memref<7x!tpu.dma_semaphore, #tpu.memory_space<semaphore_mem>> -> memref<1x!tpu.dma_semaphore, #tpu.memory_space<semaphore_mem>>
        %dma_start3A_363 = tpu.memref_squeeze %dma_start3A_362 : memref<1x!tpu.dma_semaphore, #tpu.memory_space<semaphore_mem>> -> memref<!tpu.dma_semaphore, #tpu.memory_space<semaphore_mem>>
        tpu.enqueue_indirect_dma source(%dma_start3A_361 : memref<20000x128xf32, #tpu.memory_space<hbm>>) target(%dma_start3A_355 : memref<128x128xf32, #tpu.memory_space<vmem>>) offsets(%dma_start3A_358 : memref<128xi32, #tpu.memory_space<vmem>>) semaphore(%dma_start3A_363 : memref<!tpu.dma_semaphore, #tpu.memory_space<semaphore_mem>>)
      } else {
      }
      %sub3A = arith.constant 2 : i32
      %sub3A_152 = arith.subi %scan3A_146, %sub3A : i32
      %ge3A = arith.constant 0 : i32
      %ge3A_153 = arith.cmpi sge, %sub3A_152, %ge3A : i32
      %lt3A_154 = arith.constant 10 : i32
      %lt3A_155 = arith.cmpi slt, %sub3A_152, %lt3A_154 : i32
      %and3A = arith.andi %ge3A_153, %lt3A_155 : i1
      %convert_element_type3A_156 = arith.extui %and3A : i1 to i32
      %cond3A_157 = arith.constant 0 : i32
      %cond3A_158 = arith.cmpi ne, %convert_element_type3A_156, %cond3A_157 : i32
      scf.if %cond3A_158 {
        %rem3A_177 = arith.constant 7 : i32
        %rem3A_178 = arith.remsi %sub3A_152, %rem3A_177 : i32
        %mul3A_179 = arith.constant 128 : i32
        %mul3A_180 = arith.muli %rem3A_178, %mul3A_179 : i32
        %dma_wait3A_181 = arith.constant 0 : i32
        %dma_wait3A_182 = tpu.memref_slice %arg10[%mul3A_180, %dma_wait3A_181] : memref<896x128xf32, #tpu.memory_space<vmem>> -> memref<128x128xf32, #tpu.memory_space<vmem>>
        %dma_wait3A_183 = arith.constant 0 : i32
        %dma_wait3A_184 = arith.constant 0 : i32
        %dma_wait3A_185 = tpu.memref_slice %arg6[%dma_wait3A_183, %dma_wait3A_184] : memref<40960x128xf32, #tpu.memory_space<hbm>> -> memref<128x128xf32, #tpu.memory_space<hbm>>
        %dma_wait3A_186 = tpu.memref_slice %arg12[%rem3A_178] : memref<7x!tpu.dma_semaphore, #tpu.memory_space<semaphore_mem>> -> memref<1x!tpu.dma_semaphore, #tpu.memory_space<semaphore_mem>>
        %dma_wait3A_187 = tpu.memref_squeeze %dma_wait3A_186 : memref<1x!tpu.dma_semaphore, #tpu.memory_space<semaphore_mem>> -> memref<!tpu.dma_semaphore, #tpu.memory_space<semaphore_mem>>
        %dma_wait3A_188 = arith.constant 0 : i32
        %dma_wait3A_189 = tpu.memref_slice %arg10[%mul3A_180, %dma_wait3A_188] : memref<896x128xf32, #tpu.memory_space<vmem>> -> memref<128x128xf32, #tpu.memory_space<vmem>>
        %dma_wait3A_190 = arith.constant 0 : i32
        %dma_wait3A_191 = arith.constant 0 : i32
        %dma_wait3A_192 = tpu.memref_slice %arg6[%dma_wait3A_190, %dma_wait3A_191] : memref<40960x128xf32, #tpu.memory_space<hbm>> -> memref<128x128xf32, #tpu.memory_space<hbm>>
        tpu.wait_dma2 semaphore(%dma_wait3A_187 : memref<!tpu.dma_semaphore, #tpu.memory_space<semaphore_mem>>) src(%dma_wait3A_192 : memref<128x128xf32, #tpu.memory_space<hbm>>) dst(%dma_wait3A_189 : memref<128x128xf32, #tpu.memory_space<vmem>>)
        %mul3A_193 = arith.constant 128 : i32
        %mul3A_194 = arith.muli %rem3A_178, %mul3A_193 : i32
        %dma_start3A_195 = arith.constant 0 : i32
        %dma_start3A_196 = tpu.memref_slice %arg10[%mul3A_194, %dma_start3A_195] : memref<896x128xf32, #tpu.memory_space<vmem>> -> memref<128x128xf32, #tpu.memory_space<vmem>>
        %dma_start3A_197 = arith.constant 0 : i32
        %dma_start3A_198 = tpu.memref_slice %arg8[%rem3A_178, %dma_start3A_197] : memref<7x128xi32, #tpu.memory_space<vmem>> -> memref<1x128xi32, #tpu.memory_space<vmem>>
        %dma_start3A_199 = tpu.memref_squeeze %dma_start3A_198 : memref<1x128xi32, #tpu.memory_space<vmem>> -> memref<128xi32, #tpu.memory_space<vmem>>
        %dma_start3A_200 = arith.constant 0 : i32
        %dma_start3A_201 = arith.constant 0 : i32
        %dma_start3A_202 = tpu.memref_slice %arg3[%dma_start3A_200, %dma_start3A_201] : memref<10000x128xf32, #tpu.memory_space<hbm>> -> memref<10000x128xf32, #tpu.memory_space<hbm>>
        %dma_start3A_203 = tpu.memref_slice %arg13[%rem3A_178] : memref<7x!tpu.dma_semaphore, #tpu.memory_space<semaphore_mem>> -> memref<1x!tpu.dma_semaphore, #tpu.memory_space<semaphore_mem>>
        %dma_start3A_204 = tpu.memref_squeeze %dma_start3A_203 : memref<1x!tpu.dma_semaphore, #tpu.memory_space<semaphore_mem>> -> memref<!tpu.dma_semaphore, #tpu.memory_space<semaphore_mem>>
        tpu.enqueue_indirect_dma source(%dma_start3A_202 : memref<10000x128xf32, #tpu.memory_space<hbm>>) target(%dma_start3A_196 : memref<128x128xf32, #tpu.memory_space<vmem>>) offsets(%dma_start3A_199 : memref<128xi32, #tpu.memory_space<vmem>>) semaphore(%dma_start3A_204 : memref<!tpu.dma_semaphore, #tpu.memory_space<semaphore_mem>>) {add = true}
      } else {
      }
      %sub3A_159 = arith.constant 4 : i32
      %sub3A_160 = arith.subi %scan3A_146, %sub3A_159 : i32
      %ge3A_161 = arith.constant 0 : i32
      %ge3A_162 = arith.cmpi sge, %sub3A_160, %ge3A_161 : i32
      %lt3A_163 = arith.constant 10 : i32
      %lt3A_164 = arith.cmpi slt, %sub3A_160, %lt3A_163 : i32
      %and3A_165 = arith.andi %ge3A_162, %lt3A_164 : i1
      %convert_element_type3A_166 = arith.extui %and3A_165 : i1 to i32
      %cond3A_167 = arith.constant 0 : i32
      %cond3A_168 = arith.cmpi ne, %convert_element_type3A_166, %cond3A_167 : i32
      scf.if %cond3A_168 {
        %rem3A_177 = arith.constant 7 : i32
        %rem3A_178 = arith.remsi %sub3A_160, %rem3A_177 : i32
        %mul3A_179 = arith.constant 128 : i32
        %mul3A_180 = arith.muli %rem3A_178, %mul3A_179 : i32
        %dma_wait3A_181 = arith.constant 0 : i32
        %dma_wait3A_182 = tpu.memref_slice %arg10[%mul3A_180, %dma_wait3A_181] : memref<896x128xf32, #tpu.memory_space<vmem>> -> memref<128x128xf32, #tpu.memory_space<vmem>>
        %dma_wait3A_183 = arith.constant 0 : i32
        %dma_wait3A_184 = arith.constant 0 : i32
        %dma_wait3A_185 = tpu.memref_slice %arg6[%dma_wait3A_183, %dma_wait3A_184] : memref<40960x128xf32, #tpu.memory_space<hbm>> -> memref<128x128xf32, #tpu.memory_space<hbm>>
        %dma_wait3A_186 = tpu.memref_slice %arg13[%rem3A_178] : memref<7x!tpu.dma_semaphore, #tpu.memory_space<semaphore_mem>> -> memref<1x!tpu.dma_semaphore, #tpu.memory_space<semaphore_mem>>
        %dma_wait3A_187 = tpu.memref_squeeze %dma_wait3A_186 : memref<1x!tpu.dma_semaphore, #tpu.memory_space<semaphore_mem>> -> memref<!tpu.dma_semaphore, #tpu.memory_space<semaphore_mem>>
        %dma_wait3A_188 = arith.constant 0 : i32
        %dma_wait3A_189 = tpu.memref_slice %arg10[%mul3A_180, %dma_wait3A_188] : memref<896x128xf32, #tpu.memory_space<vmem>> -> memref<128x128xf32, #tpu.memory_space<vmem>>
        %dma_wait3A_190 = arith.constant 0 : i32
        %dma_wait3A_191 = arith.constant 0 : i32
        %dma_wait3A_192 = tpu.memref_slice %arg6[%dma_wait3A_190, %dma_wait3A_191] : memref<40960x128xf32, #tpu.memory_space<hbm>> -> memref<128x128xf32, #tpu.memory_space<hbm>>
        tpu.wait_dma2 semaphore(%dma_wait3A_187 : memref<!tpu.dma_semaphore, #tpu.memory_space<semaphore_mem>>) src(%dma_wait3A_192 : memref<128x128xf32, #tpu.memory_space<hbm>>) dst(%dma_wait3A_189 : memref<128x128xf32, #tpu.memory_space<vmem>>)
        %mul3A_193 = arith.constant 128 : i32
        %mul3A_194 = arith.muli %rem3A_178, %mul3A_193 : i32
        %add3A_195 = arith.addi %mul3A_2, %sub3A_160 : i32
        %mul3A_196 = arith.constant 128 : i32
        %mul3A_197 = arith.muli %add3A_195, %mul3A_196 : i32
        %dma_start3A_198 = arith.constant 0 : i32
        %dma_start3A_199 = tpu.memref_slice %arg10[%mul3A_194, %dma_start3A_198] : memref<896x128xf32, #tpu.memory_space<vmem>> -> memref<128x128xf32, #tpu.memory_space<vmem>>
        %dma_start3A_200 = arith.constant 0 : i32
        %dma_start3A_201 = tpu.memref_slice %arg6[%mul3A_197, %dma_start3A_200] : memref<40960x128xf32, #tpu.memory_space<hbm>> -> memref<128x128xf32, #tpu.memory_space<hbm>>
        %dma_start3A_202 = tpu.memref_slice %arg14[%rem3A_178] : memref<7x!tpu.dma_semaphore, #tpu.memory_space<semaphore_mem>> -> memref<1x!tpu.dma_semaphore, #tpu.memory_space<semaphore_mem>>
        %dma_start3A_203 = tpu.memref_squeeze %dma_start3A_202 : memref<1x!tpu.dma_semaphore, #tpu.memory_space<semaphore_mem>> -> memref<!tpu.dma_semaphore, #tpu.memory_space<semaphore_mem>>
        %dma_start3A_204 = arith.constant 0 : i32
        %dma_start3A_205 = tpu.memref_slice %arg6[%mul3A_197, %dma_start3A_204] : memref<40960x128xf32, #tpu.memory_space<hbm>> -> memref<128x128xf32, #tpu.memory_space<hbm>>
        %dma_start3A_206 = arith.constant 0 : i32
        %dma_start3A_207 = tpu.memref_slice %arg10[%mul3A_194, %dma_start3A_206] : memref<896x128xf32, #tpu.memory_space<vmem>> -> memref<128x128xf32, #tpu.memory_space<vmem>>
        tpu.enqueue_dma source(%dma_start3A_207 : memref<128x128xf32, #tpu.memory_space<vmem>>) target(%dma_start3A_205 : memref<128x128xf32, #tpu.memory_space<hbm>>) target_semaphore(%dma_start3A_203 : memref<!tpu.dma_semaphore, #tpu.memory_space<semaphore_mem>>)
      } else {
      }
      %add3A_169 = arith.constant 1 : i32
      %add3A_170 = arith.addi %scan3A_146, %add3A_169 : i32
      %lt3A_171 = arith.constant 10 : i32
      %lt3A_172 = arith.cmpi slt, %add3A_170, %lt3A_171 : i32
      %convert_element_type3A_173 = arith.extui %lt3A_172 : i1 to i32
      %cond3A_174 = arith.constant 0 : i32
      %cond3A_175 = arith.cmpi ne, %convert_element_type3A_173, %cond3A_174 : i32
      scf.if %cond3A_175 {
        %add3A_177 = arith.constant 1 : i32
        %add3A_178 = arith.addi %scan3A_146, %add3A_177 : i32
        %rem3A_179 = arith.constant 7 : i32
        %rem3A_180 = arith.remsi %add3A_178, %rem3A_179 : i32
        %add3A_181 = arith.addi %mul3A_2, %add3A_178 : i32
        %dma_start3A_182 = arith.constant 0 : i32
        %dma_start3A_183 = tpu.memref_slice %arg7[%rem3A_180, %dma_start3A_182] : memref<7x128xi32, #tpu.memory_space<vmem>> -> memref<1x128xi32, #tpu.memory_space<vmem>>
        %dma_start3A_184 = tpu.memref_squeeze %dma_start3A_183 : memref<1x128xi32, #tpu.memory_space<vmem>> -> memref<128xi32, #tpu.memory_space<vmem>>
        %dma_start3A_185 = arith.constant 0 : i32
        %dma_start3A_186 = tpu.memref_slice %arg4[%add3A_181, %dma_start3A_185] : memref<320x128xi32, #tpu.memory_space<hbm>> -> memref<1x128xi32, #tpu.memory_space<hbm>>
        %dma_start3A_187 = tpu.memref_squeeze %dma_start3A_186 : memref<1x128xi32, #tpu.memory_space<hbm>> -> memref<128xi32, #tpu.memory_space<hbm>>
        %dma_start3A_188 = tpu.memref_slice %arg11[%rem3A_180] : memref<7x!tpu.dma_semaphore, #tpu.memory_space<semaphore_mem>> -> memref<1x!tpu.dma_semaphore, #tpu.memory_space<semaphore_mem>>
        %dma_start3A_189 = tpu.memref_squeeze %dma_start3A_188 : memref<1x!tpu.dma_semaphore, #tpu.memory_space<semaphore_mem>> -> memref<!tpu.dma_semaphore, #tpu.memory_space<semaphore_mem>>
        %dma_start3A_190 = arith.constant 0 : i32
        %dma_start3A_191 = tpu.memref_slice %arg7[%rem3A_180, %dma_start3A_190] : memref<7x128xi32, #tpu.memory_space<vmem>> -> memref<1x128xi32, #tpu.memory_space<vmem>>
        %dma_start3A_192 = tpu.memref_squeeze %dma_start3A_191 : memref<1x128xi32, #tpu.memory_space<vmem>> -> memref<128xi32, #tpu.memory_space<vmem>>
        %dma_start3A_193 = arith.constant 0 : i32
        %dma_start3A_194 = tpu.memref_slice %arg4[%add3A_181, %dma_start3A_193] : memref<320x128xi32, #tpu.memory_space<hbm>> -> memref<1x128xi32, #tpu.memory_space<hbm>>
        %dma_start3A_195 = tpu.memref_squeeze %dma_start3A_194 : memref<1x128xi32, #tpu.memory_space<hbm>> -> memref<128xi32, #tpu.memory_space<hbm>>
        tpu.enqueue_dma source(%dma_start3A_195 : memref<128xi32, #tpu.memory_space<hbm>>) target(%dma_start3A_192 : memref<128xi32, #tpu.memory_space<vmem>>) target_semaphore(%dma_start3A_189 : memref<!tpu.dma_semaphore, #tpu.memory_space<semaphore_mem>>)
        %add3A_196 = arith.addi %mul3A_2, %add3A_178 : i32
        %dma_start3A_197 = arith.constant 0 : i32
        %dma_start3A_198 = tpu.memref_slice %arg8[%rem3A_180, %dma_start3A_197] : memref<7x128xi32, #tpu.memory_space<vmem>> -> memref<1x128xi32, #tpu.memory_space<vmem>>
        %dma_start3A_199 = tpu.memref_squeeze %dma_start3A_198 : memref<1x128xi32, #tpu.memory_space<vmem>> -> memref<128xi32, #tpu.memory_space<vmem>>
        %dma_start3A_200 = arith.constant 0 : i32
        %dma_start3A_201 = tpu.memref_slice %arg5[%add3A_196, %dma_start3A_200] : memref<320x128xi32, #tpu.memory_space<hbm>> -> memref<1x128xi32, #tpu.memory_space<hbm>>
        %dma_start3A_202 = tpu.memref_squeeze %dma_start3A_201 : memref<1x128xi32, #tpu.memory_space<hbm>> -> memref<128xi32, #tpu.memory_space<hbm>>
        %dma_start3A_203 = tpu.memref_slice %arg11[%rem3A_180] : memref<7x!tpu.dma_semaphore, #tpu.memory_space<semaphore_mem>> -> memref<1x!tpu.dma_semaphore, #tpu.memory_space<semaphore_mem>>
        %dma_start3A_204 = tpu.memref_squeeze %dma_start3A_203 : memref<1x!tpu.dma_semaphore, #tpu.memory_space<semaphore_mem>> -> memref<!tpu.dma_semaphore, #tpu.memory_space<semaphore_mem>>
        %dma_start3A_205 = arith.constant 0 : i32
        %dma_start3A_206 = tpu.memref_slice %arg8[%rem3A_180, %dma_start3A_205] : memref<7x128xi32, #tpu.memory_space<vmem>> -> memref<1x128xi32, #tpu.memory_space<vmem>>
        %dma_start3A_207 = tpu.memref_squeeze %dma_start3A_206 : memref<1x128xi32, #tpu.memory_space<vmem>> -> memref<128xi32, #tpu.memory_space<vmem>>
        %dma_start3A_208 = arith.constant 0 : i32
        %dma_start3A_209 = tpu.memref_slice %arg5[%add3A_196, %dma_start3A_208] : memref<320x128xi32, #tpu.memory_space<hbm>> -> memref<1x128xi32, #tpu.memory_space<hbm>>
        %dma_start3A_210 = tpu.memref_squeeze %dma_start3A_209 : memref<1x128xi32, #tpu.memory_space<hbm>> -> memref<128xi32, #tpu.memory_space<hbm>>
        tpu.enqueue_dma source(%dma_start3A_210 : memref<128xi32, #tpu.memory_space<hbm>>) target(%dma_start3A_207 : memref<128xi32, #tpu.memory_space<vmem>>) target_semaphore(%dma_start3A_204 : memref<!tpu.dma_semaphore, #tpu.memory_space<semaphore_mem>>)
      } else {
      }
      %scan3A_176 = arith.constant 0 : i32
      scf.yield %scan3A_176 : i32
    }
    %scan3A_41 = arith.constant 14 : i32
    %dma_wait3A = arith.constant 2 : i32
    %dma_wait3A_42 = arith.constant 256 : i32
    %dma_wait3A_43 = arith.constant 0 : i32
    %dma_wait3A_44 = tpu.memref_slice %arg10[%dma_wait3A_42, %dma_wait3A_43] : memref<896x128xf32, #tpu.memory_space<vmem>> -> memref<128x128xf32, #tpu.memory_space<vmem>>
    %dma_wait3A_45 = arith.constant 0 : i32
    %dma_wait3A_46 = arith.constant 0 : i32
    %dma_wait3A_47 = tpu.memref_slice %arg6[%dma_wait3A_45, %dma_wait3A_46] : memref<40960x128xf32, #tpu.memory_space<hbm>> -> memref<128x128xf32, #tpu.memory_space<hbm>>
    %dma_wait3A_48 = tpu.memref_slice %arg14[%dma_wait3A] : memref<7x!tpu.dma_semaphore, #tpu.memory_space<semaphore_mem>> -> memref<1x!tpu.dma_semaphore, #tpu.memory_space<semaphore_mem>>
    %dma_wait3A_49 = tpu.memref_squeeze %dma_wait3A_48 : memref<1x!tpu.dma_semaphore, #tpu.memory_space<semaphore_mem>> -> memref<!tpu.dma_semaphore, #tpu.memory_space<semaphore_mem>>
    %dma_wait3A_50 = arith.constant 0 : i32
    %dma_wait3A_51 = arith.constant 0 : i32
    %dma_wait3A_52 = tpu.memref_slice %arg6[%dma_wait3A_50, %dma_wait3A_51] : memref<40960x128xf32, #tpu.memory_space<hbm>> -> memref<128x128xf32, #tpu.memory_space<hbm>>
    %dma_wait3A_53 = arith.constant 256 : i32
    %dma_wait3A_54 = arith.constant 0 : i32
    %dma_wait3A_55 = tpu.memref_slice %arg10[%dma_wait3A_53, %dma_wait3A_54] : memref<896x128xf32, #tpu.memory_space<vmem>> -> memref<128x128xf32, #tpu.memory_space<vmem>>
    tpu.wait_dma2 semaphore(%dma_wait3A_49 : memref<!tpu.dma_semaphore, #tpu.memory_space<semaphore_mem>>) src(%dma_wait3A_55 : memref<128x128xf32, #tpu.memory_space<vmem>>) dst(%dma_wait3A_52 : memref<128x128xf32, #tpu.memory_space<hbm>>)
    %dma_wait3A_56 = arith.constant 1 : i32
    %dma_wait3A_57 = arith.constant 128 : i32
    %dma_wait3A_58 = arith.constant 0 : i32
    %dma_wait3A_59 = tpu.memref_slice %arg10[%dma_wait3A_57, %dma_wait3A_58] : memref<896x128xf32, #tpu.memory_space<vmem>> -> memref<128x128xf32, #tpu.memory_space<vmem>>
    %dma_wait3A_60 = arith.constant 0 : i32
    %dma_wait3A_61 = arith.constant 0 : i32
    %dma_wait3A_62 = tpu.memref_slice %arg6[%dma_wait3A_60, %dma_wait3A_61] : memref<40960x128xf32, #tpu.memory_space<hbm>> -> memref<128x128xf32, #tpu.memory_space<hbm>>
    %dma_wait3A_63 = tpu.memref_slice %arg14[%dma_wait3A_56] : memref<7x!tpu.dma_semaphore, #tpu.memory_space<semaphore_mem>> -> memref<1x!tpu.dma_semaphore, #tpu.memory_space<semaphore_mem>>
    %dma_wait3A_64 = tpu.memref_squeeze %dma_wait3A_63 : memref<1x!tpu.dma_semaphore, #tpu.memory_space<semaphore_mem>> -> memref<!tpu.dma_semaphore, #tpu.memory_space<semaphore_mem>>
    %dma_wait3A_65 = arith.constant 0 : i32
    %dma_wait3A_66 = arith.constant 0 : i32
    %dma_wait3A_67 = tpu.memref_slice %arg6[%dma_wait3A_65, %dma_wait3A_66] : memref<40960x128xf32, #tpu.memory_space<hbm>> -> memref<128x128xf32, #tpu.memory_space<hbm>>
    %dma_wait3A_68 = arith.constant 128 : i32
    %dma_wait3A_69 = arith.constant 0 : i32
    %dma_wait3A_70 = tpu.memref_slice %arg10[%dma_wait3A_68, %dma_wait3A_69] : memref<896x128xf32, #tpu.memory_space<vmem>> -> memref<128x128xf32, #tpu.memory_space<vmem>>
    tpu.wait_dma2 semaphore(%dma_wait3A_64 : memref<!tpu.dma_semaphore, #tpu.memory_space<semaphore_mem>>) src(%dma_wait3A_70 : memref<128x128xf32, #tpu.memory_space<vmem>>) dst(%dma_wait3A_67 : memref<128x128xf32, #tpu.memory_space<hbm>>)
    %dma_wait3A_71 = arith.constant 0 : i32
    %dma_wait3A_72 = arith.constant 0 : i32
    %dma_wait3A_73 = arith.constant 0 : i32
    %dma_wait3A_74 = tpu.memref_slice %arg10[%dma_wait3A_72, %dma_wait3A_73] : memref<896x128xf32, #tpu.memory_space<vmem>> -> memref<128x128xf32, #tpu.memory_space<vmem>>
    %dma_wait3A_75 = arith.constant 0 : i32
    %dma_wait3A_76 = arith.constant 0 : i32
    %dma_wait3A_77 = tpu.memref_slice %arg6[%dma_wait3A_75, %dma_wait3A_76] : memref<40960x128xf32, #tpu.memory_space<hbm>> -> memref<128x128xf32, #tpu.memory_space<hbm>>
    %dma_wait3A_78 = tpu.memref_slice %arg14[%dma_wait3A_71] : memref<7x!tpu.dma_semaphore, #tpu.memory_space<semaphore_mem>> -> memref<1x!tpu.dma_semaphore, #tpu.memory_space<semaphore_mem>>
    %dma_wait3A_79 = tpu.memref_squeeze %dma_wait3A_78 : memref<1x!tpu.dma_semaphore, #tpu.memory_space<semaphore_mem>> -> memref<!tpu.dma_semaphore, #tpu.memory_space<semaphore_mem>>
    %dma_wait3A_80 = arith.constant 0 : i32
    %dma_wait3A_81 = arith.constant 0 : i32
    %dma_wait3A_82 = tpu.memref_slice %arg6[%dma_wait3A_80, %dma_wait3A_81] : memref<40960x128xf32, #tpu.memory_space<hbm>> -> memref<128x128xf32, #tpu.memory_space<hbm>>
    %dma_wait3A_83 = arith.constant 0 : i32
    %dma_wait3A_84 = arith.constant 0 : i32
    %dma_wait3A_85 = tpu.memref_slice %arg10[%dma_wait3A_83, %dma_wait3A_84] : memref<896x128xf32, #tpu.memory_space<vmem>> -> memref<128x128xf32, #tpu.memory_space<vmem>>
    tpu.wait_dma2 semaphore(%dma_wait3A_79 : memref<!tpu.dma_semaphore, #tpu.memory_space<semaphore_mem>>) src(%dma_wait3A_85 : memref<128x128xf32, #tpu.memory_space<vmem>>) dst(%dma_wait3A_82 : memref<128x128xf32, #tpu.memory_space<hbm>>)
    %dma_wait3A_86 = arith.constant 6 : i32
    %dma_wait3A_87 = arith.constant 768 : i32
    %dma_wait3A_88 = arith.constant 0 : i32
    %dma_wait3A_89 = tpu.memref_slice %arg10[%dma_wait3A_87, %dma_wait3A_88] : memref<896x128xf32, #tpu.memory_space<vmem>> -> memref<128x128xf32, #tpu.memory_space<vmem>>
    %dma_wait3A_90 = arith.constant 0 : i32
    %dma_wait3A_91 = arith.constant 0 : i32
    %dma_wait3A_92 = tpu.memref_slice %arg6[%dma_wait3A_90, %dma_wait3A_91] : memref<40960x128xf32, #tpu.memory_space<hbm>> -> memref<128x128xf32, #tpu.memory_space<hbm>>
    %dma_wait3A_93 = tpu.memref_slice %arg14[%dma_wait3A_86] : memref<7x!tpu.dma_semaphore, #tpu.memory_space<semaphore_mem>> -> memref<1x!tpu.dma_semaphore, #tpu.memory_space<semaphore_mem>>
    %dma_wait3A_94 = tpu.memref_squeeze %dma_wait3A_93 : memref<1x!tpu.dma_semaphore, #tpu.memory_space<semaphore_mem>> -> memref<!tpu.dma_semaphore, #tpu.memory_space<semaphore_mem>>
    %dma_wait3A_95 = arith.constant 0 : i32
    %dma_wait3A_96 = arith.constant 0 : i32
    %dma_wait3A_97 = tpu.memref_slice %arg6[%dma_wait3A_95, %dma_wait3A_96] : memref<40960x128xf32, #tpu.memory_space<hbm>> -> memref<128x128xf32, #tpu.memory_space<hbm>>
    %dma_wait3A_98 = arith.constant 768 : i32
    %dma_wait3A_99 = arith.constant 0 : i32
    %dma_wait3A_100 = tpu.memref_slice %arg10[%dma_wait3A_98, %dma_wait3A_99] : memref<896x128xf32, #tpu.memory_space<vmem>> -> memref<128x128xf32, #tpu.memory_space<vmem>>
    tpu.wait_dma2 semaphore(%dma_wait3A_94 : memref<!tpu.dma_semaphore, #tpu.memory_space<semaphore_mem>>) src(%dma_wait3A_100 : memref<128x128xf32, #tpu.memory_space<vmem>>) dst(%dma_wait3A_97 : memref<128x128xf32, #tpu.memory_space<hbm>>)
    %dma_wait3A_101 = arith.constant 5 : i32
    %dma_wait3A_102 = arith.constant 640 : i32
    %dma_wait3A_103 = arith.constant 0 : i32
    %dma_wait3A_104 = tpu.memref_slice %arg10[%dma_wait3A_102, %dma_wait3A_103] : memref<896x128xf32, #tpu.memory_space<vmem>> -> memref<128x128xf32, #tpu.memory_space<vmem>>
    %dma_wait3A_105 = arith.constant 0 : i32
    %dma_wait3A_106 = arith.constant 0 : i32
    %dma_wait3A_107 = tpu.memref_slice %arg6[%dma_wait3A_105, %dma_wait3A_106] : memref<40960x128xf32, #tpu.memory_space<hbm>> -> memref<128x128xf32, #tpu.memory_space<hbm>>
    %dma_wait3A_108 = tpu.memref_slice %arg14[%dma_wait3A_101] : memref<7x!tpu.dma_semaphore, #tpu.memory_space<semaphore_mem>> -> memref<1x!tpu.dma_semaphore, #tpu.memory_space<semaphore_mem>>
    %dma_wait3A_109 = tpu.memref_squeeze %dma_wait3A_108 : memref<1x!tpu.dma_semaphore, #tpu.memory_space<semaphore_mem>> -> memref<!tpu.dma_semaphore, #tpu.memory_space<semaphore_mem>>
    %dma_wait3A_110 = arith.constant 0 : i32
    %dma_wait3A_111 = arith.constant 0 : i32
    %dma_wait3A_112 = tpu.memref_slice %arg6[%dma_wait3A_110, %dma_wait3A_111] : memref<40960x128xf32, #tpu.memory_space<hbm>> -> memref<128x128xf32, #tpu.memory_space<hbm>>
    %dma_wait3A_113 = arith.constant 640 : i32
    %dma_wait3A_114 = arith.constant 0 : i32
    %dma_wait3A_115 = tpu.memref_slice %arg10[%dma_wait3A_113, %dma_wait3A_114] : memref<896x128xf32, #tpu.memory_space<vmem>> -> memref<128x128xf32, #tpu.memory_space<vmem>>
    tpu.wait_dma2 semaphore(%dma_wait3A_109 : memref<!tpu.dma_semaphore, #tpu.memory_space<semaphore_mem>>) src(%dma_wait3A_115 : memref<128x128xf32, #tpu.memory_space<vmem>>) dst(%dma_wait3A_112 : memref<128x128xf32, #tpu.memory_space<hbm>>)
    %dma_wait3A_116 = arith.constant 4 : i32
    %dma_wait3A_117 = arith.constant 512 : i32
    %dma_wait3A_118 = arith.constant 0 : i32
    %dma_wait3A_119 = tpu.memref_slice %arg10[%dma_wait3A_117, %dma_wait3A_118] : memref<896x128xf32, #tpu.memory_space<vmem>> -> memref<128x128xf32, #tpu.memory_space<vmem>>
    %dma_wait3A_120 = arith.constant 0 : i32
    %dma_wait3A_121 = arith.constant 0 : i32
    %dma_wait3A_122 = tpu.memref_slice %arg6[%dma_wait3A_120, %dma_wait3A_121] : memref<40960x128xf32, #tpu.memory_space<hbm>> -> memref<128x128xf32, #tpu.memory_space<hbm>>
    %dma_wait3A_123 = tpu.memref_slice %arg14[%dma_wait3A_116] : memref<7x!tpu.dma_semaphore, #tpu.memory_space<semaphore_mem>> -> memref<1x!tpu.dma_semaphore, #tpu.memory_space<semaphore_mem>>
    %dma_wait3A_124 = tpu.memref_squeeze %dma_wait3A_123 : memref<1x!tpu.dma_semaphore, #tpu.memory_space<semaphore_mem>> -> memref<!tpu.dma_semaphore, #tpu.memory_space<semaphore_mem>>
    %dma_wait3A_125 = arith.constant 0 : i32
    %dma_wait3A_126 = arith.constant 0 : i32
    %dma_wait3A_127 = tpu.memref_slice %arg6[%dma_wait3A_125, %dma_wait3A_126] : memref<40960x128xf32, #tpu.memory_space<hbm>> -> memref<128x128xf32, #tpu.memory_space<hbm>>
    %dma_wait3A_128 = arith.constant 512 : i32
    %dma_wait3A_129 = arith.constant 0 : i32
    %dma_wait3A_130 = tpu.memref_slice %arg10[%dma_wait3A_128, %dma_wait3A_129] : memref<896x128xf32, #tpu.memory_space<vmem>> -> memref<128x128xf32, #tpu.memory_space<vmem>>
    tpu.wait_dma2 semaphore(%dma_wait3A_124 : memref<!tpu.dma_semaphore, #tpu.memory_space<semaphore_mem>>) src(%dma_wait3A_130 : memref<128x128xf32, #tpu.memory_space<vmem>>) dst(%dma_wait3A_127 : memref<128x128xf32, #tpu.memory_space<hbm>>)
    %dma_wait3A_131 = arith.constant 3 : i32
    %dma_wait3A_132 = arith.constant 384 : i32
    %dma_wait3A_133 = arith.constant 0 : i32
    %dma_wait3A_134 = tpu.memref_slice %arg10[%dma_wait3A_132, %dma_wait3A_133] : memref<896x128xf32, #tpu.memory_space<vmem>> -> memref<128x128xf32, #tpu.memory_space<vmem>>
    %dma_wait3A_135 = arith.constant 0 : i32
    %dma_wait3A_136 = arith.constant 0 : i32
    %dma_wait3A_137 = tpu.memref_slice %arg6[%dma_wait3A_135, %dma_wait3A_136] : memref<40960x128xf32, #tpu.memory_space<hbm>> -> memref<128x128xf32, #tpu.memory_space<hbm>>
    %dma_wait3A_138 = tpu.memref_slice %arg14[%dma_wait3A_131] : memref<7x!tpu.dma_semaphore, #tpu.memory_space<semaphore_mem>> -> memref<1x!tpu.dma_semaphore, #tpu.memory_space<semaphore_mem>>
    %dma_wait3A_139 = tpu.memref_squeeze %dma_wait3A_138 : memref<1x!tpu.dma_semaphore, #tpu.memory_space<semaphore_mem>> -> memref<!tpu.dma_semaphore, #tpu.memory_space<semaphore_mem>>
    %dma_wait3A_140 = arith.constant 0 : i32
    %dma_wait3A_141 = arith.constant 0 : i32
    %dma_wait3A_142 = tpu.memref_slice %arg6[%dma_wait3A_140, %dma_wait3A_141] : memref<40960x128xf32, #tpu.memory_space<hbm>> -> memref<128x128xf32, #tpu.memory_space<hbm>>
    %dma_wait3A_143 = arith.constant 384 : i32
    %dma_wait3A_144 = arith.constant 0 : i32
    %dma_wait3A_145 = tpu.memref_slice %arg10[%dma_wait3A_143, %dma_wait3A_144] : memref<896x128xf32, #tpu.memory_space<vmem>> -> memref<128x128xf32, #tpu.memory_space<vmem>>
    tpu.wait_dma2 semaphore(%dma_wait3A_139 : memref<!tpu.dma_semaphore, #tpu.memory_space<semaphore_mem>>) src(%dma_wait3A_145 : memref<128x128xf32, #tpu.memory_space<vmem>>) dst(%dma_wait3A_142 : memref<128x128xf32, #tpu.memory_space<hbm>>)
    return
  }
}

#map = affine_map<(d0, d1) -> (0, 0)>
module attributes {stable_mosaic.version = 14 : i64} {
  func.func @_sc_gather_body(%arg0: i32, %arg1: i32, %arg2: memref<20000x128xf32, #tpu.memory_space<hbm>>, %arg3: memref<10000x128xf32, #tpu.memory_space<hbm>>, %arg4: memref<320x128xi32, #tpu.memory_space<hbm>>, %arg5: memref<320x128xi32, #tpu.memory_space<hbm>>, %arg6: memref<40960x128xf32, #tpu.memory_space<hbm>>, %arg7: memref<7x128xi32, #tpu.memory_space<vmem>>, %arg8: memref<7x128xi32, #tpu.memory_space<vmem>>, %arg9: memref<7x128xi32, #tpu.memory_space<vmem>>, %arg10: memref<896x128xf32, #tpu.memory_space<vmem>>, %arg11: memref<7x!tpu.dma_semaphore, #tpu.memory_space<semaphore_mem>>, %arg12: memref<7x!tpu.dma_semaphore, #tpu.memory_space<semaphore_mem>>, %arg13: memref<7x!tpu.dma_semaphore, #tpu.memory_space<semaphore_mem>>, %arg14: memref<7x!tpu.dma_semaphore, #tpu.memory_space<semaphore_mem>>) attributes {dimension_semantics = [#tpu.dimension_semantics<core_parallel>, #tpu.dimension_semantics<subcore_parallel>], iteration_bounds = array<i64: 2, 16>, scalar_prefetch = 0 : i64, scratch_operands = 8 : i64, tpu.core_type = #tpu.core_type<sc_vector_subcore>, window_params = [{transform_indices = #map}, {transform_indices = #map}, {transform_indices = #map}, {transform_indices = #map}, {transform_indices = #map}]} {
    %mul3A = arith.constant 16 : i32
    %mul3A_0 = arith.muli %arg0, %mul3A : i32
    %add3A = arith.addi %mul3A_0, %arg1 : i32
    %mul3A_1 = arith.constant 10 : i32
    %mul3A_2 = arith.muli %add3A, %mul3A_1 : i32
    %rem3A = arith.constant 0 : i32
    %rem3A_3 = arith.constant 7 : i32
    %rem3A_4 = arith.remsi %rem3A, %rem3A_3 : i32
    %add3A_5 = arith.constant 0 : i32
    %add3A_6 = arith.addi %mul3A_2, %add3A_5 : i32
    %dma_start3A = arith.constant 0 : i32
    %dma_start3A_7 = tpu.memref_slice %arg7[%rem3A_4, %dma_start3A] : memref<7x128xi32, #tpu.memory_space<vmem>> -> memref<1x128xi32, #tpu.memory_space<vmem>>
    %dma_start3A_8 = tpu.memref_squeeze %dma_start3A_7 : memref<1x128xi32, #tpu.memory_space<vmem>> -> memref<128xi32, #tpu.memory_space<vmem>>
    %dma_start3A_9 = arith.constant 0 : i32
    %dma_start3A_10 = tpu.memref_slice %arg4[%add3A_6, %dma_start3A_9] : memref<320x128xi32, #tpu.memory_space<hbm>> -> memref<1x128xi32, #tpu.memory_space<hbm>>
    %dma_start3A_11 = tpu.memref_squeeze %dma_start3A_10 : memref<1x128xi32, #tpu.memory_space<hbm>> -> memref<128xi32, #tpu.memory_space<hbm>>
    %dma_start3A_12 = tpu.memref_slice %arg11[%rem3A_4] : memref<7x!tpu.dma_semaphore, #tpu.memory_space<semaphore_mem>> -> memref<1x!tpu.dma_semaphore, #tpu.memory_space<semaphore_mem>>
    %dma_start3A_13 = tpu.memref_squeeze %dma_start3A_12 : memref<1x!tpu.dma_semaphore, #tpu.memory_space<semaphore_mem>> -> memref<!tpu.dma_semaphore, #tpu.memory_space<semaphore_mem>>
    %dma_start3A_14 = arith.constant 0 : i32
    %dma_start3A_15 = tpu.memref_slice %arg7[%rem3A_4, %dma_start3A_14] : memref<7x128xi32, #tpu.memory_space<vmem>> -> memref<1x128xi32, #tpu.memory_space<vmem>>
    %dma_start3A_16 = tpu.memref_squeeze %dma_start3A_15 : memref<1x128xi32, #tpu.memory_space<vmem>> -> memref<128xi32, #tpu.memory_space<vmem>>
    %dma_start3A_17 = arith.constant 0 : i32
    %dma_start3A_18 = tpu.memref_slice %arg4[%add3A_6, %dma_start3A_17] : memref<320x128xi32, #tpu.memory_space<hbm>> -> memref<1x128xi32, #tpu.memory_space<hbm>>
    %dma_start3A_19 = tpu.memref_squeeze %dma_start3A_18 : memref<1x128xi32, #tpu.memory_space<hbm>> -> memref<128xi32, #tpu.memory_space<hbm>>
    tpu.enqueue_dma source(%dma_start3A_19 : memref<128xi32, #tpu.memory_space<hbm>>) target(%dma_start3A_16 : memref<128xi32, #tpu.memory_space<vmem>>) target_semaphore(%dma_start3A_13 : memref<!tpu.dma_semaphore, #tpu.memory_space<semaphore_mem>>)
    %add3A_20 = arith.constant 0 : i32
    %add3A_21 = arith.addi %mul3A_2, %add3A_20 : i32
    %dma_start3A_22 = arith.constant 0 : i32
    %dma_start3A_23 = tpu.memref_slice %arg8[%rem3A_4, %dma_start3A_22] : memref<7x128xi32, #tpu.memory_space<vmem>> -> memref<1x128xi32, #tpu.memory_space<vmem>>
    %dma_start3A_24 = tpu.memref_squeeze %dma_start3A_23 : memref<1x128xi32, #tpu.memory_space<vmem>> -> memref<128xi32, #tpu.memory_space<vmem>>
    %dma_start3A_25 = arith.constant 0 : i32
    %dma_start3A_26 = tpu.memref_slice %arg5[%add3A_21, %dma_start3A_25] : memref<320x128xi32, #tpu.memory_space<hbm>> -> memref<1x128xi32, #tpu.memory_space<hbm>>
    %dma_start3A_27 = tpu.memref_squeeze %dma_start3A_26 : memref<1x128xi32, #tpu.memory_space<hbm>> -> memref<128xi32, #tpu.memory_space<hbm>>
    %dma_start3A_28 = tpu.memref_slice %arg11[%rem3A_4] : memref<7x!tpu.dma_semaphore, #tpu.memory_space<semaphore_mem>> -> memref<1x!tpu.dma_semaphore, #tpu.memory_space<semaphore_mem>>
    %dma_start3A_29 = tpu.memref_squeeze %dma_start3A_28 : memref<1x!tpu.dma_semaphore, #tpu.memory_space<semaphore_mem>> -> memref<!tpu.dma_semaphore, #tpu.memory_space<semaphore_mem>>
    %dma_start3A_30 = arith.constant 0 : i32
    %dma_start3A_31 = tpu.memref_slice %arg8[%rem3A_4, %dma_start3A_30] : memref<7x128xi32, #tpu.memory_space<vmem>> -> memref<1x128xi32, #tpu.memory_space<vmem>>
    %dma_start3A_32 = tpu.memref_squeeze %dma_start3A_31 : memref<1x128xi32, #tpu.memory_space<vmem>> -> memref<128xi32, #tpu.memory_space<vmem>>
    %dma_start3A_33 = arith.constant 0 : i32
    %dma_start3A_34 = tpu.memref_slice %arg5[%add3A_21, %dma_start3A_33] : memref<320x128xi32, #tpu.memory_space<hbm>> -> memref<1x128xi32, #tpu.memory_space<hbm>>
    %dma_start3A_35 = tpu.memref_squeeze %dma_start3A_34 : memref<1x128xi32, #tpu.memory_space<hbm>> -> memref<128xi32, #tpu.memory_space<hbm>>
    tpu.enqueue_dma source(%dma_start3A_35 : memref<128xi32, #tpu.memory_space<hbm>>) target(%dma_start3A_32 : memref<128xi32, #tpu.memory_space<vmem>>) target_semaphore(%dma_start3A_29 : memref<!tpu.dma_semaphore, #tpu.memory_space<semaphore_mem>>)
    %scan3A = arith.constant 0 : i32
    %scan3A_36 = arith.constant 0 : i32
    %scan3A_37 = arith.constant 14 : i32
    %scan3A_38 = arith.addi %scan3A_36, %scan3A_37 : i32
    %scan3A_39 = arith.constant 1 : i32
    %scan3A_40 = scf.for %scan3A_146 = %scan3A_36 to %scan3A_38 step %scan3A_39 iter_args(%scan3A_147 = %scan3A) -> (i32)  : i32 {
      %rem3A_148 = arith.constant 7 : i32
      %rem3A_149 = arith.remsi %scan3A_146, %rem3A_148 : i32
      %lt3A = arith.constant 10 : i32
      %lt3A_150 = arith.cmpi slt, %scan3A_146, %lt3A : i32
      %convert_element_type3A = arith.extui %lt3A_150 : i1 to i32
      %cond3A = arith.constant 0 : i32
      %cond3A_151 = arith.cmpi ne, %convert_element_type3A, %cond3A : i32
      scf.if %cond3A_151 {
        %ge3A_177 = arith.constant 7 : i32
        %ge3A_178 = arith.cmpi sge, %scan3A_146, %ge3A_177 : i32
        %convert_element_type3A_179 = arith.extui %ge3A_178 : i1 to i32
        %cond3A_180 = arith.constant 0 : i32
        %cond3A_181 = arith.cmpi ne, %convert_element_type3A_179, %cond3A_180 : i32
        scf.if %cond3A_181 {
          %mul3A_364 = arith.constant 128 : i32
          %mul3A_365 = arith.muli %rem3A_149, %mul3A_364 : i32
          %dma_wait3A_366 = arith.constant 0 : i32
          %dma_wait3A_367 = tpu.memref_slice %arg10[%mul3A_365, %dma_wait3A_366] : memref<896x128xf32, #tpu.memory_space<vmem>> -> memref<128x128xf32, #tpu.memory_space<vmem>>
          %dma_wait3A_368 = arith.constant 0 : i32
          %dma_wait3A_369 = arith.constant 0 : i32
          %dma_wait3A_370 = tpu.memref_slice %arg6[%dma_wait3A_368, %dma_wait3A_369] : memref<40960x128xf32, #tpu.memory_space<hbm>> -> memref<128x128xf32, #tpu.memory_space<hbm>>
          %dma_wait3A_371 = tpu.memref_slice %arg14[%rem3A_149] : memref<7x!tpu.dma_semaphore, #tpu.memory_space<semaphore_mem>> -> memref<1x!tpu.dma_semaphore, #tpu.memory_space<semaphore_mem>>
          %dma_wait3A_372 = tpu.memref_squeeze %dma_wait3A_371 : memref<1x!tpu.dma_semaphore, #tpu.memory_space<semaphore_mem>> -> memref<!tpu.dma_semaphore, #tpu.memory_space<semaphore_mem>>
          %dma_wait3A_373 = arith.constant 0 : i32
          %dma_wait3A_374 = arith.constant 0 : i32
          %dma_wait3A_375 = tpu.memref_slice %arg6[%dma_wait3A_373, %dma_wait3A_374] : memref<40960x128xf32, #tpu.memory_space<hbm>> -> memref<128x128xf32, #tpu.memory_space<hbm>>
          %dma_wait3A_376 = arith.constant 0 : i32
          %dma_wait3A_377 = tpu.memref_slice %arg10[%mul3A_365, %dma_wait3A_376] : memref<896x128xf32, #tpu.memory_space<vmem>> -> memref<128x128xf32, #tpu.memory_space<vmem>>
          tpu.wait_dma2 semaphore(%dma_wait3A_372 : memref<!tpu.dma_semaphore, #tpu.memory_space<semaphore_mem>>) src(%dma_wait3A_377 : memref<128x128xf32, #tpu.memory_space<vmem>>) dst(%dma_wait3A_375 : memref<128x128xf32, #tpu.memory_space<hbm>>)
        } else {
        }
        %dma_wait3A_182 = arith.constant 0 : i32
        %dma_wait3A_183 = arith.constant 0 : i32
        %dma_wait3A_184 = tpu.memref_slice %arg7[%rem3A_149, %dma_wait3A_183] : memref<7x128xi32, #tpu.memory_space<vmem>> -> memref<1x128xi32, #tpu.memory_space<vmem>>
        %dma_wait3A_185 = tpu.memref_squeeze %dma_wait3A_184 : memref<1x128xi32, #tpu.memory_space<vmem>> -> memref<128xi32, #tpu.memory_space<vmem>>
        %dma_wait3A_186 = arith.constant 0 : i32
        %dma_wait3A_187 = tpu.memref_slice %arg4[%dma_wait3A_182, %dma_wait3A_186] : memref<320x128xi32, #tpu.memory_space<hbm>> -> memref<1x128xi32, #tpu.memory_space<hbm>>
        %dma_wait3A_188 = tpu.memref_squeeze %dma_wait3A_187 : memref<1x128xi32, #tpu.memory_space<hbm>> -> memref<128xi32, #tpu.memory_space<hbm>>
        %dma_wait3A_189 = tpu.memref_slice %arg11[%rem3A_149] : memref<7x!tpu.dma_semaphore, #tpu.memory_space<semaphore_mem>> -> memref<1x!tpu.dma_semaphore, #tpu.memory_space<semaphore_mem>>
        %dma_wait3A_190 = tpu.memref_squeeze %dma_wait3A_189 : memref<1x!tpu.dma_semaphore, #tpu.memory_space<semaphore_mem>> -> memref<!tpu.dma_semaphore, #tpu.memory_space<semaphore_mem>>
        %dma_wait3A_191 = arith.constant 0 : i32
        %dma_wait3A_192 = tpu.memref_slice %arg7[%rem3A_149, %dma_wait3A_191] : memref<7x128xi32, #tpu.memory_space<vmem>> -> memref<1x128xi32, #tpu.memory_space<vmem>>
        %dma_wait3A_193 = tpu.memref_squeeze %dma_wait3A_192 : memref<1x128xi32, #tpu.memory_space<vmem>> -> memref<128xi32, #tpu.memory_space<vmem>>
        %dma_wait3A_194 = arith.constant 0 : i32
        %dma_wait3A_195 = tpu.memref_slice %arg4[%dma_wait3A_182, %dma_wait3A_194] : memref<320x128xi32, #tpu.memory_space<hbm>> -> memref<1x128xi32, #tpu.memory_space<hbm>>
        %dma_wait3A_196 = tpu.memref_squeeze %dma_wait3A_195 : memref<1x128xi32, #tpu.memory_space<hbm>> -> memref<128xi32, #tpu.memory_space<hbm>>
        tpu.wait_dma2 semaphore(%dma_wait3A_190 : memref<!tpu.dma_semaphore, #tpu.memory_space<semaphore_mem>>) src(%dma_wait3A_196 : memref<128xi32, #tpu.memory_space<hbm>>) dst(%dma_wait3A_193 : memref<128xi32, #tpu.memory_space<vmem>>)
        %dma_wait3A_197 = arith.constant 0 : i32
        %dma_wait3A_198 = arith.constant 0 : i32
        %dma_wait3A_199 = tpu.memref_slice %arg8[%rem3A_149, %dma_wait3A_198] : memref<7x128xi32, #tpu.memory_space<vmem>> -> memref<1x128xi32, #tpu.memory_space<vmem>>
        %dma_wait3A_200 = tpu.memref_squeeze %dma_wait3A_199 : memref<1x128xi32, #tpu.memory_space<vmem>> -> memref<128xi32, #tpu.memory_space<vmem>>
        %dma_wait3A_201 = arith.constant 0 : i32
        %dma_wait3A_202 = tpu.memref_slice %arg5[%dma_wait3A_197, %dma_wait3A_201] : memref<320x128xi32, #tpu.memory_space<hbm>> -> memref<1x128xi32, #tpu.memory_space<hbm>>
        %dma_wait3A_203 = tpu.memref_squeeze %dma_wait3A_202 : memref<1x128xi32, #tpu.memory_space<hbm>> -> memref<128xi32, #tpu.memory_space<hbm>>
        %dma_wait3A_204 = tpu.memref_slice %arg11[%rem3A_149] : memref<7x!tpu.dma_semaphore, #tpu.memory_space<semaphore_mem>> -> memref<1x!tpu.dma_semaphore, #tpu.memory_space<semaphore_mem>>
        %dma_wait3A_205 = tpu.memref_squeeze %dma_wait3A_204 : memref<1x!tpu.dma_semaphore, #tpu.memory_space<semaphore_mem>> -> memref<!tpu.dma_semaphore, #tpu.memory_space<semaphore_mem>>
        %dma_wait3A_206 = arith.constant 0 : i32
        %dma_wait3A_207 = tpu.memref_slice %arg8[%rem3A_149, %dma_wait3A_206] : memref<7x128xi32, #tpu.memory_space<vmem>> -> memref<1x128xi32, #tpu.memory_space<vmem>>
        %dma_wait3A_208 = tpu.memref_squeeze %dma_wait3A_207 : memref<1x128xi32, #tpu.memory_space<vmem>> -> memref<128xi32, #tpu.memory_space<vmem>>
        %dma_wait3A_209 = arith.constant 0 : i32
        %dma_wait3A_210 = tpu.memref_slice %arg5[%dma_wait3A_197, %dma_wait3A_209] : memref<320x128xi32, #tpu.memory_space<hbm>> -> memref<1x128xi32, #tpu.memory_space<hbm>>
        %dma_wait3A_211 = tpu.memref_squeeze %dma_wait3A_210 : memref<1x128xi32, #tpu.memory_space<hbm>> -> memref<128xi32, #tpu.memory_space<hbm>>
        tpu.wait_dma2 semaphore(%dma_wait3A_205 : memref<!tpu.dma_semaphore, #tpu.memory_space<semaphore_mem>>) src(%dma_wait3A_211 : memref<128xi32, #tpu.memory_space<hbm>>) dst(%dma_wait3A_208 : memref<128xi32, #tpu.memory_space<vmem>>)
        %get3A = arith.index_cast %rem3A_149 : i32 to index
        %get3A_212 = arith.constant 0 : index
        %get3A_213 = tpu.vector_load %arg7[%get3A, %get3A_212] {strides = array<i32>} : memref<7x128xi32, #tpu.memory_space<vmem>>, vector<1x16xi32>,
        %get3A_214 = vector.shape_cast %get3A_213 : vector<1x16xi32> to vector<16xi32>
        %get3A_215 = arith.index_cast %rem3A_149 : i32 to index
        %get3A_216 = arith.constant 0 : index
        %get3A_217 = tpu.vector_load %arg8[%get3A_215, %get3A_216] {strides = array<i32>} : memref<7x128xi32, #tpu.memory_space<vmem>>, vector<1x16xi32>,
        %get3A_218 = vector.shape_cast %get3A_217 : vector<1x16xi32> to vector<16xi32>
        %eq3A = arith.cmpi eq, %get3A_214, %get3A_218 : vector<16xi32>
        %add3A_219 = arith.constant 10000 : i32
        %add3A_220 = vector.broadcast %add3A_219 : i32 to vector<16xi32>
        %add3A_221 = arith.addi %get3A_214, %add3A_220 : vector<16xi32>
        %select_n3A = arith.select %eq3A, %add3A_221, %get3A_214 : vector<16xi1>, vector<16xi32>
        %swap3A = arith.index_cast %rem3A_149 : i32 to index
        %swap3A_222 = arith.constant 0 : index
        %swap3A_223 = tpu.vector_load %arg9[%swap3A, %swap3A_222] {strides = array<i32>} : memref<7x128xi32, #tpu.memory_space<vmem>>, vector<1x16xi32>,
        %swap3A_224 = vector.shape_cast %swap3A_223 : vector<1x16xi32> to vector<16xi32>
        %swap3A_225 = vector.shape_cast %select_n3A : vector<16xi32> to vector<1x16xi32>
        tpu.vector_store %arg9[%swap3A, %swap3A_222], %swap3A_225 {strides = array<i32>} : memref<7x128xi32, #tpu.memory_space<vmem>>, vector<1x16xi32>,
        %get3A_226 = arith.index_cast %rem3A_149 : i32 to index
        %get3A_227 = arith.constant 16 : index
        %get3A_228 = tpu.vector_load %arg7[%get3A_226, %get3A_227] {strides = array<i32>} : memref<7x128xi32, #tpu.memory_space<vmem>>, vector<1x16xi32>,
        %get3A_229 = vector.shape_cast %get3A_228 : vector<1x16xi32> to vector<16xi32>
        %get3A_230 = arith.index_cast %rem3A_149 : i32 to index
        %get3A_231 = arith.constant 16 : index
        %get3A_232 = tpu.vector_load %arg8[%get3A_230, %get3A_231] {strides = array<i32>} : memref<7x128xi32, #tpu.memory_space<vmem>>, vector<1x16xi32>,
        %get3A_233 = vector.shape_cast %get3A_232 : vector<1x16xi32> to vector<16xi32>
        %eq3A_234 = arith.cmpi eq, %get3A_229, %get3A_233 : vector<16xi32>
        %add3A_235 = arith.constant 10000 : i32
        %add3A_236 = vector.broadcast %add3A_235 : i32 to vector<16xi32>
        %add3A_237 = arith.addi %get3A_229, %add3A_236 : vector<16xi32>
        %select_n3A_238 = arith.select %eq3A_234, %add3A_237, %get3A_229 : vector<16xi1>, vector<16xi32>
        %swap3A_239 = arith.index_cast %rem3A_149 : i32 to index
        %swap3A_240 = arith.constant 16 : index
        %swap3A_241 = tpu.vector_load %arg9[%swap3A_239, %swap3A_240] {strides = array<i32>} : memref<7x128xi32, #tpu.memory_space<vmem>>, vector<1x16xi32>,
        %swap3A_242 = vector.shape_cast %swap3A_241 : vector<1x16xi32> to vector<16xi32>
        %swap3A_243 = vector.shape_cast %select_n3A_238 : vector<16xi32> to vector<1x16xi32>
        tpu.vector_store %arg9[%swap3A_239, %swap3A_240], %swap3A_243 {strides = array<i32>} : memref<7x128xi32, #tpu.memory_space<vmem>>, vector<1x16xi32>,
        %get3A_244 = arith.index_cast %rem3A_149 : i32 to index
        %get3A_245 = arith.constant 32 : index
        %get3A_246 = tpu.vector_load %arg7[%get3A_244, %get3A_245] {strides = array<i32>} : memref<7x128xi32, #tpu.memory_space<vmem>>, vector<1x16xi32>,
        %get3A_247 = vector.shape_cast %get3A_246 : vector<1x16xi32> to vector<16xi32>
        %get3A_248 = arith.index_cast %rem3A_149 : i32 to index
        %get3A_249 = arith.constant 32 : index
        %get3A_250 = tpu.vector_load %arg8[%get3A_248, %get3A_249] {strides = array<i32>} : memref<7x128xi32, #tpu.memory_space<vmem>>, vector<1x16xi32>,
        %get3A_251 = vector.shape_cast %get3A_250 : vector<1x16xi32> to vector<16xi32>
        %eq3A_252 = arith.cmpi eq, %get3A_247, %get3A_251 : vector<16xi32>
        %add3A_253 = arith.constant 10000 : i32
        %add3A_254 = vector.broadcast %add3A_253 : i32 to vector<16xi32>
        %add3A_255 = arith.addi %get3A_247, %add3A_254 : vector<16xi32>
        %select_n3A_256 = arith.select %eq3A_252, %add3A_255, %get3A_247 : vector<16xi1>, vector<16xi32>
        %swap3A_257 = arith.index_cast %rem3A_149 : i32 to index
        %swap3A_258 = arith.constant 32 : index
        %swap3A_259 = tpu.vector_load %arg9[%swap3A_257, %swap3A_258] {strides = array<i32>} : memref<7x128xi32, #tpu.memory_space<vmem>>, vector<1x16xi32>,
        %swap3A_260 = vector.shape_cast %swap3A_259 : vector<1x16xi32> to vector<16xi32>
        %swap3A_261 = vector.shape_cast %select_n3A_256 : vector<16xi32> to vector<1x16xi32>
        tpu.vector_store %arg9[%swap3A_257, %swap3A_258], %swap3A_261 {strides = array<i32>} : memref<7x128xi32, #tpu.memory_space<vmem>>, vector<1x16xi32>,
        %get3A_262 = arith.index_cast %rem3A_149 : i32 to index
        %get3A_263 = arith.constant 48 : index
        %get3A_264 = tpu.vector_load %arg7[%get3A_262, %get3A_263] {strides = array<i32>} : memref<7x128xi32, #tpu.memory_space<vmem>>, vector<1x16xi32>,
        %get3A_265 = vector.shape_cast %get3A_264 : vector<1x16xi32> to vector<16xi32>
        %get3A_266 = arith.index_cast %rem3A_149 : i32 to index
        %get3A_267 = arith.constant 48 : index
        %get3A_268 = tpu.vector_load %arg8[%get3A_266, %get3A_267] {strides = array<i32>} : memref<7x128xi32, #tpu.memory_space<vmem>>, vector<1x16xi32>,
        %get3A_269 = vector.shape_cast %get3A_268 : vector<1x16xi32> to vector<16xi32>
        %eq3A_270 = arith.cmpi eq, %get3A_265, %get3A_269 : vector<16xi32>
        %add3A_271 = arith.constant 10000 : i32
        %add3A_272 = vector.broadcast %add3A_271 : i32 to vector<16xi32>
        %add3A_273 = arith.addi %get3A_265, %add3A_272 : vector<16xi32>
        %select_n3A_274 = arith.select %eq3A_270, %add3A_273, %get3A_265 : vector<16xi1>, vector<16xi32>
        %swap3A_275 = arith.index_cast %rem3A_149 : i32 to index
        %swap3A_276 = arith.constant 48 : index
        %swap3A_277 = tpu.vector_load %arg9[%swap3A_275, %swap3A_276] {strides = array<i32>} : memref<7x128xi32, #tpu.memory_space<vmem>>, vector<1x16xi32>,
        %swap3A_278 = vector.shape_cast %swap3A_277 : vector<1x16xi32> to vector<16xi32>
        %swap3A_279 = vector.shape_cast %select_n3A_274 : vector<16xi32> to vector<1x16xi32>
        tpu.vector_store %arg9[%swap3A_275, %swap3A_276], %swap3A_279 {strides = array<i32>} : memref<7x128xi32, #tpu.memory_space<vmem>>, vector<1x16xi32>,
        %get3A_280 = arith.index_cast %rem3A_149 : i32 to index
        %get3A_281 = arith.constant 64 : index
        %get3A_282 = tpu.vector_load %arg7[%get3A_280, %get3A_281] {strides = array<i32>} : memref<7x128xi32, #tpu.memory_space<vmem>>, vector<1x16xi32>,
        %get3A_283 = vector.shape_cast %get3A_282 : vector<1x16xi32> to vector<16xi32>
        %get3A_284 = arith.index_cast %rem3A_149 : i32 to index
        %get3A_285 = arith.constant 64 : index
        %get3A_286 = tpu.vector_load %arg8[%get3A_284, %get3A_285] {strides = array<i32>} : memref<7x128xi32, #tpu.memory_space<vmem>>, vector<1x16xi32>,
        %get3A_287 = vector.shape_cast %get3A_286 : vector<1x16xi32> to vector<16xi32>
        %eq3A_288 = arith.cmpi eq, %get3A_283, %get3A_287 : vector<16xi32>
        %add3A_289 = arith.constant 10000 : i32
        %add3A_290 = vector.broadcast %add3A_289 : i32 to vector<16xi32>
        %add3A_291 = arith.addi %get3A_283, %add3A_290 : vector<16xi32>
        %select_n3A_292 = arith.select %eq3A_288, %add3A_291, %get3A_283 : vector<16xi1>, vector<16xi32>
        %swap3A_293 = arith.index_cast %rem3A_149 : i32 to index
        %swap3A_294 = arith.constant 64 : index
        %swap3A_295 = tpu.vector_load %arg9[%swap3A_293, %swap3A_294] {strides = array<i32>} : memref<7x128xi32, #tpu.memory_space<vmem>>, vector<1x16xi32>,
        %swap3A_296 = vector.shape_cast %swap3A_295 : vector<1x16xi32> to vector<16xi32>
        %swap3A_297 = vector.shape_cast %select_n3A_292 : vector<16xi32> to vector<1x16xi32>
        tpu.vector_store %arg9[%swap3A_293, %swap3A_294], %swap3A_297 {strides = array<i32>} : memref<7x128xi32, #tpu.memory_space<vmem>>, vector<1x16xi32>,
        %get3A_298 = arith.index_cast %rem3A_149 : i32 to index
        %get3A_299 = arith.constant 80 : index
        %get3A_300 = tpu.vector_load %arg7[%get3A_298, %get3A_299] {strides = array<i32>} : memref<7x128xi32, #tpu.memory_space<vmem>>, vector<1x16xi32>,
        %get3A_301 = vector.shape_cast %get3A_300 : vector<1x16xi32> to vector<16xi32>
        %get3A_302 = arith.index_cast %rem3A_149 : i32 to index
        %get3A_303 = arith.constant 80 : index
        %get3A_304 = tpu.vector_load %arg8[%get3A_302, %get3A_303] {strides = array<i32>} : memref<7x128xi32, #tpu.memory_space<vmem>>, vector<1x16xi32>,
        %get3A_305 = vector.shape_cast %get3A_304 : vector<1x16xi32> to vector<16xi32>
        %eq3A_306 = arith.cmpi eq, %get3A_301, %get3A_305 : vector<16xi32>
        %add3A_307 = arith.constant 10000 : i32
        %add3A_308 = vector.broadcast %add3A_307 : i32 to vector<16xi32>
        %add3A_309 = arith.addi %get3A_301, %add3A_308 : vector<16xi32>
        %select_n3A_310 = arith.select %eq3A_306, %add3A_309, %get3A_301 : vector<16xi1>, vector<16xi32>
        %swap3A_311 = arith.index_cast %rem3A_149 : i32 to index
        %swap3A_312 = arith.constant 80 : index
        %swap3A_313 = tpu.vector_load %arg9[%swap3A_311, %swap3A_312] {strides = array<i32>} : memref<7x128xi32, #tpu.memory_space<vmem>>, vector<1x16xi32>,
        %swap3A_314 = vector.shape_cast %swap3A_313 : vector<1x16xi32> to vector<16xi32>
        %swap3A_315 = vector.shape_cast %select_n3A_310 : vector<16xi32> to vector<1x16xi32>
        tpu.vector_store %arg9[%swap3A_311, %swap3A_312], %swap3A_315 {strides = array<i32>} : memref<7x128xi32, #tpu.memory_space<vmem>>, vector<1x16xi32>,
        %get3A_316 = arith.index_cast %rem3A_149 : i32 to index
        %get3A_317 = arith.constant 96 : index
        %get3A_318 = tpu.vector_load %arg7[%get3A_316, %get3A_317] {strides = array<i32>} : memref<7x128xi32, #tpu.memory_space<vmem>>, vector<1x16xi32>,
        %get3A_319 = vector.shape_cast %get3A_318 : vector<1x16xi32> to vector<16xi32>
        %get3A_320 = arith.index_cast %rem3A_149 : i32 to index
        %get3A_321 = arith.constant 96 : index
        %get3A_322 = tpu.vector_load %arg8[%get3A_320, %get3A_321] {strides = array<i32>} : memref<7x128xi32, #tpu.memory_space<vmem>>, vector<1x16xi32>,
        %get3A_323 = vector.shape_cast %get3A_322 : vector<1x16xi32> to vector<16xi32>
        %eq3A_324 = arith.cmpi eq, %get3A_319, %get3A_323 : vector<16xi32>
        %add3A_325 = arith.constant 10000 : i32
        %add3A_326 = vector.broadcast %add3A_325 : i32 to vector<16xi32>
        %add3A_327 = arith.addi %get3A_319, %add3A_326 : vector<16xi32>
        %select_n3A_328 = arith.select %eq3A_324, %add3A_327, %get3A_319 : vector<16xi1>, vector<16xi32>
        %swap3A_329 = arith.index_cast %rem3A_149 : i32 to index
        %swap3A_330 = arith.constant 96 : index
        %swap3A_331 = tpu.vector_load %arg9[%swap3A_329, %swap3A_330] {strides = array<i32>} : memref<7x128xi32, #tpu.memory_space<vmem>>, vector<1x16xi32>,
        %swap3A_332 = vector.shape_cast %swap3A_331 : vector<1x16xi32> to vector<16xi32>
        %swap3A_333 = vector.shape_cast %select_n3A_328 : vector<16xi32> to vector<1x16xi32>
        tpu.vector_store %arg9[%swap3A_329, %swap3A_330], %swap3A_333 {strides = array<i32>} : memref<7x128xi32, #tpu.memory_space<vmem>>, vector<1x16xi32>,
        %get3A_334 = arith.index_cast %rem3A_149 : i32 to index
        %get3A_335 = arith.constant 112 : index
        %get3A_336 = tpu.vector_load %arg7[%get3A_334, %get3A_335] {strides = array<i32>} : memref<7x128xi32, #tpu.memory_space<vmem>>, vector<1x16xi32>,
        %get3A_337 = vector.shape_cast %get3A_336 : vector<1x16xi32> to vector<16xi32>
        %get3A_338 = arith.index_cast %rem3A_149 : i32 to index
        %get3A_339 = arith.constant 112 : index
        %get3A_340 = tpu.vector_load %arg8[%get3A_338, %get3A_339] {strides = array<i32>} : memref<7x128xi32, #tpu.memory_space<vmem>>, vector<1x16xi32>,
        %get3A_341 = vector.shape_cast %get3A_340 : vector<1x16xi32> to vector<16xi32>
        %eq3A_342 = arith.cmpi eq, %get3A_337, %get3A_341 : vector<16xi32>
        %add3A_343 = arith.constant 10000 : i32
        %add3A_344 = vector.broadcast %add3A_343 : i32 to vector<16xi32>
        %add3A_345 = arith.addi %get3A_337, %add3A_344 : vector<16xi32>
        %select_n3A_346 = arith.select %eq3A_342, %add3A_345, %get3A_337 : vector<16xi1>, vector<16xi32>
        %swap3A_347 = arith.index_cast %rem3A_149 : i32 to index
        %swap3A_348 = arith.constant 112 : index
        %swap3A_349 = tpu.vector_load %arg9[%swap3A_347, %swap3A_348] {strides = array<i32>} : memref<7x128xi32, #tpu.memory_space<vmem>>, vector<1x16xi32>,
        %swap3A_350 = vector.shape_cast %swap3A_349 : vector<1x16xi32> to vector<16xi32>
        %swap3A_351 = vector.shape_cast %select_n3A_346 : vector<16xi32> to vector<1x16xi32>
        tpu.vector_store %arg9[%swap3A_347, %swap3A_348], %swap3A_351 {strides = array<i32>} : memref<7x128xi32, #tpu.memory_space<vmem>>, vector<1x16xi32>,
        %mul3A_352 = arith.constant 128 : i32
        %mul3A_353 = arith.muli %rem3A_149, %mul3A_352 : i32
        %dma_start3A_354 = arith.constant 0 : i32
        %dma_start3A_355 = tpu.memref_slice %arg10[%mul3A_353, %dma_start3A_354] : memref<896x128xf32, #tpu.memory_space<vmem>> -> memref<128x128xf32, #tpu.memory_space<vmem>>
        %dma_start3A_356 = arith.constant 0 : i32
        %dma_start3A_357 = tpu.memref_slice %arg9[%rem3A_149, %dma_start3A_356] : memref<7x128xi32, #tpu.memory_space<vmem>> -> memref<1x128xi32, #tpu.memory_space<vmem>>
        %dma_start3A_358 = tpu.memref_squeeze %dma_start3A_357 : memref<1x128xi32, #tpu.memory_space<vmem>> -> memref<128xi32, #tpu.memory_space<vmem>>
        %dma_start3A_359 = arith.constant 0 : i32
        %dma_start3A_360 = arith.constant 0 : i32
        %dma_start3A_361 = tpu.memref_slice %arg2[%dma_start3A_359, %dma_start3A_360] : memref<20000x128xf32, #tpu.memory_space<hbm>> -> memref<20000x128xf32, #tpu.memory_space<hbm>>
        %dma_start3A_362 = tpu.memref_slice %arg12[%rem3A_149] : memref<7x!tpu.dma_semaphore, #tpu.memory_space<semaphore_mem>> -> memref<1x!tpu.dma_semaphore, #tpu.memory_space<semaphore_mem>>
        %dma_start3A_363 = tpu.memref_squeeze %dma_start3A_362 : memref<1x!tpu.dma_semaphore, #tpu.memory_space<semaphore_mem>> -> memref<!tpu.dma_semaphore, #tpu.memory_space<semaphore_mem>>
        tpu.enqueue_indirect_dma source(%dma_start3A_361 : memref<20000x128xf32, #tpu.memory_space<hbm>>) target(%dma_start3A_355 : memref<128x128xf32, #tpu.memory_space<vmem>>) offsets(%dma_start3A_358 : memref<128xi32, #tpu.memory_space<vmem>>) semaphore(%dma_start3A_363 : memref<!tpu.dma_semaphore, #tpu.memory_space<semaphore_mem>>)
      } else {
      }
      %sub3A = arith.constant 2 : i32
      %sub3A_152 = arith.subi %scan3A_146, %sub3A : i32
      %ge3A = arith.constant 0 : i32
      %ge3A_153 = arith.cmpi sge, %sub3A_152, %ge3A : i32
      %lt3A_154 = arith.constant 10 : i32
      %lt3A_155 = arith.cmpi slt, %sub3A_152, %lt3A_154 : i32
      %and3A = arith.andi %ge3A_153, %lt3A_155 : i1
      %convert_element_type3A_156 = arith.extui %and3A : i1 to i32
      %cond3A_157 = arith.constant 0 : i32
      %cond3A_158 = arith.cmpi ne, %convert_element_type3A_156, %cond3A_157 : i32
      scf.if %cond3A_158 {
        %rem3A_177 = arith.constant 7 : i32
        %rem3A_178 = arith.remsi %sub3A_152, %rem3A_177 : i32
        %mul3A_179 = arith.constant 128 : i32
        %mul3A_180 = arith.muli %rem3A_178, %mul3A_179 : i32
        %dma_wait3A_181 = arith.constant 0 : i32
        %dma_wait3A_182 = tpu.memref_slice %arg10[%mul3A_180, %dma_wait3A_181] : memref<896x128xf32, #tpu.memory_space<vmem>> -> memref<128x128xf32, #tpu.memory_space<vmem>>
        %dma_wait3A_183 = arith.constant 0 : i32
        %dma_wait3A_184 = arith.constant 0 : i32
        %dma_wait3A_185 = tpu.memref_slice %arg6[%dma_wait3A_183, %dma_wait3A_184] : memref<40960x128xf32, #tpu.memory_space<hbm>> -> memref<128x128xf32, #tpu.memory_space<hbm>>
        %dma_wait3A_186 = tpu.memref_slice %arg12[%rem3A_178] : memref<7x!tpu.dma_semaphore, #tpu.memory_space<semaphore_mem>> -> memref<1x!tpu.dma_semaphore, #tpu.memory_space<semaphore_mem>>
        %dma_wait3A_187 = tpu.memref_squeeze %dma_wait3A_186 : memref<1x!tpu.dma_semaphore, #tpu.memory_space<semaphore_mem>> -> memref<!tpu.dma_semaphore, #tpu.memory_space<semaphore_mem>>
        %dma_wait3A_188 = arith.constant 0 : i32
        %dma_wait3A_189 = tpu.memref_slice %arg10[%mul3A_180, %dma_wait3A_188] : memref<896x128xf32, #tpu.memory_space<vmem>> -> memref<128x128xf32, #tpu.memory_space<vmem>>
        %dma_wait3A_190 = arith.constant 0 : i32
        %dma_wait3A_191 = arith.constant 0 : i32
        %dma_wait3A_192 = tpu.memref_slice %arg6[%dma_wait3A_190, %dma_wait3A_191] : memref<40960x128xf32, #tpu.memory_space<hbm>> -> memref<128x128xf32, #tpu.memory_space<hbm>>
        tpu.wait_dma2 semaphore(%dma_wait3A_187 : memref<!tpu.dma_semaphore, #tpu.memory_space<semaphore_mem>>) src(%dma_wait3A_192 : memref<128x128xf32, #tpu.memory_space<hbm>>) dst(%dma_wait3A_189 : memref<128x128xf32, #tpu.memory_space<vmem>>)
        %mul3A_193 = arith.constant 128 : i32
        %mul3A_194 = arith.muli %rem3A_178, %mul3A_193 : i32
        %dma_start3A_195 = arith.constant 0 : i32
        %dma_start3A_196 = tpu.memref_slice %arg10[%mul3A_194, %dma_start3A_195] : memref<896x128xf32, #tpu.memory_space<vmem>> -> memref<128x128xf32, #tpu.memory_space<vmem>>
        %dma_start3A_197 = arith.constant 0 : i32
        %dma_start3A_198 = tpu.memref_slice %arg8[%rem3A_178, %dma_start3A_197] : memref<7x128xi32, #tpu.memory_space<vmem>> -> memref<1x128xi32, #tpu.memory_space<vmem>>
        %dma_start3A_199 = tpu.memref_squeeze %dma_start3A_198 : memref<1x128xi32, #tpu.memory_space<vmem>> -> memref<128xi32, #tpu.memory_space<vmem>>
        %dma_start3A_200 = arith.constant 0 : i32
        %dma_start3A_201 = arith.constant 0 : i32
        %dma_start3A_202 = tpu.memref_slice %arg3[%dma_start3A_200, %dma_start3A_201] : memref<10000x128xf32, #tpu.memory_space<hbm>> -> memref<10000x128xf32, #tpu.memory_space<hbm>>
        %dma_start3A_203 = tpu.memref_slice %arg13[%rem3A_178] : memref<7x!tpu.dma_semaphore, #tpu.memory_space<semaphore_mem>> -> memref<1x!tpu.dma_semaphore, #tpu.memory_space<semaphore_mem>>
        %dma_start3A_204 = tpu.memref_squeeze %dma_start3A_203 : memref<1x!tpu.dma_semaphore, #tpu.memory_space<semaphore_mem>> -> memref<!tpu.dma_semaphore, #tpu.memory_space<semaphore_mem>>
        tpu.enqueue_indirect_dma source(%dma_start3A_202 : memref<10000x128xf32, #tpu.memory_space<hbm>>) target(%dma_start3A_196 : memref<128x128xf32, #tpu.memory_space<vmem>>) offsets(%dma_start3A_199 : memref<128xi32, #tpu.memory_space<vmem>>) semaphore(%dma_start3A_204 : memref<!tpu.dma_semaphore, #tpu.memory_space<semaphore_mem>>) {add = true}
      } else {
      }
      %sub3A_159 = arith.constant 4 : i32
      %sub3A_160 = arith.subi %scan3A_146, %sub3A_159 : i32
      %ge3A_161 = arith.constant 0 : i32
      %ge3A_162 = arith.cmpi sge, %sub3A_160, %ge3A_161 : i32
      %lt3A_163 = arith.constant 10 : i32
      %lt3A_164 = arith.cmpi slt, %sub3A_160, %lt3A_163 : i32
      %and3A_165 = arith.andi %ge3A_162, %lt3A_164 : i1
      %convert_element_type3A_166 = arith.extui %and3A_165 : i1 to i32
      %cond3A_167 = arith.constant 0 : i32
      %cond3A_168 = arith.cmpi ne, %convert_element_type3A_166, %cond3A_167 : i32
      scf.if %cond3A_168 {
        %rem3A_177 = arith.constant 7 : i32
        %rem3A_178 = arith.remsi %sub3A_160, %rem3A_177 : i32
        %mul3A_179 = arith.constant 128 : i32
        %mul3A_180 = arith.muli %rem3A_178, %mul3A_179 : i32
        %dma_wait3A_181 = arith.constant 0 : i32
        %dma_wait3A_182 = tpu.memref_slice %arg10[%mul3A_180, %dma_wait3A_181] : memref<896x128xf32, #tpu.memory_space<vmem>> -> memref<128x128xf32, #tpu.memory_space<vmem>>
        %dma_wait3A_183 = arith.constant 0 : i32
        %dma_wait3A_184 = arith.constant 0 : i32
        %dma_wait3A_185 = tpu.memref_slice %arg6[%dma_wait3A_183, %dma_wait3A_184] : memref<40960x128xf32, #tpu.memory_space<hbm>> -> memref<128x128xf32, #tpu.memory_space<hbm>>
        %dma_wait3A_186 = tpu.memref_slice %arg13[%rem3A_178] : memref<7x!tpu.dma_semaphore, #tpu.memory_space<semaphore_mem>> -> memref<1x!tpu.dma_semaphore, #tpu.memory_space<semaphore_mem>>
        %dma_wait3A_187 = tpu.memref_squeeze %dma_wait3A_186 : memref<1x!tpu.dma_semaphore, #tpu.memory_space<semaphore_mem>> -> memref<!tpu.dma_semaphore, #tpu.memory_space<semaphore_mem>>
        %dma_wait3A_188 = arith.constant 0 : i32
        %dma_wait3A_189 = tpu.memref_slice %arg10[%mul3A_180, %dma_wait3A_188] : memref<896x128xf32, #tpu.memory_space<vmem>> -> memref<128x128xf32, #tpu.memory_space<vmem>>
        %dma_wait3A_190 = arith.constant 0 : i32
        %dma_wait3A_191 = arith.constant 0 : i32
        %dma_wait3A_192 = tpu.memref_slice %arg6[%dma_wait3A_190, %dma_wait3A_191] : memref<40960x128xf32, #tpu.memory_space<hbm>> -> memref<128x128xf32, #tpu.memory_space<hbm>>
        tpu.wait_dma2 semaphore(%dma_wait3A_187 : memref<!tpu.dma_semaphore, #tpu.memory_space<semaphore_mem>>) src(%dma_wait3A_192 : memref<128x128xf32, #tpu.memory_space<hbm>>) dst(%dma_wait3A_189 : memref<128x128xf32, #tpu.memory_space<vmem>>)
        %mul3A_193 = arith.constant 128 : i32
        %mul3A_194 = arith.muli %rem3A_178, %mul3A_193 : i32
        %add3A_195 = arith.addi %mul3A_2, %sub3A_160 : i32
        %mul3A_196 = arith.constant 128 : i32
        %mul3A_197 = arith.muli %add3A_195, %mul3A_196 : i32
        %dma_start3A_198 = arith.constant 0 : i32
        %dma_start3A_199 = tpu.memref_slice %arg10[%mul3A_194, %dma_start3A_198] : memref<896x128xf32, #tpu.memory_space<vmem>> -> memref<128x128xf32, #tpu.memory_space<vmem>>
        %dma_start3A_200 = arith.constant 0 : i32
        %dma_start3A_201 = tpu.memref_slice %arg6[%mul3A_197, %dma_start3A_200] : memref<40960x128xf32, #tpu.memory_space<hbm>> -> memref<128x128xf32, #tpu.memory_space<hbm>>
        %dma_start3A_202 = tpu.memref_slice %arg14[%rem3A_178] : memref<7x!tpu.dma_semaphore, #tpu.memory_space<semaphore_mem>> -> memref<1x!tpu.dma_semaphore, #tpu.memory_space<semaphore_mem>>
        %dma_start3A_203 = tpu.memref_squeeze %dma_start3A_202 : memref<1x!tpu.dma_semaphore, #tpu.memory_space<semaphore_mem>> -> memref<!tpu.dma_semaphore, #tpu.memory_space<semaphore_mem>>
        %dma_start3A_204 = arith.constant 0 : i32
        %dma_start3A_205 = tpu.memref_slice %arg6[%mul3A_197, %dma_start3A_204] : memref<40960x128xf32, #tpu.memory_space<hbm>> -> memref<128x128xf32, #tpu.memory_space<hbm>>
        %dma_start3A_206 = arith.constant 0 : i32
        %dma_start3A_207 = tpu.memref_slice %arg10[%mul3A_194, %dma_start3A_206] : memref<896x128xf32, #tpu.memory_space<vmem>> -> memref<128x128xf32, #tpu.memory_space<vmem>>
        tpu.enqueue_dma source(%dma_start3A_207 : memref<128x128xf32, #tpu.memory_space<vmem>>) target(%dma_start3A_205 : memref<128x128xf32, #tpu.memory_space<hbm>>) target_semaphore(%dma_start3A_203 : memref<!tpu.dma_semaphore, #tpu.memory_space<semaphore_mem>>)
      } else {
      }
      %add3A_169 = arith.constant 1 : i32
      %add3A_170 = arith.addi %scan3A_146, %add3A_169 : i32
      %lt3A_171 = arith.constant 10 : i32
      %lt3A_172 = arith.cmpi slt, %add3A_170, %lt3A_171 : i32
      %convert_element_type3A_173 = arith.extui %lt3A_172 : i1 to i32
      %cond3A_174 = arith.constant 0 : i32
      %cond3A_175 = arith.cmpi ne, %convert_element_type3A_173, %cond3A_174 : i32
      scf.if %cond3A_175 {
        %add3A_177 = arith.constant 1 : i32
        %add3A_178 = arith.addi %scan3A_146, %add3A_177 : i32
        %rem3A_179 = arith.constant 7 : i32
        %rem3A_180 = arith.remsi %add3A_178, %rem3A_179 : i32
        %add3A_181 = arith.addi %mul3A_2, %add3A_178 : i32
        %dma_start3A_182 = arith.constant 0 : i32
        %dma_start3A_183 = tpu.memref_slice %arg7[%rem3A_180, %dma_start3A_182] : memref<7x128xi32, #tpu.memory_space<vmem>> -> memref<1x128xi32, #tpu.memory_space<vmem>>
        %dma_start3A_184 = tpu.memref_squeeze %dma_start3A_183 : memref<1x128xi32, #tpu.memory_space<vmem>> -> memref<128xi32, #tpu.memory_space<vmem>>
        %dma_start3A_185 = arith.constant 0 : i32
        %dma_start3A_186 = tpu.memref_slice %arg4[%add3A_181, %dma_start3A_185] : memref<320x128xi32, #tpu.memory_space<hbm>> -> memref<1x128xi32, #tpu.memory_space<hbm>>
        %dma_start3A_187 = tpu.memref_squeeze %dma_start3A_186 : memref<1x128xi32, #tpu.memory_space<hbm>> -> memref<128xi32, #tpu.memory_space<hbm>>
        %dma_start3A_188 = tpu.memref_slice %arg11[%rem3A_180] : memref<7x!tpu.dma_semaphore, #tpu.memory_space<semaphore_mem>> -> memref<1x!tpu.dma_semaphore, #tpu.memory_space<semaphore_mem>>
        %dma_start3A_189 = tpu.memref_squeeze %dma_start3A_188 : memref<1x!tpu.dma_semaphore, #tpu.memory_space<semaphore_mem>> -> memref<!tpu.dma_semaphore, #tpu.memory_space<semaphore_mem>>
        %dma_start3A_190 = arith.constant 0 : i32
        %dma_start3A_191 = tpu.memref_slice %arg7[%rem3A_180, %dma_start3A_190] : memref<7x128xi32, #tpu.memory_space<vmem>> -> memref<1x128xi32, #tpu.memory_space<vmem>>
        %dma_start3A_192 = tpu.memref_squeeze %dma_start3A_191 : memref<1x128xi32, #tpu.memory_space<vmem>> -> memref<128xi32, #tpu.memory_space<vmem>>
        %dma_start3A_193 = arith.constant 0 : i32
        %dma_start3A_194 = tpu.memref_slice %arg4[%add3A_181, %dma_start3A_193] : memref<320x128xi32, #tpu.memory_space<hbm>> -> memref<1x128xi32, #tpu.memory_space<hbm>>
        %dma_start3A_195 = tpu.memref_squeeze %dma_start3A_194 : memref<1x128xi32, #tpu.memory_space<hbm>> -> memref<128xi32, #tpu.memory_space<hbm>>
        tpu.enqueue_dma source(%dma_start3A_195 : memref<128xi32, #tpu.memory_space<hbm>>) target(%dma_start3A_192 : memref<128xi32, #tpu.memory_space<vmem>>) target_semaphore(%dma_start3A_189 : memref<!tpu.dma_semaphore, #tpu.memory_space<semaphore_mem>>)
        %add3A_196 = arith.addi %mul3A_2, %add3A_178 : i32
        %dma_start3A_197 = arith.constant 0 : i32
        %dma_start3A_198 = tpu.memref_slice %arg8[%rem3A_180, %dma_start3A_197] : memref<7x128xi32, #tpu.memory_space<vmem>> -> memref<1x128xi32, #tpu.memory_space<vmem>>
        %dma_start3A_199 = tpu.memref_squeeze %dma_start3A_198 : memref<1x128xi32, #tpu.memory_space<vmem>> -> memref<128xi32, #tpu.memory_space<vmem>>
        %dma_start3A_200 = arith.constant 0 : i32
        %dma_start3A_201 = tpu.memref_slice %arg5[%add3A_196, %dma_start3A_200] : memref<320x128xi32, #tpu.memory_space<hbm>> -> memref<1x128xi32, #tpu.memory_space<hbm>>
        %dma_start3A_202 = tpu.memref_squeeze %dma_start3A_201 : memref<1x128xi32, #tpu.memory_space<hbm>> -> memref<128xi32, #tpu.memory_space<hbm>>
        %dma_start3A_203 = tpu.memref_slice %arg11[%rem3A_180] : memref<7x!tpu.dma_semaphore, #tpu.memory_space<semaphore_mem>> -> memref<1x!tpu.dma_semaphore, #tpu.memory_space<semaphore_mem>>
        %dma_start3A_204 = tpu.memref_squeeze %dma_start3A_203 : memref<1x!tpu.dma_semaphore, #tpu.memory_space<semaphore_mem>> -> memref<!tpu.dma_semaphore, #tpu.memory_space<semaphore_mem>>
        %dma_start3A_205 = arith.constant 0 : i32
        %dma_start3A_206 = tpu.memref_slice %arg8[%rem3A_180, %dma_start3A_205] : memref<7x128xi32, #tpu.memory_space<vmem>> -> memref<1x128xi32, #tpu.memory_space<vmem>>
        %dma_start3A_207 = tpu.memref_squeeze %dma_start3A_206 : memref<1x128xi32, #tpu.memory_space<vmem>> -> memref<128xi32, #tpu.memory_space<vmem>>
        %dma_start3A_208 = arith.constant 0 : i32
        %dma_start3A_209 = tpu.memref_slice %arg5[%add3A_196, %dma_start3A_208] : memref<320x128xi32, #tpu.memory_space<hbm>> -> memref<1x128xi32, #tpu.memory_space<hbm>>
        %dma_start3A_210 = tpu.memref_squeeze %dma_start3A_209 : memref<1x128xi32, #tpu.memory_space<hbm>> -> memref<128xi32, #tpu.memory_space<hbm>>
        tpu.enqueue_dma source(%dma_start3A_210 : memref<128xi32, #tpu.memory_space<hbm>>) target(%dma_start3A_207 : memref<128xi32, #tpu.memory_space<vmem>>) target_semaphore(%dma_start3A_204 : memref<!tpu.dma_semaphore, #tpu.memory_space<semaphore_mem>>)
      } else {
      }
      %scan3A_176 = arith.constant 0 : i32
      scf.yield %scan3A_176 : i32
    }
    %scan3A_41 = arith.constant 14 : i32
    %dma_wait3A = arith.constant 2 : i32
    %dma_wait3A_42 = arith.constant 256 : i32
    %dma_wait3A_43 = arith.constant 0 : i32
    %dma_wait3A_44 = tpu.memref_slice %arg10[%dma_wait3A_42, %dma_wait3A_43] : memref<896x128xf32, #tpu.memory_space<vmem>> -> memref<128x128xf32, #tpu.memory_space<vmem>>
    %dma_wait3A_45 = arith.constant 0 : i32
    %dma_wait3A_46 = arith.constant 0 : i32
    %dma_wait3A_47 = tpu.memref_slice %arg6[%dma_wait3A_45, %dma_wait3A_46] : memref<40960x128xf32, #tpu.memory_space<hbm>> -> memref<128x128xf32, #tpu.memory_space<hbm>>
    %dma_wait3A_48 = tpu.memref_slice %arg14[%dma_wait3A] : memref<7x!tpu.dma_semaphore, #tpu.memory_space<semaphore_mem>> -> memref<1x!tpu.dma_semaphore, #tpu.memory_space<semaphore_mem>>
    %dma_wait3A_49 = tpu.memref_squeeze %dma_wait3A_48 : memref<1x!tpu.dma_semaphore, #tpu.memory_space<semaphore_mem>> -> memref<!tpu.dma_semaphore, #tpu.memory_space<semaphore_mem>>
    %dma_wait3A_50 = arith.constant 0 : i32
    %dma_wait3A_51 = arith.constant 0 : i32
    %dma_wait3A_52 = tpu.memref_slice %arg6[%dma_wait3A_50, %dma_wait3A_51] : memref<40960x128xf32, #tpu.memory_space<hbm>> -> memref<128x128xf32, #tpu.memory_space<hbm>>
    %dma_wait3A_53 = arith.constant 256 : i32
    %dma_wait3A_54 = arith.constant 0 : i32
    %dma_wait3A_55 = tpu.memref_slice %arg10[%dma_wait3A_53, %dma_wait3A_54] : memref<896x128xf32, #tpu.memory_space<vmem>> -> memref<128x128xf32, #tpu.memory_space<vmem>>
    tpu.wait_dma2 semaphore(%dma_wait3A_49 : memref<!tpu.dma_semaphore, #tpu.memory_space<semaphore_mem>>) src(%dma_wait3A_55 : memref<128x128xf32, #tpu.memory_space<vmem>>) dst(%dma_wait3A_52 : memref<128x128xf32, #tpu.memory_space<hbm>>)
    %dma_wait3A_56 = arith.constant 1 : i32
    %dma_wait3A_57 = arith.constant 128 : i32
    %dma_wait3A_58 = arith.constant 0 : i32
    %dma_wait3A_59 = tpu.memref_slice %arg10[%dma_wait3A_57, %dma_wait3A_58] : memref<896x128xf32, #tpu.memory_space<vmem>> -> memref<128x128xf32, #tpu.memory_space<vmem>>
    %dma_wait3A_60 = arith.constant 0 : i32
    %dma_wait3A_61 = arith.constant 0 : i32
    %dma_wait3A_62 = tpu.memref_slice %arg6[%dma_wait3A_60, %dma_wait3A_61] : memref<40960x128xf32, #tpu.memory_space<hbm>> -> memref<128x128xf32, #tpu.memory_space<hbm>>
    %dma_wait3A_63 = tpu.memref_slice %arg14[%dma_wait3A_56] : memref<7x!tpu.dma_semaphore, #tpu.memory_space<semaphore_mem>> -> memref<1x!tpu.dma_semaphore, #tpu.memory_space<semaphore_mem>>
    %dma_wait3A_64 = tpu.memref_squeeze %dma_wait3A_63 : memref<1x!tpu.dma_semaphore, #tpu.memory_space<semaphore_mem>> -> memref<!tpu.dma_semaphore, #tpu.memory_space<semaphore_mem>>
    %dma_wait3A_65 = arith.constant 0 : i32
    %dma_wait3A_66 = arith.constant 0 : i32
    %dma_wait3A_67 = tpu.memref_slice %arg6[%dma_wait3A_65, %dma_wait3A_66] : memref<40960x128xf32, #tpu.memory_space<hbm>> -> memref<128x128xf32, #tpu.memory_space<hbm>>
    %dma_wait3A_68 = arith.constant 128 : i32
    %dma_wait3A_69 = arith.constant 0 : i32
    %dma_wait3A_70 = tpu.memref_slice %arg10[%dma_wait3A_68, %dma_wait3A_69] : memref<896x128xf32, #tpu.memory_space<vmem>> -> memref<128x128xf32, #tpu.memory_space<vmem>>
    tpu.wait_dma2 semaphore(%dma_wait3A_64 : memref<!tpu.dma_semaphore, #tpu.memory_space<semaphore_mem>>) src(%dma_wait3A_70 : memref<128x128xf32, #tpu.memory_space<vmem>>) dst(%dma_wait3A_67 : memref<128x128xf32, #tpu.memory_space<hbm>>)
    %dma_wait3A_71 = arith.constant 0 : i32
    %dma_wait3A_72 = arith.constant 0 : i32
    %dma_wait3A_73 = arith.constant 0 : i32
    %dma_wait3A_74 = tpu.memref_slice %arg10[%dma_wait3A_72, %dma_wait3A_73] : memref<896x128xf32, #tpu.memory_space<vmem>> -> memref<128x128xf32, #tpu.memory_space<vmem>>
    %dma_wait3A_75 = arith.constant 0 : i32
    %dma_wait3A_76 = arith.constant 0 : i32
    %dma_wait3A_77 = tpu.memref_slice %arg6[%dma_wait3A_75, %dma_wait3A_76] : memref<40960x128xf32, #tpu.memory_space<hbm>> -> memref<128x128xf32, #tpu.memory_space<hbm>>
    %dma_wait3A_78 = tpu.memref_slice %arg14[%dma_wait3A_71] : memref<7x!tpu.dma_semaphore, #tpu.memory_space<semaphore_mem>> -> memref<1x!tpu.dma_semaphore, #tpu.memory_space<semaphore_mem>>
    %dma_wait3A_79 = tpu.memref_squeeze %dma_wait3A_78 : memref<1x!tpu.dma_semaphore, #tpu.memory_space<semaphore_mem>> -> memref<!tpu.dma_semaphore, #tpu.memory_space<semaphore_mem>>
    %dma_wait3A_80 = arith.constant 0 : i32
    %dma_wait3A_81 = arith.constant 0 : i32
    %dma_wait3A_82 = tpu.memref_slice %arg6[%dma_wait3A_80, %dma_wait3A_81] : memref<40960x128xf32, #tpu.memory_space<hbm>> -> memref<128x128xf32, #tpu.memory_space<hbm>>
    %dma_wait3A_83 = arith.constant 0 : i32
    %dma_wait3A_84 = arith.constant 0 : i32
    %dma_wait3A_85 = tpu.memref_slice %arg10[%dma_wait3A_83, %dma_wait3A_84] : memref<896x128xf32, #tpu.memory_space<vmem>> -> memref<128x128xf32, #tpu.memory_space<vmem>>
    tpu.wait_dma2 semaphore(%dma_wait3A_79 : memref<!tpu.dma_semaphore, #tpu.memory_space<semaphore_mem>>) src(%dma_wait3A_85 : memref<128x128xf32, #tpu.memory_space<vmem>>) dst(%dma_wait3A_82 : memref<128x128xf32, #tpu.memory_space<hbm>>)
    %dma_wait3A_86 = arith.constant 6 : i32
    %dma_wait3A_87 = arith.constant 768 : i32
    %dma_wait3A_88 = arith.constant 0 : i32
    %dma_wait3A_89 = tpu.memref_slice %arg10[%dma_wait3A_87, %dma_wait3A_88] : memref<896x128xf32, #tpu.memory_space<vmem>> -> memref<128x128xf32, #tpu.memory_space<vmem>>
    %dma_wait3A_90 = arith.constant 0 : i32
    %dma_wait3A_91 = arith.constant 0 : i32
    %dma_wait3A_92 = tpu.memref_slice %arg6[%dma_wait3A_90, %dma_wait3A_91] : memref<40960x128xf32, #tpu.memory_space<hbm>> -> memref<128x128xf32, #tpu.memory_space<hbm>>
    %dma_wait3A_93 = tpu.memref_slice %arg14[%dma_wait3A_86] : memref<7x!tpu.dma_semaphore, #tpu.memory_space<semaphore_mem>> -> memref<1x!tpu.dma_semaphore, #tpu.memory_space<semaphore_mem>>
    %dma_wait3A_94 = tpu.memref_squeeze %dma_wait3A_93 : memref<1x!tpu.dma_semaphore, #tpu.memory_space<semaphore_mem>> -> memref<!tpu.dma_semaphore, #tpu.memory_space<semaphore_mem>>
    %dma_wait3A_95 = arith.constant 0 : i32
    %dma_wait3A_96 = arith.constant 0 : i32
    %dma_wait3A_97 = tpu.memref_slice %arg6[%dma_wait3A_95, %dma_wait3A_96] : memref<40960x128xf32, #tpu.memory_space<hbm>> -> memref<128x128xf32, #tpu.memory_space<hbm>>
    %dma_wait3A_98 = arith.constant 768 : i32
    %dma_wait3A_99 = arith.constant 0 : i32
    %dma_wait3A_100 = tpu.memref_slice %arg10[%dma_wait3A_98, %dma_wait3A_99] : memref<896x128xf32, #tpu.memory_space<vmem>> -> memref<128x128xf32, #tpu.memory_space<vmem>>
    tpu.wait_dma2 semaphore(%dma_wait3A_94 : memref<!tpu.dma_semaphore, #tpu.memory_space<semaphore_mem>>) src(%dma_wait3A_100 : memref<128x128xf32, #tpu.memory_space<vmem>>) dst(%dma_wait3A_97 : memref<128x128xf32, #tpu.memory_space<hbm>>)
    %dma_wait3A_101 = arith.constant 5 : i32
    %dma_wait3A_102 = arith.constant 640 : i32
    %dma_wait3A_103 = arith.constant 0 : i32
    %dma_wait3A_104 = tpu.memref_slice %arg10[%dma_wait3A_102, %dma_wait3A_103] : memref<896x128xf32, #tpu.memory_space<vmem>> -> memref<128x128xf32, #tpu.memory_space<vmem>>
    %dma_wait3A_105 = arith.constant 0 : i32
    %dma_wait3A_106 = arith.constant 0 : i32
    %dma_wait3A_107 = tpu.memref_slice %arg6[%dma_wait3A_105, %dma_wait3A_106] : memref<40960x128xf32, #tpu.memory_space<hbm>> -> memref<128x128xf32, #tpu.memory_space<hbm>>
    %dma_wait3A_108 = tpu.memref_slice %arg14[%dma_wait3A_101] : memref<7x!tpu.dma_semaphore, #tpu.memory_space<semaphore_mem>> -> memref<1x!tpu.dma_semaphore, #tpu.memory_space<semaphore_mem>>
    %dma_wait3A_109 = tpu.memref_squeeze %dma_wait3A_108 : memref<1x!tpu.dma_semaphore, #tpu.memory_space<semaphore_mem>> -> memref<!tpu.dma_semaphore, #tpu.memory_space<semaphore_mem>>
    %dma_wait3A_110 = arith.constant 0 : i32
    %dma_wait3A_111 = arith.constant 0 : i32
    %dma_wait3A_112 = tpu.memref_slice %arg6[%dma_wait3A_110, %dma_wait3A_111] : memref<40960x128xf32, #tpu.memory_space<hbm>> -> memref<128x128xf32, #tpu.memory_space<hbm>>
    %dma_wait3A_113 = arith.constant 640 : i32
    %dma_wait3A_114 = arith.constant 0 : i32
    %dma_wait3A_115 = tpu.memref_slice %arg10[%dma_wait3A_113, %dma_wait3A_114] : memref<896x128xf32, #tpu.memory_space<vmem>> -> memref<128x128xf32, #tpu.memory_space<vmem>>
    tpu.wait_dma2 semaphore(%dma_wait3A_109 : memref<!tpu.dma_semaphore, #tpu.memory_space<semaphore_mem>>) src(%dma_wait3A_115 : memref<128x128xf32, #tpu.memory_space<vmem>>) dst(%dma_wait3A_112 : memref<128x128xf32, #tpu.memory_space<hbm>>)
    %dma_wait3A_116 = arith.constant 4 : i32
    %dma_wait3A_117 = arith.constant 512 : i32
    %dma_wait3A_118 = arith.constant 0 : i32
    %dma_wait3A_119 = tpu.memref_slice %arg10[%dma_wait3A_117, %dma_wait3A_118] : memref<896x128xf32, #tpu.memory_space<vmem>> -> memref<128x128xf32, #tpu.memory_space<vmem>>
    %dma_wait3A_120 = arith.constant 0 : i32
    %dma_wait3A_121 = arith.constant 0 : i32
    %dma_wait3A_122 = tpu.memref_slice %arg6[%dma_wait3A_120, %dma_wait3A_121] : memref<40960x128xf32, #tpu.memory_space<hbm>> -> memref<128x128xf32, #tpu.memory_space<hbm>>
    %dma_wait3A_123 = tpu.memref_slice %arg14[%dma_wait3A_116] : memref<7x!tpu.dma_semaphore, #tpu.memory_space<semaphore_mem>> -> memref<1x!tpu.dma_semaphore, #tpu.memory_space<semaphore_mem>>
    %dma_wait3A_124 = tpu.memref_squeeze %dma_wait3A_123 : memref<1x!tpu.dma_semaphore, #tpu.memory_space<semaphore_mem>> -> memref<!tpu.dma_semaphore, #tpu.memory_space<semaphore_mem>>
    %dma_wait3A_125 = arith.constant 0 : i32
    %dma_wait3A_126 = arith.constant 0 : i32
    %dma_wait3A_127 = tpu.memref_slice %arg6[%dma_wait3A_125, %dma_wait3A_126] : memref<40960x128xf32, #tpu.memory_space<hbm>> -> memref<128x128xf32, #tpu.memory_space<hbm>>
    %dma_wait3A_128 = arith.constant 512 : i32
    %dma_wait3A_129 = arith.constant 0 : i32
    %dma_wait3A_130 = tpu.memref_slice %arg10[%dma_wait3A_128, %dma_wait3A_129] : memref<896x128xf32, #tpu.memory_space<vmem>> -> memref<128x128xf32, #tpu.memory_space<vmem>>
    tpu.wait_dma2 semaphore(%dma_wait3A_124 : memref<!tpu.dma_semaphore, #tpu.memory_space<semaphore_mem>>) src(%dma_wait3A_130 : memref<128x128xf32, #tpu.memory_space<vmem>>) dst(%dma_wait3A_127 : memref<128x128xf32, #tpu.memory_space<hbm>>)
    %dma_wait3A_131 = arith.constant 3 : i32
    %dma_wait3A_132 = arith.constant 384 : i32
    %dma_wait3A_133 = arith.constant 0 : i32
    %dma_wait3A_134 = tpu.memref_slice %arg10[%dma_wait3A_132, %dma_wait3A_133] : memref<896x128xf32, #tpu.memory_space<vmem>> -> memref<128x128xf32, #tpu.memory_space<vmem>>
    %dma_wait3A_135 = arith.constant 0 : i32
    %dma_wait3A_136 = arith.constant 0 : i32
    %dma_wait3A_137 = tpu.memref_slice %arg6[%dma_wait3A_135, %dma_wait3A_136] : memref<40960x128xf32, #tpu.memory_space<hbm>> -> memref<128x128xf32, #tpu.memory_space<hbm>>
    %dma_wait3A_138 = tpu.memref_slice %arg14[%dma_wait3A_131] : memref<7x!tpu.dma_semaphore, #tpu.memory_space<semaphore_mem>> -> memref<1x!tpu.dma_semaphore, #tpu.memory_space<semaphore_mem>>
    %dma_wait3A_139 = tpu.memref_squeeze %dma_wait3A_138 : memref<1x!tpu.dma_semaphore, #tpu.memory_space<semaphore_mem>> -> memref<!tpu.dma_semaphore, #tpu.memory_space<semaphore_mem>>
    %dma_wait3A_140 = arith.constant 0 : i32
    %dma_wait3A_141 = arith.constant 0 : i32
    %dma_wait3A_142 = tpu.memref_slice %arg6[%dma_wait3A_140, %dma_wait3A_141] : memref<40960x128xf32, #tpu.memory_space<hbm>> -> memref<128x128xf32, #tpu.memory_space<hbm>>
    %dma_wait3A_143 = arith.constant 384 : i32
    %dma_wait3A_144 = arith.constant 0 : i32
    %dma_wait3A_145 = tpu.memref_slice %arg10[%dma_wait3A_143, %dma_wait3A_144] : memref<896x128xf32, #tpu.memory_space<vmem>> -> memref<128x128xf32, #tpu.memory_space<vmem>>
    tpu.wait_dma2 semaphore(%dma_wait3A_139 : memref<!tpu.dma_semaphore, #tpu.memory_space<semaphore_mem>>) src(%dma_wait3A_145 : memref<128x128xf32, #tpu.memory_space<vmem>>) dst(%dma_wait3A_142 : memref<128x128xf32, #tpu.memory_space<hbm>>)
    return
  }
}

module attributes {stable_mosaic.version = 14 : i64} {
  func.func @_proj_body(%arg0: i32, %arg1: memref<2000x128xf32, #tpu.memory_space<vmem>>, %arg2: memref<128x128xf32, #tpu.memory_space<vmem>>, %arg3: memref<128x128xf32, #tpu.memory_space<vmem>>, %arg4: memref<2x128xf32, #tpu.memory_space<vmem>>, %arg5: memref<2x2000x128xf32, #tpu.memory_space<vmem>>, %arg6: memref<2000x128xf32, #tpu.memory_space<vmem>>) attributes {dimension_semantics = [#tpu.dimension_semantics<arbitrary>], iteration_bounds = array<i64: 5>, scalar_prefetch = 0 : i64, scratch_operands = 0 : i64, tpu.core_type = #tpu.core_type<tc>, window_params = [{transform_indices = @transform_0, window_bounds = array<i64: 2000, 128>}, {pipeline_mode = #tpu.pipeline_mode<synchronous>, transform_indices = @transform_1, window_bounds = array<i64: 128, 128>}, {pipeline_mode = #tpu.pipeline_mode<synchronous>, transform_indices = @transform_2, window_bounds = array<i64: 128, 128>}, {pipeline_mode = #tpu.pipeline_mode<synchronous>, transform_indices = @transform_3, window_bounds = array<i64: 2, 128>}, {transform_indices = @transform_4, window_bounds = array<i64: 2, 2000, 128>}, {transform_indices = @transform_5, window_bounds = array<i64: 2000, 128>}]} {
    %get3A = arith.constant 0 : index
    %get3A_0 = arith.constant 0 : index
    %get3A_1 = vector.load %arg1[%get3A, %get3A_0] : memref<2000x128xf32, #tpu.memory_space<vmem>>, vector<2000x128xf32>
    %get3A_2 = arith.constant 0 : index
    %get3A_3 = arith.constant 0 : index
    %get3A_4 = vector.load %arg2[%get3A_2, %get3A_3] : memref<128x128xf32, #tpu.memory_space<vmem>>, vector<128x128xf32>
    %dot_general3A = arith.constant dense<0.000000e+00> : vector<2000x128xf32>
    %dot_general3A_5 = tpu.matmul %get3A_1, %get3A_4, %dot_general3A {dimension_numbers = #tpu.dot_dimension_numbers<[1], [0], [0], [1], [0, 0, 1, 1], [], []>, transpose_lhs_hint = false} : vector<2000x128xf32>, vector<128x128xf32>, vector<2000x128xf32> -> vector<2000x128xf32>
    %get3A_6 = arith.constant 0 : index
    %get3A_7 = arith.constant 0 : index
    %get3A_8 = vector.load %arg4[%get3A_6, %get3A_7] : memref<2x128xf32, #tpu.memory_space<vmem>>, vector<1x128xf32>
    %add3A = vector.broadcast %get3A_8 : vector<1x128xf32> to vector<2000x128xf32>
    %add3A_9 = arith.addf %dot_general3A_5, %add3A : vector<2000x128xf32>
    %swap3A = arith.constant 0 : index
    %swap3A_10 = arith.constant 0 : index
    %swap3A_11 = arith.constant 0 : index
    %swap3A_12 = vector.load %arg5[%swap3A, %swap3A_10, %swap3A_11] : memref<2x2000x128xf32, #tpu.memory_space<vmem>>, vector<1x2000x128xf32>
    %swap3A_13 = vector.shape_cast %swap3A_12 : vector<1x2000x128xf32> to vector<2000x128xf32>
    %swap3A_14 = vector.shape_cast %add3A_9 : vector<2000x128xf32> to vector<1x2000x128xf32>
    tpu.vector_store %arg5[%swap3A, %swap3A_10, %swap3A_11], %swap3A_14 {strides = array<i32>} : memref<2x2000x128xf32, #tpu.memory_space<vmem>>, vector<1x2000x128xf32>,
    %get3A_15 = arith.constant 1 : index
    %get3A_16 = arith.constant 0 : index
    %get3A_17 = vector.load %arg4[%get3A_15, %get3A_16] : memref<2x128xf32, #tpu.memory_space<vmem>>, vector<1x128xf32>
    %add3A_18 = vector.broadcast %get3A_17 : vector<1x128xf32> to vector<2000x128xf32>
    %add3A_19 = arith.addf %dot_general3A_5, %add3A_18 : vector<2000x128xf32>
    %swap3A_20 = arith.constant 1 : index
    %swap3A_21 = arith.constant 0 : index
    %swap3A_22 = arith.constant 0 : index
    %swap3A_23 = vector.load %arg5[%swap3A_20, %swap3A_21, %swap3A_22] : memref<2x2000x128xf32, #tpu.memory_space<vmem>>, vector<1x2000x128xf32>
    %swap3A_24 = vector.shape_cast %swap3A_23 : vector<1x2000x128xf32> to vector<2000x128xf32>
    %swap3A_25 = vector.shape_cast %add3A_19 : vector<2000x128xf32> to vector<1x2000x128xf32>
    tpu.vector_store %arg5[%swap3A_20, %swap3A_21, %swap3A_22], %swap3A_25 {strides = array<i32>} : memref<2x2000x128xf32, #tpu.memory_space<vmem>>, vector<1x2000x128xf32>,
    %get3A_26 = arith.constant 0 : index
    %get3A_27 = arith.constant 0 : index
    %get3A_28 = vector.load %arg3[%get3A_26, %get3A_27] : memref<128x128xf32, #tpu.memory_space<vmem>>, vector<128x128xf32>
    %dot_general3A_29 = arith.constant dense<0.000000e+00> : vector<2000x128xf32>
    %dot_general3A_30 = tpu.matmul %get3A_1, %get3A_28, %dot_general3A_29 {dimension_numbers = #tpu.dot_dimension_numbers<[1], [0], [0], [1], [0, 0, 1, 1], [], []>, transpose_lhs_hint = false} : vector<2000x128xf32>, vector<128x128xf32>, vector<2000x128xf32> -> vector<2000x128xf32>
    %swap3A_31 = arith.constant 0 : index
    %swap3A_32 = arith.constant 0 : index
    %swap3A_33 = vector.load %arg6[%swap3A_31, %swap3A_32] : memref<2000x128xf32, #tpu.memory_space<vmem>>, vector<2000x128xf32>
    tpu.vector_store %arg6[%swap3A_31, %swap3A_32], %dot_general3A_30 {strides = array<i32>} : memref<2000x128xf32, #tpu.memory_space<vmem>>, vector<2000x128xf32>,
    return
  }
  func.func @transform_0(%arg0: i32) -> (i32, i32) {
    %c0_i32 = arith.constant 0 : i32
    %c0_i32_0 = arith.constant 0 : i32
    return %arg0, %c0_i32 : i32, i32
  }
  func.func @transform_1(%arg0: i32) -> (i32, i32) {
    %c0_i32 = arith.constant 0 : i32
    %c0_i32_0 = arith.constant 0 : i32
    %c0_i32_1 = arith.constant 0 : i32
    return %c0_i32, %c0_i32_0 : i32, i32
  }
  func.func @transform_2(%arg0: i32) -> (i32, i32) {
    %c0_i32 = arith.constant 0 : i32
    %c0_i32_0 = arith.constant 0 : i32
    %c0_i32_1 = arith.constant 0 : i32
    return %c0_i32, %c0_i32_0 : i32, i32
  }
  func.func @transform_3(%arg0: i32) -> (i32, i32) {
    %c0_i32 = arith.constant 0 : i32
    %c0_i32_0 = arith.constant 0 : i32
    %c0_i32_1 = arith.constant 0 : i32
    return %c0_i32, %c0_i32_0 : i32, i32
  }
  func.func @transform_4(%arg0: i32) -> (i32, i32, i32) {
    %c0_i32 = arith.constant 0 : i32
    %c0_i32_0 = arith.constant 0 : i32
    %c0_i32_1 = arith.constant 0 : i32
    return %c0_i32, %arg0, %c0_i32_0 : i32, i32, i32
  }
  func.func @transform_5(%arg0: i32) -> (i32, i32) {
    %c0_i32 = arith.constant 0 : i32
    %c0_i32_0 = arith.constant 0 : i32
    return %arg0, %c0_i32 : i32, i32
  }
}

module attributes {stable_mosaic.version = 14 : i64} {
  func.func @_head_body_b(%arg0: i32, %arg1: memref<1280x128xf32, #tpu.memory_space<vmem>>, %arg2: memref<128x256xf32, #tpu.memory_space<vmem>>, %arg3: memref<1x256xf32, #tpu.memory_space<vmem>>, %arg4: memref<160000x128xf32, #tpu.memory_space<any>>, %arg5: memref<160000x128xf32, #tpu.memory_space<any>>, %arg6: memref<1280x128xf32, #tpu.memory_space<vmem>>, %arg7: memref<1280x128xf32, #tpu.memory_space<vmem>>) attributes {dimension_semantics = [#tpu.dimension_semantics<arbitrary>], iteration_bounds = array<i64: 32>, scalar_prefetch = 0 : i64, scratch_operands = 0 : i64, tpu.core_type = #tpu.core_type<tc>, window_params = [{transform_indices = @transform_0, window_bounds = array<i64: 1280, 128>}, {pipeline_mode = #tpu.pipeline_mode<synchronous>, transform_indices = @transform_1, window_bounds = array<i64: 128, 256>}, {pipeline_mode = #tpu.pipeline_mode<synchronous>, transform_indices = @transform_2, window_bounds = array<i64: 1, 256>}, {}, {}, {transform_indices = @transform_5, window_bounds = array<i64: 1280, 128>}, {transform_indices = @transform_6, window_bounds = array<i64: 1280, 128>}]} {
    %get3A = arith.constant 0 : index
    %get3A_0 = arith.constant 0 : index
    %get3A_1 = vector.load %arg1[%get3A, %get3A_0] : memref<1280x128xf32, #tpu.memory_space<vmem>>, vector<1280x128xf32>
    %get3A_2 = arith.constant 0 : index
    %get3A_3 = arith.constant 0 : index
    %get3A_4 = vector.load %arg2[%get3A_2, %get3A_3] : memref<128x256xf32, #tpu.memory_space<vmem>>, vector<128x256xf32>
    %get3A_5 = arith.constant 0 : index
    %get3A_6 = arith.constant 0 : index
    %get3A_7 = vector.load %arg3[%get3A_5, %get3A_6] : memref<1x256xf32, #tpu.memory_space<vmem>>, vector<1x256xf32>
    %neg3A = arith.constant 0.000000e+00 : f32
    %neg3A_8 = vector.broadcast %neg3A : f32 to vector<1280x128xf32>
    %neg3A_9 = arith.subf %neg3A_8, %get3A_1 : vector<1280x128xf32>
    %exp3A = math.exp %neg3A_9 : vector<1280x128xf32>
    %add3A = arith.constant 1.000000e+00 : f32
    %add3A_10 = vector.broadcast %add3A : f32 to vector<1280x128xf32>
    %add3A_11 = arith.addf %add3A_10, %exp3A : vector<1280x128xf32>
    %div3A = arith.constant 1.000000e+00 : f32
    %div3A_12 = vector.broadcast %div3A : f32 to vector<1280x128xf32>
    %div3A_13 = arith.divf %div3A_12, %add3A_11 : vector<1280x128xf32>
    %mul3A = arith.mulf %get3A_1, %div3A_13 : vector<1280x128xf32>
    %dot_general3A = arith.constant dense<0.000000e+00> : vector<1280x256xf32>
    %dot_general3A_14 = tpu.matmul %mul3A, %get3A_4, %dot_general3A {dimension_numbers = #tpu.dot_dimension_numbers<[1], [0], [0], [1], [0, 0, 1, 1], [], []>, transpose_lhs_hint = false} : vector<1280x128xf32>, vector<128x256xf32>, vector<1280x256xf32> -> vector<1280x256xf32>
    %add3A_15 = vector.broadcast %get3A_7 : vector<1x256xf32> to vector<1280x256xf32>
    %add3A_16 = arith.addf %dot_general3A_14, %add3A_15 : vector<1280x256xf32>
    %slice3A = vector.extract_strided_slice %add3A_16 {offsets = [0, 0], sizes = [1280, 128], strides = [1, 1]} : vector<1280x256xf32> to vector<1280x128xf32>
    %slice3A_17 = vector.extract_strided_slice %add3A_16 {offsets = [0, 128], sizes = [1280, 128], strides = [1, 1]} : vector<1280x256xf32> to vector<1280x128xf32>
    %exp3A_18 = math.exp %slice3A_17 : vector<1280x128xf32>
    %swap3A = arith.constant 0 : index
    %swap3A_19 = arith.constant 0 : index
    %swap3A_20 = vector.load %arg6[%swap3A, %swap3A_19] : memref<1280x128xf32, #tpu.memory_space<vmem>>, vector<1280x128xf32>
    tpu.vector_store %arg6[%swap3A, %swap3A_19], %slice3A {strides = array<i32>} : memref<1280x128xf32, #tpu.memory_space<vmem>>, vector<1280x128xf32>,
    %swap3A_21 = arith.constant 0 : index
    %swap3A_22 = arith.constant 0 : index
    %swap3A_23 = vector.load %arg7[%swap3A_21, %swap3A_22] : memref<1280x128xf32, #tpu.memory_space<vmem>>, vector<1280x128xf32>
    tpu.vector_store %arg7[%swap3A_21, %swap3A_22], %exp3A_18 {strides = array<i32>} : memref<1280x128xf32, #tpu.memory_space<vmem>>, vector<1280x128xf32>,
    return
  }
  func.func @transform_0(%arg0: i32) -> (i32, i32) {
    %c0_i32 = arith.constant 0 : i32
    %c0_i32_0 = arith.constant 0 : i32
    return %arg0, %c0_i32 : i32, i32
  }
  func.func @transform_1(%arg0: i32) -> (i32, i32) {
    %c0_i32 = arith.constant 0 : i32
    %c0_i32_0 = arith.constant 0 : i32
    %c0_i32_1 = arith.constant 0 : i32
    return %c0_i32, %c0_i32_0 : i32, i32
  }
  func.func @transform_2(%arg0: i32) -> (i32, i32) {
    %c0_i32 = arith.constant 0 : i32
    %c0_i32_0 = arith.constant 0 : i32
    %c0_i32_1 = arith.constant 0 : i32
    return %c0_i32, %c0_i32_0 : i32, i32
  }
  func.func @transform_5(%arg0: i32) -> (i32, i32) {
    %add3A = arith.constant 32 : i32
    %add3A_0 = arith.addi %arg0, %add3A : i32
    %c0_i32 = arith.constant 0 : i32
    %c0_i32_1 = arith.constant 0 : i32
    return %add3A_0, %c0_i32 : i32, i32
  }
  func.func @transform_6(%arg0: i32) -> (i32, i32) {
    %add3A = arith.constant 32 : i32
    %add3A_0 = arith.addi %arg0, %add3A : i32
    %c0_i32 = arith.constant 0 : i32
    %c0_i32_1 = arith.constant 0 : i32
    return %add3A_0, %c0_i32 : i32, i32
  }
}

module attributes {stable_mosaic.version = 14 : i64} {
  func.func @_head_body_a(%arg0: i32, %arg1: memref<1280x128xf32, #tpu.memory_space<vmem>>, %arg2: memref<128x256xf32, #tpu.memory_space<vmem>>, %arg3: memref<1x256xf32, #tpu.memory_space<vmem>>, %arg4: memref<1280x128xf32, #tpu.memory_space<vmem>>, %arg5: memref<1280x128xf32, #tpu.memory_space<vmem>>) attributes {dimension_semantics = [#tpu.dimension_semantics<arbitrary>], iteration_bounds = array<i64: 32>, scalar_prefetch = 0 : i64, scratch_operands = 0 : i64, tpu.core_type = #tpu.core_type<tc>, window_params = [{transform_indices = @transform_0, window_bounds = array<i64: 1280, 128>}, {pipeline_mode = #tpu.pipeline_mode<synchronous>, transform_indices = @transform_1, window_bounds = array<i64: 128, 256>}, {pipeline_mode = #tpu.pipeline_mode<synchronous>, transform_indices = @transform_2, window_bounds = array<i64: 1, 256>}, {transform_indices = @transform_3, window_bounds = array<i64: 1280, 128>}, {transform_indices = @transform_4, window_bounds = array<i64: 1280, 128>}]} {
    %get3A = arith.constant 0 : index
    %get3A_0 = arith.constant 0 : index
    %get3A_1 = vector.load %arg1[%get3A, %get3A_0] : memref<1280x128xf32, #tpu.memory_space<vmem>>, vector<1280x128xf32>
    %get3A_2 = arith.constant 0 : index
    %get3A_3 = arith.constant 0 : index
    %get3A_4 = vector.load %arg2[%get3A_2, %get3A_3] : memref<128x256xf32, #tpu.memory_space<vmem>>, vector<128x256xf32>
    %get3A_5 = arith.constant 0 : index
    %get3A_6 = arith.constant 0 : index
    %get3A_7 = vector.load %arg3[%get3A_5, %get3A_6] : memref<1x256xf32, #tpu.memory_space<vmem>>, vector<1x256xf32>
    %neg3A = arith.constant 0.000000e+00 : f32
    %neg3A_8 = vector.broadcast %neg3A : f32 to vector<1280x128xf32>
    %neg3A_9 = arith.subf %neg3A_8, %get3A_1 : vector<1280x128xf32>
    %exp3A = math.exp %neg3A_9 : vector<1280x128xf32>
    %add3A = arith.constant 1.000000e+00 : f32
    %add3A_10 = vector.broadcast %add3A : f32 to vector<1280x128xf32>
    %add3A_11 = arith.addf %add3A_10, %exp3A : vector<1280x128xf32>
    %div3A = arith.constant 1.000000e+00 : f32
    %div3A_12 = vector.broadcast %div3A : f32 to vector<1280x128xf32>
    %div3A_13 = arith.divf %div3A_12, %add3A_11 : vector<1280x128xf32>
    %mul3A = arith.mulf %get3A_1, %div3A_13 : vector<1280x128xf32>
    %dot_general3A = arith.constant dense<0.000000e+00> : vector<1280x256xf32>
    %dot_general3A_14 = tpu.matmul %mul3A, %get3A_4, %dot_general3A {dimension_numbers = #tpu.dot_dimension_numbers<[1], [0], [0], [1], [0, 0, 1, 1], [], []>, transpose_lhs_hint = false} : vector<1280x128xf32>, vector<128x256xf32>, vector<1280x256xf32> -> vector<1280x256xf32>
    %add3A_15 = vector.broadcast %get3A_7 : vector<1x256xf32> to vector<1280x256xf32>
    %add3A_16 = arith.addf %dot_general3A_14, %add3A_15 : vector<1280x256xf32>
    %slice3A = vector.extract_strided_slice %add3A_16 {offsets = [0, 0], sizes = [1280, 128], strides = [1, 1]} : vector<1280x256xf32> to vector<1280x128xf32>
    %slice3A_17 = vector.extract_strided_slice %add3A_16 {offsets = [0, 128], sizes = [1280, 128], strides = [1, 1]} : vector<1280x256xf32> to vector<1280x128xf32>
    %exp3A_18 = math.exp %slice3A_17 : vector<1280x128xf32>
    %swap3A = arith.constant 0 : index
    %swap3A_19 = arith.constant 0 : index
    %swap3A_20 = vector.load %arg4[%swap3A, %swap3A_19] : memref<1280x128xf32, #tpu.memory_space<vmem>>, vector<1280x128xf32>
    tpu.vector_store %arg4[%swap3A, %swap3A_19], %slice3A {strides = array<i32>} : memref<1280x128xf32, #tpu.memory_space<vmem>>, vector<1280x128xf32>,
    %swap3A_21 = arith.constant 0 : index
    %swap3A_22 = arith.constant 0 : index
    %swap3A_23 = vector.load %arg5[%swap3A_21, %swap3A_22] : memref<1280x128xf32, #tpu.memory_space<vmem>>, vector<1280x128xf32>
    tpu.vector_store %arg5[%swap3A_21, %swap3A_22], %exp3A_18 {strides = array<i32>} : memref<1280x128xf32, #tpu.memory_space<vmem>>, vector<1280x128xf32>,
    return
  }
  func.func @transform_0(%arg0: i32) -> (i32, i32) {
    %c0_i32 = arith.constant 0 : i32
    %c0_i32_0 = arith.constant 0 : i32
    return %arg0, %c0_i32 : i32, i32
  }
  func.func @transform_1(%arg0: i32) -> (i32, i32) {
    %c0_i32 = arith.constant 0 : i32
    %c0_i32_0 = arith.constant 0 : i32
    %c0_i32_1 = arith.constant 0 : i32
    return %c0_i32, %c0_i32_0 : i32, i32
  }
  func.func @transform_2(%arg0: i32) -> (i32, i32) {
    %c0_i32 = arith.constant 0 : i32
    %c0_i32_0 = arith.constant 0 : i32
    %c0_i32_1 = arith.constant 0 : i32
    return %c0_i32, %c0_i32_0 : i32, i32
  }
  func.func @transform_3(%arg0: i32) -> (i32, i32) {
    %c0_i32 = arith.constant 0 : i32
    %c0_i32_0 = arith.constant 0 : i32
    return %arg0, %c0_i32 : i32, i32
  }
  func.func @transform_4(%arg0: i32) -> (i32, i32) {
    %c0_i32 = arith.constant 0 : i32
    %c0_i32_0 = arith.constant 0 : i32
    return %arg0, %c0_i32 : i32, i32
  }
}

module attributes {stable_mosaic.version = 14 : i64} {
  func.func @_head_body_b(%arg0: i32, %arg1: memref<1280x128xf32, #tpu.memory_space<vmem>>, %arg2: memref<128x256xf32, #tpu.memory_space<vmem>>, %arg3: memref<1x256xf32, #tpu.memory_space<vmem>>, %arg4: memref<160000x128xf32, #tpu.memory_space<any>>, %arg5: memref<160000x128xf32, #tpu.memory_space<any>>, %arg6: memref<1280x128xf32, #tpu.memory_space<vmem>>, %arg7: memref<1280x128xf32, #tpu.memory_space<vmem>>) attributes {dimension_semantics = [#tpu.dimension_semantics<arbitrary>], iteration_bounds = array<i64: 32>, scalar_prefetch = 0 : i64, scratch_operands = 0 : i64, tpu.core_type = #tpu.core_type<tc>, window_params = [{transform_indices = @transform_0, window_bounds = array<i64: 1280, 128>}, {pipeline_mode = #tpu.pipeline_mode<synchronous>, transform_indices = @transform_1, window_bounds = array<i64: 128, 256>}, {pipeline_mode = #tpu.pipeline_mode<synchronous>, transform_indices = @transform_2, window_bounds = array<i64: 1, 256>}, {}, {}, {transform_indices = @transform_5, window_bounds = array<i64: 1280, 128>}, {transform_indices = @transform_6, window_bounds = array<i64: 1280, 128>}]} {
    %get3A = arith.constant 0 : index
    %get3A_0 = arith.constant 0 : index
    %get3A_1 = vector.load %arg1[%get3A, %get3A_0] : memref<1280x128xf32, #tpu.memory_space<vmem>>, vector<1280x128xf32>
    %get3A_2 = arith.constant 0 : index
    %get3A_3 = arith.constant 0 : index
    %get3A_4 = vector.load %arg2[%get3A_2, %get3A_3] : memref<128x256xf32, #tpu.memory_space<vmem>>, vector<128x256xf32>
    %get3A_5 = arith.constant 0 : index
    %get3A_6 = arith.constant 0 : index
    %get3A_7 = vector.load %arg3[%get3A_5, %get3A_6] : memref<1x256xf32, #tpu.memory_space<vmem>>, vector<1x256xf32>
    %neg3A = arith.constant 0.000000e+00 : f32
    %neg3A_8 = vector.broadcast %neg3A : f32 to vector<1280x128xf32>
    %neg3A_9 = arith.subf %neg3A_8, %get3A_1 : vector<1280x128xf32>
    %exp3A = math.exp %neg3A_9 : vector<1280x128xf32>
    %add3A = arith.constant 1.000000e+00 : f32
    %add3A_10 = vector.broadcast %add3A : f32 to vector<1280x128xf32>
    %add3A_11 = arith.addf %add3A_10, %exp3A : vector<1280x128xf32>
    %div3A = arith.constant 1.000000e+00 : f32
    %div3A_12 = vector.broadcast %div3A : f32 to vector<1280x128xf32>
    %div3A_13 = arith.divf %div3A_12, %add3A_11 : vector<1280x128xf32>
    %mul3A = arith.mulf %get3A_1, %div3A_13 : vector<1280x128xf32>
    %dot_general3A = arith.constant dense<0.000000e+00> : vector<1280x256xf32>
    %dot_general3A_14 = tpu.matmul %mul3A, %get3A_4, %dot_general3A {dimension_numbers = #tpu.dot_dimension_numbers<[1], [0], [0], [1], [0, 0, 1, 1], [], []>, transpose_lhs_hint = false} : vector<1280x128xf32>, vector<128x256xf32>, vector<1280x256xf32> -> vector<1280x256xf32>
    %add3A_15 = vector.broadcast %get3A_7 : vector<1x256xf32> to vector<1280x256xf32>
    %add3A_16 = arith.addf %dot_general3A_14, %add3A_15 : vector<1280x256xf32>
    %slice3A = vector.extract_strided_slice %add3A_16 {offsets = [0, 0], sizes = [1280, 128], strides = [1, 1]} : vector<1280x256xf32> to vector<1280x128xf32>
    %slice3A_17 = vector.extract_strided_slice %add3A_16 {offsets = [0, 128], sizes = [1280, 128], strides = [1, 1]} : vector<1280x256xf32> to vector<1280x128xf32>
    %exp3A_18 = math.exp %slice3A_17 : vector<1280x128xf32>
    %swap3A = arith.constant 0 : index
    %swap3A_19 = arith.constant 0 : index
    %swap3A_20 = vector.load %arg6[%swap3A, %swap3A_19] : memref<1280x128xf32, #tpu.memory_space<vmem>>, vector<1280x128xf32>
    tpu.vector_store %arg6[%swap3A, %swap3A_19], %slice3A {strides = array<i32>} : memref<1280x128xf32, #tpu.memory_space<vmem>>, vector<1280x128xf32>,
    %swap3A_21 = arith.constant 0 : index
    %swap3A_22 = arith.constant 0 : index
    %swap3A_23 = vector.load %arg7[%swap3A_21, %swap3A_22] : memref<1280x128xf32, #tpu.memory_space<vmem>>, vector<1280x128xf32>
    tpu.vector_store %arg7[%swap3A_21, %swap3A_22], %exp3A_18 {strides = array<i32>} : memref<1280x128xf32, #tpu.memory_space<vmem>>, vector<1280x128xf32>,
    return
  }
  func.func @transform_0(%arg0: i32) -> (i32, i32) {
    %c0_i32 = arith.constant 0 : i32
    %c0_i32_0 = arith.constant 0 : i32
    return %arg0, %c0_i32 : i32, i32
  }
  func.func @transform_1(%arg0: i32) -> (i32, i32) {
    %c0_i32 = arith.constant 0 : i32
    %c0_i32_0 = arith.constant 0 : i32
    %c0_i32_1 = arith.constant 0 : i32
    return %c0_i32, %c0_i32_0 : i32, i32
  }
  func.func @transform_2(%arg0: i32) -> (i32, i32) {
    %c0_i32 = arith.constant 0 : i32
    %c0_i32_0 = arith.constant 0 : i32
    %c0_i32_1 = arith.constant 0 : i32
    return %c0_i32, %c0_i32_0 : i32, i32
  }
  func.func @transform_5(%arg0: i32) -> (i32, i32) {
    %add3A = arith.constant 64 : i32
    %add3A_0 = arith.addi %arg0, %add3A : i32
    %c0_i32 = arith.constant 0 : i32
    %c0_i32_1 = arith.constant 0 : i32
    return %add3A_0, %c0_i32 : i32, i32
  }
  func.func @transform_6(%arg0: i32) -> (i32, i32) {
    %add3A = arith.constant 64 : i32
    %add3A_0 = arith.addi %arg0, %add3A : i32
    %c0_i32 = arith.constant 0 : i32
    %c0_i32_1 = arith.constant 0 : i32
    return %add3A_0, %c0_i32 : i32, i32
  }
}

module attributes {stable_mosaic.version = 14 : i64} {
  func.func @_head_body_b(%arg0: i32, %arg1: memref<1280x128xf32, #tpu.memory_space<vmem>>, %arg2: memref<128x256xf32, #tpu.memory_space<vmem>>, %arg3: memref<1x256xf32, #tpu.memory_space<vmem>>, %arg4: memref<160000x128xf32, #tpu.memory_space<any>>, %arg5: memref<160000x128xf32, #tpu.memory_space<any>>, %arg6: memref<1280x128xf32, #tpu.memory_space<vmem>>, %arg7: memref<1280x128xf32, #tpu.memory_space<vmem>>) attributes {dimension_semantics = [#tpu.dimension_semantics<arbitrary>], iteration_bounds = array<i64: 29>, scalar_prefetch = 0 : i64, scratch_operands = 0 : i64, tpu.core_type = #tpu.core_type<tc>, window_params = [{transform_indices = @transform_0, window_bounds = array<i64: 1280, 128>}, {pipeline_mode = #tpu.pipeline_mode<synchronous>, transform_indices = @transform_1, window_bounds = array<i64: 128, 256>}, {pipeline_mode = #tpu.pipeline_mode<synchronous>, transform_indices = @transform_2, window_bounds = array<i64: 1, 256>}, {}, {}, {transform_indices = @transform_5, window_bounds = array<i64: 1280, 128>}, {transform_indices = @transform_6, window_bounds = array<i64: 1280, 128>}]} {
    %get3A = arith.constant 0 : index
    %get3A_0 = arith.constant 0 : index
    %get3A_1 = vector.load %arg1[%get3A, %get3A_0] : memref<1280x128xf32, #tpu.memory_space<vmem>>, vector<1280x128xf32>
    %get3A_2 = arith.constant 0 : index
    %get3A_3 = arith.constant 0 : index
    %get3A_4 = vector.load %arg2[%get3A_2, %get3A_3] : memref<128x256xf32, #tpu.memory_space<vmem>>, vector<128x256xf32>
    %get3A_5 = arith.constant 0 : index
    %get3A_6 = arith.constant 0 : index
    %get3A_7 = vector.load %arg3[%get3A_5, %get3A_6] : memref<1x256xf32, #tpu.memory_space<vmem>>, vector<1x256xf32>
    %neg3A = arith.constant 0.000000e+00 : f32
    %neg3A_8 = vector.broadcast %neg3A : f32 to vector<1280x128xf32>
    %neg3A_9 = arith.subf %neg3A_8, %get3A_1 : vector<1280x128xf32>
    %exp3A = math.exp %neg3A_9 : vector<1280x128xf32>
    %add3A = arith.constant 1.000000e+00 : f32
    %add3A_10 = vector.broadcast %add3A : f32 to vector<1280x128xf32>
    %add3A_11 = arith.addf %add3A_10, %exp3A : vector<1280x128xf32>
    %div3A = arith.constant 1.000000e+00 : f32
    %div3A_12 = vector.broadcast %div3A : f32 to vector<1280x128xf32>
    %div3A_13 = arith.divf %div3A_12, %add3A_11 : vector<1280x128xf32>
    %mul3A = arith.mulf %get3A_1, %div3A_13 : vector<1280x128xf32>
    %dot_general3A = arith.constant dense<0.000000e+00> : vector<1280x256xf32>
    %dot_general3A_14 = tpu.matmul %mul3A, %get3A_4, %dot_general3A {dimension_numbers = #tpu.dot_dimension_numbers<[1], [0], [0], [1], [0, 0, 1, 1], [], []>, transpose_lhs_hint = false} : vector<1280x128xf32>, vector<128x256xf32>, vector<1280x256xf32> -> vector<1280x256xf32>
    %add3A_15 = vector.broadcast %get3A_7 : vector<1x256xf32> to vector<1280x256xf32>
    %add3A_16 = arith.addf %dot_general3A_14, %add3A_15 : vector<1280x256xf32>
    %slice3A = vector.extract_strided_slice %add3A_16 {offsets = [0, 0], sizes = [1280, 128], strides = [1, 1]} : vector<1280x256xf32> to vector<1280x128xf32>
    %slice3A_17 = vector.extract_strided_slice %add3A_16 {offsets = [0, 128], sizes = [1280, 128], strides = [1, 1]} : vector<1280x256xf32> to vector<1280x128xf32>
    %exp3A_18 = math.exp %slice3A_17 : vector<1280x128xf32>
    %swap3A = arith.constant 0 : index
    %swap3A_19 = arith.constant 0 : index
    %swap3A_20 = vector.load %arg6[%swap3A, %swap3A_19] : memref<1280x128xf32, #tpu.memory_space<vmem>>, vector<1280x128xf32>
    tpu.vector_store %arg6[%swap3A, %swap3A_19], %slice3A {strides = array<i32>} : memref<1280x128xf32, #tpu.memory_space<vmem>>, vector<1280x128xf32>,
    %swap3A_21 = arith.constant 0 : index
    %swap3A_22 = arith.constant 0 : index
    %swap3A_23 = vector.load %arg7[%swap3A_21, %swap3A_22] : memref<1280x128xf32, #tpu.memory_space<vmem>>, vector<1280x128xf32>
    tpu.vector_store %arg7[%swap3A_21, %swap3A_22], %exp3A_18 {strides = array<i32>} : memref<1280x128xf32, #tpu.memory_space<vmem>>, vector<1280x128xf32>,
    return
  }
  func.func @transform_0(%arg0: i32) -> (i32, i32) {
    %c0_i32 = arith.constant 0 : i32
    %c0_i32_0 = arith.constant 0 : i32
    return %arg0, %c0_i32 : i32, i32
  }
  func.func @transform_1(%arg0: i32) -> (i32, i32) {
    %c0_i32 = arith.constant 0 : i32
    %c0_i32_0 = arith.constant 0 : i32
    %c0_i32_1 = arith.constant 0 : i32
    return %c0_i32, %c0_i32_0 : i32, i32
  }
  func.func @transform_2(%arg0: i32) -> (i32, i32) {
    %c0_i32 = arith.constant 0 : i32
    %c0_i32_0 = arith.constant 0 : i32
    %c0_i32_1 = arith.constant 0 : i32
    return %c0_i32, %c0_i32_0 : i32, i32
  }
  func.func @transform_5(%arg0: i32) -> (i32, i32) {
    %add3A = arith.constant 96 : i32
    %add3A_0 = arith.addi %arg0, %add3A : i32
    %c0_i32 = arith.constant 0 : i32
    %c0_i32_1 = arith.constant 0 : i32
    return %add3A_0, %c0_i32 : i32, i32
  }
  func.func @transform_6(%arg0: i32) -> (i32, i32) {
    %add3A = arith.constant 96 : i32
    %add3A_0 = arith.addi %arg0, %add3A : i32
    %c0_i32 = arith.constant 0 : i32
    %c0_i32_1 = arith.constant 0 : i32
    return %add3A_0, %c0_i32 : i32, i32
  }
}

</mosaic_0001>

<sc_bundles>
// kernel: kernel.11.cloned.1.call-start
scs
__scs_entry_jumppad:
0x0: {  	(pc) =	sbr.rel $0x88, $3  }
0x1: {  	(tag) =	ssettag $0x0;
	lr =	simm.s32 $0x1  }
0x2: {  	[smem:$0x3F99] =	sst lr;
	_ =	strace $0xD0000000  }
0x3: {  	_ = 	snop  }
0x4: {  	_ = 	snop  }
0x5: {  	_ = 	snop  }
0x6: {  	_ = 	snop  }
0x7: {  	_ = 	snop  }
__scs_overlays_trampoline_lowered:
0x8: {  	[smem:$0x3FA8] =	sst s0  }
0x9: {  	[smem:$0x3FA9] =	sst s1  }
0xa: {  	[smem:$0x3FAA] =	sst s2  }
0xb: {  	[smem:$0x3FAB] =	sst s3  }
0xc: {  	[smem:$0x3FAC] =	sst s4  }
0xd: {  	[smem:$0x3FAD] =	sst s5  }
0xe: {  	[smem:$0x3FAE] =	sst s6  }
0xf: {  	[smem:$0x3FAF] =	sst s7  }
0x10: {  	[smem:$0x3FB0] =	sst s8  }
0x11: {  	[smem:$0x3FB1] =	sst s9;
	s0 =	simm.s32 @!p0 $0x0  }
0x12: {  	s1 =	sld [smem:$0x3F97];
	s0 =	simm.s32 @p0 $0x1  }
0x13: {  	[smem:$0x3FB2] =	sst s0;
	s0 =	simm.s32 @!p1 $0x0  }
0x14: {  	s2 =	sld [smem:$0x3F96];
	s0 =	simm.s32 @p1 $0x1  }
0x15: {  	[smem:$0x3FB3] =	sst s0;
	s0 =	simm.s32 @!p2 $0x0  }
0x16: {  	s3 =	sld [smem:$0x3FDB];
	s0 =	simm.s32 @p2 $0x1  }
0x17: {  	s4 =	simm.s32 $0x1BF5;
	[smem:$0x3FB5] =	sst s0  }
0x18: {  	s0 =	sld [smem:$0x3F98];
	_ =	swait.ge [sflag:s4], $0x0  }
0x19: {  	s7 =	sld [smem:$0x3F99]  }
0x1a: {  	s8 =	sadd.s32 $0xFFFFE003, lr  }
0x1b: {  	s9 =	sadd.s32 $0xFFFFFEF7, lr;
	s5 =	simm.s32 $0xFFFFFFFF;
	p2 =	slt.u32 s8, $0xFFFFF086  }
0x1c: {  	p1 =	slt.u32 s9, $0xF7A;
	s5 =	simm.s32 @!p2 $0x0  }
0x1d: {  	s5 =	simm.s32 @p1 $0x1;
	p0 =	seq.s32 s7, s2  }
0x1e: {  	s7 =	smul.u32 @!p0 $0xF7A, s2;
	p2 =	seq.s32 @!p0 s5, $0x0  }
0x1f: {  	s9 =	smul.u32 $0xF7A, s1;
	s8 =	simm.s32 @!p0 $0x1BF5;
	p2 =	por !p2, p0  }
0x20: {  	[sflag:s8] =	ssyncset.s32 @!p0 $0xFFFFF086;
	s6 =	sadd.s32 @!p0 s3, s7;
	s7 =	simm.s32 @!p0 $0x108  }
0x21: {  	s3 =	sadd.s32 s3, s9;
	s6 =	sadd.s32 @!p0 $0x88, s6;
	s7 =	simm.s32 @p2 $0x1082  }
0x22: {  	[simem:s7], [sflag:s8] =	dma.local @!p0 [hbm:s6], $0xF7A  }
0x23: {  	s9 =	sor.u32 $0xD0000000, s2;
	s6 =	simm.s32 $0x108;
	_ =	swait.ge @!p0 [sflag:s8], $0x0  }
0x24: {  	s3 =	sadd.s32 $0x88, s3;
	s6 =	simm.s32 @!p1 $0x1082;
	[sflag:s4] =	ssyncset.s32 $0xFFFFF086  }
0x25: {  	[simem:s6], [sflag:s4] =	dma.local [hbm:s3], $0xF7A  }
0x26: {  	[smem:$0x3F99] =	sst s1;
	(tag) =	ssettag s2;
	_ =	strace s9  }
0x27: {  	s1 =	sld [smem:$0x3FA9]  }
0x28: {  	s2 =	sld [smem:$0x3FAA]  }
0x29: {  	s4 =	sld [smem:$0x3FAC]  }
0x2a: {  	p0 =	seq.s32 s5, $0x0;
	s5 =	sld [smem:$0x3FAD]  }
0x2b: {  	s6 =	sld [smem:$0x3FAE]  }
0x2c: {  	s7 =	sld [smem:$0x3FAF]  }
0x2d: {  	s3 =	simm.s32 $0x108;
	s8 =	sld [smem:$0x3FB0]  }
0x2e: {  	s3 =	simm.s32 @!p0 $0x1082;
	s9 =	sld [smem:$0x3FB1]  }
0x2f: {  	lr =	sadd.s32 s0, s3;
	s0 =	sld [smem:$0x3FA8]  }
0x30: {  	s3 =	sld [smem:$0x3FAB]  }
0x31: {  	[smem:$0x3FB4] =	sst s10  }
0x32: {  	s10 =	sld [smem:$0x3FB2];
	_ =	sdelay $0x3  }
0x33: {  	p0 =	seq.s32 s10, $0x1;
	s10 =	sld [smem:$0x3FB4];
	_ =	sdelay $0x3  }
0x34: {  	[smem:$0x3FB4] =	sst s10  }
0x35: {  	s10 =	sld [smem:$0x3FB3];
	_ =	sdelay $0x3  }
0x36: {  	p1 =	seq.s32 s10, $0x1;
	s10 =	sld [smem:$0x3FB4];
	_ =	sdelay $0x3  }
0x37: {  	[smem:$0x3FB4] =	sst s10  }
0x38: {  	s10 =	sld [smem:$0x3FB5]  }
0x39: {  	_ = 	snop;
	(pc) =	sbr.ind lr, $3  }
0x3a: {  	_ = 	snop  }
0x3b: {  	_ = 	snop  }
0x3c: {  	p2 =	seq.s32 s10, $0x1;
	s10 =	sld [smem:$0x3FB4]  }
0x3d: {  	_ =	shalt  }
0x3e: {  	_ =	shalt  }
0x3f: {  	_ =	shalt  }
0x40: {  	_ =	shalt  }
0x41: {  	_ =	shalt  }
0x42: {  	_ =	shalt  }
0x43: {  	_ =	shalt  }
0x44: {  	_ =	shalt  }
0x45: {  	_ =	shalt  }
0x46: {  	_ =	shalt  }
0x47: {  	_ =	shalt  }
0x48: {  	_ =	shalt  }
0x49: {  	_ =	shalt  }
0x4a: {  	_ =	shalt  }
0x4b: {  	_ =	shalt  }
0x4c: {  	_ =	shalt  }
0x4d: {  	_ =	shalt  }
0x4e: {  	_ =	shalt  }
0x4f: {  	_ =	shalt  }
0x50: {  	_ =	shalt  }
0x51: {  	_ =	shalt  }
0x52: {  	_ =	shalt  }
0x53: {  	_ =	shalt  }
0x54: {  	_ =	shalt  }
0x55: {  	_ =	shalt  }
0x56: {  	_ =	shalt  }
0x57: {  	_ =	shalt  }
0x58: {  	_ =	shalt  }
0x59: {  	_ =	shalt  }
0x5a: {  	_ =	shalt  }
0x5b: {  	_ =	shalt  }
0x5c: {  	_ =	shalt  }
0x5d: {  	_ =	shalt  }
0x5e: {  	_ =	shalt  }
0x5f: {  	_ =	shalt  }
0x60: {  	_ =	shalt  }
0x61: {  	_ =	shalt  }
0x62: {  	_ =	shalt  }
0x63: {  	_ =	shalt  }
0x64: {  	_ =	shalt  }
0x65: {  	_ =	shalt  }
0x66: {  	_ =	shalt  }
0x67: {  	_ =	shalt  }
0x68: {  	_ =	shalt  }
0x69: {  	_ =	shalt  }
0x6a: {  	_ =	shalt  }
0x6b: {  	_ =	shalt  }
0x6c: {  	_ =	shalt  }
0x6d: {  	_ =	shalt  }
0x6e: {  	_ =	shalt  }
0x6f: {  	_ =	shalt  }
0x70: {  	_ =	shalt  }
0x71: {  	_ =	shalt  }
0x72: {  	_ =	shalt  }
0x73: {  	_ =	shalt  }
0x74: {  	_ =	shalt  }
0x75: {  	_ =	shalt  }
0x76: {  	_ =	shalt  }
0x77: {  	_ =	shalt  }
0x78: {  	_ =	shalt  }
0x79: {  	_ =	shalt  }
0x7a: {  	_ =	shalt  }
0x7b: {  	_ =	shalt  }
0x7c: {  	_ =	shalt  }
0x7d: {  	_ =	shalt  }
0x7e: {  	_ =	shalt  }
0x7f: {  	_ =	shalt  }
0x80: {  	_ =	shalt  }
0x81: {  	_ =	shalt  }
0x82: {  	_ =	shalt  }
0x83: {  	_ =	shalt  }
0x84: {  	_ =	shalt  }
0x85: {  	_ =	shalt  }
0x86: {  	_ =	shalt  }
0x87: {  	_ =	shalt  }
.Lfunc_end0:
.L_simem_size_0:
called_computation_lowered:
.L_overlay_start_0:
0x88: {  	s2 =	sld [smem:$0x3FD9]  }
0x89: {  	s3 =	sld [smem:$0x3FFE];
	_ =	sdelay $0x1  }
0x8a: {  	s1 =	srdreg.scid  }
0x8b: {  	s0 =	sand.u32 $0x1, s1  }
0x8c: {  	s14 =	sshll.u32 s0, $0xA;
	s2 =	sadd.s32 s3, s2  }
0x8d: {  	s2 =	sadd.s32 s2, s14  }
0x8e: {  	[smem:$0x3FC0] =	sst s2  }
0x8f: {  	_ = 	snop  }
0x90: {  	s2 =	sld [smem:$0x3FD0];
	_ =	sdelay $0x2  }
0x91: {  	s15 =	simm.s32 $0xD;
	s4 =	simm.s32 $0x10  }
0x92: {  	[smem:s4], [sflag:s15] =	dma.local [hbm:s2], $0x1  }
0x93: {  	_ =	swait.eq [sflag:s15], $0x1  }
0x94: {  	[sflag:s15] =	ssyncset.done $0x0  }
0x95: {  	s16 =	sld [smem:$0x10];
	[sflag:s15] =	ssyncadd.s32 $0xFFFFFFFF  }
0x96: {  	s17 =	sld [smem:$0x11];
	(tm) =	ssettm $0x1  }
0x97: {  	s18 =	sld [smem:$0x3FFB];
	_ =	sdelay $0x3  }
0x98: {  	_ =	strace s18  }
0x99: {  	s4 =	sld [smem:$0x3FFC];
	_ =	sdelay $0x3  }
0x9a: {  	_ =	strace s4  }
0x9b: {  	s4 =	sld [smem:$0x3FFD];
	_ =	sdelay $0x3  }
0x9c: {  	_ =	strace s4  }
0x9d: {  	_ =	strace $0x8FFFFFFF  }
0x9e: {  	s19 =	sld [smem:$0x3FDB];
	_ =	sdelay $0x1  }
0x9f: {  	s5 =	simm.s32 $_scs_section_size  }
0xa0: {  	s6 =	simm.s32 $_size__tile_overlayer_lowered;
	s7 =	simm.s32 $_tile_overlayer_lowered  }
0xa1: {  	s22 =	simm.s32 $0x1BFF;
	s21 =	sshll.u32 s7, $0x1;
	s4 =	sadd.s32 s5, s19  }
0xa2: {  	s8 =	simm.s32 $0x0;
	s20 =	sshll.u32 s6, $0x1;
	s6 =	sadd.s32 s21, s4  }
0xa3: {  	[timem:s8], [sflag:s22] =	dma.local [hbm:s6], s20  }
0xa4: {  	_ =	swait.ge [sflag:s22], s20  }
0xa5: {  	s5 =	ssub.s32 $0x0, s20;
	[sflag:s22] =	ssyncset.done $0x0  }
0xa6: {  	[sflag:s22] =	ssyncadd.s32 s5;
	_ =	sdelay $0x1  }
0xa7: {  	s23 =	simm.s32 $0x1B8B  }
0xa8: {  	_ =	swait.ge [sflag:s23], $0x1  }
0xa9: {  	[sflag:s23] =	ssyncset.done $0x0  }
0xaa: {  	s25 =	simm.s32 $0x1B8E;
	s24 =	sld [smem:$0x3FFE];
	[sflag:s23] =	ssyncadd.s32 $0xFFFFFFFF  }
0xab: {  	s26 =	simm.s32 $execute0_lowered;
	[smem:$0x3FD2] =	sst s25  }
0xac: {  	s6 =	sshll.u32 s26, $0x1;
	_ =	strace $0x80000046;
	[dreg:$0x1] =	wrdreg $0xFFFFFFFF  }
0xad: {  	s28 =	simm.s32 $_size_execute0_lowered;
	s4 =	sadd.s32 s4, s6;
	[dreg:$0x0] =	wrdreg $0x0  }
0xae: {  	s6 =	sshll.u32 s28, $0x1;
	[dreg:$0x2] =	wrdreg s4  }
0xaf: {  	[dreg:$0x3] =	wrdreg s6  }
0xb0: {  	[dreg:$0x4] =	wrdreg $0xC0  }
0xb1: {  	_ =	task [dreg:s8], $0x5FFFF  }
0xb2: {  	[dreg:$0x1] =	wrdreg $0xFFFFFFFF  }
0xb3: {  	[dreg:$0x0] =	wrdreg $0x60  }
0xb4: {  	[dreg:$0x2] =	wrdreg s24  }
0xb5: {  	[dreg:$0x3] =	wrdreg s16  }
0xb6: {  	[dreg:$0x4] =	wrdreg s17  }
0xb7: {  	[dreg:$0x5] =	wrdreg $0x9  }
0xb8: {  	_ =	task.clear_ibuf [dreg:s8], $0x6FFFF;
	_ =	strace $0x90000046  }
0xb9: {  	s29 =	simm.s32 $0x9;
	_ =	strace $0x80000048  }
0xba: {  	_ =	swait.ge [sflag:s29], $0x1  }
0xbb: {  	[sflag:s29] =	ssyncadd.s32 $0xFFFFFFFF  }
0xbc: {  	_ =	strace $0x90000048  }
0xbd: {  	_ =	sfence  }
0xbe: {  	s30 =	sld [smem:$0x0];
	_ =	sdelay $0x2  }
0xbf: {  	s31 =	sshll.u32 s1, $0xD;
	s1 =	sshrl.u32 s1, $0x2  }
0xc0: {  	s3 =	sand.u32 $0x4000, s31;
	s1 =	sadd.s32 s1, s30  }
0xc1: {  	s0 =	sor.u32 s3, s0;
	s1 =	sshll.u32 s1, $0x11  }
0xc2: {  	s0 =	sor.u32 s1, s0  }
0xc3: {  	s0 =	sadd.s32 $0x8F2B, s0  }
0xc4: {  	[sflag:s0] =	ssyncadd.remote.s32 $0x1  }
0xc5: {  	_ =	sfence.sel $0xFFFF  }
0xc6: {  	[dreg:$0x0] =	wrdreg $0xFFFFFFFF;
	(pc) =	sbr.abs _section_cstart, $3  }
0xc7: {  	[dreg:$0x1] =	wrdreg $0xFFFFFFFF  }
0xc8: {  	_ =	task.clear_ibuf [dreg:s8], $0x2FFFF;
	_ =	strace $0x9FFFFFFF  }
0xc9: {  	(tm) =	ssettm $0x7FFFFFFF  }
tec
execute0_lowered:
.L_overlay_start_1:
0x0: {  	(tag) =	ssettag $0x1  }
0x1: {  	s7 =	rddreg [dreg:$0x0]  }
0x2: {  	s0 =	srdreg.scid;
	s2 =	rddreg [dreg:$0x1]  }
0x3: {  	s3 =	rddreg [dreg:$0x2];
	s1 =	stileid.u32;
	s4 =	simm.s32 $0x0  }
0x4: {  	s12 =	simm.s32 $0x400;
	s13 =	simm.s32 $0x80;
	s14 =	simm.s32 $0x18  }
0x5: {  	s15 =	simm.s32 $0x17;
	s16 =	simm.s32 $0x16;
	s17 =	simm.s32 $0x1C  }
0x6: {  	s18 =	simm.s32 $0x1B;
	s19 =	simm.s32 $0x1A;
	s8 =	sand.u32 $0x1, s0  }
0x7: {  	s20 =	simm.s32 $0x19;
	s0 =	rddreg [dreg:$0x3];
	s5 =	sshll.u32 s8, $0x4  }
0x8: {  	s21 =	simm.s32 $0x0;
	[smem:$0x7FF] =	sst s4;
	s9 =	sor.u32 s1, s5  }
0x9: {  	s10 =	sshll.u32 s1, $0x8;
	_ =	strace $0x80000047;
	s6 =	smul.u32 $0x500, s9  }
.Ltmp0:
0xa: {  	s10 =	sand.u32 $0x300, s10;
	s8 =	ssub.s32 $0x2, s8;
	(pc) =	sbr.rel .LBB2_1-.Ltmp0, $4  }
0xb: {  	s5 =	sadd.s32 $0x4600, s7;
	s31 =	sshrl.u32 s8, $0x1;
	s11 =	sand.u32 $0xFC00, s6  }
0xc: {  	s6 =	sadd.s32 $0x52800, s7;
	s7 =	sadd.s32 $0x3200, s7;
	s10 =	sor.u32 s10, s11  }
0xd: {  	s11 =	ssub.s32 s8, s31;
	s8 =	smul.u32 $0xA, s9;
	s10 =	sshrl.u32 s10, $0x3  }
0xe: {  	s11 =	smax.u32 s11, $0x1;
	s9 =	sadd.s32 s7, s10;
	s10 =	sadd.s32 s2, s10  }
.LBB2_9:
0xf: {  	_ =	swait.ge [sflag:s14], $0x4000  }
0x10: {  	[sflag:s14] =	ssyncset.done $0x0  }
0x11: {  	[sflag:s14] =	ssyncadd.s32 $0xFFFFC000  }
0x12: {  	_ =	swait.ge [sflag:s15], $0x4000  }
0x13: {  	[sflag:s15] =	ssyncset.done $0x0  }
0x14: {  	[sflag:s15] =	ssyncadd.s32 $0xFFFFC000  }
0x15: {  	_ =	swait.ge [sflag:s16], $0x4000  }
0x16: {  	[sflag:s16] =	ssyncset.done $0x0  }
0x17: {  	[sflag:s16] =	ssyncadd.s32 $0xFFFFC000  }
0x18: {  	_ =	swait.ge [sflag:s17], $0x4000  }
0x19: {  	[sflag:s17] =	ssyncset.done $0x0  }
0x1a: {  	[sflag:s17] =	ssyncadd.s32 $0xFFFFC000  }
0x1b: {  	_ =	swait.ge [sflag:s18], $0x4000  }
0x1c: {  	[sflag:s18] =	ssyncset.done $0x0  }
0x1d: {  	s21 =	sadd.s32 $0x1, s21;
	[sflag:s18] =	ssyncadd.s32 $0xFFFFC000  }
0x1e: {  	p0 =	sne.s32 s21, s11;
	_ =	swait.ge [sflag:s19], $0x4000  }
.Ltmp1:
0x1f: {  	[sflag:s19] =	ssyncset.done $0x0;
	(pc) =	sbr.rel @!p0 .LBB2_10-.Ltmp1, $4  }
0x20: {  	[sflag:s19] =	ssyncadd.s32 $0xFFFFC000  }
0x21: {  	_ =	swait.ge [sflag:s20], $0x4000  }
0x22: {  	[sflag:s20] =	ssyncset.done $0x0  }
0x23: {  	[sflag:s20] =	ssyncadd.s32 $0xFFFFC000  }
.LBB2_1:
.Ltmp2:
0x24: {  	(pc) =	sbr.rel .LBB2_2-.Ltmp2, $4  }
0x25: {  	_ = 	snop  }
0x26: {  	[tilespmem:s4], [sflag:$0x1] =	stream.linear.gather [hbm4b:s9+s4], $0x80, $0x38;
	[tilespmem:$0x1CC00] =	vst v63  }
0x27: {  	s22 =	simm.s32 $0x0  }
0x28: {  	[tilespmem:s12], [sflag:$0x1] =	stream.linear.gather [hbm4b:s10+s4], $0x80, $0x38;
	[tilespmem:$0x1CC00] =	vst v63  }
.LBB2_5:
0x29: {  	s23 =	sadd.s32 $0x1, s22  }
.LBB2_7:
0x2a: {  	s22 =	sadd.s32 s8, s23  }
0x2b: {  	s24 =	sadd.s32 $0xFFFFFFF9, s23;
	s22 =	sshll.u32 s22, $0x4  }
0x2c: {  	s24 =	smin.u32 s23, s24;
	s22 =	sand.u32 $0xFFFFFF0, s22  }
0x2d: {  	s25 =	sadd.s32 $0x1, s24;
	s24 =	sshll.u32 s24, $0x7;
	s26 =	sadd.s32 s7, s22  }
0x2e: {  	[tilespmem:s24], [sflag:s25] =	stream.linear.gather [hbm4b:s26+s4], $0x80, $0x38;
	[tilespmem:$0x1CC00] =	vst v63  }
0x2f: {  	s22 =	sadd.s32 s2, s22;
	s24 =	sadd.s32 $0x400, s24  }
0x30: {  	[tilespmem:s24], [sflag:s25] =	stream.linear.gather [hbm4b:s22+s4], $0x80, $0x38;
	[tilespmem:$0x1CC00] =	vst v63  }
0x31: {  	s22 =	smov.u32 s23  }
.LBB2_8:
0x32: {  	p0 =	slt.u32 s22, $0xE  }
.Ltmp3:
0x33: {  	_ = 	snop;
	(pc) =	sbr.rel @!p0 .LBB2_9-.Ltmp3, $1  }
0x34: {  	_ =	sdelay $0x3  }
.LBB2_2:
0x35: {  	p0 =	sgt.u32 s22, $0x9  }
.Ltmp4:
0x36: {  	_ = 	snop;
	(pc) =	sbr.rel @p0 .LBB2_4-.Ltmp4, $1  }
0x37: {  	_ =	sdelay $0x3  }
0x38: {  	s23 =	sadd.s32 $0xFFFFFFF9, s22;
	p0 =	slt.u32 s22, $0x7  }
0x39: {  	s24 =	sadd.s32 @!p0 $0x16, s23  }
0x3a: {  	_ =	swait.ge @!p0 [sflag:s24], $0x4000  }
0x3b: {  	s23 =	smin.u32 s22, s23;
	[sflag:s24] =	ssyncset.done @!p0 $0x0  }
0x3c: {  	s30 =	sadd.s32 $0x1, s23;
	[sflag:s24] =	ssyncadd.s32 @!p0 $0xFFFFC000  }
0x3d: {  	_ =	swait.ge [sflag:s30], $0x80  }
0x3e: {  	[sflag:s30] =	ssyncset.done $0x0  }
0x3f: {  	[sflag:s30] =	ssyncadd.s32 $0xFFFFFF80  }
0x40: {  	_ =	swait.ge [sflag:s30], $0x80  }
0x41: {  	[sflag:s30] =	ssyncset.done $0x0  }
0x42: {  	s31 =	sshll.u32 s23, $0x7;
	[sflag:s30] =	ssyncadd.s32 $0xFFFFFF80  }
0x43: {  	v0 =	vld [tilespmem:s31+$0x0]  }
0x44: {  	v1 =	vld [tilespmem:s31+$0x400]  }
0x45: {  	v2 =	vld [tilespmem:s31+$0x10]  }
0x46: {  	v3 =	vld [tilespmem:s31+$0x410]  }
0x47: {  	v4 =	vld [tilespmem:s31+$0x20]  }
0x48: {  	v5 =	vld [tilespmem:s31+$0x420]  }
0x49: {  	v6 =	vld [tilespmem:s31+$0x30]  }
0x4a: {  	v7 =	vld [tilespmem:s31+$0x430]  }
0x4b: {  	v8 =	vld [tilespmem:s31+$0x40]  }
0x4c: {  	v9 =	vld [tilespmem:s31+$0x440]  }
0x4d: {  	v10 =	vld [tilespmem:s31+$0x50]  }
0x4e: {  	v11 =	vld [tilespmem:s31+$0x450]  }
0x4f: {  	v12 =	vld [tilespmem:s31+$0x60]  }
0x50: {  	v13 =	vld [tilespmem:s31+$0x460];
	vm0 =	veq.s32 v0, v1;
	v47 =	vadd.s32 $0x2710, v0  }
0x51: {  	v49 =	vld [tilespmem:s31+$0x70];
	vm9 =	veq.s32 v2, v3;
	v48 =	vadd.s32 $0x2710, v2;
	v0 =	vsel vm0, v47, v0  }
0x52: {  	v52 =	vld [tilespmem:s31+$0x470];
	vm10 =	veq.s32 v4, v5;
	v51 =	vadd.s32 $0x2710, v4;
	v50 =	vsel vm9, v48, v2;
	[tilespmem:s31+$0x800] =	vst v0  }
0x53: {  	vm11 =	veq.s32 v6, v7;
	v54 =	vadd.s32 $0x2710, v6;
	v53 =	vsel vm10, v51, v4;
	[tilespmem:s31+$0x810] =	vst v50  }
0x54: {  	vm12 =	veq.s32 v8, v9;
	v56 =	vadd.s32 $0x2710, v8;
	v55 =	vsel vm11, v54, v6;
	[tilespmem:s31+$0x820] =	vst v53  }
0x55: {  	vm13 =	veq.s32 v10, v11;
	v58 =	vadd.s32 $0x2710, v10;
	v57 =	vsel vm12, v56, v8;
	[tilespmem:s31+$0x830] =	vst v55  }
0x56: {  	vm14 =	veq.s32 v12, v13;
	v60 =	vadd.s32 $0x2710, v12;
	v59 =	vsel vm13, v58, v10;
	[tilespmem:s31+$0x840] =	vst v57  }
0x57: {  	s25 =	sshll.u32 s23, $0xE;
	vm15 =	veq.s32 v49, v52;
	v62 =	vadd.s32 $0x2710, v49;
	v61 =	vsel vm14, v60, v12;
	[tilespmem:s31+$0x850] =	vst v59  }
0x58: {  	s25 =	sand.u32 $0x3FFFC000, s25;
	v63 =	vsel vm15, v62, v49;
	[tilespmem:s31+$0x860] =	vst v61  }
0x59: {  	s23 =	sadd.s32 $0x8, s23;
	s24 =	sadd.s32 $0x800, s31;
	s25 =	sor.u32 $0xC00, s25;
	[tilespmem:s31+$0x870] =	vst v63  }
0x5a: {  	[tilespmem:s25], [sflag:s23] =	stream.indirect.gather [hbm4b:s5+s13], $0x80, s24, s13, $0xb8;
	[tilespmem:$0x1CC00] =	vst v63  }
.LBB2_4:
0x5b: {  	s23 =	sadd.s32 $0xFFFFFFFE, s22  }
0x5c: {  	p0 =	sgt.u32 s23, $0x9  }
0x5d: {  	p1 =	slt.u32 @!p0 s22, $0x9  }
0x5e: {  	s24 =	sadd.s32 @!p0 $0xFFFFFFF7, s22;
	p1 =	por !p1, p0  }
0x5f: {  	s23 =	smov.u32 @p1 s24  }
0x60: {  	s24 =	sadd.s32 @!p0 $0x8, s23  }
0x61: {  	s25 =	sshll.u32 @!p0 s23, $0xE;
	_ =	swait.ge @!p0 [sflag:s24], $0x4000  }
0x62: {  	s26 =	sshll.u32 @!p0 s23, $0x7;
	s23 =	sadd.s32 @!p0 $0xF, s23;
	[sflag:s24] =	ssyncset.done @!p0 $0x0  }
0x63: {  	s25 =	sand.u32 @!p0 $0x3FFFC000, s25;
	[sflag:s24] =	ssyncadd.s32 @!p0 $0xFFFFC000;
	s24 =	sand.u32 @!p0 $0x3FFFFF80, s26  }
0x64: {  	s25 =	sor.u32 @!p0 $0xC00, s25;
	s26 =	simm.s32 @!p0 $0x80;
	s24 =	sadd.s32 @!p0 $0x400, s24  }
0x65: {  	[tilespmem:s25], [sflag:s23] =	stream.indirect.gather.add.f32 @!p0 [hbm:s6], $0x80, s24, s26, $0xb8;
	[tilespmem:$0x1CC00] =	vst v63  }
0x66: {  	s23 =	sadd.s32 $0xFFFFFFFC, s22  }
0x67: {  	p0 =	slt.u32 s23, $0xA  }
.Ltmp5:
0x68: {  	_ = 	snop;
	(pc) =	sbr.rel @!p0 .LBB2_5-.Ltmp5, $1  }
0x69: {  	_ =	sdelay $0x3  }
0x6a: {  	s24 =	sadd.s32 $0xFFFFFFF5, s22;
	p0 =	slt.u32 s22, $0xB;
	s30 =	sadd.s32 s8, s23  }
0x6b: {  	s24 =	smov.u32 @p0 s23;
	s23 =	sshll.u32 s30, $0xB;
	p0 =	sgt.u32 s22, $0x8  }
0x6c: {  	s25 =	sadd.s32 $0xF, s24;
	s26 =	sshll.u32 s24, $0xE;
	s23 =	sand.u32 $0x1FFFF800, s23  }
0x6d: {  	s24 =	sadd.s32 $0x16, s24;
	_ =	swait.ge [sflag:s25], $0x4000;
	s31 =	sand.u32 $0x3FFFC000, s26  }
.Ltmp6:
0x6e: {  	s23 =	sadd.s32 s3, s23;
	[sflag:s25] =	ssyncset.done $0x0;
	(pc) =	sbr.rel @p0 .LBB2_8-.Ltmp6, $4  }
.Ltmp7:
0x6f: {  	[sflag:s25] =	ssyncadd.s32 $0xFFFFC000;
	s25 =	sor.u32 $0xC00, s31;
	(pc) =	sbr.rel @!p0 .LBB2_7-.Ltmp7, $4  }
0x70: {  	[hbm4b:s23+s4] =	stream.linear.scatter [tilespmem:s25], [sflag:s24], $0x4000, $0x38;
	[tilespmem:$0x1CC00] =	vst v63  }
0x71: {  	s23 =	sadd.s32 $0x1, s22  }
0x72: {  	s22 =	smov.u32 s23  }
0x73: {  	_ = 	snop  }
.LBB2_10:
0x74: {  	_ =	sfence.sel $0x180000  }
0x75: {  	[bflag:$0x0] =	sbarrier.arrive $0xFFFF  }
0x76: {  	p0 =	sne.s32 s1, $0x0;
	_ =	strace $0x90000047  }
0x77: {  	s0 =	sadd.s32 @!p0 $0x100000, s0;
	[bflag:$0x2] =	sbarrier.arrive $0xFFFF  }
0x78: {  	[sflag:s0] =	ssyncadd.tile.s32 @!p0 $0x1;
	_ =	shalt  }
.Lfunc_end2:
_tile_overlayer_lowered:
.L_overlay_start_2:
0x79: {  	(tag) =	ssettag $0x2  }
0x7a: {  	s0 =	rddreg [dreg:$0x0];
	s2 =	stileid.u32  }
0x7b: {  	s1 =	rddreg [dreg:$0x1];
	p0 =	sne.s32 s2, $0x0  }
0x7c: {  	s3 =	rddreg [dreg:$0x2];
	[bflag:$0x3] =	sbarrier.arrive $0xFFFF;
	s2 =	simm.s32 @!p0 $0x1C1D  }
0x7d: {  	[timem:s3], [sflag:s2] =	dma.local @!p0 [hbm:s0], s1  }
0x7e: {  	s0 =	simm.s32 @!p0 $0x1D  }
0x7f: {  	_ =	swait.ge @!p0 [sflag:s0], s1  }
0x80: {  	s1 =	ssub.s32 @!p0 $0x0, s1;
	[sflag:s0] =	ssyncset.done @!p0 $0x0  }
0x81: {  	[sflag:s0] =	ssyncadd.s32 @!p0 s1  }
0x82: {  	[bflag:$0x3] =	sbarrier.arrive $0xFFFF  }
0x83: {  	_ =	shalt  }

// kernel: kernel.14.cloned.1.call-start
scs
__scs_entry_jumppad:
0x0: {  	(pc) =	sbr.rel $0x88, $3  }
0x1: {  	(tag) =	ssettag $0x0;
	lr =	simm.s32 $0x1  }
0x2: {  	[smem:$0x3F99] =	sst lr;
	_ =	strace $0xD0000000  }
0x3: {  	_ = 	snop  }
0x4: {  	_ = 	snop  }
0x5: {  	_ = 	snop  }
0x6: {  	_ = 	snop  }
0x7: {  	_ = 	snop  }
__scs_overlays_trampoline_lowered:
0x8: {  	[smem:$0x3FA8] =	sst s0  }
0x9: {  	[smem:$0x3FA9] =	sst s1  }
0xa: {  	[smem:$0x3FAA] =	sst s2  }
0xb: {  	[smem:$0x3FAB] =	sst s3  }
0xc: {  	[smem:$0x3FAC] =	sst s4  }
0xd: {  	[smem:$0x3FAD] =	sst s5  }
0xe: {  	[smem:$0x3FAE] =	sst s6  }
0xf: {  	[smem:$0x3FAF] =	sst s7  }
0x10: {  	[smem:$0x3FB0] =	sst s8  }
0x11: {  	[smem:$0x3FB1] =	sst s9;
	s0 =	simm.s32 @!p0 $0x0  }
0x12: {  	s1 =	sld [smem:$0x3F97];
	s0 =	simm.s32 @p0 $0x1  }
0x13: {  	[smem:$0x3FB2] =	sst s0;
	s0 =	simm.s32 @!p1 $0x0  }
0x14: {  	s2 =	sld [smem:$0x3F96];
	s0 =	simm.s32 @p1 $0x1  }
0x15: {  	[smem:$0x3FB3] =	sst s0;
	s0 =	simm.s32 @!p2 $0x0  }
0x16: {  	s3 =	sld [smem:$0x3FDB];
	s0 =	simm.s32 @p2 $0x1  }
0x17: {  	s4 =	simm.s32 $0x1BF5;
	[smem:$0x3FB5] =	sst s0  }
0x18: {  	s0 =	sld [smem:$0x3F98];
	_ =	swait.ge [sflag:s4], $0x0  }
0x19: {  	s7 =	sld [smem:$0x3F99]  }
0x1a: {  	s8 =	sadd.s32 $0xFFFFE003, lr  }
0x1b: {  	s9 =	sadd.s32 $0xFFFFFEF7, lr;
	s5 =	simm.s32 $0xFFFFFFFF;
	p2 =	slt.u32 s8, $0xFFFFF086  }
0x1c: {  	p1 =	slt.u32 s9, $0xF7A;
	s5 =	simm.s32 @!p2 $0x0  }
0x1d: {  	s5 =	simm.s32 @p1 $0x1;
	p0 =	seq.s32 s7, s2  }
0x1e: {  	s7 =	smul.u32 @!p0 $0xF7A, s2;
	p2 =	seq.s32 @!p0 s5, $0x0  }
0x1f: {  	s9 =	smul.u32 $0xF7A, s1;
	s8 =	simm.s32 @!p0 $0x1BF5;
	p2 =	por !p2, p0  }
0x20: {  	[sflag:s8] =	ssyncset.s32 @!p0 $0xFFFFF086;
	s6 =	sadd.s32 @!p0 s3, s7;
	s7 =	simm.s32 @!p0 $0x108  }
0x21: {  	s3 =	sadd.s32 s3, s9;
	s6 =	sadd.s32 @!p0 $0x88, s6;
	s7 =	simm.s32 @p2 $0x1082  }
0x22: {  	[simem:s7], [sflag:s8] =	dma.local @!p0 [hbm:s6], $0xF7A  }
0x23: {  	s9 =	sor.u32 $0xD0000000, s2;
	s6 =	simm.s32 $0x108;
	_ =	swait.ge @!p0 [sflag:s8], $0x0  }
0x24: {  	s3 =	sadd.s32 $0x88, s3;
	s6 =	simm.s32 @!p1 $0x1082;
	[sflag:s4] =	ssyncset.s32 $0xFFFFF086  }
0x25: {  	[simem:s6], [sflag:s4] =	dma.local [hbm:s3], $0xF7A  }
0x26: {  	[smem:$0x3F99] =	sst s1;
	(tag) =	ssettag s2;
	_ =	strace s9  }
0x27: {  	s1 =	sld [smem:$0x3FA9]  }
0x28: {  	s2 =	sld [smem:$0x3FAA]  }
0x29: {  	s4 =	sld [smem:$0x3FAC]  }
0x2a: {  	p0 =	seq.s32 s5, $0x0;
	s5 =	sld [smem:$0x3FAD]  }
0x2b: {  	s6 =	sld [smem:$0x3FAE]  }
0x2c: {  	s7 =	sld [smem:$0x3FAF]  }
0x2d: {  	s3 =	simm.s32 $0x108;
	s8 =	sld [smem:$0x3FB0]  }
0x2e: {  	s3 =	simm.s32 @!p0 $0x1082;
	s9 =	sld [smem:$0x3FB1]  }
0x2f: {  	lr =	sadd.s32 s0, s3;
	s0 =	sld [smem:$0x3FA8]  }
0x30: {  	s3 =	sld [smem:$0x3FAB]  }
0x31: {  	[smem:$0x3FB4] =	sst s10  }
0x32: {  	s10 =	sld [smem:$0x3FB2];
	_ =	sdelay $0x3  }
0x33: {  	p0 =	seq.s32 s10, $0x1;
	s10 =	sld [smem:$0x3FB4];
	_ =	sdelay $0x3  }
0x34: {  	[smem:$0x3FB4] =	sst s10  }
0x35: {  	s10 =	sld [smem:$0x3FB3];
	_ =	sdelay $0x3  }
0x36: {  	p1 =	seq.s32 s10, $0x1;
	s10 =	sld [smem:$0x3FB4];
	_ =	sdelay $0x3  }
0x37: {  	[smem:$0x3FB4] =	sst s10  }
0x38: {  	s10 =	sld [smem:$0x3FB5]  }
0x39: {  	_ = 	snop;
	(pc) =	sbr.ind lr, $3  }
0x3a: {  	_ = 	snop  }
0x3b: {  	_ = 	snop  }
0x3c: {  	p2 =	seq.s32 s10, $0x1;
	s10 =	sld [smem:$0x3FB4]  }
0x3d: {  	_ =	shalt  }
0x3e: {  	_ =	shalt  }
0x3f: {  	_ =	shalt  }
0x40: {  	_ =	shalt  }
0x41: {  	_ =	shalt  }
0x42: {  	_ =	shalt  }
0x43: {  	_ =	shalt  }
0x44: {  	_ =	shalt  }
0x45: {  	_ =	shalt  }
0x46: {  	_ =	shalt  }
0x47: {  	_ =	shalt  }
0x48: {  	_ =	shalt  }
0x49: {  	_ =	shalt  }
0x4a: {  	_ =	shalt  }
0x4b: {  	_ =	shalt  }
0x4c: {  	_ =	shalt  }
0x4d: {  	_ =	shalt  }
0x4e: {  	_ =	shalt  }
0x4f: {  	_ =	shalt  }
0x50: {  	_ =	shalt  }
0x51: {  	_ =	shalt  }
0x52: {  	_ =	shalt  }
0x53: {  	_ =	shalt  }
0x54: {  	_ =	shalt  }
0x55: {  	_ =	shalt  }
0x56: {  	_ =	shalt  }
0x57: {  	_ =	shalt  }
0x58: {  	_ =	shalt  }
0x59: {  	_ =	shalt  }
0x5a: {  	_ =	shalt  }
0x5b: {  	_ =	shalt  }
0x5c: {  	_ =	shalt  }
0x5d: {  	_ =	shalt  }
0x5e: {  	_ =	shalt  }
0x5f: {  	_ =	shalt  }
0x60: {  	_ =	shalt  }
0x61: {  	_ =	shalt  }
0x62: {  	_ =	shalt  }
0x63: {  	_ =	shalt  }
0x64: {  	_ =	shalt  }
0x65: {  	_ =	shalt  }
0x66: {  	_ =	shalt  }
0x67: {  	_ =	shalt  }
0x68: {  	_ =	shalt  }
0x69: {  	_ =	shalt  }
0x6a: {  	_ =	shalt  }
0x6b: {  	_ =	shalt  }
0x6c: {  	_ =	shalt  }
0x6d: {  	_ =	shalt  }
0x6e: {  	_ =	shalt  }
0x6f: {  	_ =	shalt  }
0x70: {  	_ =	shalt  }
0x71: {  	_ =	shalt  }
0x72: {  	_ =	shalt  }
0x73: {  	_ =	shalt  }
0x74: {  	_ =	shalt  }
0x75: {  	_ =	shalt  }
0x76: {  	_ =	shalt  }
0x77: {  	_ =	shalt  }
0x78: {  	_ =	shalt  }
0x79: {  	_ =	shalt  }
0x7a: {  	_ =	shalt  }
0x7b: {  	_ =	shalt  }
0x7c: {  	_ =	shalt  }
0x7d: {  	_ =	shalt  }
0x7e: {  	_ =	shalt  }
0x7f: {  	_ =	shalt  }
0x80: {  	_ =	shalt  }
0x81: {  	_ =	shalt  }
0x82: {  	_ =	shalt  }
0x83: {  	_ =	shalt  }
0x84: {  	_ =	shalt  }
0x85: {  	_ =	shalt  }
0x86: {  	_ =	shalt  }
0x87: {  	_ =	shalt  }
.Lfunc_end0:
.L_simem_size_0:
called_computation.1_lowered:
.L_overlay_start_0:
0x88: {  	s2 =	sld [smem:$0x3FD9]  }
0x89: {  	s3 =	sld [smem:$0x3FFE];
	_ =	sdelay $0x1  }
0x8a: {  	s1 =	srdreg.scid  }
0x8b: {  	s0 =	sand.u32 $0x1, s1  }
0x8c: {  	s17 =	sshll.u32 s0, $0xA;
	s2 =	sadd.s32 s3, s2  }
0x8d: {  	s2 =	sadd.s32 s2, s17  }
0x8e: {  	[smem:$0x3FC0] =	sst s2  }
0x8f: {  	_ = 	snop  }
0x90: {  	(tm) =	ssettm $0x1  }
0x91: {  	s18 =	sld [smem:$0x3FFB];
	_ =	sdelay $0x3  }
0x92: {  	_ =	strace s18  }
0x93: {  	s2 =	sld [smem:$0x3FFC];
	_ =	sdelay $0x3  }
0x94: {  	_ =	strace s2  }
0x95: {  	s2 =	sld [smem:$0x3FFD];
	_ =	sdelay $0x3  }
0x96: {  	_ =	strace s2  }
0x97: {  	_ =	strace $0x8FFFFFFF  }
0x98: {  	s19 =	sld [smem:$0x3FDB];
	_ =	sdelay $0x1  }
0x99: {  	s20 =	simm.s32 $_scs_section_size  }
0x9a: {  	s4 =	simm.s32 $_size__tile_overlayer_lowered;
	s5 =	simm.s32 $_tile_overlayer_lowered  }
0x9b: {  	s6 =	simm.s32 $0x1BFF;
	s21 =	sshll.u32 s5, $0x1;
	s3 =	sadd.s32 s20, s19  }
0x9c: {  	s22 =	simm.s32 $0x0;
	s4 =	sshll.u32 s4, $0x1;
	s5 =	sadd.s32 s21, s3  }
0x9d: {  	[timem:s22], [sflag:s6] =	dma.local [hbm:s5], s4  }
0x9e: {  	_ =	swait.ge [sflag:s6], s4  }
0x9f: {  	s4 =	ssub.s32 $0x0, s4;
	[sflag:s6] =	ssyncset.done $0x0  }
0xa0: {  	[sflag:s6] =	ssyncadd.s32 s4;
	_ =	sdelay $0x1  }
0xa1: {  	s23 =	simm.s32 $0x1B8B  }
0xa2: {  	_ =	swait.ge [sflag:s23], $0x1  }
0xa3: {  	[sflag:s23] =	ssyncset.done $0x0  }
0xa4: {  	[sflag:s23] =	ssyncadd.s32 $0xFFFFFFFF  }
0xa5: {  	s4 =	sld [smem:$0x0]  }
0xa6: {  	s5 =	sand.u32 $0xFFFFFFFE, s1  }
0xa7: {  	p0 =	sne.s32 s1, s5  }
0xa8: {  	s5 =	sshll.u32 @p0 s5, $0xE  }
0xa9: {  	s5 =	sadd.s32 @p0 $0x11B8D, s5;
	s6 =	sshll.u32 @p0 s4, $0x11  }
0xaa: {  	s5 =	sor.u32 @p0 s6, s5  }
0xab: {  	[sflag:s5] =	ssyncadd.remote.s32 @p0 $0x1;
	_ =	sdelay $0x1  }
0xac: {  	s5 =	simm.s32 @p0 $0x1B8D  }
0xad: {  	_ =	swait.eq @p0 [sflag:s5], $0x1  }
0xae: {  	[sflag:s5] =	ssyncadd.s32 @p0 $0xFFFFFFFF  }
0xaf: {  	s6 =	sshll.u32 @!p0 s1, $0xE  }
0xb0: {  	s6 =	sor.u32 @!p0 $0x4000, s6;
	s5 =	simm.s32 @!p0 $0x1B8D  }
0xb1: {  	s4 =	sshll.u32 @!p0 s4, $0x11;
	s6 =	sadd.s32 @!p0 $0x11B8D, s6;
	_ =	swait.eq @!p0 [sflag:s5], $0x1  }
0xb2: {  	s4 =	sor.u32 @!p0 s4, s6;
	[sflag:s5] =	ssyncadd.s32 @!p0 $0xFFFFFFFF  }
0xb3: {  	s25 =	simm.s32 $0x1B8E;
	s24 =	sld [smem:$0x3FFE];
	[sflag:s4] =	ssyncadd.remote.s32 @!p0 $0x1  }
0xb4: {  	s26 =	simm.s32 $execute0_lowered;
	[smem:$0x3FD2] =	sst s25  }
0xb5: {  	s5 =	sshll.u32 s26, $0x1;
	_ =	strace $0x80000049;
	[dreg:$0x1] =	wrdreg $0xFFFFFFFF  }
0xb6: {  	s28 =	simm.s32 $_size_execute0_lowered;
	s3 =	sadd.s32 s3, s5;
	[dreg:$0x0] =	wrdreg $0x0  }
0xb7: {  	s5 =	sshll.u32 s28, $0x1;
	[dreg:$0x2] =	wrdreg s3  }
0xb8: {  	[dreg:$0x3] =	wrdreg s5  }
0xb9: {  	[dreg:$0x4] =	wrdreg $0xC0  }
0xba: {  	_ =	task [dreg:s22], $0x5FFFF  }
0xbb: {  	[dreg:$0x1] =	wrdreg $0xFFFFFFFF  }
0xbc: {  	[dreg:$0x0] =	wrdreg $0x60  }
0xbd: {  	[dreg:$0x2] =	wrdreg s24  }
0xbe: {  	[dreg:$0x3] =	wrdreg $0xA  }
0xbf: {  	_ =	task.clear_ibuf [dreg:s22], $0x4FFFF;
	_ =	strace $0x90000049  }
0xc0: {  	s29 =	simm.s32 $0xA;
	_ =	strace $0x8000004B  }
0xc1: {  	_ =	swait.ge [sflag:s29], $0x1  }
0xc2: {  	[sflag:s29] =	ssyncadd.s32 $0xFFFFFFFF  }
0xc3: {  	_ =	strace $0x9000004B  }
0xc4: {  	_ =	sfence  }
0xc5: {  	s30 =	sld [smem:$0x0];
	_ =	sdelay $0x2  }
0xc6: {  	s31 =	sshll.u32 s1, $0xD;
	s1 =	sshrl.u32 s1, $0x2  }
0xc7: {  	s4 =	sand.u32 $0x4000, s31;
	s1 =	sadd.s32 s1, s30  }
0xc8: {  	s0 =	sor.u32 s4, s0;
	s1 =	sshll.u32 s1, $0x11  }
0xc9: {  	s0 =	sor.u32 s1, s0  }
0xca: {  	s0 =	sadd.s32 $0x8F2B, s0  }
0xcb: {  	[sflag:s0] =	ssyncadd.remote.s32 $0x1  }
0xcc: {  	_ =	sfence.sel $0xFFFF  }
0xcd: {  	[dreg:$0x0] =	wrdreg $0xFFFFFFFF;
	(pc) =	sbr.abs _section_cstart, $3  }
0xce: {  	[dreg:$0x1] =	wrdreg $0xFFFFFFFF  }
0xcf: {  	_ =	task.clear_ibuf [dreg:s22], $0x2FFFF;
	_ =	strace $0x9FFFFFFF  }
0xd0: {  	(tm) =	ssettm $0x7FFFFFFF  }
0xd1: {  	_ =	shalt  }
tec
execute0_lowered:
.L_overlay_start_1:
0x0: {  	(tag) =	ssettag $0x1  }
0x1: {  	s7 =	rddreg [dreg:$0x0]  }
0x2: {  	s1 =	srdreg.scid;
	s0 =	rddreg [dreg:$0x1]  }
0x3: {  	s2 =	simm.s32 $0x0;
	s12 =	simm.s32 $0x400;
	s13 =	simm.s32 $0x80  }
0x4: {  	s14 =	simm.s32 $0x18;
	s15 =	simm.s32 $0x17;
	s16 =	simm.s32 $0x16  }
0x5: {  	s17 =	simm.s32 $0x1C;
	s18 =	simm.s32 $0x1B;
	s19 =	simm.s32 $0x1A  }
0x6: {  	s20 =	simm.s32 $0x19;
	s21 =	simm.s32 $0x0;
	s8 =	sand.u32 $0x1, s1  }
0x7: {  	s1 =	stileid.u32;
	[smem:$0x7FF] =	sst s2;
	s3 =	sshll.u32 s8, $0x4  }
0x8: {  	s4 =	sadd.s32 $0x52800, s7;
	s5 =	sadd.s32 $0x7D600, s7;
	s9 =	sor.u32 s1, s3  }
0x9: {  	_ =	strace $0x8000004A;
	s10 =	sshll.u32 s1, $0x8;
	s6 =	smul.u32 $0x500, s9  }
.Ltmp0:
0xa: {  	s8 =	ssub.s32 $0x2, s8;
	s3 =	sadd.s32 $0x4600, s7;
	(pc) =	sbr.rel .LBB2_1-.Ltmp0, $4  }
0xb: {  	s10 =	sand.u32 $0x300, s10;
	s31 =	sshrl.u32 s8, $0x1;
	s11 =	sand.u32 $0xFC00, s6  }
0xc: {  	s6 =	sadd.s32 $0x79A00, s7;
	s7 =	sadd.s32 $0x81200, s7;
	s10 =	sor.u32 s10, s11  }
0xd: {  	s11 =	ssub.s32 s8, s31;
	s8 =	smul.u32 $0xA, s9;
	s10 =	sshrl.u32 s10, $0x3  }
0xe: {  	s11 =	smax.u32 s11, $0x1;
	s9 =	sadd.s32 s5, s10;
	s10 =	sadd.s32 s6, s10  }
.LBB2_9:
0xf: {  	_ =	swait.ge [sflag:s14], $0x4000  }
0x10: {  	[sflag:s14] =	ssyncset.done $0x0  }
0x11: {  	[sflag:s14] =	ssyncadd.s32 $0xFFFFC000  }
0x12: {  	_ =	swait.ge [sflag:s15], $0x4000  }
0x13: {  	[sflag:s15] =	ssyncset.done $0x0  }
0x14: {  	[sflag:s15] =	ssyncadd.s32 $0xFFFFC000  }
0x15: {  	_ =	swait.ge [sflag:s16], $0x4000  }
0x16: {  	[sflag:s16] =	ssyncset.done $0x0  }
0x17: {  	[sflag:s16] =	ssyncadd.s32 $0xFFFFC000  }
0x18: {  	_ =	swait.ge [sflag:s17], $0x4000  }
0x19: {  	[sflag:s17] =	ssyncset.done $0x0  }
0x1a: {  	[sflag:s17] =	ssyncadd.s32 $0xFFFFC000  }
0x1b: {  	_ =	swait.ge [sflag:s18], $0x4000  }
0x1c: {  	[sflag:s18] =	ssyncset.done $0x0  }
0x1d: {  	s21 =	sadd.s32 $0x1, s21;
	[sflag:s18] =	ssyncadd.s32 $0xFFFFC000  }
0x1e: {  	p0 =	sne.s32 s21, s11;
	_ =	swait.ge [sflag:s19], $0x4000  }
.Ltmp1:
0x1f: {  	[sflag:s19] =	ssyncset.done $0x0;
	(pc) =	sbr.rel @!p0 .LBB2_10-.Ltmp1, $4  }
0x20: {  	[sflag:s19] =	ssyncadd.s32 $0xFFFFC000  }
0x21: {  	_ =	swait.ge [sflag:s20], $0x4000  }
0x22: {  	[sflag:s20] =	ssyncset.done $0x0  }
0x23: {  	[sflag:s20] =	ssyncadd.s32 $0xFFFFC000  }
.LBB2_1:
.Ltmp2:
0x24: {  	(pc) =	sbr.rel .LBB2_2-.Ltmp2, $4  }
0x25: {  	_ = 	snop  }
0x26: {  	[tilespmem:s2], [sflag:$0x1] =	stream.linear.gather [hbm4b:s9+s2], $0x80, $0x38;
	[tilespmem:$0x1CC00] =	vst v63  }
0x27: {  	s22 =	simm.s32 $0x0  }
0x28: {  	[tilespmem:s12], [sflag:$0x1] =	stream.linear.gather [hbm4b:s10+s2], $0x80, $0x38;
	[tilespmem:$0x1CC00] =	vst v63  }
.LBB2_5:
0x29: {  	s23 =	sadd.s32 $0x1, s22  }
.LBB2_7:
0x2a: {  	s22 =	sadd.s32 s8, s23  }
0x2b: {  	s24 =	sadd.s32 $0xFFFFFFF9, s23;
	s22 =	sshll.u32 s22, $0x4  }
0x2c: {  	s24 =	smin.u32 s23, s24;
	s22 =	sand.u32 $0xFFFFFF0, s22  }
0x2d: {  	s25 =	sadd.s32 $0x1, s24;
	s24 =	sshll.u32 s24, $0x7;
	s26 =	sadd.s32 s5, s22  }
0x2e: {  	[tilespmem:s24], [sflag:s25] =	stream.linear.gather [hbm4b:s26+s2], $0x80, $0x38;
	[tilespmem:$0x1CC00] =	vst v63  }
0x2f: {  	s22 =	sadd.s32 s6, s22;
	s24 =	sadd.s32 $0x400, s24  }
0x30: {  	[tilespmem:s24], [sflag:s25] =	stream.linear.gather [hbm4b:s22+s2], $0x80, $0x38;
	[tilespmem:$0x1CC00] =	vst v63  }
0x31: {  	s22 =	smov.u32 s23  }
.LBB2_8:
0x32: {  	p0 =	slt.u32 s22, $0xE  }
.Ltmp3:
0x33: {  	_ = 	snop;
	(pc) =	sbr.rel @!p0 .LBB2_9-.Ltmp3, $1  }
0x34: {  	_ =	sdelay $0x3  }
.LBB2_2:
0x35: {  	p0 =	sgt.u32 s22, $0x9  }
.Ltmp4:
0x36: {  	_ = 	snop;
	(pc) =	sbr.rel @p0 .LBB2_4-.Ltmp4, $1  }
0x37: {  	_ =	sdelay $0x3  }
0x38: {  	s23 =	sadd.s32 $0xFFFFFFF9, s22;
	p0 =	slt.u32 s22, $0x7  }
0x39: {  	s24 =	sadd.s32 @!p0 $0x16, s23  }
0x3a: {  	_ =	swait.ge @!p0 [sflag:s24], $0x4000  }
0x3b: {  	s23 =	smin.u32 s22, s23;
	[sflag:s24] =	ssyncset.done @!p0 $0x0  }
0x3c: {  	s30 =	sadd.s32 $0x1, s23;
	[sflag:s24] =	ssyncadd.s32 @!p0 $0xFFFFC000  }
0x3d: {  	_ =	swait.ge [sflag:s30], $0x80  }
0x3e: {  	[sflag:s30] =	ssyncset.done $0x0  }
0x3f: {  	[sflag:s30] =	ssyncadd.s32 $0xFFFFFF80  }
0x40: {  	_ =	swait.ge [sflag:s30], $0x80  }
0x41: {  	[sflag:s30] =	ssyncset.done $0x0  }
0x42: {  	s31 =	sshll.u32 s23, $0x7;
	[sflag:s30] =	ssyncadd.s32 $0xFFFFFF80  }
0x43: {  	v0 =	vld [tilespmem:s31+$0x0]  }
0x44: {  	v1 =	vld [tilespmem:s31+$0x400]  }
0x45: {  	v2 =	vld [tilespmem:s31+$0x10]  }
0x46: {  	v3 =	vld [tilespmem:s31+$0x410]  }
0x47: {  	v4 =	vld [tilespmem:s31+$0x20]  }
0x48: {  	v5 =	vld [tilespmem:s31+$0x420]  }
0x49: {  	v6 =	vld [tilespmem:s31+$0x30]  }
0x4a: {  	v7 =	vld [tilespmem:s31+$0x430]  }
0x4b: {  	v8 =	vld [tilespmem:s31+$0x40]  }
0x4c: {  	v9 =	vld [tilespmem:s31+$0x440]  }
0x4d: {  	v10 =	vld [tilespmem:s31+$0x50]  }
0x4e: {  	v11 =	vld [tilespmem:s31+$0x450]  }
0x4f: {  	v12 =	vld [tilespmem:s31+$0x60]  }
0x50: {  	v13 =	vld [tilespmem:s31+$0x460];
	vm0 =	veq.s32 v0, v1;
	v47 =	vadd.s32 $0x2710, v0  }
0x51: {  	v49 =	vld [tilespmem:s31+$0x70];
	vm9 =	veq.s32 v2, v3;
	v48 =	vadd.s32 $0x2710, v2;
	v0 =	vsel vm0, v47, v0  }
0x52: {  	v52 =	vld [tilespmem:s31+$0x470];
	vm10 =	veq.s32 v4, v5;
	v51 =	vadd.s32 $0x2710, v4;
	v50 =	vsel vm9, v48, v2;
	[tilespmem:s31+$0x800] =	vst v0  }
0x53: {  	vm11 =	veq.s32 v6, v7;
	v54 =	vadd.s32 $0x2710, v6;
	v53 =	vsel vm10, v51, v4;
	[tilespmem:s31+$0x810] =	vst v50  }
0x54: {  	vm12 =	veq.s32 v8, v9;
	v56 =	vadd.s32 $0x2710, v8;
	v55 =	vsel vm11, v54, v6;
	[tilespmem:s31+$0x820] =	vst v53  }
0x55: {  	vm13 =	veq.s32 v10, v11;
	v58 =	vadd.s32 $0x2710, v10;
	v57 =	vsel vm12, v56, v8;
	[tilespmem:s31+$0x830] =	vst v55  }
0x56: {  	vm14 =	veq.s32 v12, v13;
	v60 =	vadd.s32 $0x2710, v12;
	v59 =	vsel vm13, v58, v10;
	[tilespmem:s31+$0x840] =	vst v57  }
0x57: {  	s25 =	sshll.u32 s23, $0xE;
	vm15 =	veq.s32 v49, v52;
	v62 =	vadd.s32 $0x2710, v49;
	v61 =	vsel vm14, v60, v12;
	[tilespmem:s31+$0x850] =	vst v59  }
0x58: {  	s25 =	sand.u32 $0x3FFFC000, s25;
	v63 =	vsel vm15, v62, v49;
	[tilespmem:s31+$0x860] =	vst v61  }
0x59: {  	s23 =	sadd.s32 $0x8, s23;
	s24 =	sadd.s32 $0x800, s31;
	s25 =	sor.u32 $0xC00, s25;
	[tilespmem:s31+$0x870] =	vst v63  }
0x5a: {  	[tilespmem:s25], [sflag:s23] =	stream.indirect.gather [hbm4b:s3+s13], $0x80, s24, s13, $0xb8;
	[tilespmem:$0x1CC00] =	vst v63  }
.LBB2_4:
0x5b: {  	s23 =	sadd.s32 $0xFFFFFFFE, s22  }
0x5c: {  	p0 =	sgt.u32 s23, $0x9  }
0x5d: {  	p1 =	slt.u32 @!p0 s22, $0x9  }
0x5e: {  	s24 =	sadd.s32 @!p0 $0xFFFFFFF7, s22;
	p1 =	por !p1, p0  }
0x5f: {  	s23 =	smov.u32 @p1 s24  }
0x60: {  	s24 =	sadd.s32 @!p0 $0x8, s23  }
0x61: {  	s25 =	sshll.u32 @!p0 s23, $0xE;
	_ =	swait.ge @!p0 [sflag:s24], $0x4000  }
0x62: {  	s26 =	sshll.u32 @!p0 s23, $0x7;
	s23 =	sadd.s32 @!p0 $0xF, s23;
	[sflag:s24] =	ssyncset.done @!p0 $0x0  }
0x63: {  	s25 =	sand.u32 @!p0 $0x3FFFC000, s25;
	[sflag:s24] =	ssyncadd.s32 @!p0 $0xFFFFC000;
	s24 =	sand.u32 @!p0 $0x3FFFFF80, s26  }
0x64: {  	s25 =	sor.u32 @!p0 $0xC00, s25;
	s26 =	simm.s32 @!p0 $0x80;
	s24 =	sadd.s32 @!p0 $0x400, s24  }
0x65: {  	[tilespmem:s25], [sflag:s23] =	stream.indirect.gather.add.f32 @!p0 [hbm:s4], $0x80, s24, s26, $0xb8;
	[tilespmem:$0x1CC00] =	vst v63  }
0x66: {  	s23 =	sadd.s32 $0xFFFFFFFC, s22  }
0x67: {  	p0 =	slt.u32 s23, $0xA  }
.Ltmp5:
0x68: {  	_ = 	snop;
	(pc) =	sbr.rel @!p0 .LBB2_5-.Ltmp5, $1  }
0x69: {  	_ =	sdelay $0x3  }
0x6a: {  	s24 =	sadd.s32 $0xFFFFFFF5, s22;
	p0 =	slt.u32 s22, $0xB;
	s30 =	sadd.s32 s8, s23  }
0x6b: {  	s24 =	smov.u32 @p0 s23;
	s23 =	sshll.u32 s30, $0xB;
	p0 =	sgt.u32 s22, $0x8  }
0x6c: {  	s25 =	sadd.s32 $0xF, s24;
	s26 =	sshll.u32 s24, $0xE;
	s23 =	sand.u32 $0x1FFFF800, s23  }
0x6d: {  	s24 =	sadd.s32 $0x16, s24;
	_ =	swait.ge [sflag:s25], $0x4000;
	s31 =	sand.u32 $0x3FFFC000, s26  }
.Ltmp6:
0x6e: {  	s23 =	sadd.s32 s7, s23;
	[sflag:s25] =	ssyncset.done $0x0;
	(pc) =	sbr.rel @p0 .LBB2_8-.Ltmp6, $4  }
.Ltmp7:
0x6f: {  	[sflag:s25] =	ssyncadd.s32 $0xFFFFC000;
	s25 =	sor.u32 $0xC00, s31;
	(pc) =	sbr.rel @!p0 .LBB2_7-.Ltmp7, $4  }
0x70: {  	[hbm4b:s23+s2] =	stream.linear.scatter [tilespmem:s25], [sflag:s24], $0x4000, $0x38;
	[tilespmem:$0x1CC00] =	vst v63  }
0x71: {  	s23 =	sadd.s32 $0x1, s22  }
0x72: {  	s22 =	smov.u32 s23  }
0x73: {  	_ = 	snop  }
.LBB2_10:
0x74: {  	_ =	sfence.sel $0x180000  }
0x75: {  	[bflag:$0x0] =	sbarrier.arrive $0xFFFF  }
0x76: {  	p0 =	sne.s32 s1, $0x0;
	_ =	strace $0x9000004A  }
0x77: {  	s0 =	sadd.s32 @!p0 $0x100000, s0;
	[bflag:$0x2] =	sbarrier.arrive $0xFFFF  }
0x78: {  	[sflag:s0] =	ssyncadd.tile.s32 @!p0 $0x1;
	_ =	shalt  }
.Lfunc_end2:
_tile_overlayer_lowered:
.L_overlay_start_2:
0x79: {  	(tag) =	ssettag $0x2  }
0x7a: {  	s0 =	rddreg [dreg:$0x0];
	s2 =	stileid.u32  }
0x7b: {  	s1 =	rddreg [dreg:$0x1];
	p0 =	sne.s32 s2, $0x0  }
0x7c: {  	s3 =	rddreg [dreg:$0x2];
	[bflag:$0x3] =	sbarrier.arrive $0xFFFF;
	s2 =	simm.s32 @!p0 $0x1C1D  }
0x7d: {  	[timem:s3], [sflag:s2] =	dma.local @!p0 [hbm:s0], s1  }
0x7e: {  	s0 =	simm.s32 @!p0 $0x1D  }
0x7f: {  	_ =	swait.ge @!p0 [sflag:s0], s1  }
0x80: {  	s1 =	ssub.s32 @!p0 $0x0, s1;
	[sflag:s0] =	ssyncset.done @!p0 $0x0  }
0x81: {  	[sflag:s0] =	ssyncadd.s32 @!p0 s1  }
0x82: {  	[bflag:$0x3] =	sbarrier.arrive $0xFFFF  }
0x83: {  	_ =	shalt  }

// kernel: kernel.17.cloned.1.call-start
scs
__scs_entry_jumppad:
0x0: {  	(pc) =	sbr.rel $0x88, $3  }
0x1: {  	(tag) =	ssettag $0x0;
	lr =	simm.s32 $0x1  }
0x2: {  	[smem:$0x3F99] =	sst lr;
	_ =	strace $0xD0000000  }
0x3: {  	_ = 	snop  }
0x4: {  	_ = 	snop  }
0x5: {  	_ = 	snop  }
0x6: {  	_ = 	snop  }
0x7: {  	_ = 	snop  }
__scs_overlays_trampoline_lowered:
0x8: {  	[smem:$0x3FA8] =	sst s0  }
0x9: {  	[smem:$0x3FA9] =	sst s1  }
0xa: {  	[smem:$0x3FAA] =	sst s2  }
0xb: {  	[smem:$0x3FAB] =	sst s3  }
0xc: {  	[smem:$0x3FAC] =	sst s4  }
0xd: {  	[smem:$0x3FAD] =	sst s5  }
0xe: {  	[smem:$0x3FAE] =	sst s6  }
0xf: {  	[smem:$0x3FAF] =	sst s7  }
0x10: {  	[smem:$0x3FB0] =	sst s8  }
0x11: {  	[smem:$0x3FB1] =	sst s9;
	s0 =	simm.s32 @!p0 $0x0  }
0x12: {  	s1 =	sld [smem:$0x3F97];
	s0 =	simm.s32 @p0 $0x1  }
0x13: {  	[smem:$0x3FB2] =	sst s0;
	s0 =	simm.s32 @!p1 $0x0  }
0x14: {  	s2 =	sld [smem:$0x3F96];
	s0 =	simm.s32 @p1 $0x1  }
0x15: {  	[smem:$0x3FB3] =	sst s0;
	s0 =	simm.s32 @!p2 $0x0  }
0x16: {  	s3 =	sld [smem:$0x3FDB];
	s0 =	simm.s32 @p2 $0x1  }
0x17: {  	s4 =	simm.s32 $0x1BF5;
	[smem:$0x3FB5] =	sst s0  }
0x18: {  	s0 =	sld [smem:$0x3F98];
	_ =	swait.ge [sflag:s4], $0x0  }
0x19: {  	s7 =	sld [smem:$0x3F99]  }
0x1a: {  	s8 =	sadd.s32 $0xFFFFE003, lr  }
0x1b: {  	s9 =	sadd.s32 $0xFFFFFEF7, lr;
	s5 =	simm.s32 $0xFFFFFFFF;
	p2 =	slt.u32 s8, $0xFFFFF086  }
0x1c: {  	p1 =	slt.u32 s9, $0xF7A;
	s5 =	simm.s32 @!p2 $0x0  }
0x1d: {  	s5 =	simm.s32 @p1 $0x1;
	p0 =	seq.s32 s7, s2  }
0x1e: {  	s7 =	smul.u32 @!p0 $0xF7A, s2;
	p2 =	seq.s32 @!p0 s5, $0x0  }
0x1f: {  	s9 =	smul.u32 $0xF7A, s1;
	s8 =	simm.s32 @!p0 $0x1BF5;
	p2 =	por !p2, p0  }
0x20: {  	[sflag:s8] =	ssyncset.s32 @!p0 $0xFFFFF086;
	s6 =	sadd.s32 @!p0 s3, s7;
	s7 =	simm.s32 @!p0 $0x108  }
0x21: {  	s3 =	sadd.s32 s3, s9;
	s6 =	sadd.s32 @!p0 $0x88, s6;
	s7 =	simm.s32 @p2 $0x1082  }
0x22: {  	[simem:s7], [sflag:s8] =	dma.local @!p0 [hbm:s6], $0xF7A  }
0x23: {  	s9 =	sor.u32 $0xD0000000, s2;
	s6 =	simm.s32 $0x108;
	_ =	swait.ge @!p0 [sflag:s8], $0x0  }
0x24: {  	s3 =	sadd.s32 $0x88, s3;
	s6 =	simm.s32 @!p1 $0x1082;
	[sflag:s4] =	ssyncset.s32 $0xFFFFF086  }
0x25: {  	[simem:s6], [sflag:s4] =	dma.local [hbm:s3], $0xF7A  }
0x26: {  	[smem:$0x3F99] =	sst s1;
	(tag) =	ssettag s2;
	_ =	strace s9  }
0x27: {  	s1 =	sld [smem:$0x3FA9]  }
0x28: {  	s2 =	sld [smem:$0x3FAA]  }
0x29: {  	s4 =	sld [smem:$0x3FAC]  }
0x2a: {  	p0 =	seq.s32 s5, $0x0;
	s5 =	sld [smem:$0x3FAD]  }
0x2b: {  	s6 =	sld [smem:$0x3FAE]  }
0x2c: {  	s7 =	sld [smem:$0x3FAF]  }
0x2d: {  	s3 =	simm.s32 $0x108;
	s8 =	sld [smem:$0x3FB0]  }
0x2e: {  	s3 =	simm.s32 @!p0 $0x1082;
	s9 =	sld [smem:$0x3FB1]  }
0x2f: {  	lr =	sadd.s32 s0, s3;
	s0 =	sld [smem:$0x3FA8]  }
0x30: {  	s3 =	sld [smem:$0x3FAB]  }
0x31: {  	[smem:$0x3FB4] =	sst s10  }
0x32: {  	s10 =	sld [smem:$0x3FB2];
	_ =	sdelay $0x3  }
0x33: {  	p0 =	seq.s32 s10, $0x1;
	s10 =	sld [smem:$0x3FB4];
	_ =	sdelay $0x3  }
0x34: {  	[smem:$0x3FB4] =	sst s10  }
0x35: {  	s10 =	sld [smem:$0x3FB3];
	_ =	sdelay $0x3  }
0x36: {  	p1 =	seq.s32 s10, $0x1;
	s10 =	sld [smem:$0x3FB4];
	_ =	sdelay $0x3  }
0x37: {  	[smem:$0x3FB4] =	sst s10  }
0x38: {  	s10 =	sld [smem:$0x3FB5]  }
0x39: {  	_ = 	snop;
	(pc) =	sbr.ind lr, $3  }
0x3a: {  	_ = 	snop  }
0x3b: {  	_ = 	snop  }
0x3c: {  	p2 =	seq.s32 s10, $0x1;
	s10 =	sld [smem:$0x3FB4]  }
0x3d: {  	_ =	shalt  }
0x3e: {  	_ =	shalt  }
0x3f: {  	_ =	shalt  }
0x40: {  	_ =	shalt  }
0x41: {  	_ =	shalt  }
0x42: {  	_ =	shalt  }
0x43: {  	_ =	shalt  }
0x44: {  	_ =	shalt  }
0x45: {  	_ =	shalt  }
0x46: {  	_ =	shalt  }
0x47: {  	_ =	shalt  }
0x48: {  	_ =	shalt  }
0x49: {  	_ =	shalt  }
0x4a: {  	_ =	shalt  }
0x4b: {  	_ =	shalt  }
0x4c: {  	_ =	shalt  }
0x4d: {  	_ =	shalt  }
0x4e: {  	_ =	shalt  }
0x4f: {  	_ =	shalt  }
0x50: {  	_ =	shalt  }
0x51: {  	_ =	shalt  }
0x52: {  	_ =	shalt  }
0x53: {  	_ =	shalt  }
0x54: {  	_ =	shalt  }
0x55: {  	_ =	shalt  }
0x56: {  	_ =	shalt  }
0x57: {  	_ =	shalt  }
0x58: {  	_ =	shalt  }
0x59: {  	_ =	shalt  }
0x5a: {  	_ =	shalt  }
0x5b: {  	_ =	shalt  }
0x5c: {  	_ =	shalt  }
0x5d: {  	_ =	shalt  }
0x5e: {  	_ =	shalt  }
0x5f: {  	_ =	shalt  }
0x60: {  	_ =	shalt  }
0x61: {  	_ =	shalt  }
0x62: {  	_ =	shalt  }
0x63: {  	_ =	shalt  }
0x64: {  	_ =	shalt  }
0x65: {  	_ =	shalt  }
0x66: {  	_ =	shalt  }
0x67: {  	_ =	shalt  }
0x68: {  	_ =	shalt  }
0x69: {  	_ =	shalt  }
0x6a: {  	_ =	shalt  }
0x6b: {  	_ =	shalt  }
0x6c: {  	_ =	shalt  }
0x6d: {  	_ =	shalt  }
0x6e: {  	_ =	shalt  }
0x6f: {  	_ =	shalt  }
0x70: {  	_ =	shalt  }
0x71: {  	_ =	shalt  }
0x72: {  	_ =	shalt  }
0x73: {  	_ =	shalt  }
0x74: {  	_ =	shalt  }
0x75: {  	_ =	shalt  }
0x76: {  	_ =	shalt  }
0x77: {  	_ =	shalt  }
0x78: {  	_ =	shalt  }
0x79: {  	_ =	shalt  }
0x7a: {  	_ =	shalt  }
0x7b: {  	_ =	shalt  }
0x7c: {  	_ =	shalt  }
0x7d: {  	_ =	shalt  }
0x7e: {  	_ =	shalt  }
0x7f: {  	_ =	shalt  }
0x80: {  	_ =	shalt  }
0x81: {  	_ =	shalt  }
0x82: {  	_ =	shalt  }
0x83: {  	_ =	shalt  }
0x84: {  	_ =	shalt  }
0x85: {  	_ =	shalt  }
0x86: {  	_ =	shalt  }
0x87: {  	_ =	shalt  }
.Lfunc_end0:
.L_simem_size_0:
called_computation.2_lowered:
.L_overlay_start_0:
0x88: {  	s2 =	sld [smem:$0x3FD9]  }
0x89: {  	s3 =	sld [smem:$0x3FFE];
	_ =	sdelay $0x1  }
0x8a: {  	s1 =	srdreg.scid  }
0x8b: {  	s0 =	sand.u32 $0x1, s1  }
0x8c: {  	s17 =	sshll.u32 s0, $0xA;
	s2 =	sadd.s32 s3, s2  }
0x8d: {  	s2 =	sadd.s32 s2, s17  }
0x8e: {  	[smem:$0x3FC0] =	sst s2  }
0x8f: {  	_ = 	snop  }
0x90: {  	(tm) =	ssettm $0x1  }
0x91: {  	s18 =	sld [smem:$0x3FFB];
	_ =	sdelay $0x3  }
0x92: {  	_ =	strace s18  }
0x93: {  	s2 =	sld [smem:$0x3FFC];
	_ =	sdelay $0x3  }
0x94: {  	_ =	strace s2  }
0x95: {  	s2 =	sld [smem:$0x3FFD];
	_ =	sdelay $0x3  }
0x96: {  	_ =	strace s2  }
0x97: {  	_ =	strace $0x8FFFFFFF  }
0x98: {  	s19 =	sld [smem:$0x3FDB];
	_ =	sdelay $0x1  }
0x99: {  	s20 =	simm.s32 $_scs_section_size  }
0x9a: {  	s4 =	simm.s32 $_size__tile_overlayer_lowered;
	s5 =	simm.s32 $_tile_overlayer_lowered  }
0x9b: {  	s6 =	simm.s32 $0x1BFF;
	s21 =	sshll.u32 s5, $0x1;
	s3 =	sadd.s32 s20, s19  }
0x9c: {  	s22 =	simm.s32 $0x0;
	s4 =	sshll.u32 s4, $0x1;
	s5 =	sadd.s32 s21, s3  }
0x9d: {  	[timem:s22], [sflag:s6] =	dma.local [hbm:s5], s4  }
0x9e: {  	_ =	swait.ge [sflag:s6], s4  }
0x9f: {  	s4 =	ssub.s32 $0x0, s4;
	[sflag:s6] =	ssyncset.done $0x0  }
0xa0: {  	[sflag:s6] =	ssyncadd.s32 s4;
	_ =	sdelay $0x1  }
0xa1: {  	s23 =	simm.s32 $0x1B8B  }
0xa2: {  	_ =	swait.ge [sflag:s23], $0x1  }
0xa3: {  	[sflag:s23] =	ssyncset.done $0x0  }
0xa4: {  	[sflag:s23] =	ssyncadd.s32 $0xFFFFFFFF  }
0xa5: {  	s4 =	sld [smem:$0x0]  }
0xa6: {  	s5 =	sand.u32 $0xFFFFFFFE, s1  }
0xa7: {  	p0 =	sne.s32 s1, s5  }
0xa8: {  	s5 =	sshll.u32 @p0 s5, $0xE  }
0xa9: {  	s5 =	sadd.s32 @p0 $0x11B8D, s5;
	s6 =	sshll.u32 @p0 s4, $0x11  }
0xaa: {  	s5 =	sor.u32 @p0 s6, s5  }
0xab: {  	[sflag:s5] =	ssyncadd.remote.s32 @p0 $0x1;
	_ =	sdelay $0x1  }
0xac: {  	s5 =	simm.s32 @p0 $0x1B8D  }
0xad: {  	_ =	swait.eq @p0 [sflag:s5], $0x1  }
0xae: {  	[sflag:s5] =	ssyncadd.s32 @p0 $0xFFFFFFFF  }
0xaf: {  	s6 =	sshll.u32 @!p0 s1, $0xE  }
0xb0: {  	s6 =	sor.u32 @!p0 $0x4000, s6;
	s5 =	simm.s32 @!p0 $0x1B8D  }
0xb1: {  	s4 =	sshll.u32 @!p0 s4, $0x11;
	s6 =	sadd.s32 @!p0 $0x11B8D, s6;
	_ =	swait.eq @!p0 [sflag:s5], $0x1  }
0xb2: {  	s4 =	sor.u32 @!p0 s4, s6;
	[sflag:s5] =	ssyncadd.s32 @!p0 $0xFFFFFFFF  }
0xb3: {  	s25 =	simm.s32 $0x1B8E;
	s24 =	sld [smem:$0x3FFE];
	[sflag:s4] =	ssyncadd.remote.s32 @!p0 $0x1  }
0xb4: {  	s26 =	simm.s32 $execute0_lowered;
	[smem:$0x3FD2] =	sst s25  }
0xb5: {  	s5 =	sshll.u32 s26, $0x1;
	_ =	strace $0x8000004C;
	[dreg:$0x1] =	wrdreg $0xFFFFFFFF  }
0xb6: {  	s28 =	simm.s32 $_size_execute0_lowered;
	s3 =	sadd.s32 s3, s5;
	[dreg:$0x0] =	wrdreg $0x0  }
0xb7: {  	s5 =	sshll.u32 s28, $0x1;
	[dreg:$0x2] =	wrdreg s3  }
0xb8: {  	[dreg:$0x3] =	wrdreg s5  }
0xb9: {  	[dreg:$0x4] =	wrdreg $0xC0  }
0xba: {  	_ =	task [dreg:s22], $0x5FFFF  }
0xbb: {  	[dreg:$0x1] =	wrdreg $0xFFFFFFFF  }
0xbc: {  	[dreg:$0x0] =	wrdreg $0x60  }
0xbd: {  	[dreg:$0x2] =	wrdreg s24  }
0xbe: {  	[dreg:$0x3] =	wrdreg $0xB  }
0xbf: {  	_ =	task.clear_ibuf [dreg:s22], $0x4FFFF;
	_ =	strace $0x9000004C  }
0xc0: {  	s29 =	simm.s32 $0xB;
	_ =	strace $0x8000004E  }
0xc1: {  	_ =	swait.ge [sflag:s29], $0x1  }
0xc2: {  	[sflag:s29] =	ssyncadd.s32 $0xFFFFFFFF  }
0xc3: {  	_ =	strace $0x9000004E  }
0xc4: {  	_ =	sfence  }
0xc5: {  	s30 =	sld [smem:$0x0];
	_ =	sdelay $0x2  }
0xc6: {  	s31 =	sshll.u32 s1, $0xD;
	s1 =	sshrl.u32 s1, $0x2  }
0xc7: {  	s4 =	sand.u32 $0x4000, s31;
	s1 =	sadd.s32 s1, s30  }
0xc8: {  	s0 =	sor.u32 s4, s0;
	s1 =	sshll.u32 s1, $0x11  }
0xc9: {  	s0 =	sor.u32 s1, s0  }
0xca: {  	s0 =	sadd.s32 $0x8F2B, s0  }
0xcb: {  	[sflag:s0] =	ssyncadd.remote.s32 $0x1  }
0xcc: {  	_ =	sfence.sel $0xFFFF  }
0xcd: {  	[dreg:$0x0] =	wrdreg $0xFFFFFFFF;
	(pc) =	sbr.abs _section_cstart, $3  }
0xce: {  	[dreg:$0x1] =	wrdreg $0xFFFFFFFF  }
0xcf: {  	_ =	task.clear_ibuf [dreg:s22], $0x2FFFF;
	_ =	strace $0x9FFFFFFF  }
0xd0: {  	(tm) =	ssettm $0x7FFFFFFF  }
0xd1: {  	_ =	shalt  }
tec
execute0_lowered:
.L_overlay_start_1:
0x0: {  	(tag) =	ssettag $0x1  }
0x1: {  	s7 =	rddreg [dreg:$0x0]  }
0x2: {  	s1 =	srdreg.scid;
	s0 =	rddreg [dreg:$0x1]  }
0x3: {  	s2 =	simm.s32 $0x0;
	s12 =	simm.s32 $0x400;
	s13 =	simm.s32 $0x80  }
0x4: {  	s14 =	simm.s32 $0x18;
	s15 =	simm.s32 $0x17;
	s16 =	simm.s32 $0x16  }
0x5: {  	s17 =	simm.s32 $0x1C;
	s18 =	simm.s32 $0x1B;
	s19 =	simm.s32 $0x1A  }
0x6: {  	s20 =	simm.s32 $0x19;
	s21 =	simm.s32 $0x0;
	s8 =	sand.u32 $0x1, s1  }
0x7: {  	s1 =	stileid.u32;
	[smem:$0x7FF] =	sst s2;
	s3 =	sshll.u32 s8, $0x4  }
0x8: {  	s4 =	sadd.s32 $0x52800, s7;
	s5 =	sadd.s32 $0x7EA00, s7;
	s9 =	sor.u32 s1, s3  }
0x9: {  	_ =	strace $0x8000004D;
	s10 =	sshll.u32 s1, $0x8;
	s6 =	smul.u32 $0x500, s9  }
.Ltmp0:
0xa: {  	s8 =	ssub.s32 $0x2, s8;
	s3 =	sadd.s32 $0x4600, s7;
	(pc) =	sbr.rel .LBB2_1-.Ltmp0, $4  }
0xb: {  	s10 =	sand.u32 $0x300, s10;
	s31 =	sshrl.u32 s8, $0x1;
	s11 =	sand.u32 $0xFC00, s6  }
0xc: {  	s6 =	sadd.s32 $0x7AE00, s7;
	s7 =	sadd.s32 $0x121200, s7;
	s10 =	sor.u32 s10, s11  }
0xd: {  	s11 =	ssub.s32 s8, s31;
	s8 =	smul.u32 $0xA, s9;
	s10 =	sshrl.u32 s10, $0x3  }
0xe: {  	s11 =	smax.u32 s11, $0x1;
	s9 =	sadd.s32 s5, s10;
	s10 =	sadd.s32 s6, s10  }
.LBB2_9:
0xf: {  	_ =	swait.ge [sflag:s14], $0x4000  }
0x10: {  	[sflag:s14] =	ssyncset.done $0x0  }
0x11: {  	[sflag:s14] =	ssyncadd.s32 $0xFFFFC000  }
0x12: {  	_ =	swait.ge [sflag:s15], $0x4000  }
0x13: {  	[sflag:s15] =	ssyncset.done $0x0  }
0x14: {  	[sflag:s15] =	ssyncadd.s32 $0xFFFFC000  }
0x15: {  	_ =	swait.ge [sflag:s16], $0x4000  }
0x16: {  	[sflag:s16] =	ssyncset.done $0x0  }
0x17: {  	[sflag:s16] =	ssyncadd.s32 $0xFFFFC000  }
0x18: {  	_ =	swait.ge [sflag:s17], $0x4000  }
0x19: {  	[sflag:s17] =	ssyncset.done $0x0  }
0x1a: {  	[sflag:s17] =	ssyncadd.s32 $0xFFFFC000  }
0x1b: {  	_ =	swait.ge [sflag:s18], $0x4000  }
0x1c: {  	[sflag:s18] =	ssyncset.done $0x0  }
0x1d: {  	s21 =	sadd.s32 $0x1, s21;
	[sflag:s18] =	ssyncadd.s32 $0xFFFFC000  }
0x1e: {  	p0 =	sne.s32 s21, s11;
	_ =	swait.ge [sflag:s19], $0x4000  }
.Ltmp1:
0x1f: {  	[sflag:s19] =	ssyncset.done $0x0;
	(pc) =	sbr.rel @!p0 .LBB2_10-.Ltmp1, $4  }
0x20: {  	[sflag:s19] =	ssyncadd.s32 $0xFFFFC000  }
0x21: {  	_ =	swait.ge [sflag:s20], $0x4000  }
0x22: {  	[sflag:s20] =	ssyncset.done $0x0  }
0x23: {  	[sflag:s20] =	ssyncadd.s32 $0xFFFFC000  }
.LBB2_1:
.Ltmp2:
0x24: {  	(pc) =	sbr.rel .LBB2_2-.Ltmp2, $4  }
0x25: {  	_ = 	snop  }
0x26: {  	[tilespmem:s2], [sflag:$0x1] =	stream.linear.gather [hbm4b:s9+s2], $0x80, $0x38;
	[tilespmem:$0x1CC00] =	vst v63  }
0x27: {  	s22 =	simm.s32 $0x0  }
0x28: {  	[tilespmem:s12], [sflag:$0x1] =	stream.linear.gather [hbm4b:s10+s2], $0x80, $0x38;
	[tilespmem:$0x1CC00] =	vst v63  }
.LBB2_5:
0x29: {  	s23 =	sadd.s32 $0x1, s22  }
.LBB2_7:
0x2a: {  	s22 =	sadd.s32 s8, s23  }
0x2b: {  	s24 =	sadd.s32 $0xFFFFFFF9, s23;
	s22 =	sshll.u32 s22, $0x4  }
0x2c: {  	s24 =	smin.u32 s23, s24;
	s22 =	sand.u32 $0xFFFFFF0, s22  }
0x2d: {  	s25 =	sadd.s32 $0x1, s24;
	s24 =	sshll.u32 s24, $0x7;
	s26 =	sadd.s32 s5, s22  }
0x2e: {  	[tilespmem:s24], [sflag:s25] =	stream.linear.gather [hbm4b:s26+s2], $0x80, $0x38;
	[tilespmem:$0x1CC00] =	vst v63  }
0x2f: {  	s22 =	sadd.s32 s6, s22;
	s24 =	sadd.s32 $0x400, s24  }
0x30: {  	[tilespmem:s24], [sflag:s25] =	stream.linear.gather [hbm4b:s22+s2], $0x80, $0x38;
	[tilespmem:$0x1CC00] =	vst v63  }
0x31: {  	s22 =	smov.u32 s23  }
.LBB2_8:
0x32: {  	p0 =	slt.u32 s22, $0xE  }
.Ltmp3:
0x33: {  	_ = 	snop;
	(pc) =	sbr.rel @!p0 .LBB2_9-.Ltmp3, $1  }
0x34: {  	_ =	sdelay $0x3  }
.LBB2_2:
0x35: {  	p0 =	sgt.u32 s22, $0x9  }
.Ltmp4:
0x36: {  	_ = 	snop;
	(pc) =	sbr.rel @p0 .LBB2_4-.Ltmp4, $1  }
0x37: {  	_ =	sdelay $0x3  }
0x38: {  	s23 =	sadd.s32 $0xFFFFFFF9, s22;
	p0 =	slt.u32 s22, $0x7  }
0x39: {  	s24 =	sadd.s32 @!p0 $0x16, s23  }
0x3a: {  	_ =	swait.ge @!p0 [sflag:s24], $0x4000  }
0x3b: {  	s23 =	smin.u32 s22, s23;
	[sflag:s24] =	ssyncset.done @!p0 $0x0  }
0x3c: {  	s30 =	sadd.s32 $0x1, s23;
	[sflag:s24] =	ssyncadd.s32 @!p0 $0xFFFFC000  }
0x3d: {  	_ =	swait.ge [sflag:s30], $0x80  }
0x3e: {  	[sflag:s30] =	ssyncset.done $0x0  }
0x3f: {  	[sflag:s30] =	ssyncadd.s32 $0xFFFFFF80  }
0x40: {  	_ =	swait.ge [sflag:s30], $0x80  }
0x41: {  	[sflag:s30] =	ssyncset.done $0x0  }
0x42: {  	s31 =	sshll.u32 s23, $0x7;
	[sflag:s30] =	ssyncadd.s32 $0xFFFFFF80  }
0x43: {  	v0 =	vld [tilespmem:s31+$0x0]  }
0x44: {  	v1 =	vld [tilespmem:s31+$0x400]  }
0x45: {  	v2 =	vld [tilespmem:s31+$0x10]  }
0x46: {  	v3 =	vld [tilespmem:s31+$0x410]  }
0x47: {  	v4 =	vld [tilespmem:s31+$0x20]  }
0x48: {  	v5 =	vld [tilespmem:s31+$0x420]  }
0x49: {  	v6 =	vld [tilespmem:s31+$0x30]  }
0x4a: {  	v7 =	vld [tilespmem:s31+$0x430]  }
0x4b: {  	v8 =	vld [tilespmem:s31+$0x40]  }
0x4c: {  	v9 =	vld [tilespmem:s31+$0x440]  }
0x4d: {  	v10 =	vld [tilespmem:s31+$0x50]  }
0x4e: {  	v11 =	vld [tilespmem:s31+$0x450]  }
0x4f: {  	v12 =	vld [tilespmem:s31+$0x60]  }
0x50: {  	v13 =	vld [tilespmem:s31+$0x460];
	vm0 =	veq.s32 v0, v1;
	v47 =	vadd.s32 $0x2710, v0  }
0x51: {  	v49 =	vld [tilespmem:s31+$0x70];
	vm9 =	veq.s32 v2, v3;
	v48 =	vadd.s32 $0x2710, v2;
	v0 =	vsel vm0, v47, v0  }
0x52: {  	v52 =	vld [tilespmem:s31+$0x470];
	vm10 =	veq.s32 v4, v5;
	v51 =	vadd.s32 $0x2710, v4;
	v50 =	vsel vm9, v48, v2;
	[tilespmem:s31+$0x800] =	vst v0  }
0x53: {  	vm11 =	veq.s32 v6, v7;
	v54 =	vadd.s32 $0x2710, v6;
	v53 =	vsel vm10, v51, v4;
	[tilespmem:s31+$0x810] =	vst v50  }
0x54: {  	vm12 =	veq.s32 v8, v9;
	v56 =	vadd.s32 $0x2710, v8;
	v55 =	vsel vm11, v54, v6;
	[tilespmem:s31+$0x820] =	vst v53  }
0x55: {  	vm13 =	veq.s32 v10, v11;
	v58 =	vadd.s32 $0x2710, v10;
	v57 =	vsel vm12, v56, v8;
	[tilespmem:s31+$0x830] =	vst v55  }
0x56: {  	vm14 =	veq.s32 v12, v13;
	v60 =	vadd.s32 $0x2710, v12;
	v59 =	vsel vm13, v58, v10;
	[tilespmem:s31+$0x840] =	vst v57  }
0x57: {  	s25 =	sshll.u32 s23, $0xE;
	vm15 =	veq.s32 v49, v52;
	v62 =	vadd.s32 $0x2710, v49;
	v61 =	vsel vm14, v60, v12;
	[tilespmem:s31+$0x850] =	vst v59  }
0x58: {  	s25 =	sand.u32 $0x3FFFC000, s25;
	v63 =	vsel vm15, v62, v49;
	[tilespmem:s31+$0x860] =	vst v61  }
0x59: {  	s23 =	sadd.s32 $0x8, s23;
	s24 =	sadd.s32 $0x800, s31;
	s25 =	sor.u32 $0xC00, s25;
	[tilespmem:s31+$0x870] =	vst v63  }
0x5a: {  	[tilespmem:s25], [sflag:s23] =	stream.indirect.gather [hbm4b:s3+s13], $0x80, s24, s13, $0xb8;
	[tilespmem:$0x1CC00] =	vst v63  }
.LBB2_4:
0x5b: {  	s23 =	sadd.s32 $0xFFFFFFFE, s22  }
0x5c: {  	p0 =	sgt.u32 s23, $0x9  }
0x5d: {  	p1 =	slt.u32 @!p0 s22, $0x9  }
0x5e: {  	s24 =	sadd.s32 @!p0 $0xFFFFFFF7, s22;
	p1 =	por !p1, p0  }
0x5f: {  	s23 =	smov.u32 @p1 s24  }
0x60: {  	s24 =	sadd.s32 @!p0 $0x8, s23  }
0x61: {  	s25 =	sshll.u32 @!p0 s23, $0xE;
	_ =	swait.ge @!p0 [sflag:s24], $0x4000  }
0x62: {  	s26 =	sshll.u32 @!p0 s23, $0x7;
	s23 =	sadd.s32 @!p0 $0xF, s23;
	[sflag:s24] =	ssyncset.done @!p0 $0x0  }
0x63: {  	s25 =	sand.u32 @!p0 $0x3FFFC000, s25;
	[sflag:s24] =	ssyncadd.s32 @!p0 $0xFFFFC000;
	s24 =	sand.u32 @!p0 $0x3FFFFF80, s26  }
0x64: {  	s25 =	sor.u32 @!p0 $0xC00, s25;
	s26 =	simm.s32 @!p0 $0x80;
	s24 =	sadd.s32 @!p0 $0x400, s24  }
0x65: {  	[tilespmem:s25], [sflag:s23] =	stream.indirect.gather.add.f32 @!p0 [hbm:s4], $0x80, s24, s26, $0xb8;
	[tilespmem:$0x1CC00] =	vst v63  }
0x66: {  	s23 =	sadd.s32 $0xFFFFFFFC, s22  }
0x67: {  	p0 =	slt.u32 s23, $0xA  }
.Ltmp5:
0x68: {  	_ = 	snop;
	(pc) =	sbr.rel @!p0 .LBB2_5-.Ltmp5, $1  }
0x69: {  	_ =	sdelay $0x3  }
0x6a: {  	s24 =	sadd.s32 $0xFFFFFFF5, s22;
	p0 =	slt.u32 s22, $0xB;
	s30 =	sadd.s32 s8, s23  }
0x6b: {  	s24 =	smov.u32 @p0 s23;
	s23 =	sshll.u32 s30, $0xB;
	p0 =	sgt.u32 s22, $0x8  }
0x6c: {  	s25 =	sadd.s32 $0xF, s24;
	s26 =	sshll.u32 s24, $0xE;
	s23 =	sand.u32 $0x1FFFF800, s23  }
0x6d: {  	s24 =	sadd.s32 $0x16, s24;
	_ =	swait.ge [sflag:s25], $0x4000;
	s31 =	sand.u32 $0x3FFFC000, s26  }
.Ltmp6:
0x6e: {  	s23 =	sadd.s32 s7, s23;
	[sflag:s25] =	ssyncset.done $0x0;
	(pc) =	sbr.rel @p0 .LBB2_8-.Ltmp6, $4  }
.Ltmp7:
0x6f: {  	[sflag:s25] =	ssyncadd.s32 $0xFFFFC000;
	s25 =	sor.u32 $0xC00, s31;
	(pc) =	sbr.rel @!p0 .LBB2_7-.Ltmp7, $4  }
0x70: {  	[hbm4b:s23+s2] =	stream.linear.scatter [tilespmem:s25], [sflag:s24], $0x4000, $0x38;
	[tilespmem:$0x1CC00] =	vst v63  }
0x71: {  	s23 =	sadd.s32 $0x1, s22  }
0x72: {  	s22 =	smov.u32 s23  }
0x73: {  	_ = 	snop  }
.LBB2_10:
0x74: {  	_ =	sfence.sel $0x180000  }
0x75: {  	[bflag:$0x0] =	sbarrier.arrive $0xFFFF  }
0x76: {  	p0 =	sne.s32 s1, $0x0;
	_ =	strace $0x9000004D  }
0x77: {  	s0 =	sadd.s32 @!p0 $0x100000, s0;
	[bflag:$0x2] =	sbarrier.arrive $0xFFFF  }
0x78: {  	[sflag:s0] =	ssyncadd.tile.s32 @!p0 $0x1;
	_ =	shalt  }
.Lfunc_end2:
_tile_overlayer_lowered:
.L_overlay_start_2:
0x79: {  	(tag) =	ssettag $0x2  }
0x7a: {  	s0 =	rddreg [dreg:$0x0];
	s2 =	stileid.u32  }
0x7b: {  	s1 =	rddreg [dreg:$0x1];
	p0 =	sne.s32 s2, $0x0  }
0x7c: {  	s3 =	rddreg [dreg:$0x2];
	[bflag:$0x3] =	sbarrier.arrive $0xFFFF;
	s2 =	simm.s32 @!p0 $0x1C1D  }
0x7d: {  	[timem:s3], [sflag:s2] =	dma.local @!p0 [hbm:s0], s1  }
0x7e: {  	s0 =	simm.s32 @!p0 $0x1D  }
0x7f: {  	_ =	swait.ge @!p0 [sflag:s0], s1  }
0x80: {  	s1 =	ssub.s32 @!p0 $0x0, s1;
	[sflag:s0] =	ssyncset.done @!p0 $0x0  }
0x81: {  	[sflag:s0] =	ssyncadd.s32 @!p0 s1  }
0x82: {  	[bflag:$0x3] =	sbarrier.arrive $0xFFFF  }
0x83: {  	_ =	shalt  }

// kernel: kernel.20.cloned.1.call-start
scs
__scs_entry_jumppad:
0x0: {  	(pc) =	sbr.rel $0x88, $3  }
0x1: {  	(tag) =	ssettag $0x0;
	lr =	simm.s32 $0x1  }
0x2: {  	[smem:$0x3F99] =	sst lr;
	_ =	strace $0xD0000000  }
0x3: {  	_ = 	snop  }
0x4: {  	_ = 	snop  }
0x5: {  	_ = 	snop  }
0x6: {  	_ = 	snop  }
0x7: {  	_ = 	snop  }
__scs_overlays_trampoline_lowered:
0x8: {  	[smem:$0x3FA8] =	sst s0  }
0x9: {  	[smem:$0x3FA9] =	sst s1  }
0xa: {  	[smem:$0x3FAA] =	sst s2  }
0xb: {  	[smem:$0x3FAB] =	sst s3  }
0xc: {  	[smem:$0x3FAC] =	sst s4  }
0xd: {  	[smem:$0x3FAD] =	sst s5  }
0xe: {  	[smem:$0x3FAE] =	sst s6  }
0xf: {  	[smem:$0x3FAF] =	sst s7  }
0x10: {  	[smem:$0x3FB0] =	sst s8  }
0x11: {  	[smem:$0x3FB1] =	sst s9;
	s0 =	simm.s32 @!p0 $0x0  }
0x12: {  	s1 =	sld [smem:$0x3F97];
	s0 =	simm.s32 @p0 $0x1  }
0x13: {  	[smem:$0x3FB2] =	sst s0;
	s0 =	simm.s32 @!p1 $0x0  }
0x14: {  	s2 =	sld [smem:$0x3F96];
	s0 =	simm.s32 @p1 $0x1  }
0x15: {  	[smem:$0x3FB3] =	sst s0;
	s0 =	simm.s32 @!p2 $0x0  }
0x16: {  	s3 =	sld [smem:$0x3FDB];
	s0 =	simm.s32 @p2 $0x1  }
0x17: {  	s4 =	simm.s32 $0x1BF5;
	[smem:$0x3FB5] =	sst s0  }
0x18: {  	s0 =	sld [smem:$0x3F98];
	_ =	swait.ge [sflag:s4], $0x0  }
0x19: {  	s7 =	sld [smem:$0x3F99]  }
0x1a: {  	s8 =	sadd.s32 $0xFFFFE003, lr  }
0x1b: {  	s9 =	sadd.s32 $0xFFFFFEF7, lr;
	s5 =	simm.s32 $0xFFFFFFFF;
	p2 =	slt.u32 s8, $0xFFFFF086  }
0x1c: {  	p1 =	slt.u32 s9, $0xF7A;
	s5 =	simm.s32 @!p2 $0x0  }
0x1d: {  	s5 =	simm.s32 @p1 $0x1;
	p0 =	seq.s32 s7, s2  }
0x1e: {  	s7 =	smul.u32 @!p0 $0xF7A, s2;
	p2 =	seq.s32 @!p0 s5, $0x0  }
0x1f: {  	s9 =	smul.u32 $0xF7A, s1;
	s8 =	simm.s32 @!p0 $0x1BF5;
	p2 =	por !p2, p0  }
0x20: {  	[sflag:s8] =	ssyncset.s32 @!p0 $0xFFFFF086;
	s6 =	sadd.s32 @!p0 s3, s7;
	s7 =	simm.s32 @!p0 $0x108  }
0x21: {  	s3 =	sadd.s32 s3, s9;
	s6 =	sadd.s32 @!p0 $0x88, s6;
	s7 =	simm.s32 @p2 $0x1082  }
0x22: {  	[simem:s7], [sflag:s8] =	dma.local @!p0 [hbm:s6], $0xF7A  }
0x23: {  	s9 =	sor.u32 $0xD0000000, s2;
	s6 =	simm.s32 $0x108;
	_ =	swait.ge @!p0 [sflag:s8], $0x0  }
0x24: {  	s3 =	sadd.s32 $0x88, s3;
	s6 =	simm.s32 @!p1 $0x1082;
	[sflag:s4] =	ssyncset.s32 $0xFFFFF086  }
0x25: {  	[simem:s6], [sflag:s4] =	dma.local [hbm:s3], $0xF7A  }
0x26: {  	[smem:$0x3F99] =	sst s1;
	(tag) =	ssettag s2;
	_ =	strace s9  }
0x27: {  	s1 =	sld [smem:$0x3FA9]  }
0x28: {  	s2 =	sld [smem:$0x3FAA]  }
0x29: {  	s4 =	sld [smem:$0x3FAC]  }
0x2a: {  	p0 =	seq.s32 s5, $0x0;
	s5 =	sld [smem:$0x3FAD]  }
0x2b: {  	s6 =	sld [smem:$0x3FAE]  }
0x2c: {  	s7 =	sld [smem:$0x3FAF]  }
0x2d: {  	s3 =	simm.s32 $0x108;
	s8 =	sld [smem:$0x3FB0]  }
0x2e: {  	s3 =	simm.s32 @!p0 $0x1082;
	s9 =	sld [smem:$0x3FB1]  }
0x2f: {  	lr =	sadd.s32 s0, s3;
	s0 =	sld [smem:$0x3FA8]  }
0x30: {  	s3 =	sld [smem:$0x3FAB]  }
0x31: {  	[smem:$0x3FB4] =	sst s10  }
0x32: {  	s10 =	sld [smem:$0x3FB2];
	_ =	sdelay $0x3  }
0x33: {  	p0 =	seq.s32 s10, $0x1;
	s10 =	sld [smem:$0x3FB4];
	_ =	sdelay $0x3  }
0x34: {  	[smem:$0x3FB4] =	sst s10  }
0x35: {  	s10 =	sld [smem:$0x3FB3];
	_ =	sdelay $0x3  }
0x36: {  	p1 =	seq.s32 s10, $0x1;
	s10 =	sld [smem:$0x3FB4];
	_ =	sdelay $0x3  }
0x37: {  	[smem:$0x3FB4] =	sst s10  }
0x38: {  	s10 =	sld [smem:$0x3FB5]  }
0x39: {  	_ = 	snop;
	(pc) =	sbr.ind lr, $3  }
0x3a: {  	_ = 	snop  }
0x3b: {  	_ = 	snop  }
0x3c: {  	p2 =	seq.s32 s10, $0x1;
	s10 =	sld [smem:$0x3FB4]  }
0x3d: {  	_ =	shalt  }
0x3e: {  	_ =	shalt  }
0x3f: {  	_ =	shalt  }
0x40: {  	_ =	shalt  }
0x41: {  	_ =	shalt  }
0x42: {  	_ =	shalt  }
0x43: {  	_ =	shalt  }
0x44: {  	_ =	shalt  }
0x45: {  	_ =	shalt  }
0x46: {  	_ =	shalt  }
0x47: {  	_ =	shalt  }
0x48: {  	_ =	shalt  }
0x49: {  	_ =	shalt  }
0x4a: {  	_ =	shalt  }
0x4b: {  	_ =	shalt  }
0x4c: {  	_ =	shalt  }
0x4d: {  	_ =	shalt  }
0x4e: {  	_ =	shalt  }
0x4f: {  	_ =	shalt  }
0x50: {  	_ =	shalt  }
0x51: {  	_ =	shalt  }
0x52: {  	_ =	shalt  }
0x53: {  	_ =	shalt  }
0x54: {  	_ =	shalt  }
0x55: {  	_ =	shalt  }
0x56: {  	_ =	shalt  }
0x57: {  	_ =	shalt  }
0x58: {  	_ =	shalt  }
0x59: {  	_ =	shalt  }
0x5a: {  	_ =	shalt  }
0x5b: {  	_ =	shalt  }
0x5c: {  	_ =	shalt  }
0x5d: {  	_ =	shalt  }
0x5e: {  	_ =	shalt  }
0x5f: {  	_ =	shalt  }
0x60: {  	_ =	shalt  }
0x61: {  	_ =	shalt  }
0x62: {  	_ =	shalt  }
0x63: {  	_ =	shalt  }
0x64: {  	_ =	shalt  }
0x65: {  	_ =	shalt  }
0x66: {  	_ =	shalt  }
0x67: {  	_ =	shalt  }
0x68: {  	_ =	shalt  }
0x69: {  	_ =	shalt  }
0x6a: {  	_ =	shalt  }
0x6b: {  	_ =	shalt  }
0x6c: {  	_ =	shalt  }
0x6d: {  	_ =	shalt  }
0x6e: {  	_ =	shalt  }
0x6f: {  	_ =	shalt  }
0x70: {  	_ =	shalt  }
0x71: {  	_ =	shalt  }
0x72: {  	_ =	shalt  }
0x73: {  	_ =	shalt  }
0x74: {  	_ =	shalt  }
0x75: {  	_ =	shalt  }
0x76: {  	_ =	shalt  }
0x77: {  	_ =	shalt  }
0x78: {  	_ =	shalt  }
0x79: {  	_ =	shalt  }
0x7a: {  	_ =	shalt  }
0x7b: {  	_ =	shalt  }
0x7c: {  	_ =	shalt  }
0x7d: {  	_ =	shalt  }
0x7e: {  	_ =	shalt  }
0x7f: {  	_ =	shalt  }
0x80: {  	_ =	shalt  }
0x81: {  	_ =	shalt  }
0x82: {  	_ =	shalt  }
0x83: {  	_ =	shalt  }
0x84: {  	_ =	shalt  }
0x85: {  	_ =	shalt  }
0x86: {  	_ =	shalt  }
0x87: {  	_ =	shalt  }
.Lfunc_end0:
.L_simem_size_0:
called_computation.3_lowered:
.L_overlay_start_0:
0x88: {  	s2 =	sld [smem:$0x3FD9]  }
0x89: {  	s3 =	sld [smem:$0x3FFE];
	_ =	sdelay $0x1  }
0x8a: {  	s1 =	srdreg.scid  }
0x8b: {  	s0 =	sand.u32 $0x1, s1  }
0x8c: {  	s17 =	sshll.u32 s0, $0xA;
	s2 =	sadd.s32 s3, s2  }
0x8d: {  	s2 =	sadd.s32 s2, s17  }
0x8e: {  	[smem:$0x3FC0] =	sst s2  }
0x8f: {  	_ = 	snop  }
0x90: {  	(tm) =	ssettm $0x1  }
0x91: {  	s18 =	sld [smem:$0x3FFB];
	_ =	sdelay $0x3  }
0x92: {  	_ =	strace s18  }
0x93: {  	s2 =	sld [smem:$0x3FFC];
	_ =	sdelay $0x3  }
0x94: {  	_ =	strace s2  }
0x95: {  	s2 =	sld [smem:$0x3FFD];
	_ =	sdelay $0x3  }
0x96: {  	_ =	strace s2  }
0x97: {  	_ =	strace $0x8FFFFFFF  }
0x98: {  	s19 =	sld [smem:$0x3FDB];
	_ =	sdelay $0x1  }
0x99: {  	s20 =	simm.s32 $_scs_section_size  }
0x9a: {  	s4 =	simm.s32 $_size__tile_overlayer_lowered;
	s5 =	simm.s32 $_tile_overlayer_lowered  }
0x9b: {  	s6 =	simm.s32 $0x1BFF;
	s21 =	sshll.u32 s5, $0x1;
	s3 =	sadd.s32 s20, s19  }
0x9c: {  	s22 =	simm.s32 $0x0;
	s4 =	sshll.u32 s4, $0x1;
	s5 =	sadd.s32 s21, s3  }
0x9d: {  	[timem:s22], [sflag:s6] =	dma.local [hbm:s5], s4  }
0x9e: {  	_ =	swait.ge [sflag:s6], s4  }
0x9f: {  	s4 =	ssub.s32 $0x0, s4;
	[sflag:s6] =	ssyncset.done $0x0  }
0xa0: {  	[sflag:s6] =	ssyncadd.s32 s4;
	_ =	sdelay $0x1  }
0xa1: {  	s23 =	simm.s32 $0x1B8B  }
0xa2: {  	_ =	swait.ge [sflag:s23], $0x1  }
0xa3: {  	[sflag:s23] =	ssyncset.done $0x0  }
0xa4: {  	[sflag:s23] =	ssyncadd.s32 $0xFFFFFFFF  }
0xa5: {  	s4 =	sld [smem:$0x0]  }
0xa6: {  	s5 =	sand.u32 $0xFFFFFFFE, s1  }
0xa7: {  	p0 =	sne.s32 s1, s5  }
0xa8: {  	s5 =	sshll.u32 @p0 s5, $0xE  }
0xa9: {  	s5 =	sadd.s32 @p0 $0x11B8D, s5;
	s6 =	sshll.u32 @p0 s4, $0x11  }
0xaa: {  	s5 =	sor.u32 @p0 s6, s5  }
0xab: {  	[sflag:s5] =	ssyncadd.remote.s32 @p0 $0x1;
	_ =	sdelay $0x1  }
0xac: {  	s5 =	simm.s32 @p0 $0x1B8D  }
0xad: {  	_ =	swait.eq @p0 [sflag:s5], $0x1  }
0xae: {  	[sflag:s5] =	ssyncadd.s32 @p0 $0xFFFFFFFF  }
0xaf: {  	s6 =	sshll.u32 @!p0 s1, $0xE  }
0xb0: {  	s6 =	sor.u32 @!p0 $0x4000, s6;
	s5 =	simm.s32 @!p0 $0x1B8D  }
0xb1: {  	s4 =	sshll.u32 @!p0 s4, $0x11;
	s6 =	sadd.s32 @!p0 $0x11B8D, s6;
	_ =	swait.eq @!p0 [sflag:s5], $0x1  }
0xb2: {  	s4 =	sor.u32 @!p0 s4, s6;
	[sflag:s5] =	ssyncadd.s32 @!p0 $0xFFFFFFFF  }
0xb3: {  	s25 =	simm.s32 $0x1B8E;
	s24 =	sld [smem:$0x3FFE];
	[sflag:s4] =	ssyncadd.remote.s32 @!p0 $0x1  }
0xb4: {  	s26 =	simm.s32 $execute0_lowered;
	[smem:$0x3FD2] =	sst s25  }
0xb5: {  	s5 =	sshll.u32 s26, $0x1;
	_ =	strace $0x8000004F;
	[dreg:$0x1] =	wrdreg $0xFFFFFFFF  }
0xb6: {  	s28 =	simm.s32 $_size_execute0_lowered;
	s3 =	sadd.s32 s3, s5;
	[dreg:$0x0] =	wrdreg $0x0  }
0xb7: {  	s5 =	sshll.u32 s28, $0x1;
	[dreg:$0x2] =	wrdreg s3  }
0xb8: {  	[dreg:$0x3] =	wrdreg s5  }
0xb9: {  	[dreg:$0x4] =	wrdreg $0xC0  }
0xba: {  	_ =	task [dreg:s22], $0x5FFFF  }
0xbb: {  	[dreg:$0x1] =	wrdreg $0xFFFFFFFF  }
0xbc: {  	[dreg:$0x0] =	wrdreg $0x60  }
0xbd: {  	[dreg:$0x2] =	wrdreg s24  }
0xbe: {  	[dreg:$0x3] =	wrdreg $0xC  }
0xbf: {  	_ =	task.clear_ibuf [dreg:s22], $0x4FFFF;
	_ =	strace $0x9000004F  }
0xc0: {  	s29 =	simm.s32 $0xC;
	_ =	strace $0x80000051  }
0xc1: {  	_ =	swait.ge [sflag:s29], $0x1  }
0xc2: {  	[sflag:s29] =	ssyncadd.s32 $0xFFFFFFFF  }
0xc3: {  	_ =	strace $0x90000051  }
0xc4: {  	_ =	sfence  }
0xc5: {  	s30 =	sld [smem:$0x0];
	_ =	sdelay $0x2  }
0xc6: {  	s31 =	sshll.u32 s1, $0xD;
	s1 =	sshrl.u32 s1, $0x2  }
0xc7: {  	s4 =	sand.u32 $0x4000, s31;
	s1 =	sadd.s32 s1, s30  }
0xc8: {  	s0 =	sor.u32 s4, s0;
	s1 =	sshll.u32 s1, $0x11  }
0xc9: {  	s0 =	sor.u32 s1, s0  }
0xca: {  	s0 =	sadd.s32 $0x8F2B, s0  }
0xcb: {  	[sflag:s0] =	ssyncadd.remote.s32 $0x1  }
0xcc: {  	_ =	sfence.sel $0xFFFF  }
0xcd: {  	[dreg:$0x0] =	wrdreg $0xFFFFFFFF;
	(pc) =	sbr.abs _section_cstart, $3  }
0xce: {  	[dreg:$0x1] =	wrdreg $0xFFFFFFFF  }
0xcf: {  	_ =	task.clear_ibuf [dreg:s22], $0x2FFFF;
	_ =	strace $0x9FFFFFFF  }
0xd0: {  	(tm) =	ssettm $0x7FFFFFFF  }
0xd1: {  	_ =	shalt  }
tec
execute0_lowered:
.L_overlay_start_1:
0x0: {  	(tag) =	ssettag $0x1  }
0x1: {  	s7 =	rddreg [dreg:$0x0]  }
0x2: {  	s1 =	srdreg.scid;
	s0 =	rddreg [dreg:$0x1]  }
0x3: {  	s2 =	simm.s32 $0x0;
	s12 =	simm.s32 $0x400;
	s13 =	simm.s32 $0x80  }
0x4: {  	s14 =	simm.s32 $0x18;
	s15 =	simm.s32 $0x17;
	s16 =	simm.s32 $0x16  }
0x5: {  	s17 =	simm.s32 $0x1C;
	s18 =	simm.s32 $0x1B;
	s19 =	simm.s32 $0x1A  }
0x6: {  	s20 =	simm.s32 $0x19;
	s21 =	simm.s32 $0x0;
	s8 =	sand.u32 $0x1, s1  }
0x7: {  	s1 =	stileid.u32;
	[smem:$0x7FF] =	sst s2;
	s3 =	sshll.u32 s8, $0x4  }
0x8: {  	s4 =	sadd.s32 $0x52800, s7;
	s5 =	sadd.s32 $0x7FE00, s7;
	s9 =	sor.u32 s1, s3  }
0x9: {  	_ =	strace $0x80000050;
	s10 =	sshll.u32 s1, $0x8;
	s6 =	smul.u32 $0x500, s9  }
.Ltmp0:
0xa: {  	s8 =	ssub.s32 $0x2, s8;
	s3 =	sadd.s32 $0x4600, s7;
	(pc) =	sbr.rel .LBB2_1-.Ltmp0, $4  }
0xb: {  	s10 =	sand.u32 $0x300, s10;
	s31 =	sshrl.u32 s8, $0x1;
	s11 =	sand.u32 $0xFC00, s6  }
0xc: {  	s6 =	sadd.s32 $0x7C200, s7;
	s7 =	sadd.s32 $0x1C1200, s7;
	s10 =	sor.u32 s10, s11  }
0xd: {  	s11 =	ssub.s32 s8, s31;
	s8 =	smul.u32 $0xA, s9;
	s10 =	sshrl.u32 s10, $0x3  }
0xe: {  	s11 =	smax.u32 s11, $0x1;
	s9 =	sadd.s32 s5, s10;
	s10 =	sadd.s32 s6, s10  }
.LBB2_9:
0xf: {  	_ =	swait.ge [sflag:s14], $0x4000  }
0x10: {  	[sflag:s14] =	ssyncset.done $0x0  }
0x11: {  	[sflag:s14] =	ssyncadd.s32 $0xFFFFC000  }
0x12: {  	_ =	swait.ge [sflag:s15], $0x4000  }
0x13: {  	[sflag:s15] =	ssyncset.done $0x0  }
0x14: {  	[sflag:s15] =	ssyncadd.s32 $0xFFFFC000  }
0x15: {  	_ =	swait.ge [sflag:s16], $0x4000  }
0x16: {  	[sflag:s16] =	ssyncset.done $0x0  }
0x17: {  	[sflag:s16] =	ssyncadd.s32 $0xFFFFC000  }
0x18: {  	_ =	swait.ge [sflag:s17], $0x4000  }
0x19: {  	[sflag:s17] =	ssyncset.done $0x0  }
0x1a: {  	[sflag:s17] =	ssyncadd.s32 $0xFFFFC000  }
0x1b: {  	_ =	swait.ge [sflag:s18], $0x4000  }
0x1c: {  	[sflag:s18] =	ssyncset.done $0x0  }
0x1d: {  	s21 =	sadd.s32 $0x1, s21;
	[sflag:s18] =	ssyncadd.s32 $0xFFFFC000  }
0x1e: {  	p0 =	sne.s32 s21, s11;
	_ =	swait.ge [sflag:s19], $0x4000  }
.Ltmp1:
0x1f: {  	[sflag:s19] =	ssyncset.done $0x0;
	(pc) =	sbr.rel @!p0 .LBB2_10-.Ltmp1, $4  }
0x20: {  	[sflag:s19] =	ssyncadd.s32 $0xFFFFC000  }
0x21: {  	_ =	swait.ge [sflag:s20], $0x4000  }
0x22: {  	[sflag:s20] =	ssyncset.done $0x0  }
0x23: {  	[sflag:s20] =	ssyncadd.s32 $0xFFFFC000  }
.LBB2_1:
.Ltmp2:
0x24: {  	(pc) =	sbr.rel .LBB2_2-.Ltmp2, $4  }
0x25: {  	_ = 	snop  }
0x26: {  	[tilespmem:s2], [sflag:$0x1] =	stream.linear.gather [hbm4b:s9+s2], $0x80, $0x38;
	[tilespmem:$0x1CC00] =	vst v63  }
0x27: {  	s22 =	simm.s32 $0x0  }
0x28: {  	[tilespmem:s12], [sflag:$0x1] =	stream.linear.gather [hbm4b:s10+s2], $0x80, $0x38;
	[tilespmem:$0x1CC00] =	vst v63  }
.LBB2_5:
0x29: {  	s23 =	sadd.s32 $0x1, s22  }
.LBB2_7:
0x2a: {  	s22 =	sadd.s32 s8, s23  }
0x2b: {  	s24 =	sadd.s32 $0xFFFFFFF9, s23;
	s22 =	sshll.u32 s22, $0x4  }
0x2c: {  	s24 =	smin.u32 s23, s24;
	s22 =	sand.u32 $0xFFFFFF0, s22  }
0x2d: {  	s25 =	sadd.s32 $0x1, s24;
	s24 =	sshll.u32 s24, $0x7;
	s26 =	sadd.s32 s5, s22  }
0x2e: {  	[tilespmem:s24], [sflag:s25] =	stream.linear.gather [hbm4b:s26+s2], $0x80, $0x38;
	[tilespmem:$0x1CC00] =	vst v63  }
0x2f: {  	s22 =	sadd.s32 s6, s22;
	s24 =	sadd.s32 $0x400, s24  }
0x30: {  	[tilespmem:s24], [sflag:s25] =	stream.linear.gather [hbm4b:s22+s2], $0x80, $0x38;
	[tilespmem:$0x1CC00] =	vst v63  }
0x31: {  	s22 =	smov.u32 s23  }
.LBB2_8:
0x32: {  	p0 =	slt.u32 s22, $0xE  }
.Ltmp3:
0x33: {  	_ = 	snop;
	(pc) =	sbr.rel @!p0 .LBB2_9-.Ltmp3, $1  }
0x34: {  	_ =	sdelay $0x3  }
.LBB2_2:
0x35: {  	p0 =	sgt.u32 s22, $0x9  }
.Ltmp4:
0x36: {  	_ = 	snop;
	(pc) =	sbr.rel @p0 .LBB2_4-.Ltmp4, $1  }
0x37: {  	_ =	sdelay $0x3  }
0x38: {  	s23 =	sadd.s32 $0xFFFFFFF9, s22;
	p0 =	slt.u32 s22, $0x7  }
0x39: {  	s24 =	sadd.s32 @!p0 $0x16, s23  }
0x3a: {  	_ =	swait.ge @!p0 [sflag:s24], $0x4000  }
0x3b: {  	s23 =	smin.u32 s22, s23;
	[sflag:s24] =	ssyncset.done @!p0 $0x0  }
0x3c: {  	s30 =	sadd.s32 $0x1, s23;
	[sflag:s24] =	ssyncadd.s32 @!p0 $0xFFFFC000  }
0x3d: {  	_ =	swait.ge [sflag:s30], $0x80  }
0x3e: {  	[sflag:s30] =	ssyncset.done $0x0  }
0x3f: {  	[sflag:s30] =	ssyncadd.s32 $0xFFFFFF80  }
0x40: {  	_ =	swait.ge [sflag:s30], $0x80  }
0x41: {  	[sflag:s30] =	ssyncset.done $0x0  }
0x42: {  	s31 =	sshll.u32 s23, $0x7;
	[sflag:s30] =	ssyncadd.s32 $0xFFFFFF80  }
0x43: {  	v0 =	vld [tilespmem:s31+$0x0]  }
0x44: {  	v1 =	vld [tilespmem:s31+$0x400]  }
0x45: {  	v2 =	vld [tilespmem:s31+$0x10]  }
0x46: {  	v3 =	vld [tilespmem:s31+$0x410]  }
0x47: {  	v4 =	vld [tilespmem:s31+$0x20]  }
0x48: {  	v5 =	vld [tilespmem:s31+$0x420]  }
0x49: {  	v6 =	vld [tilespmem:s31+$0x30]  }
0x4a: {  	v7 =	vld [tilespmem:s31+$0x430]  }
0x4b: {  	v8 =	vld [tilespmem:s31+$0x40]  }
0x4c: {  	v9 =	vld [tilespmem:s31+$0x440]  }
0x4d: {  	v10 =	vld [tilespmem:s31+$0x50]  }
0x4e: {  	v11 =	vld [tilespmem:s31+$0x450]  }
0x4f: {  	v12 =	vld [tilespmem:s31+$0x60]  }
0x50: {  	v13 =	vld [tilespmem:s31+$0x460];
	vm0 =	veq.s32 v0, v1;
	v47 =	vadd.s32 $0x2710, v0  }
0x51: {  	v49 =	vld [tilespmem:s31+$0x70];
	vm9 =	veq.s32 v2, v3;
	v48 =	vadd.s32 $0x2710, v2;
	v0 =	vsel vm0, v47, v0  }
0x52: {  	v52 =	vld [tilespmem:s31+$0x470];
	vm10 =	veq.s32 v4, v5;
	v51 =	vadd.s32 $0x2710, v4;
	v50 =	vsel vm9, v48, v2;
	[tilespmem:s31+$0x800] =	vst v0  }
0x53: {  	vm11 =	veq.s32 v6, v7;
	v54 =	vadd.s32 $0x2710, v6;
	v53 =	vsel vm10, v51, v4;
	[tilespmem:s31+$0x810] =	vst v50  }
0x54: {  	vm12 =	veq.s32 v8, v9;
	v56 =	vadd.s32 $0x2710, v8;
	v55 =	vsel vm11, v54, v6;
	[tilespmem:s31+$0x820] =	vst v53  }
0x55: {  	vm13 =	veq.s32 v10, v11;
	v58 =	vadd.s32 $0x2710, v10;
	v57 =	vsel vm12, v56, v8;
	[tilespmem:s31+$0x830] =	vst v55  }
0x56: {  	vm14 =	veq.s32 v12, v13;
	v60 =	vadd.s32 $0x2710, v12;
	v59 =	vsel vm13, v58, v10;
	[tilespmem:s31+$0x840] =	vst v57  }
0x57: {  	s25 =	sshll.u32 s23, $0xE;
	vm15 =	veq.s32 v49, v52;
	v62 =	vadd.s32 $0x2710, v49;
	v61 =	vsel vm14, v60, v12;
	[tilespmem:s31+$0x850] =	vst v59  }
0x58: {  	s25 =	sand.u32 $0x3FFFC000, s25;
	v63 =	vsel vm15, v62, v49;
	[tilespmem:s31+$0x860] =	vst v61  }
0x59: {  	s23 =	sadd.s32 $0x8, s23;
	s24 =	sadd.s32 $0x800, s31;
	s25 =	sor.u32 $0xC00, s25;
	[tilespmem:s31+$0x870] =	vst v63  }
0x5a: {  	[tilespmem:s25], [sflag:s23] =	stream.indirect.gather [hbm4b:s3+s13], $0x80, s24, s13, $0xb8;
	[tilespmem:$0x1CC00] =	vst v63  }
.LBB2_4:
0x5b: {  	s23 =	sadd.s32 $0xFFFFFFFE, s22  }
0x5c: {  	p0 =	sgt.u32 s23, $0x9  }
0x5d: {  	p1 =	slt.u32 @!p0 s22, $0x9  }
0x5e: {  	s24 =	sadd.s32 @!p0 $0xFFFFFFF7, s22;
	p1 =	por !p1, p0  }
0x5f: {  	s23 =	smov.u32 @p1 s24  }
0x60: {  	s24 =	sadd.s32 @!p0 $0x8, s23  }
0x61: {  	s25 =	sshll.u32 @!p0 s23, $0xE;
	_ =	swait.ge @!p0 [sflag:s24], $0x4000  }
0x62: {  	s26 =	sshll.u32 @!p0 s23, $0x7;
	s23 =	sadd.s32 @!p0 $0xF, s23;
	[sflag:s24] =	ssyncset.done @!p0 $0x0  }
0x63: {  	s25 =	sand.u32 @!p0 $0x3FFFC000, s25;
	[sflag:s24] =	ssyncadd.s32 @!p0 $0xFFFFC000;
	s24 =	sand.u32 @!p0 $0x3FFFFF80, s26  }
0x64: {  	s25 =	sor.u32 @!p0 $0xC00, s25;
	s26 =	simm.s32 @!p0 $0x80;
	s24 =	sadd.s32 @!p0 $0x400, s24  }
0x65: {  	[tilespmem:s25], [sflag:s23] =	stream.indirect.gather.add.f32 @!p0 [hbm:s4], $0x80, s24, s26, $0xb8;
	[tilespmem:$0x1CC00] =	vst v63  }
0x66: {  	s23 =	sadd.s32 $0xFFFFFFFC, s22  }
0x67: {  	p0 =	slt.u32 s23, $0xA  }
.Ltmp5:
0x68: {  	_ = 	snop;
	(pc) =	sbr.rel @!p0 .LBB2_5-.Ltmp5, $1  }
0x69: {  	_ =	sdelay $0x3  }
0x6a: {  	s24 =	sadd.s32 $0xFFFFFFF5, s22;
	p0 =	slt.u32 s22, $0xB;
	s30 =	sadd.s32 s8, s23  }
0x6b: {  	s24 =	smov.u32 @p0 s23;
	s23 =	sshll.u32 s30, $0xB;
	p0 =	sgt.u32 s22, $0x8  }
0x6c: {  	s25 =	sadd.s32 $0xF, s24;
	s26 =	sshll.u32 s24, $0xE;
	s23 =	sand.u32 $0x1FFFF800, s23  }
0x6d: {  	s24 =	sadd.s32 $0x16, s24;
	_ =	swait.ge [sflag:s25], $0x4000;
	s31 =	sand.u32 $0x3FFFC000, s26  }
.Ltmp6:
0x6e: {  	s23 =	sadd.s32 s7, s23;
	[sflag:s25] =	ssyncset.done $0x0;
	(pc) =	sbr.rel @p0 .LBB2_8-.Ltmp6, $4  }
.Ltmp7:
0x6f: {  	[sflag:s25] =	ssyncadd.s32 $0xFFFFC000;
	s25 =	sor.u32 $0xC00, s31;
	(pc) =	sbr.rel @!p0 .LBB2_7-.Ltmp7, $4  }
0x70: {  	[hbm4b:s23+s2] =	stream.linear.scatter [tilespmem:s25], [sflag:s24], $0x4000, $0x38;
	[tilespmem:$0x1CC00] =	vst v63  }
0x71: {  	s23 =	sadd.s32 $0x1, s22  }
0x72: {  	s22 =	smov.u32 s23  }
0x73: {  	_ = 	snop  }
.LBB2_10:
0x74: {  	_ =	sfence.sel $0x180000  }
0x75: {  	[bflag:$0x0] =	sbarrier.arrive $0xFFFF  }
0x76: {  	p0 =	sne.s32 s1, $0x0;
	_ =	strace $0x90000050  }
0x77: {  	s0 =	sadd.s32 @!p0 $0x100000, s0;
	[bflag:$0x2] =	sbarrier.arrive $0xFFFF  }
0x78: {  	[sflag:s0] =	ssyncadd.tile.s32 @!p0 $0x1;
	_ =	shalt  }
.Lfunc_end2:
_tile_overlayer_lowered:
.L_overlay_start_2:
0x79: {  	(tag) =	ssettag $0x2  }
0x7a: {  	s0 =	rddreg [dreg:$0x0];
	s2 =	stileid.u32  }
0x7b: {  	s1 =	rddreg [dreg:$0x1];
	p0 =	sne.s32 s2, $0x0  }
0x7c: {  	s3 =	rddreg [dreg:$0x2];
	[bflag:$0x3] =	sbarrier.arrive $0xFFFF;
	s2 =	simm.s32 @!p0 $0x1C1D  }
0x7d: {  	[timem:s3], [sflag:s2] =	dma.local @!p0 [hbm:s0], s1  }
0x7e: {  	s0 =	simm.s32 @!p0 $0x1D  }
0x7f: {  	_ =	swait.ge @!p0 [sflag:s0], s1  }
0x80: {  	s1 =	ssub.s32 @!p0 $0x0, s1;
	[sflag:s0] =	ssyncset.done @!p0 $0x0  }
0x81: {  	[sflag:s0] =	ssyncadd.s32 @!p0 s1  }
0x82: {  	[bflag:$0x3] =	sbarrier.arrive $0xFFFF  }
0x83: {  	_ =	shalt  }

</sc_bundles>
